<compile_context>
chip_gen: v7x
topology: tpu7x:2x2x1
jax: 0.10.2.dev20260603
libtpu: 0.0.44.dev20260713+nightly
codegen_flags: <defaults>
</compile_context>

<pallas_src>
import functools
import math

import jax
import jax.numpy as jnp
from jax import lax
from jax.experimental import pallas as pl
from jax.experimental.pallas import tpu as pltpu
from jax.experimental.pallas import tpu_sc as plsc

N = 10000
NP = 10240
E = 320000
D_IN = 128
D_HID = 128
D_OUT = 40
D_OUTP = 128
BN_EPS = 1e-5
BN_INV = 1.0 / math.sqrt(1.0 + BN_EPS)

NC = 2
NS = 16
NW = NC * NS
EPT = E // NW
CHUNK = 64
NFULL = EPT // CHUNK
TAIL = EPT - NFULL * CHUNK
NBUF = 3
DEG_CH = 128
DEG_FULL = EPT // DEG_CH
ROWS_PT = NP // NS

BLK = 1000
GRID = N // BLK

_MESH = plsc.VectorSubcoreMesh(core_axis_name="c", subcore_axis_name="s")



def _sc_degree_body(e3_hbm, out_hbm, cnt_sh, cidx, ones_v, ones_t, zeros_v):
    cid = lax.axis_index("c")
    sid = lax.axis_index("s")
    wid = cid * NS + sid
    for j in range(ROWS_PT // 16):
        zeros_v[pl.ds(j * 16, 16)] = jnp.zeros((16,), jnp.float32)
    for j in range(DEG_CH // 16):
        ones_v[pl.ds(j * 16, 16)] = jnp.ones((16,), jnp.float32)
    ones_t[...] = jnp.ones((TAIL,), jnp.float32)
    pltpu.sync_copy(zeros_v, cnt_sh.at[pl.ds(sid * ROWS_PT, ROWS_PT)])
    plsc.subcore_barrier()
    pltpu.sync_copy(e3_hbm.at[1, wid], cidx)

    def body(j, carry):
        pltpu.sync_copy(ones_v,
                        cnt_sh.at[cidx.at[pl.ds(j * DEG_CH, DEG_CH)]], add=True)
        return carry

    lax.fori_loop(0, DEG_FULL, body, 0)
    pltpu.sync_copy(ones_t,
                    cnt_sh.at[cidx.at[pl.ds(DEG_FULL * DEG_CH, TAIL)]], add=True)
    plsc.subcore_barrier()
    pltpu.sync_copy(cnt_sh.at[pl.ds(sid * ROWS_PT, ROWS_PT)],
                    out_hbm.at[cid, pl.ds(sid * ROWS_PT, ROWS_PT)])


def _sc_degree(e3):
    return pl.kernel(
        _sc_degree_body,
        out_type=jax.ShapeDtypeStruct((NC, NP), jnp.float32),
        mesh=_MESH,
        scratch_types=[
            pltpu.VMEM_SHARED((NP,), jnp.float32),
            pltpu.VMEM((EPT,), jnp.int32),
            pltpu.VMEM((DEG_CH,), jnp.float32),
            pltpu.VMEM((TAIL,), jnp.float32),
            pltpu.VMEM((ROWS_PT,), jnp.float32),
        ],
        name="sc_degree",
    )(e3)


def _sc_prop_body(hs_hbm, e3_hbm, out_hbm,
                  acc_sh, ridx, cidx, b0, b1, b2, tb,
                  g0, g1, g2, *, d):
    cid = lax.axis_index("c")
    sid = lax.axis_index("s")
    wid = cid * NS + sid
    dwords = d // 16
    bufs = (b0, b1, b2)
    gsems = (g0, g1, g2)

    def zbody(i, carry):
        r = i // dwords
        c = (i % dwords) * 16
        b0[r, pl.ds(c, 16)] = jnp.zeros((16,), jnp.float32)
        return carry

    lax.fori_loop(0, CHUNK * dwords, zbody, 0)
    for k in range(ROWS_PT // CHUNK):
        pltpu.sync_copy(b0, acc_sh.at[pl.ds(sid * ROWS_PT + k * CHUNK, CHUNK)])
    plsc.subcore_barrier()

    pltpu.sync_copy(e3_hbm.at[0, wid], ridx)
    pltpu.sync_copy(e3_hbm.at[1, wid], cidx)
    for k in range(NBUF):
        pltpu.async_copy(hs_hbm.at[ridx.at[pl.ds(k * CHUNK, CHUNK)]],
                         bufs[k], gsems[k])

    def body(j2, carry):
        j = j2 * NBUF
        for k in range(NBUF):
            pltpu.make_async_copy(
                hs_hbm.at[ridx.at[pl.ds((j + k) * CHUNK, CHUNK)]],
                bufs[k], gsems[k]).wait()
            pltpu.sync_copy(bufs[k],
                            acc_sh.at[cidx.at[pl.ds((j + k) * CHUNK, CHUNK)]],
                            add=True)
            pltpu.async_copy(
                hs_hbm.at[ridx.at[pl.ds((j + k + NBUF) * CHUNK, CHUNK)]],
                bufs[k], gsems[k])
        return carry

    lax.fori_loop(0, NFULL // NBUF - 1, body, 0)
    jt = NFULL - NBUF
    for k in range(NBUF):
        pltpu.make_async_copy(
            hs_hbm.at[ridx.at[pl.ds((jt + k) * CHUNK, CHUNK)]],
            bufs[k], gsems[k]).wait()
        pltpu.sync_copy(bufs[k],
                        acc_sh.at[cidx.at[pl.ds((jt + k) * CHUNK, CHUNK)]],
                        add=True)
    pltpu.async_copy(hs_hbm.at[ridx.at[pl.ds(NFULL * CHUNK, TAIL)]],
                     tb, g0).wait()
    pltpu.sync_copy(tb, acc_sh.at[cidx.at[pl.ds(NFULL * CHUNK, TAIL)]],
                    add=True)
    plsc.subcore_barrier()
    pltpu.sync_copy(acc_sh.at[pl.ds(sid * ROWS_PT, ROWS_PT)],
                    out_hbm.at[cid, pl.ds(sid * ROWS_PT, ROWS_PT)])


def _sc_propagate(hs, e3, d):
    return pl.kernel(
        functools.partial(_sc_prop_body, d=d),
        out_type=jax.ShapeDtypeStruct((NC, NP, d), jnp.float32),
        mesh=_MESH,
        scratch_types=(
            [pltpu.VMEM_SHARED((NP, d), jnp.float32),
             pltpu.VMEM((EPT,), jnp.int32),
             pltpu.VMEM((EPT,), jnp.int32)]
            + [pltpu.VMEM((CHUNK, d), jnp.float32)] * NBUF
            + [pltpu.VMEM((TAIL, d), jnp.float32)]
            + [pltpu.SemaphoreType.DMA] * NBUF
        ),
        name=f"sc_propagate_{d}",
    )(hs, e3)



def _tc0_body(x_ref, w_ref, b_ref, cnt_ref, hs_ref):
    dis = lax.rsqrt(cnt_ref[0] + cnt_ref[1] + 1.0)
    h = lax.dot_general(x_ref[...], w_ref[...], (((1,), (1,)), ((), ())),
                        preferred_element_type=jnp.float32)
    hs_ref[...] = dis * (h + b_ref[...])


def _tc0(x, W0, b0, cnt3):
    return pl.pallas_call(
        _tc0_body,
        grid=(GRID,),
        in_specs=[
            pl.BlockSpec((BLK, D_IN), lambda g: (g, 0)),
            pl.BlockSpec((D_HID, D_IN), lambda g: (0, 0)),
            pl.BlockSpec((1, D_HID), lambda g: (0, 0)),
            pl.BlockSpec((NC, BLK, 1), lambda g: (0, g, 0)),
        ],
        out_specs=pl.BlockSpec((BLK, D_HID), lambda g: (g, 0)),
        out_shape=jax.ShapeDtypeStruct((N, D_HID), jnp.float32),
        name="tc_layer0",
    )(x, W0, b0, cnt3)


def _tc_mid_body(s_ref, hs_ref, cnt_ref, g_ref, be_ref, w_ref, b_ref, o_ref):
    dis = lax.rsqrt(cnt_ref[0] + cnt_ref[1] + 1.0)
    z = dis * (s_ref[0] + s_ref[1] + hs_ref[...])
    z = z * (g_ref[...] * BN_INV) + be_ref[...]
    z = jnp.maximum(z, 0.0)
    h = lax.dot_general(z, w_ref[...], (((1,), (1,)), ((), ())),
                        preferred_element_type=jnp.float32)
    o_ref[...] = dis * (h + b_ref[...])


def _tc_mid(s, hs, cnt3, gamma, beta, W, b, d_out):
    return pl.pallas_call(
        _tc_mid_body,
        grid=(GRID,),
        in_specs=[
            pl.BlockSpec((NC, BLK, D_HID), lambda g: (0, g, 0)),
            pl.BlockSpec((BLK, D_HID), lambda g: (g, 0)),
            pl.BlockSpec((NC, BLK, 1), lambda g: (0, g, 0)),
            pl.BlockSpec((1, D_HID), lambda g: (0, 0)),
            pl.BlockSpec((1, D_HID), lambda g: (0, 0)),
            pl.BlockSpec((d_out, D_HID), lambda g: (0, 0)),
            pl.BlockSpec((1, d_out), lambda g: (0, 0)),
        ],
        out_specs=pl.BlockSpec((BLK, d_out), lambda g: (g, 0)),
        out_shape=jax.ShapeDtypeStruct((N, d_out), jnp.float32),
        name=f"tc_mid_{d_out}",
    )(s, hs, cnt3, gamma, beta, W, b)


def _tc_final_body(s_ref, hs_ref, cnt_ref, o_ref):
    dis = lax.rsqrt(cnt_ref[0] + cnt_ref[1] + 1.0)
    z = dis * (s_ref[0] + s_ref[1] + hs_ref[...])
    colid = lax.broadcasted_iota(jnp.int32, (BLK, D_OUTP), 1)
    zm = jnp.where(colid < D_OUT, z, -jnp.inf)
    m = jnp.max(zm, axis=1, keepdims=True)
    lse = jnp.log(jnp.sum(jnp.exp(zm - m), axis=1, keepdims=True)) + m
    o_ref[...] = (zm - lse)[:, :D_OUT]


def _tc_final(s, hs, cnt3):
    return pl.pallas_call(
        _tc_final_body,
        grid=(GRID,),
        in_specs=[
            pl.BlockSpec((NC, BLK, D_OUTP), lambda g: (0, g, 0)),
            pl.BlockSpec((BLK, D_OUTP), lambda g: (g, 0)),
            pl.BlockSpec((NC, BLK, 1), lambda g: (0, g, 0)),
        ],
        out_specs=pl.BlockSpec((BLK, D_OUT), lambda g: (g, 0)),
        out_shape=jax.ShapeDtypeStruct((N, D_OUT), jnp.float32),
        name="tc_final",
    )(s, hs, cnt3)



def kernel(x, edge_index, W0, b0, gamma0, beta0, W1, b1, gamma1, beta1, W2, b2):
    f32 = jnp.float32
    x = x.astype(f32)
    e3 = edge_index.astype(jnp.int32).reshape(2, NW, EPT)
    W2p = jnp.pad(W2, ((0, D_OUTP - D_OUT), (0, 0)))
    b2p = jnp.pad(b2, ((0, D_OUTP - D_OUT),))

    cnt = _sc_degree(e3)
    cnt3 = cnt.reshape(NC, NP, 1)

    hs0 = _tc0(x, W0, b0.reshape(1, -1), cnt3)
    s0 = _sc_propagate(hs0, e3, D_HID)
    hs1 = _tc_mid(s0, hs0, cnt3, gamma0.reshape(1, -1), beta0.reshape(1, -1),
                  W1, b1.reshape(1, -1), D_HID)
    s1 = _sc_propagate(hs1, e3, D_HID)
    hs2 = _tc_mid(s1, hs1, cnt3, gamma1.reshape(1, -1), beta1.reshape(1, -1),
                  W2p, b2p.reshape(1, -1), D_OUTP)
    s2 = _sc_propagate(hs2, e3, D_OUTP)
    return _tc_final(s2, hs2, cnt3)

# --- scband reference (transcript-rebuilt; emitter-appended) ---
"""Pipeline reference for scband-gcn-40836549050952 (READ-ONLY COPY).

The authoritative reference and input builder live on the scoring server;
editing this copy changes nothing except your own understanding.
"""

import jax, jax.numpy as jnp
import numpy as np

N_NODES = 10000
N_EDGES = 320000
D_IN = 128
D_HID = 128
D_OUT = 40
BN_EPS = 1e-5


def gcn_layer(x, W, b, edge_index, num_nodes):
    # add self loops
    sl = jnp.arange(num_nodes, dtype=edge_index.dtype)
    row = jnp.concatenate([edge_index[0], sl])
    col = jnp.concatenate([edge_index[1], sl])
    edge_weight = jnp.ones(row.shape[0], dtype=x.dtype)
    # linear transform
    x = x @ W.T + b
    # symmetric normalization D^{-1/2} A D^{-1/2}
    deg = jnp.zeros((num_nodes,), dtype=x.dtype).at[col].add(1.0)
    deg_inv_sqrt = jnp.where(deg > 0, deg ** -0.5, 0.0)
    norm = deg_inv_sqrt[row] * deg_inv_sqrt[col]
    # message + scatter-add aggregation (source row -> target col)
    msg = norm[:, None] * x[row] * edge_weight[:, None]
    out = jnp.zeros((num_nodes, x.shape[1]), dtype=x.dtype).at[col].add(msg)
    return out


def batchnorm_eval(x, gamma, beta):
    # running_mean=0, running_var=1 at init (eval mode)
    rm = jnp.zeros((x.shape[1],), dtype=x.dtype)
    rv = jnp.ones((x.shape[1],), dtype=x.dtype)
    return (x - rm) / jnp.sqrt(rv + BN_EPS) * gamma + beta


def setup_inputs(seed: int = 0) -> dict:
    key = jax.random.key(seed)
    ks = jax.random.split(key, 12)
    x = jax.random.normal(ks[0], (N_NODES, D_IN), dtype=jnp.float32)
    edge_index = jax.random.randint(ks[1], (2, N_EDGES), 0, N_NODES, dtype=jnp.int64 if jax.config.jax_enable_x64 else jnp.int32).astype(jnp.int32)
    W0 = jax.random.normal(ks[2], (D_HID, D_IN), dtype=jnp.float32) * 0.05
    b0 = jnp.zeros((D_HID,), dtype=jnp.float32)
    gamma0 = jnp.ones((D_HID,), dtype=jnp.float32)
    beta0 = jnp.zeros((D_HID,), dtype=jnp.float32)
    W1 = jax.random.normal(ks[3], (D_HID, D_HID), dtype=jnp.float32) * 0.05
    b1 = jnp.zeros((D_HID,), dtype=jnp.float32)
    gamma1 = jnp.ones((D_HID,), dtype=jnp.float32)
    beta1 = jnp.zeros((D_HID,), dtype=jnp.float32)
    W2 = jax.random.normal(ks[4], (D_OUT, D_HID), dtype=jnp.float32) * 0.05
    b2 = jnp.zeros((D_OUT,), dtype=jnp.float32)
    return {"x": x, "edge_index": edge_index, "W0": W0, "b0": b0, "gamma0": gamma0, "beta0": beta0, "W1": W1, "b1": b1, "gamma1": gamma1, "beta1": beta1, "W2": W2, "b2": b2}


def reference(x, edge_index, W0, b0, gamma0, beta0, W1, b1, gamma1, beta1, W2, b2):
    num_nodes = x.shape[0]
    h = jax.lax.stop_gradient(x)  # torch.clone(x.detach())
    # layer 0
    h = gcn_layer(h, W0, b0, edge_index, num_nodes)
    h = batchnorm_eval(h, gamma0, beta0)
    h = jax.nn.relu(h)
    # dropout is identity in eval mode
    # layer 1
    h = gcn_layer(h, W1, b1, edge_index, num_nodes)
    h = batchnorm_eval(h, gamma1, beta1)
    h = jax.nn.relu(h)
    # last layer
    h = gcn_layer(h, W2, b2, edge_index, num_nodes)
    out = jax.nn.log_softmax(h, axis=-1)
    return out

if __name__ == "__main__":
    import jax
    _d = setup_inputs()
    print(jax.jit(kernel)(*tuple(_d.values())))

</pallas_src>

<mosaic_0001>
#map = affine_map<(d0, d1) -> (0, 0)>
#map1 = affine_map<(d0, d1) -> (0, 0, 0)>
module attributes {stable_mosaic.version = 14 : i64} {
  func.func @sc_propagate_128(%arg0: i32, %arg1: i32, %arg2: memref<10000x128xf32, #tpu.memory_space<hbm>>, %arg3: memref<2x32x10000xi32, #tpu.memory_space<hbm>>, %arg4: memref<2x10240x128xf32, #tpu.memory_space<hbm>>, %arg5: memref<10240x128xf32, #tpu.memory_space<vmem_shared>>, %arg6: memref<10000xi32, #tpu.memory_space<vmem>>, %arg7: memref<10000xi32, #tpu.memory_space<vmem>>, %arg8: memref<64x128xf32, #tpu.memory_space<vmem>>, %arg9: memref<64x128xf32, #tpu.memory_space<vmem>>, %arg10: memref<64x128xf32, #tpu.memory_space<vmem>>, %arg11: memref<16x128xf32, #tpu.memory_space<vmem>>, %arg12: memref<!tpu.dma_semaphore, #tpu.memory_space<semaphore_mem>>, %arg13: memref<!tpu.dma_semaphore, #tpu.memory_space<semaphore_mem>>, %arg14: memref<!tpu.dma_semaphore, #tpu.memory_space<semaphore_mem>>) attributes {dimension_semantics = [#tpu.dimension_semantics<core_parallel>, #tpu.dimension_semantics<subcore_parallel>], iteration_bounds = array<i64: 2, 16>, scalar_prefetch = 0 : i64, scratch_operands = 10 : i64, tpu.core_type = #tpu.core_type<sc_vector_subcore>, window_params = [{transform_indices = #map}, {transform_indices = #map1}, {transform_indices = #map1}]} {
    %mul3A = arith.constant 16 : i32
    %mul3A_0 = arith.muli %arg0, %mul3A : i32
    %add3A = arith.addi %mul3A_0, %arg1 : i32
    %scan3A = arith.constant 0 : i32
    %scan3A_1 = arith.constant 0 : i32
    %scan3A_2 = arith.constant 512 : i32
    %scan3A_3 = arith.addi %scan3A_1, %scan3A_2 : i32
    %scan3A_4 = arith.constant 1 : i32
    scf.for %scan3A_96 = %scan3A_1 to %scan3A_3 step %scan3A_4  : i32 {
      %jit3A = arith.constant 8 : i32
      %div3A = arith.divsi %scan3A_96, %jit3A : i32
      %sign3A = arith.constant 0 : i32
      %sign3A_97 = arith.cmpi sgt, %scan3A_96, %sign3A : i32
      %sign3A_98 = arith.extui %sign3A_97 : i1 to i32
      %sign3A_99 = arith.constant 0 : i32
      %sign3A_100 = arith.cmpi slt, %scan3A_96, %sign3A_99 : i32
      %sign3A_101 = arith.extui %sign3A_100 : i1 to i32
      %sign3A_102 = arith.subi %sign3A_98, %sign3A_101 : i32
      %sign3A_103 = arith.constant 0 : i32
      %sign3A_104 = arith.cmpi sgt, %jit3A, %sign3A_103 : i32
      %sign3A_105 = arith.extui %sign3A_104 : i1 to i32
      %sign3A_106 = arith.constant 0 : i32
      %sign3A_107 = arith.cmpi slt, %jit3A, %sign3A_106 : i32
      %sign3A_108 = arith.extui %sign3A_107 : i1 to i32
      %sign3A_109 = arith.subi %sign3A_105, %sign3A_108 : i32
      %ne3A = arith.cmpi ne, %sign3A_102, %sign3A_109 : i32
      %rem3A = arith.remsi %scan3A_96, %jit3A : i32
      %ne3A_110 = arith.constant 0 : i32
      %ne3A_111 = arith.cmpi ne, %rem3A, %ne3A_110 : i32
      %and3A = arith.andi %ne3A, %ne3A_111 : i1
      %sub3A = arith.constant 1 : i32
      %sub3A_112 = arith.subi %div3A, %sub3A : i32
      %select_n3A = arith.select %and3A, %sub3A_112, %div3A : i32
      %jit3A_113 = arith.constant 8 : i32
      %eq3A = arith.constant 0 : i32
      %eq3A_114 = arith.cmpi eq, %jit3A_113, %eq3A : i32
      %jit3A_115 = arith.constant 1 : i32
      %select_n3A_116 = arith.select %eq3A_114, %jit3A_115, %jit3A_113 : i32
      %rem3A_117 = arith.remsi %scan3A_96, %select_n3A_116 : i32
      %ne3A_118 = arith.constant 0 : i32
      %ne3A_119 = arith.cmpi ne, %rem3A_117, %ne3A_118 : i32
      %lt3A = arith.constant 0 : i32
      %lt3A_120 = arith.cmpi slt, %rem3A_117, %lt3A : i32
      %lt3A_121 = arith.constant 0 : i32
      %lt3A_122 = arith.cmpi slt, %select_n3A_116, %lt3A_121 : i32
      %ne3A_123 = arith.xori %lt3A_120, %lt3A_122 : i1
      %and3A_124 = arith.andi %ne3A_123, %ne3A_119 : i1
      %add3A_125 = arith.addi %rem3A_117, %select_n3A_116 : i32
      %select_n3A_126 = arith.select %and3A_124, %add3A_125, %rem3A_117 : i32
      %mul3A_127 = arith.constant 16 : i32
      %mul3A_128 = arith.muli %select_n3A_126, %mul3A_127 : i32
      %broadcast_in_dim3A = arith.constant 0.000000e+00 : f32
      %broadcast_in_dim3A_129 = vector.broadcast %broadcast_in_dim3A : f32 to vector<16xf32>
      %swap3A = arith.index_cast %select_n3A : i32 to index
      %swap3A_130 = arith.index_cast %mul3A_128 : i32 to index
      %swap3A_131 = tpu.vector_load %arg8[%swap3A, %swap3A_130] {strides = array<i32>} : memref<64x128xf32, #tpu.memory_space<vmem>>, vector<1x16xf32>,
      %swap3A_132 = vector.shape_cast %swap3A_131 : vector<1x16xf32> to vector<16xf32>
      %swap3A_133 = vector.shape_cast %broadcast_in_dim3A_129 : vector<16xf32> to vector<1x16xf32>
      tpu.vector_store %arg8[%swap3A, %swap3A_130], %swap3A_133 {strides = array<i32>} : memref<64x128xf32, #tpu.memory_space<vmem>>, vector<1x16xf32>,
    }
    %scan3A_5 = arith.constant 512 : i32
    %mul3A_6 = arith.constant 640 : i32
    %mul3A_7 = arith.muli %arg1, %mul3A_6 : i32
    %add3A_8 = arith.constant 0 : i32
    %add3A_9 = arith.addi %mul3A_7, %add3A_8 : i32
    "tpu.region"() ({
      %run_scoped3A_96 = tpu.sem_alloc : memref<!tpu.dma_semaphore, #tpu.memory_space<semaphore_mem>>
      %dma_start3A_97 = arith.constant 0 : i32
      %dma_start3A_98 = tpu.memref_slice %arg5[%add3A_9, %dma_start3A_97] : memref<10240x128xf32, #tpu.memory_space<vmem_shared>> -> memref<64x128xf32, #tpu.memory_space<vmem_shared>>
      %dma_start3A_99 = arith.constant 0 : i32
      %dma_start3A_100 = tpu.memref_slice %arg5[%add3A_9, %dma_start3A_99] : memref<10240x128xf32, #tpu.memory_space<vmem_shared>> -> memref<64x128xf32, #tpu.memory_space<vmem_shared>>
      tpu.enqueue_dma source(%arg8 : memref<64x128xf32, #tpu.memory_space<vmem>>) target(%dma_start3A_100 : memref<64x128xf32, #tpu.memory_space<vmem_shared>>) target_semaphore(%run_scoped3A_96 : memref<!tpu.dma_semaphore, #tpu.memory_space<semaphore_mem>>)
      %dma_wait3A_101 = arith.constant 0 : i32
      %dma_wait3A_102 = tpu.memref_slice %arg5[%add3A_9, %dma_wait3A_101] : memref<10240x128xf32, #tpu.memory_space<vmem_shared>> -> memref<64x128xf32, #tpu.memory_space<vmem_shared>>
      %dma_wait3A_103 = arith.constant 0 : i32
      %dma_wait3A_104 = tpu.memref_slice %arg5[%add3A_9, %dma_wait3A_103] : memref<10240x128xf32, #tpu.memory_space<vmem_shared>> -> memref<64x128xf32, #tpu.memory_space<vmem_shared>>
      tpu.wait_dma2 semaphore(%run_scoped3A_96 : memref<!tpu.dma_semaphore, #tpu.memory_space<semaphore_mem>>) src(%arg8 : memref<64x128xf32, #tpu.memory_space<vmem>>) dst(%dma_wait3A_104 : memref<64x128xf32, #tpu.memory_space<vmem_shared>>)
      tpu.yield
    }) : () -> ()
    %mul3A_10 = arith.constant 640 : i32
    %mul3A_11 = arith.muli %arg1, %mul3A_10 : i32
    %add3A_12 = arith.constant 64 : i32
    %add3A_13 = arith.addi %mul3A_11, %add3A_12 : i32
    "tpu.region"() ({
      %run_scoped3A_96 = tpu.sem_alloc : memref<!tpu.dma_semaphore, #tpu.memory_space<semaphore_mem>>
      %dma_start3A_97 = arith.constant 0 : i32
      %dma_start3A_98 = tpu.memref_slice %arg5[%add3A_13, %dma_start3A_97] : memref<10240x128xf32, #tpu.memory_space<vmem_shared>> -> memref<64x128xf32, #tpu.memory_space<vmem_shared>>
      %dma_start3A_99 = arith.constant 0 : i32
      %dma_start3A_100 = tpu.memref_slice %arg5[%add3A_13, %dma_start3A_99] : memref<10240x128xf32, #tpu.memory_space<vmem_shared>> -> memref<64x128xf32, #tpu.memory_space<vmem_shared>>
      tpu.enqueue_dma source(%arg8 : memref<64x128xf32, #tpu.memory_space<vmem>>) target(%dma_start3A_100 : memref<64x128xf32, #tpu.memory_space<vmem_shared>>) target_semaphore(%run_scoped3A_96 : memref<!tpu.dma_semaphore, #tpu.memory_space<semaphore_mem>>)
      %dma_wait3A_101 = arith.constant 0 : i32
      %dma_wait3A_102 = tpu.memref_slice %arg5[%add3A_13, %dma_wait3A_101] : memref<10240x128xf32, #tpu.memory_space<vmem_shared>> -> memref<64x128xf32, #tpu.memory_space<vmem_shared>>
      %dma_wait3A_103 = arith.constant 0 : i32
      %dma_wait3A_104 = tpu.memref_slice %arg5[%add3A_13, %dma_wait3A_103] : memref<10240x128xf32, #tpu.memory_space<vmem_shared>> -> memref<64x128xf32, #tpu.memory_space<vmem_shared>>
      tpu.wait_dma2 semaphore(%run_scoped3A_96 : memref<!tpu.dma_semaphore, #tpu.memory_space<semaphore_mem>>) src(%arg8 : memref<64x128xf32, #tpu.memory_space<vmem>>) dst(%dma_wait3A_104 : memref<64x128xf32, #tpu.memory_space<vmem_shared>>)
      tpu.yield
    }) : () -> ()
    %mul3A_14 = arith.constant 640 : i32
    %mul3A_15 = arith.muli %arg1, %mul3A_14 : i32
    %add3A_16 = arith.constant 128 : i32
    %add3A_17 = arith.addi %mul3A_15, %add3A_16 : i32
    "tpu.region"() ({
      %run_scoped3A_96 = tpu.sem_alloc : memref<!tpu.dma_semaphore, #tpu.memory_space<semaphore_mem>>
      %dma_start3A_97 = arith.constant 0 : i32
      %dma_start3A_98 = tpu.memref_slice %arg5[%add3A_17, %dma_start3A_97] : memref<10240x128xf32, #tpu.memory_space<vmem_shared>> -> memref<64x128xf32, #tpu.memory_space<vmem_shared>>
      %dma_start3A_99 = arith.constant 0 : i32
      %dma_start3A_100 = tpu.memref_slice %arg5[%add3A_17, %dma_start3A_99] : memref<10240x128xf32, #tpu.memory_space<vmem_shared>> -> memref<64x128xf32, #tpu.memory_space<vmem_shared>>
      tpu.enqueue_dma source(%arg8 : memref<64x128xf32, #tpu.memory_space<vmem>>) target(%dma_start3A_100 : memref<64x128xf32, #tpu.memory_space<vmem_shared>>) target_semaphore(%run_scoped3A_96 : memref<!tpu.dma_semaphore, #tpu.memory_space<semaphore_mem>>)
      %dma_wait3A_101 = arith.constant 0 : i32
      %dma_wait3A_102 = tpu.memref_slice %arg5[%add3A_17, %dma_wait3A_101] : memref<10240x128xf32, #tpu.memory_space<vmem_shared>> -> memref<64x128xf32, #tpu.memory_space<vmem_shared>>
      %dma_wait3A_103 = arith.constant 0 : i32
      %dma_wait3A_104 = tpu.memref_slice %arg5[%add3A_17, %dma_wait3A_103] : memref<10240x128xf32, #tpu.memory_space<vmem_shared>> -> memref<64x128xf32, #tpu.memory_space<vmem_shared>>
      tpu.wait_dma2 semaphore(%run_scoped3A_96 : memref<!tpu.dma_semaphore, #tpu.memory_space<semaphore_mem>>) src(%arg8 : memref<64x128xf32, #tpu.memory_space<vmem>>) dst(%dma_wait3A_104 : memref<64x128xf32, #tpu.memory_space<vmem_shared>>)
      tpu.yield
    }) : () -> ()
    %mul3A_18 = arith.constant 640 : i32
    %mul3A_19 = arith.muli %arg1, %mul3A_18 : i32
    %add3A_20 = arith.constant 192 : i32
    %add3A_21 = arith.addi %mul3A_19, %add3A_20 : i32
    "tpu.region"() ({
      %run_scoped3A_96 = tpu.sem_alloc : memref<!tpu.dma_semaphore, #tpu.memory_space<semaphore_mem>>
      %dma_start3A_97 = arith.constant 0 : i32
      %dma_start3A_98 = tpu.memref_slice %arg5[%add3A_21, %dma_start3A_97] : memref<10240x128xf32, #tpu.memory_space<vmem_shared>> -> memref<64x128xf32, #tpu.memory_space<vmem_shared>>
      %dma_start3A_99 = arith.constant 0 : i32
      %dma_start3A_100 = tpu.memref_slice %arg5[%add3A_21, %dma_start3A_99] : memref<10240x128xf32, #tpu.memory_space<vmem_shared>> -> memref<64x128xf32, #tpu.memory_space<vmem_shared>>
      tpu.enqueue_dma source(%arg8 : memref<64x128xf32, #tpu.memory_space<vmem>>) target(%dma_start3A_100 : memref<64x128xf32, #tpu.memory_space<vmem_shared>>) target_semaphore(%run_scoped3A_96 : memref<!tpu.dma_semaphore, #tpu.memory_space<semaphore_mem>>)
      %dma_wait3A_101 = arith.constant 0 : i32
      %dma_wait3A_102 = tpu.memref_slice %arg5[%add3A_21, %dma_wait3A_101] : memref<10240x128xf32, #tpu.memory_space<vmem_shared>> -> memref<64x128xf32, #tpu.memory_space<vmem_shared>>
      %dma_wait3A_103 = arith.constant 0 : i32
      %dma_wait3A_104 = tpu.memref_slice %arg5[%add3A_21, %dma_wait3A_103] : memref<10240x128xf32, #tpu.memory_space<vmem_shared>> -> memref<64x128xf32, #tpu.memory_space<vmem_shared>>
      tpu.wait_dma2 semaphore(%run_scoped3A_96 : memref<!tpu.dma_semaphore, #tpu.memory_space<semaphore_mem>>) src(%arg8 : memref<64x128xf32, #tpu.memory_space<vmem>>) dst(%dma_wait3A_104 : memref<64x128xf32, #tpu.memory_space<vmem_shared>>)
      tpu.yield
    }) : () -> ()
    %mul3A_22 = arith.constant 640 : i32
    %mul3A_23 = arith.muli %arg1, %mul3A_22 : i32
    %add3A_24 = arith.constant 256 : i32
    %add3A_25 = arith.addi %mul3A_23, %add3A_24 : i32
    "tpu.region"() ({
      %run_scoped3A_96 = tpu.sem_alloc : memref<!tpu.dma_semaphore, #tpu.memory_space<semaphore_mem>>
      %dma_start3A_97 = arith.constant 0 : i32
      %dma_start3A_98 = tpu.memref_slice %arg5[%add3A_25, %dma_start3A_97] : memref<10240x128xf32, #tpu.memory_space<vmem_shared>> -> memref<64x128xf32, #tpu.memory_space<vmem_shared>>
      %dma_start3A_99 = arith.constant 0 : i32
      %dma_start3A_100 = tpu.memref_slice %arg5[%add3A_25, %dma_start3A_99] : memref<10240x128xf32, #tpu.memory_space<vmem_shared>> -> memref<64x128xf32, #tpu.memory_space<vmem_shared>>
      tpu.enqueue_dma source(%arg8 : memref<64x128xf32, #tpu.memory_space<vmem>>) target(%dma_start3A_100 : memref<64x128xf32, #tpu.memory_space<vmem_shared>>) target_semaphore(%run_scoped3A_96 : memref<!tpu.dma_semaphore, #tpu.memory_space<semaphore_mem>>)
      %dma_wait3A_101 = arith.constant 0 : i32
      %dma_wait3A_102 = tpu.memref_slice %arg5[%add3A_25, %dma_wait3A_101] : memref<10240x128xf32, #tpu.memory_space<vmem_shared>> -> memref<64x128xf32, #tpu.memory_space<vmem_shared>>
      %dma_wait3A_103 = arith.constant 0 : i32
      %dma_wait3A_104 = tpu.memref_slice %arg5[%add3A_25, %dma_wait3A_103] : memref<10240x128xf32, #tpu.memory_space<vmem_shared>> -> memref<64x128xf32, #tpu.memory_space<vmem_shared>>
      tpu.wait_dma2 semaphore(%run_scoped3A_96 : memref<!tpu.dma_semaphore, #tpu.memory_space<semaphore_mem>>) src(%arg8 : memref<64x128xf32, #tpu.memory_space<vmem>>) dst(%dma_wait3A_104 : memref<64x128xf32, #tpu.memory_space<vmem_shared>>)
      tpu.yield
    }) : () -> ()
    %mul3A_26 = arith.constant 640 : i32
    %mul3A_27 = arith.muli %arg1, %mul3A_26 : i32
    %add3A_28 = arith.constant 320 : i32
    %add3A_29 = arith.addi %mul3A_27, %add3A_28 : i32
    "tpu.region"() ({
      %run_scoped3A_96 = tpu.sem_alloc : memref<!tpu.dma_semaphore, #tpu.memory_space<semaphore_mem>>
      %dma_start3A_97 = arith.constant 0 : i32
      %dma_start3A_98 = tpu.memref_slice %arg5[%add3A_29, %dma_start3A_97] : memref<10240x128xf32, #tpu.memory_space<vmem_shared>> -> memref<64x128xf32, #tpu.memory_space<vmem_shared>>
      %dma_start3A_99 = arith.constant 0 : i32
      %dma_start3A_100 = tpu.memref_slice %arg5[%add3A_29, %dma_start3A_99] : memref<10240x128xf32, #tpu.memory_space<vmem_shared>> -> memref<64x128xf32, #tpu.memory_space<vmem_shared>>
      tpu.enqueue_dma source(%arg8 : memref<64x128xf32, #tpu.memory_space<vmem>>) target(%dma_start3A_100 : memref<64x128xf32, #tpu.memory_space<vmem_shared>>) target_semaphore(%run_scoped3A_96 : memref<!tpu.dma_semaphore, #tpu.memory_space<semaphore_mem>>)
      %dma_wait3A_101 = arith.constant 0 : i32
      %dma_wait3A_102 = tpu.memref_slice %arg5[%add3A_29, %dma_wait3A_101] : memref<10240x128xf32, #tpu.memory_space<vmem_shared>> -> memref<64x128xf32, #tpu.memory_space<vmem_shared>>
      %dma_wait3A_103 = arith.constant 0 : i32
      %dma_wait3A_104 = tpu.memref_slice %arg5[%add3A_29, %dma_wait3A_103] : memref<10240x128xf32, #tpu.memory_space<vmem_shared>> -> memref<64x128xf32, #tpu.memory_space<vmem_shared>>
      tpu.wait_dma2 semaphore(%run_scoped3A_96 : memref<!tpu.dma_semaphore, #tpu.memory_space<semaphore_mem>>) src(%arg8 : memref<64x128xf32, #tpu.memory_space<vmem>>) dst(%dma_wait3A_104 : memref<64x128xf32, #tpu.memory_space<vmem_shared>>)
      tpu.yield
    }) : () -> ()
    %mul3A_30 = arith.constant 640 : i32
    %mul3A_31 = arith.muli %arg1, %mul3A_30 : i32
    %add3A_32 = arith.constant 384 : i32
    %add3A_33 = arith.addi %mul3A_31, %add3A_32 : i32
    "tpu.region"() ({
      %run_scoped3A_96 = tpu.sem_alloc : memref<!tpu.dma_semaphore, #tpu.memory_space<semaphore_mem>>
      %dma_start3A_97 = arith.constant 0 : i32
      %dma_start3A_98 = tpu.memref_slice %arg5[%add3A_33, %dma_start3A_97] : memref<10240x128xf32, #tpu.memory_space<vmem_shared>> -> memref<64x128xf32, #tpu.memory_space<vmem_shared>>
      %dma_start3A_99 = arith.constant 0 : i32
      %dma_start3A_100 = tpu.memref_slice %arg5[%add3A_33, %dma_start3A_99] : memref<10240x128xf32, #tpu.memory_space<vmem_shared>> -> memref<64x128xf32, #tpu.memory_space<vmem_shared>>
      tpu.enqueue_dma source(%arg8 : memref<64x128xf32, #tpu.memory_space<vmem>>) target(%dma_start3A_100 : memref<64x128xf32, #tpu.memory_space<vmem_shared>>) target_semaphore(%run_scoped3A_96 : memref<!tpu.dma_semaphore, #tpu.memory_space<semaphore_mem>>)
      %dma_wait3A_101 = arith.constant 0 : i32
      %dma_wait3A_102 = tpu.memref_slice %arg5[%add3A_33, %dma_wait3A_101] : memref<10240x128xf32, #tpu.memory_space<vmem_shared>> -> memref<64x128xf32, #tpu.memory_space<vmem_shared>>
      %dma_wait3A_103 = arith.constant 0 : i32
      %dma_wait3A_104 = tpu.memref_slice %arg5[%add3A_33, %dma_wait3A_103] : memref<10240x128xf32, #tpu.memory_space<vmem_shared>> -> memref<64x128xf32, #tpu.memory_space<vmem_shared>>
      tpu.wait_dma2 semaphore(%run_scoped3A_96 : memref<!tpu.dma_semaphore, #tpu.memory_space<semaphore_mem>>) src(%arg8 : memref<64x128xf32, #tpu.memory_space<vmem>>) dst(%dma_wait3A_104 : memref<64x128xf32, #tpu.memory_space<vmem_shared>>)
      tpu.yield
    }) : () -> ()
    %mul3A_34 = arith.constant 640 : i32
    %mul3A_35 = arith.muli %arg1, %mul3A_34 : i32
    %add3A_36 = arith.constant 448 : i32
    %add3A_37 = arith.addi %mul3A_35, %add3A_36 : i32
    "tpu.region"() ({
      %run_scoped3A_96 = tpu.sem_alloc : memref<!tpu.dma_semaphore, #tpu.memory_space<semaphore_mem>>
      %dma_start3A_97 = arith.constant 0 : i32
      %dma_start3A_98 = tpu.memref_slice %arg5[%add3A_37, %dma_start3A_97] : memref<10240x128xf32, #tpu.memory_space<vmem_shared>> -> memref<64x128xf32, #tpu.memory_space<vmem_shared>>
      %dma_start3A_99 = arith.constant 0 : i32
      %dma_start3A_100 = tpu.memref_slice %arg5[%add3A_37, %dma_start3A_99] : memref<10240x128xf32, #tpu.memory_space<vmem_shared>> -> memref<64x128xf32, #tpu.memory_space<vmem_shared>>
      tpu.enqueue_dma source(%arg8 : memref<64x128xf32, #tpu.memory_space<vmem>>) target(%dma_start3A_100 : memref<64x128xf32, #tpu.memory_space<vmem_shared>>) target_semaphore(%run_scoped3A_96 : memref<!tpu.dma_semaphore, #tpu.memory_space<semaphore_mem>>)
      %dma_wait3A_101 = arith.constant 0 : i32
      %dma_wait3A_102 = tpu.memref_slice %arg5[%add3A_37, %dma_wait3A_101] : memref<10240x128xf32, #tpu.memory_space<vmem_shared>> -> memref<64x128xf32, #tpu.memory_space<vmem_shared>>
      %dma_wait3A_103 = arith.constant 0 : i32
      %dma_wait3A_104 = tpu.memref_slice %arg5[%add3A_37, %dma_wait3A_103] : memref<10240x128xf32, #tpu.memory_space<vmem_shared>> -> memref<64x128xf32, #tpu.memory_space<vmem_shared>>
      tpu.wait_dma2 semaphore(%run_scoped3A_96 : memref<!tpu.dma_semaphore, #tpu.memory_space<semaphore_mem>>) src(%arg8 : memref<64x128xf32, #tpu.memory_space<vmem>>) dst(%dma_wait3A_104 : memref<64x128xf32, #tpu.memory_space<vmem_shared>>)
      tpu.yield
    }) : () -> ()
    %mul3A_38 = arith.constant 640 : i32
    %mul3A_39 = arith.muli %arg1, %mul3A_38 : i32
    %add3A_40 = arith.constant 512 : i32
    %add3A_41 = arith.addi %mul3A_39, %add3A_40 : i32
    "tpu.region"() ({
      %run_scoped3A_96 = tpu.sem_alloc : memref<!tpu.dma_semaphore, #tpu.memory_space<semaphore_mem>>
      %dma_start3A_97 = arith.constant 0 : i32
      %dma_start3A_98 = tpu.memref_slice %arg5[%add3A_41, %dma_start3A_97] : memref<10240x128xf32, #tpu.memory_space<vmem_shared>> -> memref<64x128xf32, #tpu.memory_space<vmem_shared>>
      %dma_start3A_99 = arith.constant 0 : i32
      %dma_start3A_100 = tpu.memref_slice %arg5[%add3A_41, %dma_start3A_99] : memref<10240x128xf32, #tpu.memory_space<vmem_shared>> -> memref<64x128xf32, #tpu.memory_space<vmem_shared>>
      tpu.enqueue_dma source(%arg8 : memref<64x128xf32, #tpu.memory_space<vmem>>) target(%dma_start3A_100 : memref<64x128xf32, #tpu.memory_space<vmem_shared>>) target_semaphore(%run_scoped3A_96 : memref<!tpu.dma_semaphore, #tpu.memory_space<semaphore_mem>>)
      %dma_wait3A_101 = arith.constant 0 : i32
      %dma_wait3A_102 = tpu.memref_slice %arg5[%add3A_41, %dma_wait3A_101] : memref<10240x128xf32, #tpu.memory_space<vmem_shared>> -> memref<64x128xf32, #tpu.memory_space<vmem_shared>>
      %dma_wait3A_103 = arith.constant 0 : i32
      %dma_wait3A_104 = tpu.memref_slice %arg5[%add3A_41, %dma_wait3A_103] : memref<10240x128xf32, #tpu.memory_space<vmem_shared>> -> memref<64x128xf32, #tpu.memory_space<vmem_shared>>
      tpu.wait_dma2 semaphore(%run_scoped3A_96 : memref<!tpu.dma_semaphore, #tpu.memory_space<semaphore_mem>>) src(%arg8 : memref<64x128xf32, #tpu.memory_space<vmem>>) dst(%dma_wait3A_104 : memref<64x128xf32, #tpu.memory_space<vmem_shared>>)
      tpu.yield
    }) : () -> ()
    %mul3A_42 = arith.constant 640 : i32
    %mul3A_43 = arith.muli %arg1, %mul3A_42 : i32
    %add3A_44 = arith.constant 576 : i32
    %add3A_45 = arith.addi %mul3A_43, %add3A_44 : i32
    "tpu.region"() ({
      %run_scoped3A_96 = tpu.sem_alloc : memref<!tpu.dma_semaphore, #tpu.memory_space<semaphore_mem>>
      %dma_start3A_97 = arith.constant 0 : i32
      %dma_start3A_98 = tpu.memref_slice %arg5[%add3A_45, %dma_start3A_97] : memref<10240x128xf32, #tpu.memory_space<vmem_shared>> -> memref<64x128xf32, #tpu.memory_space<vmem_shared>>
      %dma_start3A_99 = arith.constant 0 : i32
      %dma_start3A_100 = tpu.memref_slice %arg5[%add3A_45, %dma_start3A_99] : memref<10240x128xf32, #tpu.memory_space<vmem_shared>> -> memref<64x128xf32, #tpu.memory_space<vmem_shared>>
      tpu.enqueue_dma source(%arg8 : memref<64x128xf32, #tpu.memory_space<vmem>>) target(%dma_start3A_100 : memref<64x128xf32, #tpu.memory_space<vmem_shared>>) target_semaphore(%run_scoped3A_96 : memref<!tpu.dma_semaphore, #tpu.memory_space<semaphore_mem>>)
      %dma_wait3A_101 = arith.constant 0 : i32
      %dma_wait3A_102 = tpu.memref_slice %arg5[%add3A_45, %dma_wait3A_101] : memref<10240x128xf32, #tpu.memory_space<vmem_shared>> -> memref<64x128xf32, #tpu.memory_space<vmem_shared>>
      %dma_wait3A_103 = arith.constant 0 : i32
      %dma_wait3A_104 = tpu.memref_slice %arg5[%add3A_45, %dma_wait3A_103] : memref<10240x128xf32, #tpu.memory_space<vmem_shared>> -> memref<64x128xf32, #tpu.memory_space<vmem_shared>>
      tpu.wait_dma2 semaphore(%run_scoped3A_96 : memref<!tpu.dma_semaphore, #tpu.memory_space<semaphore_mem>>) src(%arg8 : memref<64x128xf32, #tpu.memory_space<vmem>>) dst(%dma_wait3A_104 : memref<64x128xf32, #tpu.memory_space<vmem_shared>>)
      tpu.yield
    }) : () -> ()
    %barrier3A = arith.constant 0 : index
    tpu.barrier barrier_id(%barrier3A)
    %run_scoped3A = arith.constant 0 : i32
    "tpu.region"() ({
      %run_scoped3A_96 = tpu.sem_alloc : memref<!tpu.dma_semaphore, #tpu.memory_space<semaphore_mem>>
      %dma_start3A_97 = arith.constant 0 : i32
      %dma_start3A_98 = tpu.memref_slice %arg3[%run_scoped3A, %add3A, %dma_start3A_97] : memref<2x32x10000xi32, #tpu.memory_space<hbm>> -> memref<1x1x10000xi32, #tpu.memory_space<hbm>>
      %dma_start3A_99 = tpu.memref_squeeze %dma_start3A_98 : memref<1x1x10000xi32, #tpu.memory_space<hbm>> -> memref<10000xi32, #tpu.memory_space<hbm>>
      %dma_start3A_100 = arith.constant 0 : i32
      %dma_start3A_101 = tpu.memref_slice %arg3[%run_scoped3A, %add3A, %dma_start3A_100] : memref<2x32x10000xi32, #tpu.memory_space<hbm>> -> memref<1x1x10000xi32, #tpu.memory_space<hbm>>
      %dma_start3A_102 = tpu.memref_squeeze %dma_start3A_101 : memref<1x1x10000xi32, #tpu.memory_space<hbm>> -> memref<10000xi32, #tpu.memory_space<hbm>>
      tpu.enqueue_dma source(%dma_start3A_102 : memref<10000xi32, #tpu.memory_space<hbm>>) target(%arg6 : memref<10000xi32, #tpu.memory_space<vmem>>) target_semaphore(%run_scoped3A_96 : memref<!tpu.dma_semaphore, #tpu.memory_space<semaphore_mem>>)
      %dma_wait3A_103 = arith.constant 0 : i32
      %dma_wait3A_104 = tpu.memref_slice %arg3[%run_scoped3A, %add3A, %dma_wait3A_103] : memref<2x32x10000xi32, #tpu.memory_space<hbm>> -> memref<1x1x10000xi32, #tpu.memory_space<hbm>>
      %dma_wait3A_105 = tpu.memref_squeeze %dma_wait3A_104 : memref<1x1x10000xi32, #tpu.memory_space<hbm>> -> memref<10000xi32, #tpu.memory_space<hbm>>
      %dma_wait3A_106 = arith.constant 0 : i32
      %dma_wait3A_107 = tpu.memref_slice %arg3[%run_scoped3A, %add3A, %dma_wait3A_106] : memref<2x32x10000xi32, #tpu.memory_space<hbm>> -> memref<1x1x10000xi32, #tpu.memory_space<hbm>>
      %dma_wait3A_108 = tpu.memref_squeeze %dma_wait3A_107 : memref<1x1x10000xi32, #tpu.memory_space<hbm>> -> memref<10000xi32, #tpu.memory_space<hbm>>
      tpu.wait_dma2 semaphore(%run_scoped3A_96 : memref<!tpu.dma_semaphore, #tpu.memory_space<semaphore_mem>>) src(%dma_wait3A_108 : memref<10000xi32, #tpu.memory_space<hbm>>) dst(%arg6 : memref<10000xi32, #tpu.memory_space<vmem>>)
      tpu.yield
    }) : () -> ()
    %run_scoped3A_46 = arith.constant 1 : i32
    "tpu.region"() ({
      %run_scoped3A_96 = tpu.sem_alloc : memref<!tpu.dma_semaphore, #tpu.memory_space<semaphore_mem>>
      %dma_start3A_97 = arith.constant 0 : i32
      %dma_start3A_98 = tpu.memref_slice %arg3[%run_scoped3A_46, %add3A, %dma_start3A_97] : memref<2x32x10000xi32, #tpu.memory_space<hbm>> -> memref<1x1x10000xi32, #tpu.memory_space<hbm>>
      %dma_start3A_99 = tpu.memref_squeeze %dma_start3A_98 : memref<1x1x10000xi32, #tpu.memory_space<hbm>> -> memref<10000xi32, #tpu.memory_space<hbm>>
      %dma_start3A_100 = arith.constant 0 : i32
      %dma_start3A_101 = tpu.memref_slice %arg3[%run_scoped3A_46, %add3A, %dma_start3A_100] : memref<2x32x10000xi32, #tpu.memory_space<hbm>> -> memref<1x1x10000xi32, #tpu.memory_space<hbm>>
      %dma_start3A_102 = tpu.memref_squeeze %dma_start3A_101 : memref<1x1x10000xi32, #tpu.memory_space<hbm>> -> memref<10000xi32, #tpu.memory_space<hbm>>
      tpu.enqueue_dma source(%dma_start3A_102 : memref<10000xi32, #tpu.memory_space<hbm>>) target(%arg7 : memref<10000xi32, #tpu.memory_space<vmem>>) target_semaphore(%run_scoped3A_96 : memref<!tpu.dma_semaphore, #tpu.memory_space<semaphore_mem>>)
      %dma_wait3A_103 = arith.constant 0 : i32
      %dma_wait3A_104 = tpu.memref_slice %arg3[%run_scoped3A_46, %add3A, %dma_wait3A_103] : memref<2x32x10000xi32, #tpu.memory_space<hbm>> -> memref<1x1x10000xi32, #tpu.memory_space<hbm>>
      %dma_wait3A_105 = tpu.memref_squeeze %dma_wait3A_104 : memref<1x1x10000xi32, #tpu.memory_space<hbm>> -> memref<10000xi32, #tpu.memory_space<hbm>>
      %dma_wait3A_106 = arith.constant 0 : i32
      %dma_wait3A_107 = tpu.memref_slice %arg3[%run_scoped3A_46, %add3A, %dma_wait3A_106] : memref<2x32x10000xi32, #tpu.memory_space<hbm>> -> memref<1x1x10000xi32, #tpu.memory_space<hbm>>
      %dma_wait3A_108 = tpu.memref_squeeze %dma_wait3A_107 : memref<1x1x10000xi32, #tpu.memory_space<hbm>> -> memref<10000xi32, #tpu.memory_space<hbm>>
      tpu.wait_dma2 semaphore(%run_scoped3A_96 : memref<!tpu.dma_semaphore, #tpu.memory_space<semaphore_mem>>) src(%dma_wait3A_108 : memref<10000xi32, #tpu.memory_space<hbm>>) dst(%arg7 : memref<10000xi32, #tpu.memory_space<vmem>>)
      tpu.yield
    }) : () -> ()
    %dma_start3A = arith.constant 0 : i32
    %dma_start3A_47 = tpu.memref_slice %arg6[%dma_start3A] : memref<10000xi32, #tpu.memory_space<vmem>> -> memref<64xi32, #tpu.memory_space<vmem>>
    %dma_start3A_48 = arith.constant 0 : i32
    %dma_start3A_49 = arith.constant 0 : i32
    %dma_start3A_50 = tpu.memref_slice %arg2[%dma_start3A_48, %dma_start3A_49] : memref<10000x128xf32, #tpu.memory_space<hbm>> -> memref<10000x128xf32, #tpu.memory_space<hbm>>
    tpu.enqueue_indirect_dma source(%dma_start3A_50 : memref<10000x128xf32, #tpu.memory_space<hbm>>) target(%arg8 : memref<64x128xf32, #tpu.memory_space<vmem>>) offsets(%dma_start3A_47 : memref<64xi32, #tpu.memory_space<vmem>>) semaphore(%arg12 : memref<!tpu.dma_semaphore, #tpu.memory_space<semaphore_mem>>)
    %dma_start3A_51 = arith.constant 64 : i32
    %dma_start3A_52 = tpu.memref_slice %arg6[%dma_start3A_51] : memref<10000xi32, #tpu.memory_space<vmem>> -> memref<64xi32, #tpu.memory_space<vmem>>
    %dma_start3A_53 = arith.constant 0 : i32
    %dma_start3A_54 = arith.constant 0 : i32
    %dma_start3A_55 = tpu.memref_slice %arg2[%dma_start3A_53, %dma_start3A_54] : memref<10000x128xf32, #tpu.memory_space<hbm>> -> memref<10000x128xf32, #tpu.memory_space<hbm>>
    tpu.enqueue_indirect_dma source(%dma_start3A_55 : memref<10000x128xf32, #tpu.memory_space<hbm>>) target(%arg9 : memref<64x128xf32, #tpu.memory_space<vmem>>) offsets(%dma_start3A_52 : memref<64xi32, #tpu.memory_space<vmem>>) semaphore(%arg13 : memref<!tpu.dma_semaphore, #tpu.memory_space<semaphore_mem>>)
    %dma_start3A_56 = arith.constant 128 : i32
    %dma_start3A_57 = tpu.memref_slice %arg6[%dma_start3A_56] : memref<10000xi32, #tpu.memory_space<vmem>> -> memref<64xi32, #tpu.memory_space<vmem>>
    %dma_start3A_58 = arith.constant 0 : i32
    %dma_start3A_59 = arith.constant 0 : i32
    %dma_start3A_60 = tpu.memref_slice %arg2[%dma_start3A_58, %dma_start3A_59] : memref<10000x128xf32, #tpu.memory_space<hbm>> -> memref<10000x128xf32, #tpu.memory_space<hbm>>
    tpu.enqueue_indirect_dma source(%dma_start3A_60 : memref<10000x128xf32, #tpu.memory_space<hbm>>) target(%arg10 : memref<64x128xf32, #tpu.memory_space<vmem>>) offsets(%dma_start3A_57 : memref<64xi32, #tpu.memory_space<vmem>>) semaphore(%arg14 : memref<!tpu.dma_semaphore, #tpu.memory_space<semaphore_mem>>)
    %scan3A_61 = arith.constant 0 : i32
    %scan3A_62 = arith.constant 0 : i32
    %scan3A_63 = arith.constant 51 : i32
    %scan3A_64 = arith.addi %scan3A_62, %scan3A_63 : i32
    %scan3A_65 = arith.constant 1 : i32
    scf.for %scan3A_96 = %scan3A_62 to %scan3A_64 step %scan3A_65  : i32 {
      %mul3A_97 = arith.constant 3 : i32
      %mul3A_98 = arith.muli %scan3A_96, %mul3A_97 : i32
      %add3A_99 = arith.constant 0 : i32
      %add3A_100 = arith.addi %mul3A_98, %add3A_99 : i32
      %mul3A_101 = arith.constant 64 : i32
      %mul3A_102 = arith.muli %add3A_100, %mul3A_101 : i32
      %dma_wait3A_103 = tpu.memref_slice %arg6[%mul3A_102] : memref<10000xi32, #tpu.memory_space<vmem>> -> memref<64xi32, #tpu.memory_space<vmem>>
      %dma_wait3A_104 = arith.constant 0 : i32
      %dma_wait3A_105 = arith.constant 0 : i32
      %dma_wait3A_106 = tpu.memref_slice %arg2[%dma_wait3A_104, %dma_wait3A_105] : memref<10000x128xf32, #tpu.memory_space<hbm>> -> memref<10000x128xf32, #tpu.memory_space<hbm>>
      tpu.wait_indirect_dma semaphore(%arg12 : memref<!tpu.dma_semaphore, #tpu.memory_space<semaphore_mem>>) src(%dma_wait3A_106 : memref<10000x128xf32, #tpu.memory_space<hbm>>) dst(%arg8 : memref<64x128xf32, #tpu.memory_space<vmem>>)
      %add3A_107 = arith.constant 0 : i32
      %add3A_108 = arith.addi %mul3A_98, %add3A_107 : i32
      %mul3A_109 = arith.constant 64 : i32
      %mul3A_110 = arith.muli %add3A_108, %mul3A_109 : i32
      "tpu.region"() ({
        %run_scoped3A_165 = tpu.sem_alloc : memref<!tpu.dma_semaphore, #tpu.memory_space<semaphore_mem>>
        %dma_start3A_166 = tpu.memref_slice %arg7[%mul3A_110] : memref<10000xi32, #tpu.memory_space<vmem>> -> memref<64xi32, #tpu.memory_space<vmem>>
        %dma_start3A_167 = arith.constant 0 : i32
        %dma_start3A_168 = arith.constant 0 : i32
        %dma_start3A_169 = tpu.memref_slice %arg5[%dma_start3A_167, %dma_start3A_168] : memref<10240x128xf32, #tpu.memory_space<vmem_shared>> -> memref<10240x128xf32, #tpu.memory_space<vmem_shared>>
        tpu.enqueue_indirect_dma source(%arg8 : memref<64x128xf32, #tpu.memory_space<vmem>>) target(%dma_start3A_169 : memref<10240x128xf32, #tpu.memory_space<vmem_shared>>) offsets(%dma_start3A_166 : memref<64xi32, #tpu.memory_space<vmem>>) semaphore(%run_scoped3A_165 : memref<!tpu.dma_semaphore, #tpu.memory_space<semaphore_mem>>) {add = true}
        %dma_wait3A_170 = tpu.memref_slice %arg7[%mul3A_110] : memref<10000xi32, #tpu.memory_space<vmem>> -> memref<64xi32, #tpu.memory_space<vmem>>
        %dma_wait3A_171 = arith.constant 0 : i32
        %dma_wait3A_172 = arith.constant 0 : i32
        %dma_wait3A_173 = tpu.memref_slice %arg5[%dma_wait3A_171, %dma_wait3A_172] : memref<10240x128xf32, #tpu.memory_space<vmem_shared>> -> memref<10240x128xf32, #tpu.memory_space<vmem_shared>>
        tpu.wait_indirect_dma semaphore(%run_scoped3A_165 : memref<!tpu.dma_semaphore, #tpu.memory_space<semaphore_mem>>) src(%arg8 : memref<64x128xf32, #tpu.memory_space<vmem>>) dst(%dma_wait3A_173 : memref<10240x128xf32, #tpu.memory_space<vmem_shared>>)
        tpu.yield
      }) : () -> ()
      %add3A_111 = arith.constant 0 : i32
      %add3A_112 = arith.addi %mul3A_98, %add3A_111 : i32
      %add3A_113 = arith.constant 3 : i32
      %add3A_114 = arith.addi %add3A_112, %add3A_113 : i32
      %mul3A_115 = arith.constant 64 : i32
      %mul3A_116 = arith.muli %add3A_114, %mul3A_115 : i32
      %dma_start3A_117 = tpu.memref_slice %arg6[%mul3A_116] : memref<10000xi32, #tpu.memory_space<vmem>> -> memref<64xi32, #tpu.memory_space<vmem>>
      %dma_start3A_118 = arith.constant 0 : i32
      %dma_start3A_119 = arith.constant 0 : i32
      %dma_start3A_120 = tpu.memref_slice %arg2[%dma_start3A_118, %dma_start3A_119] : memref<10000x128xf32, #tpu.memory_space<hbm>> -> memref<10000x128xf32, #tpu.memory_space<hbm>>
      tpu.enqueue_indirect_dma source(%dma_start3A_120 : memref<10000x128xf32, #tpu.memory_space<hbm>>) target(%arg8 : memref<64x128xf32, #tpu.memory_space<vmem>>) offsets(%dma_start3A_117 : memref<64xi32, #tpu.memory_space<vmem>>) semaphore(%arg12 : memref<!tpu.dma_semaphore, #tpu.memory_space<semaphore_mem>>)
      %add3A_121 = arith.constant 1 : i32
      %add3A_122 = arith.addi %mul3A_98, %add3A_121 : i32
      %mul3A_123 = arith.constant 64 : i32
      %mul3A_124 = arith.muli %add3A_122, %mul3A_123 : i32
      %dma_wait3A_125 = tpu.memref_slice %arg6[%mul3A_124] : memref<10000xi32, #tpu.memory_space<vmem>> -> memref<64xi32, #tpu.memory_space<vmem>>
      %dma_wait3A_126 = arith.constant 0 : i32
      %dma_wait3A_127 = arith.constant 0 : i32
      %dma_wait3A_128 = tpu.memref_slice %arg2[%dma_wait3A_126, %dma_wait3A_127] : memref<10000x128xf32, #tpu.memory_space<hbm>> -> memref<10000x128xf32, #tpu.memory_space<hbm>>
      tpu.wait_indirect_dma semaphore(%arg13 : memref<!tpu.dma_semaphore, #tpu.memory_space<semaphore_mem>>) src(%dma_wait3A_128 : memref<10000x128xf32, #tpu.memory_space<hbm>>) dst(%arg9 : memref<64x128xf32, #tpu.memory_space<vmem>>)
      %add3A_129 = arith.constant 1 : i32
      %add3A_130 = arith.addi %mul3A_98, %add3A_129 : i32
      %mul3A_131 = arith.constant 64 : i32
      %mul3A_132 = arith.muli %add3A_130, %mul3A_131 : i32
      "tpu.region"() ({
        %run_scoped3A_165 = tpu.sem_alloc : memref<!tpu.dma_semaphore, #tpu.memory_space<semaphore_mem>>
        %dma_start3A_166 = tpu.memref_slice %arg7[%mul3A_132] : memref<10000xi32, #tpu.memory_space<vmem>> -> memref<64xi32, #tpu.memory_space<vmem>>
        %dma_start3A_167 = arith.constant 0 : i32
        %dma_start3A_168 = arith.constant 0 : i32
        %dma_start3A_169 = tpu.memref_slice %arg5[%dma_start3A_167, %dma_start3A_168] : memref<10240x128xf32, #tpu.memory_space<vmem_shared>> -> memref<10240x128xf32, #tpu.memory_space<vmem_shared>>
        tpu.enqueue_indirect_dma source(%arg9 : memref<64x128xf32, #tpu.memory_space<vmem>>) target(%dma_start3A_169 : memref<10240x128xf32, #tpu.memory_space<vmem_shared>>) offsets(%dma_start3A_166 : memref<64xi32, #tpu.memory_space<vmem>>) semaphore(%run_scoped3A_165 : memref<!tpu.dma_semaphore, #tpu.memory_space<semaphore_mem>>) {add = true}
        %dma_wait3A_170 = tpu.memref_slice %arg7[%mul3A_132] : memref<10000xi32, #tpu.memory_space<vmem>> -> memref<64xi32, #tpu.memory_space<vmem>>
        %dma_wait3A_171 = arith.constant 0 : i32
        %dma_wait3A_172 = arith.constant 0 : i32
        %dma_wait3A_173 = tpu.memref_slice %arg5[%dma_wait3A_171, %dma_wait3A_172] : memref<10240x128xf32, #tpu.memory_space<vmem_shared>> -> memref<10240x128xf32, #tpu.memory_space<vmem_shared>>
        tpu.wait_indirect_dma semaphore(%run_scoped3A_165 : memref<!tpu.dma_semaphore, #tpu.memory_space<semaphore_mem>>) src(%arg9 : memref<64x128xf32, #tpu.memory_space<vmem>>) dst(%dma_wait3A_173 : memref<10240x128xf32, #tpu.memory_space<vmem_shared>>)
        tpu.yield
      }) : () -> ()
      %add3A_133 = arith.constant 1 : i32
      %add3A_134 = arith.addi %mul3A_98, %add3A_133 : i32
      %add3A_135 = arith.constant 3 : i32
      %add3A_136 = arith.addi %add3A_134, %add3A_135 : i32
      %mul3A_137 = arith.constant 64 : i32
      %mul3A_138 = arith.muli %add3A_136, %mul3A_137 : i32
      %dma_start3A_139 = tpu.memref_slice %arg6[%mul3A_138] : memref<10000xi32, #tpu.memory_space<vmem>> -> memref<64xi32, #tpu.memory_space<vmem>>
      %dma_start3A_140 = arith.constant 0 : i32
      %dma_start3A_141 = arith.constant 0 : i32
      %dma_start3A_142 = tpu.memref_slice %arg2[%dma_start3A_140, %dma_start3A_141] : memref<10000x128xf32, #tpu.memory_space<hbm>> -> memref<10000x128xf32, #tpu.memory_space<hbm>>
      tpu.enqueue_indirect_dma source(%dma_start3A_142 : memref<10000x128xf32, #tpu.memory_space<hbm>>) target(%arg9 : memref<64x128xf32, #tpu.memory_space<vmem>>) offsets(%dma_start3A_139 : memref<64xi32, #tpu.memory_space<vmem>>) semaphore(%arg13 : memref<!tpu.dma_semaphore, #tpu.memory_space<semaphore_mem>>)
      %add3A_143 = arith.constant 2 : i32
      %add3A_144 = arith.addi %mul3A_98, %add3A_143 : i32
      %mul3A_145 = arith.constant 64 : i32
      %mul3A_146 = arith.muli %add3A_144, %mul3A_145 : i32
      %dma_wait3A_147 = tpu.memref_slice %arg6[%mul3A_146] : memref<10000xi32, #tpu.memory_space<vmem>> -> memref<64xi32, #tpu.memory_space<vmem>>
      %dma_wait3A_148 = arith.constant 0 : i32
      %dma_wait3A_149 = arith.constant 0 : i32
      %dma_wait3A_150 = tpu.memref_slice %arg2[%dma_wait3A_148, %dma_wait3A_149] : memref<10000x128xf32, #tpu.memory_space<hbm>> -> memref<10000x128xf32, #tpu.memory_space<hbm>>
      tpu.wait_indirect_dma semaphore(%arg14 : memref<!tpu.dma_semaphore, #tpu.memory_space<semaphore_mem>>) src(%dma_wait3A_150 : memref<10000x128xf32, #tpu.memory_space<hbm>>) dst(%arg10 : memref<64x128xf32, #tpu.memory_space<vmem>>)
      %add3A_151 = arith.constant 2 : i32
      %add3A_152 = arith.addi %mul3A_98, %add3A_151 : i32
      %mul3A_153 = arith.constant 64 : i32
      %mul3A_154 = arith.muli %add3A_152, %mul3A_153 : i32
      "tpu.region"() ({
        %run_scoped3A_165 = tpu.sem_alloc : memref<!tpu.dma_semaphore, #tpu.memory_space<semaphore_mem>>
        %dma_start3A_166 = tpu.memref_slice %arg7[%mul3A_154] : memref<10000xi32, #tpu.memory_space<vmem>> -> memref<64xi32, #tpu.memory_space<vmem>>
        %dma_start3A_167 = arith.constant 0 : i32
        %dma_start3A_168 = arith.constant 0 : i32
        %dma_start3A_169 = tpu.memref_slice %arg5[%dma_start3A_167, %dma_start3A_168] : memref<10240x128xf32, #tpu.memory_space<vmem_shared>> -> memref<10240x128xf32, #tpu.memory_space<vmem_shared>>
        tpu.enqueue_indirect_dma source(%arg10 : memref<64x128xf32, #tpu.memory_space<vmem>>) target(%dma_start3A_169 : memref<10240x128xf32, #tpu.memory_space<vmem_shared>>) offsets(%dma_start3A_166 : memref<64xi32, #tpu.memory_space<vmem>>) semaphore(%run_scoped3A_165 : memref<!tpu.dma_semaphore, #tpu.memory_space<semaphore_mem>>) {add = true}
        %dma_wait3A_170 = tpu.memref_slice %arg7[%mul3A_154] : memref<10000xi32, #tpu.memory_space<vmem>> -> memref<64xi32, #tpu.memory_space<vmem>>
        %dma_wait3A_171 = arith.constant 0 : i32
        %dma_wait3A_172 = arith.constant 0 : i32
        %dma_wait3A_173 = tpu.memref_slice %arg5[%dma_wait3A_171, %dma_wait3A_172] : memref<10240x128xf32, #tpu.memory_space<vmem_shared>> -> memref<10240x128xf32, #tpu.memory_space<vmem_shared>>
        tpu.wait_indirect_dma semaphore(%run_scoped3A_165 : memref<!tpu.dma_semaphore, #tpu.memory_space<semaphore_mem>>) src(%arg10 : memref<64x128xf32, #tpu.memory_space<vmem>>) dst(%dma_wait3A_173 : memref<10240x128xf32, #tpu.memory_space<vmem_shared>>)
        tpu.yield
      }) : () -> ()
      %add3A_155 = arith.constant 2 : i32
      %add3A_156 = arith.addi %mul3A_98, %add3A_155 : i32
      %add3A_157 = arith.constant 3 : i32
      %add3A_158 = arith.addi %add3A_156, %add3A_157 : i32
      %mul3A_159 = arith.constant 64 : i32
      %mul3A_160 = arith.muli %add3A_158, %mul3A_159 : i32
      %dma_start3A_161 = tpu.memref_slice %arg6[%mul3A_160] : memref<10000xi32, #tpu.memory_space<vmem>> -> memref<64xi32, #tpu.memory_space<vmem>>
      %dma_start3A_162 = arith.constant 0 : i32
      %dma_start3A_163 = arith.constant 0 : i32
      %dma_start3A_164 = tpu.memref_slice %arg2[%dma_start3A_162, %dma_start3A_163] : memref<10000x128xf32, #tpu.memory_space<hbm>> -> memref<10000x128xf32, #tpu.memory_space<hbm>>
      tpu.enqueue_indirect_dma source(%dma_start3A_164 : memref<10000x128xf32, #tpu.memory_space<hbm>>) target(%arg10 : memref<64x128xf32, #tpu.memory_space<vmem>>) offsets(%dma_start3A_161 : memref<64xi32, #tpu.memory_space<vmem>>) semaphore(%arg14 : memref<!tpu.dma_semaphore, #tpu.memory_space<semaphore_mem>>)
    }
    %scan3A_66 = arith.constant 51 : i32
    %dma_wait3A = arith.constant 9792 : i32
    %dma_wait3A_67 = tpu.memref_slice %arg6[%dma_wait3A] : memref<10000xi32, #tpu.memory_space<vmem>> -> memref<64xi32, #tpu.memory_space<vmem>>
    %dma_wait3A_68 = arith.constant 0 : i32
    %dma_wait3A_69 = arith.constant 0 : i32
    %dma_wait3A_70 = tpu.memref_slice %arg2[%dma_wait3A_68, %dma_wait3A_69] : memref<10000x128xf32, #tpu.memory_space<hbm>> -> memref<10000x128xf32, #tpu.memory_space<hbm>>
    tpu.wait_indirect_dma semaphore(%arg12 : memref<!tpu.dma_semaphore, #tpu.memory_space<semaphore_mem>>) src(%dma_wait3A_70 : memref<10000x128xf32, #tpu.memory_space<hbm>>) dst(%arg8 : memref<64x128xf32, #tpu.memory_space<vmem>>)
    "tpu.region"() ({
      %run_scoped3A_96 = tpu.sem_alloc : memref<!tpu.dma_semaphore, #tpu.memory_space<semaphore_mem>>
      %dma_start3A_97 = arith.constant 9792 : i32
      %dma_start3A_98 = tpu.memref_slice %arg7[%dma_start3A_97] : memref<10000xi32, #tpu.memory_space<vmem>> -> memref<64xi32, #tpu.memory_space<vmem>>
      %dma_start3A_99 = arith.constant 0 : i32
      %dma_start3A_100 = arith.constant 0 : i32
      %dma_start3A_101 = tpu.memref_slice %arg5[%dma_start3A_99, %dma_start3A_100] : memref<10240x128xf32, #tpu.memory_space<vmem_shared>> -> memref<10240x128xf32, #tpu.memory_space<vmem_shared>>
      tpu.enqueue_indirect_dma source(%arg8 : memref<64x128xf32, #tpu.memory_space<vmem>>) target(%dma_start3A_101 : memref<10240x128xf32, #tpu.memory_space<vmem_shared>>) offsets(%dma_start3A_98 : memref<64xi32, #tpu.memory_space<vmem>>) semaphore(%run_scoped3A_96 : memref<!tpu.dma_semaphore, #tpu.memory_space<semaphore_mem>>) {add = true}
      %dma_wait3A_102 = arith.constant 9792 : i32
      %dma_wait3A_103 = tpu.memref_slice %arg7[%dma_wait3A_102] : memref<10000xi32, #tpu.memory_space<vmem>> -> memref<64xi32, #tpu.memory_space<vmem>>
      %dma_wait3A_104 = arith.constant 0 : i32
      %dma_wait3A_105 = arith.constant 0 : i32
      %dma_wait3A_106 = tpu.memref_slice %arg5[%dma_wait3A_104, %dma_wait3A_105] : memref<10240x128xf32, #tpu.memory_space<vmem_shared>> -> memref<10240x128xf32, #tpu.memory_space<vmem_shared>>
      tpu.wait_indirect_dma semaphore(%run_scoped3A_96 : memref<!tpu.dma_semaphore, #tpu.memory_space<semaphore_mem>>) src(%arg8 : memref<64x128xf32, #tpu.memory_space<vmem>>) dst(%dma_wait3A_106 : memref<10240x128xf32, #tpu.memory_space<vmem_shared>>)
      tpu.yield
    }) : () -> ()
    %dma_wait3A_71 = arith.constant 9856 : i32
    %dma_wait3A_72 = tpu.memref_slice %arg6[%dma_wait3A_71] : memref<10000xi32, #tpu.memory_space<vmem>> -> memref<64xi32, #tpu.memory_space<vmem>>
    %dma_wait3A_73 = arith.constant 0 : i32
    %dma_wait3A_74 = arith.constant 0 : i32
    %dma_wait3A_75 = tpu.memref_slice %arg2[%dma_wait3A_73, %dma_wait3A_74] : memref<10000x128xf32, #tpu.memory_space<hbm>> -> memref<10000x128xf32, #tpu.memory_space<hbm>>
    tpu.wait_indirect_dma semaphore(%arg13 : memref<!tpu.dma_semaphore, #tpu.memory_space<semaphore_mem>>) src(%dma_wait3A_75 : memref<10000x128xf32, #tpu.memory_space<hbm>>) dst(%arg9 : memref<64x128xf32, #tpu.memory_space<vmem>>)
    "tpu.region"() ({
      %run_scoped3A_96 = tpu.sem_alloc : memref<!tpu.dma_semaphore, #tpu.memory_space<semaphore_mem>>
      %dma_start3A_97 = arith.constant 9856 : i32
      %dma_start3A_98 = tpu.memref_slice %arg7[%dma_start3A_97] : memref<10000xi32, #tpu.memory_space<vmem>> -> memref<64xi32, #tpu.memory_space<vmem>>
      %dma_start3A_99 = arith.constant 0 : i32
      %dma_start3A_100 = arith.constant 0 : i32
      %dma_start3A_101 = tpu.memref_slice %arg5[%dma_start3A_99, %dma_start3A_100] : memref<10240x128xf32, #tpu.memory_space<vmem_shared>> -> memref<10240x128xf32, #tpu.memory_space<vmem_shared>>
      tpu.enqueue_indirect_dma source(%arg9 : memref<64x128xf32, #tpu.memory_space<vmem>>) target(%dma_start3A_101 : memref<10240x128xf32, #tpu.memory_space<vmem_shared>>) offsets(%dma_start3A_98 : memref<64xi32, #tpu.memory_space<vmem>>) semaphore(%run_scoped3A_96 : memref<!tpu.dma_semaphore, #tpu.memory_space<semaphore_mem>>) {add = true}
      %dma_wait3A_102 = arith.constant 9856 : i32
      %dma_wait3A_103 = tpu.memref_slice %arg7[%dma_wait3A_102] : memref<10000xi32, #tpu.memory_space<vmem>> -> memref<64xi32, #tpu.memory_space<vmem>>
      %dma_wait3A_104 = arith.constant 0 : i32
      %dma_wait3A_105 = arith.constant 0 : i32
      %dma_wait3A_106 = tpu.memref_slice %arg5[%dma_wait3A_104, %dma_wait3A_105] : memref<10240x128xf32, #tpu.memory_space<vmem_shared>> -> memref<10240x128xf32, #tpu.memory_space<vmem_shared>>
      tpu.wait_indirect_dma semaphore(%run_scoped3A_96 : memref<!tpu.dma_semaphore, #tpu.memory_space<semaphore_mem>>) src(%arg9 : memref<64x128xf32, #tpu.memory_space<vmem>>) dst(%dma_wait3A_106 : memref<10240x128xf32, #tpu.memory_space<vmem_shared>>)
      tpu.yield
    }) : () -> ()
    %dma_wait3A_76 = arith.constant 9920 : i32
    %dma_wait3A_77 = tpu.memref_slice %arg6[%dma_wait3A_76] : memref<10000xi32, #tpu.memory_space<vmem>> -> memref<64xi32, #tpu.memory_space<vmem>>
    %dma_wait3A_78 = arith.constant 0 : i32
    %dma_wait3A_79 = arith.constant 0 : i32
    %dma_wait3A_80 = tpu.memref_slice %arg2[%dma_wait3A_78, %dma_wait3A_79] : memref<10000x128xf32, #tpu.memory_space<hbm>> -> memref<10000x128xf32, #tpu.memory_space<hbm>>
    tpu.wait_indirect_dma semaphore(%arg14 : memref<!tpu.dma_semaphore, #tpu.memory_space<semaphore_mem>>) src(%dma_wait3A_80 : memref<10000x128xf32, #tpu.memory_space<hbm>>) dst(%arg10 : memref<64x128xf32, #tpu.memory_space<vmem>>)
    "tpu.region"() ({
      %run_scoped3A_96 = tpu.sem_alloc : memref<!tpu.dma_semaphore, #tpu.memory_space<semaphore_mem>>
      %dma_start3A_97 = arith.constant 9920 : i32
      %dma_start3A_98 = tpu.memref_slice %arg7[%dma_start3A_97] : memref<10000xi32, #tpu.memory_space<vmem>> -> memref<64xi32, #tpu.memory_space<vmem>>
      %dma_start3A_99 = arith.constant 0 : i32
      %dma_start3A_100 = arith.constant 0 : i32
      %dma_start3A_101 = tpu.memref_slice %arg5[%dma_start3A_99, %dma_start3A_100] : memref<10240x128xf32, #tpu.memory_space<vmem_shared>> -> memref<10240x128xf32, #tpu.memory_space<vmem_shared>>
      tpu.enqueue_indirect_dma source(%arg10 : memref<64x128xf32, #tpu.memory_space<vmem>>) target(%dma_start3A_101 : memref<10240x128xf32, #tpu.memory_space<vmem_shared>>) offsets(%dma_start3A_98 : memref<64xi32, #tpu.memory_space<vmem>>) semaphore(%run_scoped3A_96 : memref<!tpu.dma_semaphore, #tpu.memory_space<semaphore_mem>>) {add = true}
      %dma_wait3A_102 = arith.constant 9920 : i32
      %dma_wait3A_103 = tpu.memref_slice %arg7[%dma_wait3A_102] : memref<10000xi32, #tpu.memory_space<vmem>> -> memref<64xi32, #tpu.memory_space<vmem>>
      %dma_wait3A_104 = arith.constant 0 : i32
      %dma_wait3A_105 = arith.constant 0 : i32
      %dma_wait3A_106 = tpu.memref_slice %arg5[%dma_wait3A_104, %dma_wait3A_105] : memref<10240x128xf32, #tpu.memory_space<vmem_shared>> -> memref<10240x128xf32, #tpu.memory_space<vmem_shared>>
      tpu.wait_indirect_dma semaphore(%run_scoped3A_96 : memref<!tpu.dma_semaphore, #tpu.memory_space<semaphore_mem>>) src(%arg10 : memref<64x128xf32, #tpu.memory_space<vmem>>) dst(%dma_wait3A_106 : memref<10240x128xf32, #tpu.memory_space<vmem_shared>>)
      tpu.yield
    }) : () -> ()
    %dma_start3A_81 = arith.constant 9984 : i32
    %dma_start3A_82 = tpu.memref_slice %arg6[%dma_start3A_81] : memref<10000xi32, #tpu.memory_space<vmem>> -> memref<16xi32, #tpu.memory_space<vmem>>
    %dma_start3A_83 = arith.constant 0 : i32
    %dma_start3A_84 = arith.constant 0 : i32
    %dma_start3A_85 = tpu.memref_slice %arg2[%dma_start3A_83, %dma_start3A_84] : memref<10000x128xf32, #tpu.memory_space<hbm>> -> memref<10000x128xf32, #tpu.memory_space<hbm>>
    tpu.enqueue_indirect_dma source(%dma_start3A_85 : memref<10000x128xf32, #tpu.memory_space<hbm>>) target(%arg11 : memref<16x128xf32, #tpu.memory_space<vmem>>) offsets(%dma_start3A_82 : memref<16xi32, #tpu.memory_space<vmem>>) semaphore(%arg12 : memref<!tpu.dma_semaphore, #tpu.memory_space<semaphore_mem>>)
    %dma_wait3A_86 = arith.constant 9984 : i32
    %dma_wait3A_87 = tpu.memref_slice %arg6[%dma_wait3A_86] : memref<10000xi32, #tpu.memory_space<vmem>> -> memref<16xi32, #tpu.memory_space<vmem>>
    %dma_wait3A_88 = arith.constant 0 : i32
    %dma_wait3A_89 = arith.constant 0 : i32
    %dma_wait3A_90 = tpu.memref_slice %arg2[%dma_wait3A_88, %dma_wait3A_89] : memref<10000x128xf32, #tpu.memory_space<hbm>> -> memref<10000x128xf32, #tpu.memory_space<hbm>>
    tpu.wait_indirect_dma semaphore(%arg12 : memref<!tpu.dma_semaphore, #tpu.memory_space<semaphore_mem>>) src(%dma_wait3A_90 : memref<10000x128xf32, #tpu.memory_space<hbm>>) dst(%arg11 : memref<16x128xf32, #tpu.memory_space<vmem>>)
    "tpu.region"() ({
      %run_scoped3A_96 = tpu.sem_alloc : memref<!tpu.dma_semaphore, #tpu.memory_space<semaphore_mem>>
      %dma_start3A_97 = arith.constant 9984 : i32
      %dma_start3A_98 = tpu.memref_slice %arg7[%dma_start3A_97] : memref<10000xi32, #tpu.memory_space<vmem>> -> memref<16xi32, #tpu.memory_space<vmem>>
      %dma_start3A_99 = arith.constant 0 : i32
      %dma_start3A_100 = arith.constant 0 : i32
      %dma_start3A_101 = tpu.memref_slice %arg5[%dma_start3A_99, %dma_start3A_100] : memref<10240x128xf32, #tpu.memory_space<vmem_shared>> -> memref<10240x128xf32, #tpu.memory_space<vmem_shared>>
      tpu.enqueue_indirect_dma source(%arg11 : memref<16x128xf32, #tpu.memory_space<vmem>>) target(%dma_start3A_101 : memref<10240x128xf32, #tpu.memory_space<vmem_shared>>) offsets(%dma_start3A_98 : memref<16xi32, #tpu.memory_space<vmem>>) semaphore(%run_scoped3A_96 : memref<!tpu.dma_semaphore, #tpu.memory_space<semaphore_mem>>) {add = true}
      %dma_wait3A_102 = arith.constant 9984 : i32
      %dma_wait3A_103 = tpu.memref_slice %arg7[%dma_wait3A_102] : memref<10000xi32, #tpu.memory_space<vmem>> -> memref<16xi32, #tpu.memory_space<vmem>>
      %dma_wait3A_104 = arith.constant 0 : i32
      %dma_wait3A_105 = arith.constant 0 : i32
      %dma_wait3A_106 = tpu.memref_slice %arg5[%dma_wait3A_104, %dma_wait3A_105] : memref<10240x128xf32, #tpu.memory_space<vmem_shared>> -> memref<10240x128xf32, #tpu.memory_space<vmem_shared>>
      tpu.wait_indirect_dma semaphore(%run_scoped3A_96 : memref<!tpu.dma_semaphore, #tpu.memory_space<semaphore_mem>>) src(%arg11 : memref<16x128xf32, #tpu.memory_space<vmem>>) dst(%dma_wait3A_106 : memref<10240x128xf32, #tpu.memory_space<vmem_shared>>)
      tpu.yield
    }) : () -> ()
    %barrier3A_91 = arith.constant 0 : index
    tpu.barrier barrier_id(%barrier3A_91)
    %mul3A_92 = arith.constant 640 : i32
    %mul3A_93 = arith.muli %arg1, %mul3A_92 : i32
    %mul3A_94 = arith.constant 640 : i32
    %mul3A_95 = arith.muli %arg1, %mul3A_94 : i32
    "tpu.region"() ({
      %run_scoped3A_96 = tpu.sem_alloc : memref<!tpu.dma_semaphore, #tpu.memory_space<semaphore_mem>>
      %dma_start3A_97 = arith.constant 0 : i32
      %dma_start3A_98 = tpu.memref_slice %arg4[%arg0, %mul3A_95, %dma_start3A_97] : memref<2x10240x128xf32, #tpu.memory_space<hbm>> -> memref<1x640x128xf32, #tpu.memory_space<hbm>>
      %dma_start3A_99 = tpu.memref_squeeze %dma_start3A_98 : memref<1x640x128xf32, #tpu.memory_space<hbm>> -> memref<640x128xf32, #tpu.memory_space<hbm>>
      %dma_start3A_100 = arith.constant 0 : i32
      %dma_start3A_101 = tpu.memref_slice %arg5[%mul3A_93, %dma_start3A_100] : memref<10240x128xf32, #tpu.memory_space<vmem_shared>> -> memref<640x128xf32, #tpu.memory_space<vmem_shared>>
      tpu.enqueue_dma source(%dma_start3A_101 : memref<640x128xf32, #tpu.memory_space<vmem_shared>>) target(%dma_start3A_99 : memref<640x128xf32, #tpu.memory_space<hbm>>) target_semaphore(%run_scoped3A_96 : memref<!tpu.dma_semaphore, #tpu.memory_space<semaphore_mem>>)
      %dma_wait3A_102 = arith.constant 0 : i32
      %dma_wait3A_103 = tpu.memref_slice %arg4[%arg0, %mul3A_95, %dma_wait3A_102] : memref<2x10240x128xf32, #tpu.memory_space<hbm>> -> memref<1x640x128xf32, #tpu.memory_space<hbm>>
      %dma_wait3A_104 = tpu.memref_squeeze %dma_wait3A_103 : memref<1x640x128xf32, #tpu.memory_space<hbm>> -> memref<640x128xf32, #tpu.memory_space<hbm>>
      %dma_wait3A_105 = arith.constant 0 : i32
      %dma_wait3A_106 = tpu.memref_slice %arg5[%mul3A_93, %dma_wait3A_105] : memref<10240x128xf32, #tpu.memory_space<vmem_shared>> -> memref<640x128xf32, #tpu.memory_space<vmem_shared>>
      tpu.wait_dma2 semaphore(%run_scoped3A_96 : memref<!tpu.dma_semaphore, #tpu.memory_space<semaphore_mem>>) src(%dma_wait3A_106 : memref<640x128xf32, #tpu.memory_space<vmem_shared>>) dst(%dma_wait3A_104 : memref<640x128xf32, #tpu.memory_space<hbm>>)
      tpu.yield
    }) : () -> ()
    return
  }
}

#map = affine_map<(d0, d1) -> (0, 0)>
#map1 = affine_map<(d0, d1) -> (0, 0, 0)>
module attributes {stable_mosaic.version = 14 : i64} {
  func.func @sc_propagate_128(%arg0: i32, %arg1: i32, %arg2: memref<10000x128xf32, #tpu.memory_space<hbm>>, %arg3: memref<2x32x10000xi32, #tpu.memory_space<hbm>>, %arg4: memref<2x10240x128xf32, #tpu.memory_space<hbm>>, %arg5: memref<10240x128xf32, #tpu.memory_space<vmem_shared>>, %arg6: memref<10000xi32, #tpu.memory_space<vmem>>, %arg7: memref<10000xi32, #tpu.memory_space<vmem>>, %arg8: memref<64x128xf32, #tpu.memory_space<vmem>>, %arg9: memref<64x128xf32, #tpu.memory_space<vmem>>, %arg10: memref<64x128xf32, #tpu.memory_space<vmem>>, %arg11: memref<16x128xf32, #tpu.memory_space<vmem>>, %arg12: memref<!tpu.dma_semaphore, #tpu.memory_space<semaphore_mem>>, %arg13: memref<!tpu.dma_semaphore, #tpu.memory_space<semaphore_mem>>, %arg14: memref<!tpu.dma_semaphore, #tpu.memory_space<semaphore_mem>>) attributes {dimension_semantics = [#tpu.dimension_semantics<core_parallel>, #tpu.dimension_semantics<subcore_parallel>], iteration_bounds = array<i64: 2, 16>, scalar_prefetch = 0 : i64, scratch_operands = 10 : i64, tpu.core_type = #tpu.core_type<sc_vector_subcore>, window_params = [{transform_indices = #map}, {transform_indices = #map1}, {transform_indices = #map1}]} {
    %mul3A = arith.constant 16 : i32
    %mul3A_0 = arith.muli %arg0, %mul3A : i32
    %add3A = arith.addi %mul3A_0, %arg1 : i32
    %scan3A = arith.constant 0 : i32
    %scan3A_1 = arith.constant 0 : i32
    %scan3A_2 = arith.constant 512 : i32
    %scan3A_3 = arith.addi %scan3A_1, %scan3A_2 : i32
    %scan3A_4 = arith.constant 1 : i32
    scf.for %scan3A_96 = %scan3A_1 to %scan3A_3 step %scan3A_4  : i32 {
      %jit3A = arith.constant 8 : i32
      %div3A = arith.divsi %scan3A_96, %jit3A : i32
      %sign3A = arith.constant 0 : i32
      %sign3A_97 = arith.cmpi sgt, %scan3A_96, %sign3A : i32
      %sign3A_98 = arith.extui %sign3A_97 : i1 to i32
      %sign3A_99 = arith.constant 0 : i32
      %sign3A_100 = arith.cmpi slt, %scan3A_96, %sign3A_99 : i32
      %sign3A_101 = arith.extui %sign3A_100 : i1 to i32
      %sign3A_102 = arith.subi %sign3A_98, %sign3A_101 : i32
      %sign3A_103 = arith.constant 0 : i32
      %sign3A_104 = arith.cmpi sgt, %jit3A, %sign3A_103 : i32
      %sign3A_105 = arith.extui %sign3A_104 : i1 to i32
      %sign3A_106 = arith.constant 0 : i32
      %sign3A_107 = arith.cmpi slt, %jit3A, %sign3A_106 : i32
      %sign3A_108 = arith.extui %sign3A_107 : i1 to i32
      %sign3A_109 = arith.subi %sign3A_105, %sign3A_108 : i32
      %ne3A = arith.cmpi ne, %sign3A_102, %sign3A_109 : i32
      %rem3A = arith.remsi %scan3A_96, %jit3A : i32
      %ne3A_110 = arith.constant 0 : i32
      %ne3A_111 = arith.cmpi ne, %rem3A, %ne3A_110 : i32
      %and3A = arith.andi %ne3A, %ne3A_111 : i1
      %sub3A = arith.constant 1 : i32
      %sub3A_112 = arith.subi %div3A, %sub3A : i32
      %select_n3A = arith.select %and3A, %sub3A_112, %div3A : i32
      %jit3A_113 = arith.constant 8 : i32
      %eq3A = arith.constant 0 : i32
      %eq3A_114 = arith.cmpi eq, %jit3A_113, %eq3A : i32
      %jit3A_115 = arith.constant 1 : i32
      %select_n3A_116 = arith.select %eq3A_114, %jit3A_115, %jit3A_113 : i32
      %rem3A_117 = arith.remsi %scan3A_96, %select_n3A_116 : i32
      %ne3A_118 = arith.constant 0 : i32
      %ne3A_119 = arith.cmpi ne, %rem3A_117, %ne3A_118 : i32
      %lt3A = arith.constant 0 : i32
      %lt3A_120 = arith.cmpi slt, %rem3A_117, %lt3A : i32
      %lt3A_121 = arith.constant 0 : i32
      %lt3A_122 = arith.cmpi slt, %select_n3A_116, %lt3A_121 : i32
      %ne3A_123 = arith.xori %lt3A_120, %lt3A_122 : i1
      %and3A_124 = arith.andi %ne3A_123, %ne3A_119 : i1
      %add3A_125 = arith.addi %rem3A_117, %select_n3A_116 : i32
      %select_n3A_126 = arith.select %and3A_124, %add3A_125, %rem3A_117 : i32
      %mul3A_127 = arith.constant 16 : i32
      %mul3A_128 = arith.muli %select_n3A_126, %mul3A_127 : i32
      %broadcast_in_dim3A = arith.constant 0.000000e+00 : f32
      %broadcast_in_dim3A_129 = vector.broadcast %broadcast_in_dim3A : f32 to vector<16xf32>
      %swap3A = arith.index_cast %select_n3A : i32 to index
      %swap3A_130 = arith.index_cast %mul3A_128 : i32 to index
      %swap3A_131 = tpu.vector_load %arg8[%swap3A, %swap3A_130] {strides = array<i32>} : memref<64x128xf32, #tpu.memory_space<vmem>>, vector<1x16xf32>,
      %swap3A_132 = vector.shape_cast %swap3A_131 : vector<1x16xf32> to vector<16xf32>
      %swap3A_133 = vector.shape_cast %broadcast_in_dim3A_129 : vector<16xf32> to vector<1x16xf32>
      tpu.vector_store %arg8[%swap3A, %swap3A_130], %swap3A_133 {strides = array<i32>} : memref<64x128xf32, #tpu.memory_space<vmem>>, vector<1x16xf32>,
    }
    %scan3A_5 = arith.constant 512 : i32
    %mul3A_6 = arith.constant 640 : i32
    %mul3A_7 = arith.muli %arg1, %mul3A_6 : i32
    %add3A_8 = arith.constant 0 : i32
    %add3A_9 = arith.addi %mul3A_7, %add3A_8 : i32
    "tpu.region"() ({
      %run_scoped3A_96 = tpu.sem_alloc : memref<!tpu.dma_semaphore, #tpu.memory_space<semaphore_mem>>
      %dma_start3A_97 = arith.constant 0 : i32
      %dma_start3A_98 = tpu.memref_slice %arg5[%add3A_9, %dma_start3A_97] : memref<10240x128xf32, #tpu.memory_space<vmem_shared>> -> memref<64x128xf32, #tpu.memory_space<vmem_shared>>
      %dma_start3A_99 = arith.constant 0 : i32
      %dma_start3A_100 = tpu.memref_slice %arg5[%add3A_9, %dma_start3A_99] : memref<10240x128xf32, #tpu.memory_space<vmem_shared>> -> memref<64x128xf32, #tpu.memory_space<vmem_shared>>
      tpu.enqueue_dma source(%arg8 : memref<64x128xf32, #tpu.memory_space<vmem>>) target(%dma_start3A_100 : memref<64x128xf32, #tpu.memory_space<vmem_shared>>) target_semaphore(%run_scoped3A_96 : memref<!tpu.dma_semaphore, #tpu.memory_space<semaphore_mem>>)
      %dma_wait3A_101 = arith.constant 0 : i32
      %dma_wait3A_102 = tpu.memref_slice %arg5[%add3A_9, %dma_wait3A_101] : memref<10240x128xf32, #tpu.memory_space<vmem_shared>> -> memref<64x128xf32, #tpu.memory_space<vmem_shared>>
      %dma_wait3A_103 = arith.constant 0 : i32
      %dma_wait3A_104 = tpu.memref_slice %arg5[%add3A_9, %dma_wait3A_103] : memref<10240x128xf32, #tpu.memory_space<vmem_shared>> -> memref<64x128xf32, #tpu.memory_space<vmem_shared>>
      tpu.wait_dma2 semaphore(%run_scoped3A_96 : memref<!tpu.dma_semaphore, #tpu.memory_space<semaphore_mem>>) src(%arg8 : memref<64x128xf32, #tpu.memory_space<vmem>>) dst(%dma_wait3A_104 : memref<64x128xf32, #tpu.memory_space<vmem_shared>>)
      tpu.yield
    }) : () -> ()
    %mul3A_10 = arith.constant 640 : i32
    %mul3A_11 = arith.muli %arg1, %mul3A_10 : i32
    %add3A_12 = arith.constant 64 : i32
    %add3A_13 = arith.addi %mul3A_11, %add3A_12 : i32
    "tpu.region"() ({
      %run_scoped3A_96 = tpu.sem_alloc : memref<!tpu.dma_semaphore, #tpu.memory_space<semaphore_mem>>
      %dma_start3A_97 = arith.constant 0 : i32
      %dma_start3A_98 = tpu.memref_slice %arg5[%add3A_13, %dma_start3A_97] : memref<10240x128xf32, #tpu.memory_space<vmem_shared>> -> memref<64x128xf32, #tpu.memory_space<vmem_shared>>
      %dma_start3A_99 = arith.constant 0 : i32
      %dma_start3A_100 = tpu.memref_slice %arg5[%add3A_13, %dma_start3A_99] : memref<10240x128xf32, #tpu.memory_space<vmem_shared>> -> memref<64x128xf32, #tpu.memory_space<vmem_shared>>
      tpu.enqueue_dma source(%arg8 : memref<64x128xf32, #tpu.memory_space<vmem>>) target(%dma_start3A_100 : memref<64x128xf32, #tpu.memory_space<vmem_shared>>) target_semaphore(%run_scoped3A_96 : memref<!tpu.dma_semaphore, #tpu.memory_space<semaphore_mem>>)
      %dma_wait3A_101 = arith.constant 0 : i32
      %dma_wait3A_102 = tpu.memref_slice %arg5[%add3A_13, %dma_wait3A_101] : memref<10240x128xf32, #tpu.memory_space<vmem_shared>> -> memref<64x128xf32, #tpu.memory_space<vmem_shared>>
      %dma_wait3A_103 = arith.constant 0 : i32
      %dma_wait3A_104 = tpu.memref_slice %arg5[%add3A_13, %dma_wait3A_103] : memref<10240x128xf32, #tpu.memory_space<vmem_shared>> -> memref<64x128xf32, #tpu.memory_space<vmem_shared>>
      tpu.wait_dma2 semaphore(%run_scoped3A_96 : memref<!tpu.dma_semaphore, #tpu.memory_space<semaphore_mem>>) src(%arg8 : memref<64x128xf32, #tpu.memory_space<vmem>>) dst(%dma_wait3A_104 : memref<64x128xf32, #tpu.memory_space<vmem_shared>>)
      tpu.yield
    }) : () -> ()
    %mul3A_14 = arith.constant 640 : i32
    %mul3A_15 = arith.muli %arg1, %mul3A_14 : i32
    %add3A_16 = arith.constant 128 : i32
    %add3A_17 = arith.addi %mul3A_15, %add3A_16 : i32
    "tpu.region"() ({
      %run_scoped3A_96 = tpu.sem_alloc : memref<!tpu.dma_semaphore, #tpu.memory_space<semaphore_mem>>
      %dma_start3A_97 = arith.constant 0 : i32
      %dma_start3A_98 = tpu.memref_slice %arg5[%add3A_17, %dma_start3A_97] : memref<10240x128xf32, #tpu.memory_space<vmem_shared>> -> memref<64x128xf32, #tpu.memory_space<vmem_shared>>
      %dma_start3A_99 = arith.constant 0 : i32
      %dma_start3A_100 = tpu.memref_slice %arg5[%add3A_17, %dma_start3A_99] : memref<10240x128xf32, #tpu.memory_space<vmem_shared>> -> memref<64x128xf32, #tpu.memory_space<vmem_shared>>
      tpu.enqueue_dma source(%arg8 : memref<64x128xf32, #tpu.memory_space<vmem>>) target(%dma_start3A_100 : memref<64x128xf32, #tpu.memory_space<vmem_shared>>) target_semaphore(%run_scoped3A_96 : memref<!tpu.dma_semaphore, #tpu.memory_space<semaphore_mem>>)
      %dma_wait3A_101 = arith.constant 0 : i32
      %dma_wait3A_102 = tpu.memref_slice %arg5[%add3A_17, %dma_wait3A_101] : memref<10240x128xf32, #tpu.memory_space<vmem_shared>> -> memref<64x128xf32, #tpu.memory_space<vmem_shared>>
      %dma_wait3A_103 = arith.constant 0 : i32
      %dma_wait3A_104 = tpu.memref_slice %arg5[%add3A_17, %dma_wait3A_103] : memref<10240x128xf32, #tpu.memory_space<vmem_shared>> -> memref<64x128xf32, #tpu.memory_space<vmem_shared>>
      tpu.wait_dma2 semaphore(%run_scoped3A_96 : memref<!tpu.dma_semaphore, #tpu.memory_space<semaphore_mem>>) src(%arg8 : memref<64x128xf32, #tpu.memory_space<vmem>>) dst(%dma_wait3A_104 : memref<64x128xf32, #tpu.memory_space<vmem_shared>>)
      tpu.yield
    }) : () -> ()
    %mul3A_18 = arith.constant 640 : i32
    %mul3A_19 = arith.muli %arg1, %mul3A_18 : i32
    %add3A_20 = arith.constant 192 : i32
    %add3A_21 = arith.addi %mul3A_19, %add3A_20 : i32
    "tpu.region"() ({
      %run_scoped3A_96 = tpu.sem_alloc : memref<!tpu.dma_semaphore, #tpu.memory_space<semaphore_mem>>
      %dma_start3A_97 = arith.constant 0 : i32
      %dma_start3A_98 = tpu.memref_slice %arg5[%add3A_21, %dma_start3A_97] : memref<10240x128xf32, #tpu.memory_space<vmem_shared>> -> memref<64x128xf32, #tpu.memory_space<vmem_shared>>
      %dma_start3A_99 = arith.constant 0 : i32
      %dma_start3A_100 = tpu.memref_slice %arg5[%add3A_21, %dma_start3A_99] : memref<10240x128xf32, #tpu.memory_space<vmem_shared>> -> memref<64x128xf32, #tpu.memory_space<vmem_shared>>
      tpu.enqueue_dma source(%arg8 : memref<64x128xf32, #tpu.memory_space<vmem>>) target(%dma_start3A_100 : memref<64x128xf32, #tpu.memory_space<vmem_shared>>) target_semaphore(%run_scoped3A_96 : memref<!tpu.dma_semaphore, #tpu.memory_space<semaphore_mem>>)
      %dma_wait3A_101 = arith.constant 0 : i32
      %dma_wait3A_102 = tpu.memref_slice %arg5[%add3A_21, %dma_wait3A_101] : memref<10240x128xf32, #tpu.memory_space<vmem_shared>> -> memref<64x128xf32, #tpu.memory_space<vmem_shared>>
      %dma_wait3A_103 = arith.constant 0 : i32
      %dma_wait3A_104 = tpu.memref_slice %arg5[%add3A_21, %dma_wait3A_103] : memref<10240x128xf32, #tpu.memory_space<vmem_shared>> -> memref<64x128xf32, #tpu.memory_space<vmem_shared>>
      tpu.wait_dma2 semaphore(%run_scoped3A_96 : memref<!tpu.dma_semaphore, #tpu.memory_space<semaphore_mem>>) src(%arg8 : memref<64x128xf32, #tpu.memory_space<vmem>>) dst(%dma_wait3A_104 : memref<64x128xf32, #tpu.memory_space<vmem_shared>>)
      tpu.yield
    }) : () -> ()
    %mul3A_22 = arith.constant 640 : i32
    %mul3A_23 = arith.muli %arg1, %mul3A_22 : i32
    %add3A_24 = arith.constant 256 : i32
    %add3A_25 = arith.addi %mul3A_23, %add3A_24 : i32
    "tpu.region"() ({
      %run_scoped3A_96 = tpu.sem_alloc : memref<!tpu.dma_semaphore, #tpu.memory_space<semaphore_mem>>
      %dma_start3A_97 = arith.constant 0 : i32
      %dma_start3A_98 = tpu.memref_slice %arg5[%add3A_25, %dma_start3A_97] : memref<10240x128xf32, #tpu.memory_space<vmem_shared>> -> memref<64x128xf32, #tpu.memory_space<vmem_shared>>
      %dma_start3A_99 = arith.constant 0 : i32
      %dma_start3A_100 = tpu.memref_slice %arg5[%add3A_25, %dma_start3A_99] : memref<10240x128xf32, #tpu.memory_space<vmem_shared>> -> memref<64x128xf32, #tpu.memory_space<vmem_shared>>
      tpu.enqueue_dma source(%arg8 : memref<64x128xf32, #tpu.memory_space<vmem>>) target(%dma_start3A_100 : memref<64x128xf32, #tpu.memory_space<vmem_shared>>) target_semaphore(%run_scoped3A_96 : memref<!tpu.dma_semaphore, #tpu.memory_space<semaphore_mem>>)
      %dma_wait3A_101 = arith.constant 0 : i32
      %dma_wait3A_102 = tpu.memref_slice %arg5[%add3A_25, %dma_wait3A_101] : memref<10240x128xf32, #tpu.memory_space<vmem_shared>> -> memref<64x128xf32, #tpu.memory_space<vmem_shared>>
      %dma_wait3A_103 = arith.constant 0 : i32
      %dma_wait3A_104 = tpu.memref_slice %arg5[%add3A_25, %dma_wait3A_103] : memref<10240x128xf32, #tpu.memory_space<vmem_shared>> -> memref<64x128xf32, #tpu.memory_space<vmem_shared>>
      tpu.wait_dma2 semaphore(%run_scoped3A_96 : memref<!tpu.dma_semaphore, #tpu.memory_space<semaphore_mem>>) src(%arg8 : memref<64x128xf32, #tpu.memory_space<vmem>>) dst(%dma_wait3A_104 : memref<64x128xf32, #tpu.memory_space<vmem_shared>>)
      tpu.yield
    }) : () -> ()
    %mul3A_26 = arith.constant 640 : i32
    %mul3A_27 = arith.muli %arg1, %mul3A_26 : i32
    %add3A_28 = arith.constant 320 : i32
    %add3A_29 = arith.addi %mul3A_27, %add3A_28 : i32
    "tpu.region"() ({
      %run_scoped3A_96 = tpu.sem_alloc : memref<!tpu.dma_semaphore, #tpu.memory_space<semaphore_mem>>
      %dma_start3A_97 = arith.constant 0 : i32
      %dma_start3A_98 = tpu.memref_slice %arg5[%add3A_29, %dma_start3A_97] : memref<10240x128xf32, #tpu.memory_space<vmem_shared>> -> memref<64x128xf32, #tpu.memory_space<vmem_shared>>
      %dma_start3A_99 = arith.constant 0 : i32
      %dma_start3A_100 = tpu.memref_slice %arg5[%add3A_29, %dma_start3A_99] : memref<10240x128xf32, #tpu.memory_space<vmem_shared>> -> memref<64x128xf32, #tpu.memory_space<vmem_shared>>
      tpu.enqueue_dma source(%arg8 : memref<64x128xf32, #tpu.memory_space<vmem>>) target(%dma_start3A_100 : memref<64x128xf32, #tpu.memory_space<vmem_shared>>) target_semaphore(%run_scoped3A_96 : memref<!tpu.dma_semaphore, #tpu.memory_space<semaphore_mem>>)
      %dma_wait3A_101 = arith.constant 0 : i32
      %dma_wait3A_102 = tpu.memref_slice %arg5[%add3A_29, %dma_wait3A_101] : memref<10240x128xf32, #tpu.memory_space<vmem_shared>> -> memref<64x128xf32, #tpu.memory_space<vmem_shared>>
      %dma_wait3A_103 = arith.constant 0 : i32
      %dma_wait3A_104 = tpu.memref_slice %arg5[%add3A_29, %dma_wait3A_103] : memref<10240x128xf32, #tpu.memory_space<vmem_shared>> -> memref<64x128xf32, #tpu.memory_space<vmem_shared>>
      tpu.wait_dma2 semaphore(%run_scoped3A_96 : memref<!tpu.dma_semaphore, #tpu.memory_space<semaphore_mem>>) src(%arg8 : memref<64x128xf32, #tpu.memory_space<vmem>>) dst(%dma_wait3A_104 : memref<64x128xf32, #tpu.memory_space<vmem_shared>>)
      tpu.yield
    }) : () -> ()
    %mul3A_30 = arith.constant 640 : i32
    %mul3A_31 = arith.muli %arg1, %mul3A_30 : i32
    %add3A_32 = arith.constant 384 : i32
    %add3A_33 = arith.addi %mul3A_31, %add3A_32 : i32
    "tpu.region"() ({
      %run_scoped3A_96 = tpu.sem_alloc : memref<!tpu.dma_semaphore, #tpu.memory_space<semaphore_mem>>
      %dma_start3A_97 = arith.constant 0 : i32
      %dma_start3A_98 = tpu.memref_slice %arg5[%add3A_33, %dma_start3A_97] : memref<10240x128xf32, #tpu.memory_space<vmem_shared>> -> memref<64x128xf32, #tpu.memory_space<vmem_shared>>
      %dma_start3A_99 = arith.constant 0 : i32
      %dma_start3A_100 = tpu.memref_slice %arg5[%add3A_33, %dma_start3A_99] : memref<10240x128xf32, #tpu.memory_space<vmem_shared>> -> memref<64x128xf32, #tpu.memory_space<vmem_shared>>
      tpu.enqueue_dma source(%arg8 : memref<64x128xf32, #tpu.memory_space<vmem>>) target(%dma_start3A_100 : memref<64x128xf32, #tpu.memory_space<vmem_shared>>) target_semaphore(%run_scoped3A_96 : memref<!tpu.dma_semaphore, #tpu.memory_space<semaphore_mem>>)
      %dma_wait3A_101 = arith.constant 0 : i32
      %dma_wait3A_102 = tpu.memref_slice %arg5[%add3A_33, %dma_wait3A_101] : memref<10240x128xf32, #tpu.memory_space<vmem_shared>> -> memref<64x128xf32, #tpu.memory_space<vmem_shared>>
      %dma_wait3A_103 = arith.constant 0 : i32
      %dma_wait3A_104 = tpu.memref_slice %arg5[%add3A_33, %dma_wait3A_103] : memref<10240x128xf32, #tpu.memory_space<vmem_shared>> -> memref<64x128xf32, #tpu.memory_space<vmem_shared>>
      tpu.wait_dma2 semaphore(%run_scoped3A_96 : memref<!tpu.dma_semaphore, #tpu.memory_space<semaphore_mem>>) src(%arg8 : memref<64x128xf32, #tpu.memory_space<vmem>>) dst(%dma_wait3A_104 : memref<64x128xf32, #tpu.memory_space<vmem_shared>>)
      tpu.yield
    }) : () -> ()
    %mul3A_34 = arith.constant 640 : i32
    %mul3A_35 = arith.muli %arg1, %mul3A_34 : i32
    %add3A_36 = arith.constant 448 : i32
    %add3A_37 = arith.addi %mul3A_35, %add3A_36 : i32
    "tpu.region"() ({
      %run_scoped3A_96 = tpu.sem_alloc : memref<!tpu.dma_semaphore, #tpu.memory_space<semaphore_mem>>
      %dma_start3A_97 = arith.constant 0 : i32
      %dma_start3A_98 = tpu.memref_slice %arg5[%add3A_37, %dma_start3A_97] : memref<10240x128xf32, #tpu.memory_space<vmem_shared>> -> memref<64x128xf32, #tpu.memory_space<vmem_shared>>
      %dma_start3A_99 = arith.constant 0 : i32
      %dma_start3A_100 = tpu.memref_slice %arg5[%add3A_37, %dma_start3A_99] : memref<10240x128xf32, #tpu.memory_space<vmem_shared>> -> memref<64x128xf32, #tpu.memory_space<vmem_shared>>
      tpu.enqueue_dma source(%arg8 : memref<64x128xf32, #tpu.memory_space<vmem>>) target(%dma_start3A_100 : memref<64x128xf32, #tpu.memory_space<vmem_shared>>) target_semaphore(%run_scoped3A_96 : memref<!tpu.dma_semaphore, #tpu.memory_space<semaphore_mem>>)
      %dma_wait3A_101 = arith.constant 0 : i32
      %dma_wait3A_102 = tpu.memref_slice %arg5[%add3A_37, %dma_wait3A_101] : memref<10240x128xf32, #tpu.memory_space<vmem_shared>> -> memref<64x128xf32, #tpu.memory_space<vmem_shared>>
      %dma_wait3A_103 = arith.constant 0 : i32
      %dma_wait3A_104 = tpu.memref_slice %arg5[%add3A_37, %dma_wait3A_103] : memref<10240x128xf32, #tpu.memory_space<vmem_shared>> -> memref<64x128xf32, #tpu.memory_space<vmem_shared>>
      tpu.wait_dma2 semaphore(%run_scoped3A_96 : memref<!tpu.dma_semaphore, #tpu.memory_space<semaphore_mem>>) src(%arg8 : memref<64x128xf32, #tpu.memory_space<vmem>>) dst(%dma_wait3A_104 : memref<64x128xf32, #tpu.memory_space<vmem_shared>>)
      tpu.yield
    }) : () -> ()
    %mul3A_38 = arith.constant 640 : i32
    %mul3A_39 = arith.muli %arg1, %mul3A_38 : i32
    %add3A_40 = arith.constant 512 : i32
    %add3A_41 = arith.addi %mul3A_39, %add3A_40 : i32
    "tpu.region"() ({
      %run_scoped3A_96 = tpu.sem_alloc : memref<!tpu.dma_semaphore, #tpu.memory_space<semaphore_mem>>
      %dma_start3A_97 = arith.constant 0 : i32
      %dma_start3A_98 = tpu.memref_slice %arg5[%add3A_41, %dma_start3A_97] : memref<10240x128xf32, #tpu.memory_space<vmem_shared>> -> memref<64x128xf32, #tpu.memory_space<vmem_shared>>
      %dma_start3A_99 = arith.constant 0 : i32
      %dma_start3A_100 = tpu.memref_slice %arg5[%add3A_41, %dma_start3A_99] : memref<10240x128xf32, #tpu.memory_space<vmem_shared>> -> memref<64x128xf32, #tpu.memory_space<vmem_shared>>
      tpu.enqueue_dma source(%arg8 : memref<64x128xf32, #tpu.memory_space<vmem>>) target(%dma_start3A_100 : memref<64x128xf32, #tpu.memory_space<vmem_shared>>) target_semaphore(%run_scoped3A_96 : memref<!tpu.dma_semaphore, #tpu.memory_space<semaphore_mem>>)
      %dma_wait3A_101 = arith.constant 0 : i32
      %dma_wait3A_102 = tpu.memref_slice %arg5[%add3A_41, %dma_wait3A_101] : memref<10240x128xf32, #tpu.memory_space<vmem_shared>> -> memref<64x128xf32, #tpu.memory_space<vmem_shared>>
      %dma_wait3A_103 = arith.constant 0 : i32
      %dma_wait3A_104 = tpu.memref_slice %arg5[%add3A_41, %dma_wait3A_103] : memref<10240x128xf32, #tpu.memory_space<vmem_shared>> -> memref<64x128xf32, #tpu.memory_space<vmem_shared>>
      tpu.wait_dma2 semaphore(%run_scoped3A_96 : memref<!tpu.dma_semaphore, #tpu.memory_space<semaphore_mem>>) src(%arg8 : memref<64x128xf32, #tpu.memory_space<vmem>>) dst(%dma_wait3A_104 : memref<64x128xf32, #tpu.memory_space<vmem_shared>>)
      tpu.yield
    }) : () -> ()
    %mul3A_42 = arith.constant 640 : i32
    %mul3A_43 = arith.muli %arg1, %mul3A_42 : i32
    %add3A_44 = arith.constant 576 : i32
    %add3A_45 = arith.addi %mul3A_43, %add3A_44 : i32
    "tpu.region"() ({
      %run_scoped3A_96 = tpu.sem_alloc : memref<!tpu.dma_semaphore, #tpu.memory_space<semaphore_mem>>
      %dma_start3A_97 = arith.constant 0 : i32
      %dma_start3A_98 = tpu.memref_slice %arg5[%add3A_45, %dma_start3A_97] : memref<10240x128xf32, #tpu.memory_space<vmem_shared>> -> memref<64x128xf32, #tpu.memory_space<vmem_shared>>
      %dma_start3A_99 = arith.constant 0 : i32
      %dma_start3A_100 = tpu.memref_slice %arg5[%add3A_45, %dma_start3A_99] : memref<10240x128xf32, #tpu.memory_space<vmem_shared>> -> memref<64x128xf32, #tpu.memory_space<vmem_shared>>
      tpu.enqueue_dma source(%arg8 : memref<64x128xf32, #tpu.memory_space<vmem>>) target(%dma_start3A_100 : memref<64x128xf32, #tpu.memory_space<vmem_shared>>) target_semaphore(%run_scoped3A_96 : memref<!tpu.dma_semaphore, #tpu.memory_space<semaphore_mem>>)
      %dma_wait3A_101 = arith.constant 0 : i32
      %dma_wait3A_102 = tpu.memref_slice %arg5[%add3A_45, %dma_wait3A_101] : memref<10240x128xf32, #tpu.memory_space<vmem_shared>> -> memref<64x128xf32, #tpu.memory_space<vmem_shared>>
      %dma_wait3A_103 = arith.constant 0 : i32
      %dma_wait3A_104 = tpu.memref_slice %arg5[%add3A_45, %dma_wait3A_103] : memref<10240x128xf32, #tpu.memory_space<vmem_shared>> -> memref<64x128xf32, #tpu.memory_space<vmem_shared>>
      tpu.wait_dma2 semaphore(%run_scoped3A_96 : memref<!tpu.dma_semaphore, #tpu.memory_space<semaphore_mem>>) src(%arg8 : memref<64x128xf32, #tpu.memory_space<vmem>>) dst(%dma_wait3A_104 : memref<64x128xf32, #tpu.memory_space<vmem_shared>>)
      tpu.yield
    }) : () -> ()
    %barrier3A = arith.constant 0 : index
    tpu.barrier barrier_id(%barrier3A)
    %run_scoped3A = arith.constant 0 : i32
    "tpu.region"() ({
      %run_scoped3A_96 = tpu.sem_alloc : memref<!tpu.dma_semaphore, #tpu.memory_space<semaphore_mem>>
      %dma_start3A_97 = arith.constant 0 : i32
      %dma_start3A_98 = tpu.memref_slice %arg3[%run_scoped3A, %add3A, %dma_start3A_97] : memref<2x32x10000xi32, #tpu.memory_space<hbm>> -> memref<1x1x10000xi32, #tpu.memory_space<hbm>>
      %dma_start3A_99 = tpu.memref_squeeze %dma_start3A_98 : memref<1x1x10000xi32, #tpu.memory_space<hbm>> -> memref<10000xi32, #tpu.memory_space<hbm>>
      %dma_start3A_100 = arith.constant 0 : i32
      %dma_start3A_101 = tpu.memref_slice %arg3[%run_scoped3A, %add3A, %dma_start3A_100] : memref<2x32x10000xi32, #tpu.memory_space<hbm>> -> memref<1x1x10000xi32, #tpu.memory_space<hbm>>
      %dma_start3A_102 = tpu.memref_squeeze %dma_start3A_101 : memref<1x1x10000xi32, #tpu.memory_space<hbm>> -> memref<10000xi32, #tpu.memory_space<hbm>>
      tpu.enqueue_dma source(%dma_start3A_102 : memref<10000xi32, #tpu.memory_space<hbm>>) target(%arg6 : memref<10000xi32, #tpu.memory_space<vmem>>) target_semaphore(%run_scoped3A_96 : memref<!tpu.dma_semaphore, #tpu.memory_space<semaphore_mem>>)
      %dma_wait3A_103 = arith.constant 0 : i32
      %dma_wait3A_104 = tpu.memref_slice %arg3[%run_scoped3A, %add3A, %dma_wait3A_103] : memref<2x32x10000xi32, #tpu.memory_space<hbm>> -> memref<1x1x10000xi32, #tpu.memory_space<hbm>>
      %dma_wait3A_105 = tpu.memref_squeeze %dma_wait3A_104 : memref<1x1x10000xi32, #tpu.memory_space<hbm>> -> memref<10000xi32, #tpu.memory_space<hbm>>
      %dma_wait3A_106 = arith.constant 0 : i32
      %dma_wait3A_107 = tpu.memref_slice %arg3[%run_scoped3A, %add3A, %dma_wait3A_106] : memref<2x32x10000xi32, #tpu.memory_space<hbm>> -> memref<1x1x10000xi32, #tpu.memory_space<hbm>>
      %dma_wait3A_108 = tpu.memref_squeeze %dma_wait3A_107 : memref<1x1x10000xi32, #tpu.memory_space<hbm>> -> memref<10000xi32, #tpu.memory_space<hbm>>
      tpu.wait_dma2 semaphore(%run_scoped3A_96 : memref<!tpu.dma_semaphore, #tpu.memory_space<semaphore_mem>>) src(%dma_wait3A_108 : memref<10000xi32, #tpu.memory_space<hbm>>) dst(%arg6 : memref<10000xi32, #tpu.memory_space<vmem>>)
      tpu.yield
    }) : () -> ()
    %run_scoped3A_46 = arith.constant 1 : i32
    "tpu.region"() ({
      %run_scoped3A_96 = tpu.sem_alloc : memref<!tpu.dma_semaphore, #tpu.memory_space<semaphore_mem>>
      %dma_start3A_97 = arith.constant 0 : i32
      %dma_start3A_98 = tpu.memref_slice %arg3[%run_scoped3A_46, %add3A, %dma_start3A_97] : memref<2x32x10000xi32, #tpu.memory_space<hbm>> -> memref<1x1x10000xi32, #tpu.memory_space<hbm>>
      %dma_start3A_99 = tpu.memref_squeeze %dma_start3A_98 : memref<1x1x10000xi32, #tpu.memory_space<hbm>> -> memref<10000xi32, #tpu.memory_space<hbm>>
      %dma_start3A_100 = arith.constant 0 : i32
      %dma_start3A_101 = tpu.memref_slice %arg3[%run_scoped3A_46, %add3A, %dma_start3A_100] : memref<2x32x10000xi32, #tpu.memory_space<hbm>> -> memref<1x1x10000xi32, #tpu.memory_space<hbm>>
      %dma_start3A_102 = tpu.memref_squeeze %dma_start3A_101 : memref<1x1x10000xi32, #tpu.memory_space<hbm>> -> memref<10000xi32, #tpu.memory_space<hbm>>
      tpu.enqueue_dma source(%dma_start3A_102 : memref<10000xi32, #tpu.memory_space<hbm>>) target(%arg7 : memref<10000xi32, #tpu.memory_space<vmem>>) target_semaphore(%run_scoped3A_96 : memref<!tpu.dma_semaphore, #tpu.memory_space<semaphore_mem>>)
      %dma_wait3A_103 = arith.constant 0 : i32
      %dma_wait3A_104 = tpu.memref_slice %arg3[%run_scoped3A_46, %add3A, %dma_wait3A_103] : memref<2x32x10000xi32, #tpu.memory_space<hbm>> -> memref<1x1x10000xi32, #tpu.memory_space<hbm>>
      %dma_wait3A_105 = tpu.memref_squeeze %dma_wait3A_104 : memref<1x1x10000xi32, #tpu.memory_space<hbm>> -> memref<10000xi32, #tpu.memory_space<hbm>>
      %dma_wait3A_106 = arith.constant 0 : i32
      %dma_wait3A_107 = tpu.memref_slice %arg3[%run_scoped3A_46, %add3A, %dma_wait3A_106] : memref<2x32x10000xi32, #tpu.memory_space<hbm>> -> memref<1x1x10000xi32, #tpu.memory_space<hbm>>
      %dma_wait3A_108 = tpu.memref_squeeze %dma_wait3A_107 : memref<1x1x10000xi32, #tpu.memory_space<hbm>> -> memref<10000xi32, #tpu.memory_space<hbm>>
      tpu.wait_dma2 semaphore(%run_scoped3A_96 : memref<!tpu.dma_semaphore, #tpu.memory_space<semaphore_mem>>) src(%dma_wait3A_108 : memref<10000xi32, #tpu.memory_space<hbm>>) dst(%arg7 : memref<10000xi32, #tpu.memory_space<vmem>>)
      tpu.yield
    }) : () -> ()
    %dma_start3A = arith.constant 0 : i32
    %dma_start3A_47 = tpu.memref_slice %arg6[%dma_start3A] : memref<10000xi32, #tpu.memory_space<vmem>> -> memref<64xi32, #tpu.memory_space<vmem>>
    %dma_start3A_48 = arith.constant 0 : i32
    %dma_start3A_49 = arith.constant 0 : i32
    %dma_start3A_50 = tpu.memref_slice %arg2[%dma_start3A_48, %dma_start3A_49] : memref<10000x128xf32, #tpu.memory_space<hbm>> -> memref<10000x128xf32, #tpu.memory_space<hbm>>
    tpu.enqueue_indirect_dma source(%dma_start3A_50 : memref<10000x128xf32, #tpu.memory_space<hbm>>) target(%arg8 : memref<64x128xf32, #tpu.memory_space<vmem>>) offsets(%dma_start3A_47 : memref<64xi32, #tpu.memory_space<vmem>>) semaphore(%arg12 : memref<!tpu.dma_semaphore, #tpu.memory_space<semaphore_mem>>)
    %dma_start3A_51 = arith.constant 64 : i32
    %dma_start3A_52 = tpu.memref_slice %arg6[%dma_start3A_51] : memref<10000xi32, #tpu.memory_space<vmem>> -> memref<64xi32, #tpu.memory_space<vmem>>
    %dma_start3A_53 = arith.constant 0 : i32
    %dma_start3A_54 = arith.constant 0 : i32
    %dma_start3A_55 = tpu.memref_slice %arg2[%dma_start3A_53, %dma_start3A_54] : memref<10000x128xf32, #tpu.memory_space<hbm>> -> memref<10000x128xf32, #tpu.memory_space<hbm>>
    tpu.enqueue_indirect_dma source(%dma_start3A_55 : memref<10000x128xf32, #tpu.memory_space<hbm>>) target(%arg9 : memref<64x128xf32, #tpu.memory_space<vmem>>) offsets(%dma_start3A_52 : memref<64xi32, #tpu.memory_space<vmem>>) semaphore(%arg13 : memref<!tpu.dma_semaphore, #tpu.memory_space<semaphore_mem>>)
    %dma_start3A_56 = arith.constant 128 : i32
    %dma_start3A_57 = tpu.memref_slice %arg6[%dma_start3A_56] : memref<10000xi32, #tpu.memory_space<vmem>> -> memref<64xi32, #tpu.memory_space<vmem>>
    %dma_start3A_58 = arith.constant 0 : i32
    %dma_start3A_59 = arith.constant 0 : i32
    %dma_start3A_60 = tpu.memref_slice %arg2[%dma_start3A_58, %dma_start3A_59] : memref<10000x128xf32, #tpu.memory_space<hbm>> -> memref<10000x128xf32, #tpu.memory_space<hbm>>
    tpu.enqueue_indirect_dma source(%dma_start3A_60 : memref<10000x128xf32, #tpu.memory_space<hbm>>) target(%arg10 : memref<64x128xf32, #tpu.memory_space<vmem>>) offsets(%dma_start3A_57 : memref<64xi32, #tpu.memory_space<vmem>>) semaphore(%arg14 : memref<!tpu.dma_semaphore, #tpu.memory_space<semaphore_mem>>)
    %scan3A_61 = arith.constant 0 : i32
    %scan3A_62 = arith.constant 0 : i32
    %scan3A_63 = arith.constant 51 : i32
    %scan3A_64 = arith.addi %scan3A_62, %scan3A_63 : i32
    %scan3A_65 = arith.constant 1 : i32
    scf.for %scan3A_96 = %scan3A_62 to %scan3A_64 step %scan3A_65  : i32 {
      %mul3A_97 = arith.constant 3 : i32
      %mul3A_98 = arith.muli %scan3A_96, %mul3A_97 : i32
      %add3A_99 = arith.constant 0 : i32
      %add3A_100 = arith.addi %mul3A_98, %add3A_99 : i32
      %mul3A_101 = arith.constant 64 : i32
      %mul3A_102 = arith.muli %add3A_100, %mul3A_101 : i32
      %dma_wait3A_103 = tpu.memref_slice %arg6[%mul3A_102] : memref<10000xi32, #tpu.memory_space<vmem>> -> memref<64xi32, #tpu.memory_space<vmem>>
      %dma_wait3A_104 = arith.constant 0 : i32
      %dma_wait3A_105 = arith.constant 0 : i32
      %dma_wait3A_106 = tpu.memref_slice %arg2[%dma_wait3A_104, %dma_wait3A_105] : memref<10000x128xf32, #tpu.memory_space<hbm>> -> memref<10000x128xf32, #tpu.memory_space<hbm>>
      tpu.wait_indirect_dma semaphore(%arg12 : memref<!tpu.dma_semaphore, #tpu.memory_space<semaphore_mem>>) src(%dma_wait3A_106 : memref<10000x128xf32, #tpu.memory_space<hbm>>) dst(%arg8 : memref<64x128xf32, #tpu.memory_space<vmem>>)
      %add3A_107 = arith.constant 0 : i32
      %add3A_108 = arith.addi %mul3A_98, %add3A_107 : i32
      %mul3A_109 = arith.constant 64 : i32
      %mul3A_110 = arith.muli %add3A_108, %mul3A_109 : i32
      "tpu.region"() ({
        %run_scoped3A_165 = tpu.sem_alloc : memref<!tpu.dma_semaphore, #tpu.memory_space<semaphore_mem>>
        %dma_start3A_166 = tpu.memref_slice %arg7[%mul3A_110] : memref<10000xi32, #tpu.memory_space<vmem>> -> memref<64xi32, #tpu.memory_space<vmem>>
        %dma_start3A_167 = arith.constant 0 : i32
        %dma_start3A_168 = arith.constant 0 : i32
        %dma_start3A_169 = tpu.memref_slice %arg5[%dma_start3A_167, %dma_start3A_168] : memref<10240x128xf32, #tpu.memory_space<vmem_shared>> -> memref<10240x128xf32, #tpu.memory_space<vmem_shared>>
        tpu.enqueue_indirect_dma source(%arg8 : memref<64x128xf32, #tpu.memory_space<vmem>>) target(%dma_start3A_169 : memref<10240x128xf32, #tpu.memory_space<vmem_shared>>) offsets(%dma_start3A_166 : memref<64xi32, #tpu.memory_space<vmem>>) semaphore(%run_scoped3A_165 : memref<!tpu.dma_semaphore, #tpu.memory_space<semaphore_mem>>) {add = true}
        %dma_wait3A_170 = tpu.memref_slice %arg7[%mul3A_110] : memref<10000xi32, #tpu.memory_space<vmem>> -> memref<64xi32, #tpu.memory_space<vmem>>
        %dma_wait3A_171 = arith.constant 0 : i32
        %dma_wait3A_172 = arith.constant 0 : i32
        %dma_wait3A_173 = tpu.memref_slice %arg5[%dma_wait3A_171, %dma_wait3A_172] : memref<10240x128xf32, #tpu.memory_space<vmem_shared>> -> memref<10240x128xf32, #tpu.memory_space<vmem_shared>>
        tpu.wait_indirect_dma semaphore(%run_scoped3A_165 : memref<!tpu.dma_semaphore, #tpu.memory_space<semaphore_mem>>) src(%arg8 : memref<64x128xf32, #tpu.memory_space<vmem>>) dst(%dma_wait3A_173 : memref<10240x128xf32, #tpu.memory_space<vmem_shared>>)
        tpu.yield
      }) : () -> ()
      %add3A_111 = arith.constant 0 : i32
      %add3A_112 = arith.addi %mul3A_98, %add3A_111 : i32
      %add3A_113 = arith.constant 3 : i32
      %add3A_114 = arith.addi %add3A_112, %add3A_113 : i32
      %mul3A_115 = arith.constant 64 : i32
      %mul3A_116 = arith.muli %add3A_114, %mul3A_115 : i32
      %dma_start3A_117 = tpu.memref_slice %arg6[%mul3A_116] : memref<10000xi32, #tpu.memory_space<vmem>> -> memref<64xi32, #tpu.memory_space<vmem>>
      %dma_start3A_118 = arith.constant 0 : i32
      %dma_start3A_119 = arith.constant 0 : i32
      %dma_start3A_120 = tpu.memref_slice %arg2[%dma_start3A_118, %dma_start3A_119] : memref<10000x128xf32, #tpu.memory_space<hbm>> -> memref<10000x128xf32, #tpu.memory_space<hbm>>
      tpu.enqueue_indirect_dma source(%dma_start3A_120 : memref<10000x128xf32, #tpu.memory_space<hbm>>) target(%arg8 : memref<64x128xf32, #tpu.memory_space<vmem>>) offsets(%dma_start3A_117 : memref<64xi32, #tpu.memory_space<vmem>>) semaphore(%arg12 : memref<!tpu.dma_semaphore, #tpu.memory_space<semaphore_mem>>)
      %add3A_121 = arith.constant 1 : i32
      %add3A_122 = arith.addi %mul3A_98, %add3A_121 : i32
      %mul3A_123 = arith.constant 64 : i32
      %mul3A_124 = arith.muli %add3A_122, %mul3A_123 : i32
      %dma_wait3A_125 = tpu.memref_slice %arg6[%mul3A_124] : memref<10000xi32, #tpu.memory_space<vmem>> -> memref<64xi32, #tpu.memory_space<vmem>>
      %dma_wait3A_126 = arith.constant 0 : i32
      %dma_wait3A_127 = arith.constant 0 : i32
      %dma_wait3A_128 = tpu.memref_slice %arg2[%dma_wait3A_126, %dma_wait3A_127] : memref<10000x128xf32, #tpu.memory_space<hbm>> -> memref<10000x128xf32, #tpu.memory_space<hbm>>
      tpu.wait_indirect_dma semaphore(%arg13 : memref<!tpu.dma_semaphore, #tpu.memory_space<semaphore_mem>>) src(%dma_wait3A_128 : memref<10000x128xf32, #tpu.memory_space<hbm>>) dst(%arg9 : memref<64x128xf32, #tpu.memory_space<vmem>>)
      %add3A_129 = arith.constant 1 : i32
      %add3A_130 = arith.addi %mul3A_98, %add3A_129 : i32
      %mul3A_131 = arith.constant 64 : i32
      %mul3A_132 = arith.muli %add3A_130, %mul3A_131 : i32
      "tpu.region"() ({
        %run_scoped3A_165 = tpu.sem_alloc : memref<!tpu.dma_semaphore, #tpu.memory_space<semaphore_mem>>
        %dma_start3A_166 = tpu.memref_slice %arg7[%mul3A_132] : memref<10000xi32, #tpu.memory_space<vmem>> -> memref<64xi32, #tpu.memory_space<vmem>>
        %dma_start3A_167 = arith.constant 0 : i32
        %dma_start3A_168 = arith.constant 0 : i32
        %dma_start3A_169 = tpu.memref_slice %arg5[%dma_start3A_167, %dma_start3A_168] : memref<10240x128xf32, #tpu.memory_space<vmem_shared>> -> memref<10240x128xf32, #tpu.memory_space<vmem_shared>>
        tpu.enqueue_indirect_dma source(%arg9 : memref<64x128xf32, #tpu.memory_space<vmem>>) target(%dma_start3A_169 : memref<10240x128xf32, #tpu.memory_space<vmem_shared>>) offsets(%dma_start3A_166 : memref<64xi32, #tpu.memory_space<vmem>>) semaphore(%run_scoped3A_165 : memref<!tpu.dma_semaphore, #tpu.memory_space<semaphore_mem>>) {add = true}
        %dma_wait3A_170 = tpu.memref_slice %arg7[%mul3A_132] : memref<10000xi32, #tpu.memory_space<vmem>> -> memref<64xi32, #tpu.memory_space<vmem>>
        %dma_wait3A_171 = arith.constant 0 : i32
        %dma_wait3A_172 = arith.constant 0 : i32
        %dma_wait3A_173 = tpu.memref_slice %arg5[%dma_wait3A_171, %dma_wait3A_172] : memref<10240x128xf32, #tpu.memory_space<vmem_shared>> -> memref<10240x128xf32, #tpu.memory_space<vmem_shared>>
        tpu.wait_indirect_dma semaphore(%run_scoped3A_165 : memref<!tpu.dma_semaphore, #tpu.memory_space<semaphore_mem>>) src(%arg9 : memref<64x128xf32, #tpu.memory_space<vmem>>) dst(%dma_wait3A_173 : memref<10240x128xf32, #tpu.memory_space<vmem_shared>>)
        tpu.yield
      }) : () -> ()
      %add3A_133 = arith.constant 1 : i32
      %add3A_134 = arith.addi %mul3A_98, %add3A_133 : i32
      %add3A_135 = arith.constant 3 : i32
      %add3A_136 = arith.addi %add3A_134, %add3A_135 : i32
      %mul3A_137 = arith.constant 64 : i32
      %mul3A_138 = arith.muli %add3A_136, %mul3A_137 : i32
      %dma_start3A_139 = tpu.memref_slice %arg6[%mul3A_138] : memref<10000xi32, #tpu.memory_space<vmem>> -> memref<64xi32, #tpu.memory_space<vmem>>
      %dma_start3A_140 = arith.constant 0 : i32
      %dma_start3A_141 = arith.constant 0 : i32
      %dma_start3A_142 = tpu.memref_slice %arg2[%dma_start3A_140, %dma_start3A_141] : memref<10000x128xf32, #tpu.memory_space<hbm>> -> memref<10000x128xf32, #tpu.memory_space<hbm>>
      tpu.enqueue_indirect_dma source(%dma_start3A_142 : memref<10000x128xf32, #tpu.memory_space<hbm>>) target(%arg9 : memref<64x128xf32, #tpu.memory_space<vmem>>) offsets(%dma_start3A_139 : memref<64xi32, #tpu.memory_space<vmem>>) semaphore(%arg13 : memref<!tpu.dma_semaphore, #tpu.memory_space<semaphore_mem>>)
      %add3A_143 = arith.constant 2 : i32
      %add3A_144 = arith.addi %mul3A_98, %add3A_143 : i32
      %mul3A_145 = arith.constant 64 : i32
      %mul3A_146 = arith.muli %add3A_144, %mul3A_145 : i32
      %dma_wait3A_147 = tpu.memref_slice %arg6[%mul3A_146] : memref<10000xi32, #tpu.memory_space<vmem>> -> memref<64xi32, #tpu.memory_space<vmem>>
      %dma_wait3A_148 = arith.constant 0 : i32
      %dma_wait3A_149 = arith.constant 0 : i32
      %dma_wait3A_150 = tpu.memref_slice %arg2[%dma_wait3A_148, %dma_wait3A_149] : memref<10000x128xf32, #tpu.memory_space<hbm>> -> memref<10000x128xf32, #tpu.memory_space<hbm>>
      tpu.wait_indirect_dma semaphore(%arg14 : memref<!tpu.dma_semaphore, #tpu.memory_space<semaphore_mem>>) src(%dma_wait3A_150 : memref<10000x128xf32, #tpu.memory_space<hbm>>) dst(%arg10 : memref<64x128xf32, #tpu.memory_space<vmem>>)
      %add3A_151 = arith.constant 2 : i32
      %add3A_152 = arith.addi %mul3A_98, %add3A_151 : i32
      %mul3A_153 = arith.constant 64 : i32
      %mul3A_154 = arith.muli %add3A_152, %mul3A_153 : i32
      "tpu.region"() ({
        %run_scoped3A_165 = tpu.sem_alloc : memref<!tpu.dma_semaphore, #tpu.memory_space<semaphore_mem>>
        %dma_start3A_166 = tpu.memref_slice %arg7[%mul3A_154] : memref<10000xi32, #tpu.memory_space<vmem>> -> memref<64xi32, #tpu.memory_space<vmem>>
        %dma_start3A_167 = arith.constant 0 : i32
        %dma_start3A_168 = arith.constant 0 : i32
        %dma_start3A_169 = tpu.memref_slice %arg5[%dma_start3A_167, %dma_start3A_168] : memref<10240x128xf32, #tpu.memory_space<vmem_shared>> -> memref<10240x128xf32, #tpu.memory_space<vmem_shared>>
        tpu.enqueue_indirect_dma source(%arg10 : memref<64x128xf32, #tpu.memory_space<vmem>>) target(%dma_start3A_169 : memref<10240x128xf32, #tpu.memory_space<vmem_shared>>) offsets(%dma_start3A_166 : memref<64xi32, #tpu.memory_space<vmem>>) semaphore(%run_scoped3A_165 : memref<!tpu.dma_semaphore, #tpu.memory_space<semaphore_mem>>) {add = true}
        %dma_wait3A_170 = tpu.memref_slice %arg7[%mul3A_154] : memref<10000xi32, #tpu.memory_space<vmem>> -> memref<64xi32, #tpu.memory_space<vmem>>
        %dma_wait3A_171 = arith.constant 0 : i32
        %dma_wait3A_172 = arith.constant 0 : i32
        %dma_wait3A_173 = tpu.memref_slice %arg5[%dma_wait3A_171, %dma_wait3A_172] : memref<10240x128xf32, #tpu.memory_space<vmem_shared>> -> memref<10240x128xf32, #tpu.memory_space<vmem_shared>>
        tpu.wait_indirect_dma semaphore(%run_scoped3A_165 : memref<!tpu.dma_semaphore, #tpu.memory_space<semaphore_mem>>) src(%arg10 : memref<64x128xf32, #tpu.memory_space<vmem>>) dst(%dma_wait3A_173 : memref<10240x128xf32, #tpu.memory_space<vmem_shared>>)
        tpu.yield
      }) : () -> ()
      %add3A_155 = arith.constant 2 : i32
      %add3A_156 = arith.addi %mul3A_98, %add3A_155 : i32
      %add3A_157 = arith.constant 3 : i32
      %add3A_158 = arith.addi %add3A_156, %add3A_157 : i32
      %mul3A_159 = arith.constant 64 : i32
      %mul3A_160 = arith.muli %add3A_158, %mul3A_159 : i32
      %dma_start3A_161 = tpu.memref_slice %arg6[%mul3A_160] : memref<10000xi32, #tpu.memory_space<vmem>> -> memref<64xi32, #tpu.memory_space<vmem>>
      %dma_start3A_162 = arith.constant 0 : i32
      %dma_start3A_163 = arith.constant 0 : i32
      %dma_start3A_164 = tpu.memref_slice %arg2[%dma_start3A_162, %dma_start3A_163] : memref<10000x128xf32, #tpu.memory_space<hbm>> -> memref<10000x128xf32, #tpu.memory_space<hbm>>
      tpu.enqueue_indirect_dma source(%dma_start3A_164 : memref<10000x128xf32, #tpu.memory_space<hbm>>) target(%arg10 : memref<64x128xf32, #tpu.memory_space<vmem>>) offsets(%dma_start3A_161 : memref<64xi32, #tpu.memory_space<vmem>>) semaphore(%arg14 : memref<!tpu.dma_semaphore, #tpu.memory_space<semaphore_mem>>)
    }
    %scan3A_66 = arith.constant 51 : i32
    %dma_wait3A = arith.constant 9792 : i32
    %dma_wait3A_67 = tpu.memref_slice %arg6[%dma_wait3A] : memref<10000xi32, #tpu.memory_space<vmem>> -> memref<64xi32, #tpu.memory_space<vmem>>
    %dma_wait3A_68 = arith.constant 0 : i32
    %dma_wait3A_69 = arith.constant 0 : i32
    %dma_wait3A_70 = tpu.memref_slice %arg2[%dma_wait3A_68, %dma_wait3A_69] : memref<10000x128xf32, #tpu.memory_space<hbm>> -> memref<10000x128xf32, #tpu.memory_space<hbm>>
    tpu.wait_indirect_dma semaphore(%arg12 : memref<!tpu.dma_semaphore, #tpu.memory_space<semaphore_mem>>) src(%dma_wait3A_70 : memref<10000x128xf32, #tpu.memory_space<hbm>>) dst(%arg8 : memref<64x128xf32, #tpu.memory_space<vmem>>)
    "tpu.region"() ({
      %run_scoped3A_96 = tpu.sem_alloc : memref<!tpu.dma_semaphore, #tpu.memory_space<semaphore_mem>>
      %dma_start3A_97 = arith.constant 9792 : i32
      %dma_start3A_98 = tpu.memref_slice %arg7[%dma_start3A_97] : memref<10000xi32, #tpu.memory_space<vmem>> -> memref<64xi32, #tpu.memory_space<vmem>>
      %dma_start3A_99 = arith.constant 0 : i32
      %dma_start3A_100 = arith.constant 0 : i32
      %dma_start3A_101 = tpu.memref_slice %arg5[%dma_start3A_99, %dma_start3A_100] : memref<10240x128xf32, #tpu.memory_space<vmem_shared>> -> memref<10240x128xf32, #tpu.memory_space<vmem_shared>>
      tpu.enqueue_indirect_dma source(%arg8 : memref<64x128xf32, #tpu.memory_space<vmem>>) target(%dma_start3A_101 : memref<10240x128xf32, #tpu.memory_space<vmem_shared>>) offsets(%dma_start3A_98 : memref<64xi32, #tpu.memory_space<vmem>>) semaphore(%run_scoped3A_96 : memref<!tpu.dma_semaphore, #tpu.memory_space<semaphore_mem>>) {add = true}
      %dma_wait3A_102 = arith.constant 9792 : i32
      %dma_wait3A_103 = tpu.memref_slice %arg7[%dma_wait3A_102] : memref<10000xi32, #tpu.memory_space<vmem>> -> memref<64xi32, #tpu.memory_space<vmem>>
      %dma_wait3A_104 = arith.constant 0 : i32
      %dma_wait3A_105 = arith.constant 0 : i32
      %dma_wait3A_106 = tpu.memref_slice %arg5[%dma_wait3A_104, %dma_wait3A_105] : memref<10240x128xf32, #tpu.memory_space<vmem_shared>> -> memref<10240x128xf32, #tpu.memory_space<vmem_shared>>
      tpu.wait_indirect_dma semaphore(%run_scoped3A_96 : memref<!tpu.dma_semaphore, #tpu.memory_space<semaphore_mem>>) src(%arg8 : memref<64x128xf32, #tpu.memory_space<vmem>>) dst(%dma_wait3A_106 : memref<10240x128xf32, #tpu.memory_space<vmem_shared>>)
      tpu.yield
    }) : () -> ()
    %dma_wait3A_71 = arith.constant 9856 : i32
    %dma_wait3A_72 = tpu.memref_slice %arg6[%dma_wait3A_71] : memref<10000xi32, #tpu.memory_space<vmem>> -> memref<64xi32, #tpu.memory_space<vmem>>
    %dma_wait3A_73 = arith.constant 0 : i32
    %dma_wait3A_74 = arith.constant 0 : i32
    %dma_wait3A_75 = tpu.memref_slice %arg2[%dma_wait3A_73, %dma_wait3A_74] : memref<10000x128xf32, #tpu.memory_space<hbm>> -> memref<10000x128xf32, #tpu.memory_space<hbm>>
    tpu.wait_indirect_dma semaphore(%arg13 : memref<!tpu.dma_semaphore, #tpu.memory_space<semaphore_mem>>) src(%dma_wait3A_75 : memref<10000x128xf32, #tpu.memory_space<hbm>>) dst(%arg9 : memref<64x128xf32, #tpu.memory_space<vmem>>)
    "tpu.region"() ({
      %run_scoped3A_96 = tpu.sem_alloc : memref<!tpu.dma_semaphore, #tpu.memory_space<semaphore_mem>>
      %dma_start3A_97 = arith.constant 9856 : i32
      %dma_start3A_98 = tpu.memref_slice %arg7[%dma_start3A_97] : memref<10000xi32, #tpu.memory_space<vmem>> -> memref<64xi32, #tpu.memory_space<vmem>>
      %dma_start3A_99 = arith.constant 0 : i32
      %dma_start3A_100 = arith.constant 0 : i32
      %dma_start3A_101 = tpu.memref_slice %arg5[%dma_start3A_99, %dma_start3A_100] : memref<10240x128xf32, #tpu.memory_space<vmem_shared>> -> memref<10240x128xf32, #tpu.memory_space<vmem_shared>>
      tpu.enqueue_indirect_dma source(%arg9 : memref<64x128xf32, #tpu.memory_space<vmem>>) target(%dma_start3A_101 : memref<10240x128xf32, #tpu.memory_space<vmem_shared>>) offsets(%dma_start3A_98 : memref<64xi32, #tpu.memory_space<vmem>>) semaphore(%run_scoped3A_96 : memref<!tpu.dma_semaphore, #tpu.memory_space<semaphore_mem>>) {add = true}
      %dma_wait3A_102 = arith.constant 9856 : i32
      %dma_wait3A_103 = tpu.memref_slice %arg7[%dma_wait3A_102] : memref<10000xi32, #tpu.memory_space<vmem>> -> memref<64xi32, #tpu.memory_space<vmem>>
      %dma_wait3A_104 = arith.constant 0 : i32
      %dma_wait3A_105 = arith.constant 0 : i32
      %dma_wait3A_106 = tpu.memref_slice %arg5[%dma_wait3A_104, %dma_wait3A_105] : memref<10240x128xf32, #tpu.memory_space<vmem_shared>> -> memref<10240x128xf32, #tpu.memory_space<vmem_shared>>
      tpu.wait_indirect_dma semaphore(%run_scoped3A_96 : memref<!tpu.dma_semaphore, #tpu.memory_space<semaphore_mem>>) src(%arg9 : memref<64x128xf32, #tpu.memory_space<vmem>>) dst(%dma_wait3A_106 : memref<10240x128xf32, #tpu.memory_space<vmem_shared>>)
      tpu.yield
    }) : () -> ()
    %dma_wait3A_76 = arith.constant 9920 : i32
    %dma_wait3A_77 = tpu.memref_slice %arg6[%dma_wait3A_76] : memref<10000xi32, #tpu.memory_space<vmem>> -> memref<64xi32, #tpu.memory_space<vmem>>
    %dma_wait3A_78 = arith.constant 0 : i32
    %dma_wait3A_79 = arith.constant 0 : i32
    %dma_wait3A_80 = tpu.memref_slice %arg2[%dma_wait3A_78, %dma_wait3A_79] : memref<10000x128xf32, #tpu.memory_space<hbm>> -> memref<10000x128xf32, #tpu.memory_space<hbm>>
    tpu.wait_indirect_dma semaphore(%arg14 : memref<!tpu.dma_semaphore, #tpu.memory_space<semaphore_mem>>) src(%dma_wait3A_80 : memref<10000x128xf32, #tpu.memory_space<hbm>>) dst(%arg10 : memref<64x128xf32, #tpu.memory_space<vmem>>)
    "tpu.region"() ({
      %run_scoped3A_96 = tpu.sem_alloc : memref<!tpu.dma_semaphore, #tpu.memory_space<semaphore_mem>>
      %dma_start3A_97 = arith.constant 9920 : i32
      %dma_start3A_98 = tpu.memref_slice %arg7[%dma_start3A_97] : memref<10000xi32, #tpu.memory_space<vmem>> -> memref<64xi32, #tpu.memory_space<vmem>>
      %dma_start3A_99 = arith.constant 0 : i32
      %dma_start3A_100 = arith.constant 0 : i32
      %dma_start3A_101 = tpu.memref_slice %arg5[%dma_start3A_99, %dma_start3A_100] : memref<10240x128xf32, #tpu.memory_space<vmem_shared>> -> memref<10240x128xf32, #tpu.memory_space<vmem_shared>>
      tpu.enqueue_indirect_dma source(%arg10 : memref<64x128xf32, #tpu.memory_space<vmem>>) target(%dma_start3A_101 : memref<10240x128xf32, #tpu.memory_space<vmem_shared>>) offsets(%dma_start3A_98 : memref<64xi32, #tpu.memory_space<vmem>>) semaphore(%run_scoped3A_96 : memref<!tpu.dma_semaphore, #tpu.memory_space<semaphore_mem>>) {add = true}
      %dma_wait3A_102 = arith.constant 9920 : i32
      %dma_wait3A_103 = tpu.memref_slice %arg7[%dma_wait3A_102] : memref<10000xi32, #tpu.memory_space<vmem>> -> memref<64xi32, #tpu.memory_space<vmem>>
      %dma_wait3A_104 = arith.constant 0 : i32
      %dma_wait3A_105 = arith.constant 0 : i32
      %dma_wait3A_106 = tpu.memref_slice %arg5[%dma_wait3A_104, %dma_wait3A_105] : memref<10240x128xf32, #tpu.memory_space<vmem_shared>> -> memref<10240x128xf32, #tpu.memory_space<vmem_shared>>
      tpu.wait_indirect_dma semaphore(%run_scoped3A_96 : memref<!tpu.dma_semaphore, #tpu.memory_space<semaphore_mem>>) src(%arg10 : memref<64x128xf32, #tpu.memory_space<vmem>>) dst(%dma_wait3A_106 : memref<10240x128xf32, #tpu.memory_space<vmem_shared>>)
      tpu.yield
    }) : () -> ()
    %dma_start3A_81 = arith.constant 9984 : i32
    %dma_start3A_82 = tpu.memref_slice %arg6[%dma_start3A_81] : memref<10000xi32, #tpu.memory_space<vmem>> -> memref<16xi32, #tpu.memory_space<vmem>>
    %dma_start3A_83 = arith.constant 0 : i32
    %dma_start3A_84 = arith.constant 0 : i32
    %dma_start3A_85 = tpu.memref_slice %arg2[%dma_start3A_83, %dma_start3A_84] : memref<10000x128xf32, #tpu.memory_space<hbm>> -> memref<10000x128xf32, #tpu.memory_space<hbm>>
    tpu.enqueue_indirect_dma source(%dma_start3A_85 : memref<10000x128xf32, #tpu.memory_space<hbm>>) target(%arg11 : memref<16x128xf32, #tpu.memory_space<vmem>>) offsets(%dma_start3A_82 : memref<16xi32, #tpu.memory_space<vmem>>) semaphore(%arg12 : memref<!tpu.dma_semaphore, #tpu.memory_space<semaphore_mem>>)
    %dma_wait3A_86 = arith.constant 9984 : i32
    %dma_wait3A_87 = tpu.memref_slice %arg6[%dma_wait3A_86] : memref<10000xi32, #tpu.memory_space<vmem>> -> memref<16xi32, #tpu.memory_space<vmem>>
    %dma_wait3A_88 = arith.constant 0 : i32
    %dma_wait3A_89 = arith.constant 0 : i32
    %dma_wait3A_90 = tpu.memref_slice %arg2[%dma_wait3A_88, %dma_wait3A_89] : memref<10000x128xf32, #tpu.memory_space<hbm>> -> memref<10000x128xf32, #tpu.memory_space<hbm>>
    tpu.wait_indirect_dma semaphore(%arg12 : memref<!tpu.dma_semaphore, #tpu.memory_space<semaphore_mem>>) src(%dma_wait3A_90 : memref<10000x128xf32, #tpu.memory_space<hbm>>) dst(%arg11 : memref<16x128xf32, #tpu.memory_space<vmem>>)
    "tpu.region"() ({
      %run_scoped3A_96 = tpu.sem_alloc : memref<!tpu.dma_semaphore, #tpu.memory_space<semaphore_mem>>
      %dma_start3A_97 = arith.constant 9984 : i32
      %dma_start3A_98 = tpu.memref_slice %arg7[%dma_start3A_97] : memref<10000xi32, #tpu.memory_space<vmem>> -> memref<16xi32, #tpu.memory_space<vmem>>
      %dma_start3A_99 = arith.constant 0 : i32
      %dma_start3A_100 = arith.constant 0 : i32
      %dma_start3A_101 = tpu.memref_slice %arg5[%dma_start3A_99, %dma_start3A_100] : memref<10240x128xf32, #tpu.memory_space<vmem_shared>> -> memref<10240x128xf32, #tpu.memory_space<vmem_shared>>
      tpu.enqueue_indirect_dma source(%arg11 : memref<16x128xf32, #tpu.memory_space<vmem>>) target(%dma_start3A_101 : memref<10240x128xf32, #tpu.memory_space<vmem_shared>>) offsets(%dma_start3A_98 : memref<16xi32, #tpu.memory_space<vmem>>) semaphore(%run_scoped3A_96 : memref<!tpu.dma_semaphore, #tpu.memory_space<semaphore_mem>>) {add = true}
      %dma_wait3A_102 = arith.constant 9984 : i32
      %dma_wait3A_103 = tpu.memref_slice %arg7[%dma_wait3A_102] : memref<10000xi32, #tpu.memory_space<vmem>> -> memref<16xi32, #tpu.memory_space<vmem>>
      %dma_wait3A_104 = arith.constant 0 : i32
      %dma_wait3A_105 = arith.constant 0 : i32
      %dma_wait3A_106 = tpu.memref_slice %arg5[%dma_wait3A_104, %dma_wait3A_105] : memref<10240x128xf32, #tpu.memory_space<vmem_shared>> -> memref<10240x128xf32, #tpu.memory_space<vmem_shared>>
      tpu.wait_indirect_dma semaphore(%run_scoped3A_96 : memref<!tpu.dma_semaphore, #tpu.memory_space<semaphore_mem>>) src(%arg11 : memref<16x128xf32, #tpu.memory_space<vmem>>) dst(%dma_wait3A_106 : memref<10240x128xf32, #tpu.memory_space<vmem_shared>>)
      tpu.yield
    }) : () -> ()
    %barrier3A_91 = arith.constant 0 : index
    tpu.barrier barrier_id(%barrier3A_91)
    %mul3A_92 = arith.constant 640 : i32
    %mul3A_93 = arith.muli %arg1, %mul3A_92 : i32
    %mul3A_94 = arith.constant 640 : i32
    %mul3A_95 = arith.muli %arg1, %mul3A_94 : i32
    "tpu.region"() ({
      %run_scoped3A_96 = tpu.sem_alloc : memref<!tpu.dma_semaphore, #tpu.memory_space<semaphore_mem>>
      %dma_start3A_97 = arith.constant 0 : i32
      %dma_start3A_98 = tpu.memref_slice %arg4[%arg0, %mul3A_95, %dma_start3A_97] : memref<2x10240x128xf32, #tpu.memory_space<hbm>> -> memref<1x640x128xf32, #tpu.memory_space<hbm>>
      %dma_start3A_99 = tpu.memref_squeeze %dma_start3A_98 : memref<1x640x128xf32, #tpu.memory_space<hbm>> -> memref<640x128xf32, #tpu.memory_space<hbm>>
      %dma_start3A_100 = arith.constant 0 : i32
      %dma_start3A_101 = tpu.memref_slice %arg5[%mul3A_93, %dma_start3A_100] : memref<10240x128xf32, #tpu.memory_space<vmem_shared>> -> memref<640x128xf32, #tpu.memory_space<vmem_shared>>
      tpu.enqueue_dma source(%dma_start3A_101 : memref<640x128xf32, #tpu.memory_space<vmem_shared>>) target(%dma_start3A_99 : memref<640x128xf32, #tpu.memory_space<hbm>>) target_semaphore(%run_scoped3A_96 : memref<!tpu.dma_semaphore, #tpu.memory_space<semaphore_mem>>)
      %dma_wait3A_102 = arith.constant 0 : i32
      %dma_wait3A_103 = tpu.memref_slice %arg4[%arg0, %mul3A_95, %dma_wait3A_102] : memref<2x10240x128xf32, #tpu.memory_space<hbm>> -> memref<1x640x128xf32, #tpu.memory_space<hbm>>
      %dma_wait3A_104 = tpu.memref_squeeze %dma_wait3A_103 : memref<1x640x128xf32, #tpu.memory_space<hbm>> -> memref<640x128xf32, #tpu.memory_space<hbm>>
      %dma_wait3A_105 = arith.constant 0 : i32
      %dma_wait3A_106 = tpu.memref_slice %arg5[%mul3A_93, %dma_wait3A_105] : memref<10240x128xf32, #tpu.memory_space<vmem_shared>> -> memref<640x128xf32, #tpu.memory_space<vmem_shared>>
      tpu.wait_dma2 semaphore(%run_scoped3A_96 : memref<!tpu.dma_semaphore, #tpu.memory_space<semaphore_mem>>) src(%dma_wait3A_106 : memref<640x128xf32, #tpu.memory_space<vmem_shared>>) dst(%dma_wait3A_104 : memref<640x128xf32, #tpu.memory_space<hbm>>)
      tpu.yield
    }) : () -> ()
    return
  }
}

#map = affine_map<(d0, d1) -> (0, 0, 0)>
#map1 = affine_map<(d0, d1) -> (0, 0)>
module attributes {stable_mosaic.version = 14 : i64} {
  func.func @sc_degree(%arg0: i32, %arg1: i32, %arg2: memref<2x32x10000xi32, #tpu.memory_space<hbm>>, %arg3: memref<2x10240xf32, #tpu.memory_space<hbm>>, %arg4: memref<10240xf32, #tpu.memory_space<vmem_shared>>, %arg5: memref<10000xi32, #tpu.memory_space<vmem>>, %arg6: memref<128xf32, #tpu.memory_space<vmem>>, %arg7: memref<16xf32, #tpu.memory_space<vmem>>, %arg8: memref<640xf32, #tpu.memory_space<vmem>>) attributes {dimension_semantics = [#tpu.dimension_semantics<core_parallel>, #tpu.dimension_semantics<subcore_parallel>], iteration_bounds = array<i64: 2, 16>, scalar_prefetch = 0 : i64, scratch_operands = 5 : i64, tpu.core_type = #tpu.core_type<sc_vector_subcore>, window_params = [{transform_indices = #map}, {transform_indices = #map1}]} {
    %mul3A = arith.constant 16 : i32
    %mul3A_0 = arith.muli %arg0, %mul3A : i32
    %add3A = arith.addi %mul3A_0, %arg1 : i32
    %broadcast_in_dim3A = arith.constant 0.000000e+00 : f32
    %broadcast_in_dim3A_1 = vector.broadcast %broadcast_in_dim3A : f32 to vector<16xf32>
    %swap3A = arith.constant 0 : index
    %swap3A_2 = tpu.vector_load %arg8[%swap3A] {strides = array<i32>} : memref<640xf32, #tpu.memory_space<vmem>>, vector<16xf32>,
    %swap3A_3 = vector.shape_cast %swap3A_2 : vector<16xf32> to vector<16xf32>
    %swap3A_4 = vector.shape_cast %broadcast_in_dim3A_1 : vector<16xf32> to vector<16xf32>
    tpu.vector_store %arg8[%swap3A], %swap3A_4 {strides = array<i32>} : memref<640xf32, #tpu.memory_space<vmem>>, vector<16xf32>,
    %broadcast_in_dim3A_5 = arith.constant 0.000000e+00 : f32
    %broadcast_in_dim3A_6 = vector.broadcast %broadcast_in_dim3A_5 : f32 to vector<16xf32>
    %swap3A_7 = arith.constant 16 : index
    %swap3A_8 = tpu.vector_load %arg8[%swap3A_7] {strides = array<i32>} : memref<640xf32, #tpu.memory_space<vmem>>, vector<16xf32>,
    %swap3A_9 = vector.shape_cast %swap3A_8 : vector<16xf32> to vector<16xf32>
    %swap3A_10 = vector.shape_cast %broadcast_in_dim3A_6 : vector<16xf32> to vector<16xf32>
    tpu.vector_store %arg8[%swap3A_7], %swap3A_10 {strides = array<i32>} : memref<640xf32, #tpu.memory_space<vmem>>, vector<16xf32>,
    %broadcast_in_dim3A_11 = arith.constant 0.000000e+00 : f32
    %broadcast_in_dim3A_12 = vector.broadcast %broadcast_in_dim3A_11 : f32 to vector<16xf32>
    %swap3A_13 = arith.constant 32 : index
    %swap3A_14 = tpu.vector_load %arg8[%swap3A_13] {strides = array<i32>} : memref<640xf32, #tpu.memory_space<vmem>>, vector<16xf32>,
    %swap3A_15 = vector.shape_cast %swap3A_14 : vector<16xf32> to vector<16xf32>
    %swap3A_16 = vector.shape_cast %broadcast_in_dim3A_12 : vector<16xf32> to vector<16xf32>
    tpu.vector_store %arg8[%swap3A_13], %swap3A_16 {strides = array<i32>} : memref<640xf32, #tpu.memory_space<vmem>>, vector<16xf32>,
    %broadcast_in_dim3A_17 = arith.constant 0.000000e+00 : f32
    %broadcast_in_dim3A_18 = vector.broadcast %broadcast_in_dim3A_17 : f32 to vector<16xf32>
    %swap3A_19 = arith.constant 48 : index
    %swap3A_20 = tpu.vector_load %arg8[%swap3A_19] {strides = array<i32>} : memref<640xf32, #tpu.memory_space<vmem>>, vector<16xf32>,
    %swap3A_21 = vector.shape_cast %swap3A_20 : vector<16xf32> to vector<16xf32>
    %swap3A_22 = vector.shape_cast %broadcast_in_dim3A_18 : vector<16xf32> to vector<16xf32>
    tpu.vector_store %arg8[%swap3A_19], %swap3A_22 {strides = array<i32>} : memref<640xf32, #tpu.memory_space<vmem>>, vector<16xf32>,
    %broadcast_in_dim3A_23 = arith.constant 0.000000e+00 : f32
    %broadcast_in_dim3A_24 = vector.broadcast %broadcast_in_dim3A_23 : f32 to vector<16xf32>
    %swap3A_25 = arith.constant 64 : index
    %swap3A_26 = tpu.vector_load %arg8[%swap3A_25] {strides = array<i32>} : memref<640xf32, #tpu.memory_space<vmem>>, vector<16xf32>,
    %swap3A_27 = vector.shape_cast %swap3A_26 : vector<16xf32> to vector<16xf32>
    %swap3A_28 = vector.shape_cast %broadcast_in_dim3A_24 : vector<16xf32> to vector<16xf32>
    tpu.vector_store %arg8[%swap3A_25], %swap3A_28 {strides = array<i32>} : memref<640xf32, #tpu.memory_space<vmem>>, vector<16xf32>,
    %broadcast_in_dim3A_29 = arith.constant 0.000000e+00 : f32
    %broadcast_in_dim3A_30 = vector.broadcast %broadcast_in_dim3A_29 : f32 to vector<16xf32>
    %swap3A_31 = arith.constant 80 : index
    %swap3A_32 = tpu.vector_load %arg8[%swap3A_31] {strides = array<i32>} : memref<640xf32, #tpu.memory_space<vmem>>, vector<16xf32>,
    %swap3A_33 = vector.shape_cast %swap3A_32 : vector<16xf32> to vector<16xf32>
    %swap3A_34 = vector.shape_cast %broadcast_in_dim3A_30 : vector<16xf32> to vector<16xf32>
    tpu.vector_store %arg8[%swap3A_31], %swap3A_34 {strides = array<i32>} : memref<640xf32, #tpu.memory_space<vmem>>, vector<16xf32>,
    %broadcast_in_dim3A_35 = arith.constant 0.000000e+00 : f32
    %broadcast_in_dim3A_36 = vector.broadcast %broadcast_in_dim3A_35 : f32 to vector<16xf32>
    %swap3A_37 = arith.constant 96 : index
    %swap3A_38 = tpu.vector_load %arg8[%swap3A_37] {strides = array<i32>} : memref<640xf32, #tpu.memory_space<vmem>>, vector<16xf32>,
    %swap3A_39 = vector.shape_cast %swap3A_38 : vector<16xf32> to vector<16xf32>
    %swap3A_40 = vector.shape_cast %broadcast_in_dim3A_36 : vector<16xf32> to vector<16xf32>
    tpu.vector_store %arg8[%swap3A_37], %swap3A_40 {strides = array<i32>} : memref<640xf32, #tpu.memory_space<vmem>>, vector<16xf32>,
    %broadcast_in_dim3A_41 = arith.constant 0.000000e+00 : f32
    %broadcast_in_dim3A_42 = vector.broadcast %broadcast_in_dim3A_41 : f32 to vector<16xf32>
    %swap3A_43 = arith.constant 112 : index
    %swap3A_44 = tpu.vector_load %arg8[%swap3A_43] {strides = array<i32>} : memref<640xf32, #tpu.memory_space<vmem>>, vector<16xf32>,
    %swap3A_45 = vector.shape_cast %swap3A_44 : vector<16xf32> to vector<16xf32>
    %swap3A_46 = vector.shape_cast %broadcast_in_dim3A_42 : vector<16xf32> to vector<16xf32>
    tpu.vector_store %arg8[%swap3A_43], %swap3A_46 {strides = array<i32>} : memref<640xf32, #tpu.memory_space<vmem>>, vector<16xf32>,
    %broadcast_in_dim3A_47 = arith.constant 0.000000e+00 : f32
    %broadcast_in_dim3A_48 = vector.broadcast %broadcast_in_dim3A_47 : f32 to vector<16xf32>
    %swap3A_49 = arith.constant 128 : index
    %swap3A_50 = tpu.vector_load %arg8[%swap3A_49] {strides = array<i32>} : memref<640xf32, #tpu.memory_space<vmem>>, vector<16xf32>,
    %swap3A_51 = vector.shape_cast %swap3A_50 : vector<16xf32> to vector<16xf32>
    %swap3A_52 = vector.shape_cast %broadcast_in_dim3A_48 : vector<16xf32> to vector<16xf32>
    tpu.vector_store %arg8[%swap3A_49], %swap3A_52 {strides = array<i32>} : memref<640xf32, #tpu.memory_space<vmem>>, vector<16xf32>,
    %broadcast_in_dim3A_53 = arith.constant 0.000000e+00 : f32
    %broadcast_in_dim3A_54 = vector.broadcast %broadcast_in_dim3A_53 : f32 to vector<16xf32>
    %swap3A_55 = arith.constant 144 : index
    %swap3A_56 = tpu.vector_load %arg8[%swap3A_55] {strides = array<i32>} : memref<640xf32, #tpu.memory_space<vmem>>, vector<16xf32>,
    %swap3A_57 = vector.shape_cast %swap3A_56 : vector<16xf32> to vector<16xf32>
    %swap3A_58 = vector.shape_cast %broadcast_in_dim3A_54 : vector<16xf32> to vector<16xf32>
    tpu.vector_store %arg8[%swap3A_55], %swap3A_58 {strides = array<i32>} : memref<640xf32, #tpu.memory_space<vmem>>, vector<16xf32>,
    %broadcast_in_dim3A_59 = arith.constant 0.000000e+00 : f32
    %broadcast_in_dim3A_60 = vector.broadcast %broadcast_in_dim3A_59 : f32 to vector<16xf32>
    %swap3A_61 = arith.constant 160 : index
    %swap3A_62 = tpu.vector_load %arg8[%swap3A_61] {strides = array<i32>} : memref<640xf32, #tpu.memory_space<vmem>>, vector<16xf32>,
    %swap3A_63 = vector.shape_cast %swap3A_62 : vector<16xf32> to vector<16xf32>
    %swap3A_64 = vector.shape_cast %broadcast_in_dim3A_60 : vector<16xf32> to vector<16xf32>
    tpu.vector_store %arg8[%swap3A_61], %swap3A_64 {strides = array<i32>} : memref<640xf32, #tpu.memory_space<vmem>>, vector<16xf32>,
    %broadcast_in_dim3A_65 = arith.constant 0.000000e+00 : f32
    %broadcast_in_dim3A_66 = vector.broadcast %broadcast_in_dim3A_65 : f32 to vector<16xf32>
    %swap3A_67 = arith.constant 176 : index
    %swap3A_68 = tpu.vector_load %arg8[%swap3A_67] {strides = array<i32>} : memref<640xf32, #tpu.memory_space<vmem>>, vector<16xf32>,
    %swap3A_69 = vector.shape_cast %swap3A_68 : vector<16xf32> to vector<16xf32>
    %swap3A_70 = vector.shape_cast %broadcast_in_dim3A_66 : vector<16xf32> to vector<16xf32>
    tpu.vector_store %arg8[%swap3A_67], %swap3A_70 {strides = array<i32>} : memref<640xf32, #tpu.memory_space<vmem>>, vector<16xf32>,
    %broadcast_in_dim3A_71 = arith.constant 0.000000e+00 : f32
    %broadcast_in_dim3A_72 = vector.broadcast %broadcast_in_dim3A_71 : f32 to vector<16xf32>
    %swap3A_73 = arith.constant 192 : index
    %swap3A_74 = tpu.vector_load %arg8[%swap3A_73] {strides = array<i32>} : memref<640xf32, #tpu.memory_space<vmem>>, vector<16xf32>,
    %swap3A_75 = vector.shape_cast %swap3A_74 : vector<16xf32> to vector<16xf32>
    %swap3A_76 = vector.shape_cast %broadcast_in_dim3A_72 : vector<16xf32> to vector<16xf32>
    tpu.vector_store %arg8[%swap3A_73], %swap3A_76 {strides = array<i32>} : memref<640xf32, #tpu.memory_space<vmem>>, vector<16xf32>,
    %broadcast_in_dim3A_77 = arith.constant 0.000000e+00 : f32
    %broadcast_in_dim3A_78 = vector.broadcast %broadcast_in_dim3A_77 : f32 to vector<16xf32>
    %swap3A_79 = arith.constant 208 : index
    %swap3A_80 = tpu.vector_load %arg8[%swap3A_79] {strides = array<i32>} : memref<640xf32, #tpu.memory_space<vmem>>, vector<16xf32>,
    %swap3A_81 = vector.shape_cast %swap3A_80 : vector<16xf32> to vector<16xf32>
    %swap3A_82 = vector.shape_cast %broadcast_in_dim3A_78 : vector<16xf32> to vector<16xf32>
    tpu.vector_store %arg8[%swap3A_79], %swap3A_82 {strides = array<i32>} : memref<640xf32, #tpu.memory_space<vmem>>, vector<16xf32>,
    %broadcast_in_dim3A_83 = arith.constant 0.000000e+00 : f32
    %broadcast_in_dim3A_84 = vector.broadcast %broadcast_in_dim3A_83 : f32 to vector<16xf32>
    %swap3A_85 = arith.constant 224 : index
    %swap3A_86 = tpu.vector_load %arg8[%swap3A_85] {strides = array<i32>} : memref<640xf32, #tpu.memory_space<vmem>>, vector<16xf32>,
    %swap3A_87 = vector.shape_cast %swap3A_86 : vector<16xf32> to vector<16xf32>
    %swap3A_88 = vector.shape_cast %broadcast_in_dim3A_84 : vector<16xf32> to vector<16xf32>
    tpu.vector_store %arg8[%swap3A_85], %swap3A_88 {strides = array<i32>} : memref<640xf32, #tpu.memory_space<vmem>>, vector<16xf32>,
    %broadcast_in_dim3A_89 = arith.constant 0.000000e+00 : f32
    %broadcast_in_dim3A_90 = vector.broadcast %broadcast_in_dim3A_89 : f32 to vector<16xf32>
    %swap3A_91 = arith.constant 240 : index
    %swap3A_92 = tpu.vector_load %arg8[%swap3A_91] {strides = array<i32>} : memref<640xf32, #tpu.memory_space<vmem>>, vector<16xf32>,
    %swap3A_93 = vector.shape_cast %swap3A_92 : vector<16xf32> to vector<16xf32>
    %swap3A_94 = vector.shape_cast %broadcast_in_dim3A_90 : vector<16xf32> to vector<16xf32>
    tpu.vector_store %arg8[%swap3A_91], %swap3A_94 {strides = array<i32>} : memref<640xf32, #tpu.memory_space<vmem>>, vector<16xf32>,
    %broadcast_in_dim3A_95 = arith.constant 0.000000e+00 : f32
    %broadcast_in_dim3A_96 = vector.broadcast %broadcast_in_dim3A_95 : f32 to vector<16xf32>
    %swap3A_97 = arith.constant 256 : index
    %swap3A_98 = tpu.vector_load %arg8[%swap3A_97] {strides = array<i32>} : memref<640xf32, #tpu.memory_space<vmem>>, vector<16xf32>,
    %swap3A_99 = vector.shape_cast %swap3A_98 : vector<16xf32> to vector<16xf32>
    %swap3A_100 = vector.shape_cast %broadcast_in_dim3A_96 : vector<16xf32> to vector<16xf32>
    tpu.vector_store %arg8[%swap3A_97], %swap3A_100 {strides = array<i32>} : memref<640xf32, #tpu.memory_space<vmem>>, vector<16xf32>,
    %broadcast_in_dim3A_101 = arith.constant 0.000000e+00 : f32
    %broadcast_in_dim3A_102 = vector.broadcast %broadcast_in_dim3A_101 : f32 to vector<16xf32>
    %swap3A_103 = arith.constant 272 : index
    %swap3A_104 = tpu.vector_load %arg8[%swap3A_103] {strides = array<i32>} : memref<640xf32, #tpu.memory_space<vmem>>, vector<16xf32>,
    %swap3A_105 = vector.shape_cast %swap3A_104 : vector<16xf32> to vector<16xf32>
    %swap3A_106 = vector.shape_cast %broadcast_in_dim3A_102 : vector<16xf32> to vector<16xf32>
    tpu.vector_store %arg8[%swap3A_103], %swap3A_106 {strides = array<i32>} : memref<640xf32, #tpu.memory_space<vmem>>, vector<16xf32>,
    %broadcast_in_dim3A_107 = arith.constant 0.000000e+00 : f32
    %broadcast_in_dim3A_108 = vector.broadcast %broadcast_in_dim3A_107 : f32 to vector<16xf32>
    %swap3A_109 = arith.constant 288 : index
    %swap3A_110 = tpu.vector_load %arg8[%swap3A_109] {strides = array<i32>} : memref<640xf32, #tpu.memory_space<vmem>>, vector<16xf32>,
    %swap3A_111 = vector.shape_cast %swap3A_110 : vector<16xf32> to vector<16xf32>
    %swap3A_112 = vector.shape_cast %broadcast_in_dim3A_108 : vector<16xf32> to vector<16xf32>
    tpu.vector_store %arg8[%swap3A_109], %swap3A_112 {strides = array<i32>} : memref<640xf32, #tpu.memory_space<vmem>>, vector<16xf32>,
    %broadcast_in_dim3A_113 = arith.constant 0.000000e+00 : f32
    %broadcast_in_dim3A_114 = vector.broadcast %broadcast_in_dim3A_113 : f32 to vector<16xf32>
    %swap3A_115 = arith.constant 304 : index
    %swap3A_116 = tpu.vector_load %arg8[%swap3A_115] {strides = array<i32>} : memref<640xf32, #tpu.memory_space<vmem>>, vector<16xf32>,
    %swap3A_117 = vector.shape_cast %swap3A_116 : vector<16xf32> to vector<16xf32>
    %swap3A_118 = vector.shape_cast %broadcast_in_dim3A_114 : vector<16xf32> to vector<16xf32>
    tpu.vector_store %arg8[%swap3A_115], %swap3A_118 {strides = array<i32>} : memref<640xf32, #tpu.memory_space<vmem>>, vector<16xf32>,
    %broadcast_in_dim3A_119 = arith.constant 0.000000e+00 : f32
    %broadcast_in_dim3A_120 = vector.broadcast %broadcast_in_dim3A_119 : f32 to vector<16xf32>
    %swap3A_121 = arith.constant 320 : index
    %swap3A_122 = tpu.vector_load %arg8[%swap3A_121] {strides = array<i32>} : memref<640xf32, #tpu.memory_space<vmem>>, vector<16xf32>,
    %swap3A_123 = vector.shape_cast %swap3A_122 : vector<16xf32> to vector<16xf32>
    %swap3A_124 = vector.shape_cast %broadcast_in_dim3A_120 : vector<16xf32> to vector<16xf32>
    tpu.vector_store %arg8[%swap3A_121], %swap3A_124 {strides = array<i32>} : memref<640xf32, #tpu.memory_space<vmem>>, vector<16xf32>,
    %broadcast_in_dim3A_125 = arith.constant 0.000000e+00 : f32
    %broadcast_in_dim3A_126 = vector.broadcast %broadcast_in_dim3A_125 : f32 to vector<16xf32>
    %swap3A_127 = arith.constant 336 : index
    %swap3A_128 = tpu.vector_load %arg8[%swap3A_127] {strides = array<i32>} : memref<640xf32, #tpu.memory_space<vmem>>, vector<16xf32>,
    %swap3A_129 = vector.shape_cast %swap3A_128 : vector<16xf32> to vector<16xf32>
    %swap3A_130 = vector.shape_cast %broadcast_in_dim3A_126 : vector<16xf32> to vector<16xf32>
    tpu.vector_store %arg8[%swap3A_127], %swap3A_130 {strides = array<i32>} : memref<640xf32, #tpu.memory_space<vmem>>, vector<16xf32>,
    %broadcast_in_dim3A_131 = arith.constant 0.000000e+00 : f32
    %broadcast_in_dim3A_132 = vector.broadcast %broadcast_in_dim3A_131 : f32 to vector<16xf32>
    %swap3A_133 = arith.constant 352 : index
    %swap3A_134 = tpu.vector_load %arg8[%swap3A_133] {strides = array<i32>} : memref<640xf32, #tpu.memory_space<vmem>>, vector<16xf32>,
    %swap3A_135 = vector.shape_cast %swap3A_134 : vector<16xf32> to vector<16xf32>
    %swap3A_136 = vector.shape_cast %broadcast_in_dim3A_132 : vector<16xf32> to vector<16xf32>
    tpu.vector_store %arg8[%swap3A_133], %swap3A_136 {strides = array<i32>} : memref<640xf32, #tpu.memory_space<vmem>>, vector<16xf32>,
    %broadcast_in_dim3A_137 = arith.constant 0.000000e+00 : f32
    %broadcast_in_dim3A_138 = vector.broadcast %broadcast_in_dim3A_137 : f32 to vector<16xf32>
    %swap3A_139 = arith.constant 368 : index
    %swap3A_140 = tpu.vector_load %arg8[%swap3A_139] {strides = array<i32>} : memref<640xf32, #tpu.memory_space<vmem>>, vector<16xf32>,
    %swap3A_141 = vector.shape_cast %swap3A_140 : vector<16xf32> to vector<16xf32>
    %swap3A_142 = vector.shape_cast %broadcast_in_dim3A_138 : vector<16xf32> to vector<16xf32>
    tpu.vector_store %arg8[%swap3A_139], %swap3A_142 {strides = array<i32>} : memref<640xf32, #tpu.memory_space<vmem>>, vector<16xf32>,
    %broadcast_in_dim3A_143 = arith.constant 0.000000e+00 : f32
    %broadcast_in_dim3A_144 = vector.broadcast %broadcast_in_dim3A_143 : f32 to vector<16xf32>
    %swap3A_145 = arith.constant 384 : index
    %swap3A_146 = tpu.vector_load %arg8[%swap3A_145] {strides = array<i32>} : memref<640xf32, #tpu.memory_space<vmem>>, vector<16xf32>,
    %swap3A_147 = vector.shape_cast %swap3A_146 : vector<16xf32> to vector<16xf32>
    %swap3A_148 = vector.shape_cast %broadcast_in_dim3A_144 : vector<16xf32> to vector<16xf32>
    tpu.vector_store %arg8[%swap3A_145], %swap3A_148 {strides = array<i32>} : memref<640xf32, #tpu.memory_space<vmem>>, vector<16xf32>,
    %broadcast_in_dim3A_149 = arith.constant 0.000000e+00 : f32
    %broadcast_in_dim3A_150 = vector.broadcast %broadcast_in_dim3A_149 : f32 to vector<16xf32>
    %swap3A_151 = arith.constant 400 : index
    %swap3A_152 = tpu.vector_load %arg8[%swap3A_151] {strides = array<i32>} : memref<640xf32, #tpu.memory_space<vmem>>, vector<16xf32>,
    %swap3A_153 = vector.shape_cast %swap3A_152 : vector<16xf32> to vector<16xf32>
    %swap3A_154 = vector.shape_cast %broadcast_in_dim3A_150 : vector<16xf32> to vector<16xf32>
    tpu.vector_store %arg8[%swap3A_151], %swap3A_154 {strides = array<i32>} : memref<640xf32, #tpu.memory_space<vmem>>, vector<16xf32>,
    %broadcast_in_dim3A_155 = arith.constant 0.000000e+00 : f32
    %broadcast_in_dim3A_156 = vector.broadcast %broadcast_in_dim3A_155 : f32 to vector<16xf32>
    %swap3A_157 = arith.constant 416 : index
    %swap3A_158 = tpu.vector_load %arg8[%swap3A_157] {strides = array<i32>} : memref<640xf32, #tpu.memory_space<vmem>>, vector<16xf32>,
    %swap3A_159 = vector.shape_cast %swap3A_158 : vector<16xf32> to vector<16xf32>
    %swap3A_160 = vector.shape_cast %broadcast_in_dim3A_156 : vector<16xf32> to vector<16xf32>
    tpu.vector_store %arg8[%swap3A_157], %swap3A_160 {strides = array<i32>} : memref<640xf32, #tpu.memory_space<vmem>>, vector<16xf32>,
    %broadcast_in_dim3A_161 = arith.constant 0.000000e+00 : f32
    %broadcast_in_dim3A_162 = vector.broadcast %broadcast_in_dim3A_161 : f32 to vector<16xf32>
    %swap3A_163 = arith.constant 432 : index
    %swap3A_164 = tpu.vector_load %arg8[%swap3A_163] {strides = array<i32>} : memref<640xf32, #tpu.memory_space<vmem>>, vector<16xf32>,
    %swap3A_165 = vector.shape_cast %swap3A_164 : vector<16xf32> to vector<16xf32>
    %swap3A_166 = vector.shape_cast %broadcast_in_dim3A_162 : vector<16xf32> to vector<16xf32>
    tpu.vector_store %arg8[%swap3A_163], %swap3A_166 {strides = array<i32>} : memref<640xf32, #tpu.memory_space<vmem>>, vector<16xf32>,
    %broadcast_in_dim3A_167 = arith.constant 0.000000e+00 : f32
    %broadcast_in_dim3A_168 = vector.broadcast %broadcast_in_dim3A_167 : f32 to vector<16xf32>
    %swap3A_169 = arith.constant 448 : index
    %swap3A_170 = tpu.vector_load %arg8[%swap3A_169] {strides = array<i32>} : memref<640xf32, #tpu.memory_space<vmem>>, vector<16xf32>,
    %swap3A_171 = vector.shape_cast %swap3A_170 : vector<16xf32> to vector<16xf32>
    %swap3A_172 = vector.shape_cast %broadcast_in_dim3A_168 : vector<16xf32> to vector<16xf32>
    tpu.vector_store %arg8[%swap3A_169], %swap3A_172 {strides = array<i32>} : memref<640xf32, #tpu.memory_space<vmem>>, vector<16xf32>,
    %broadcast_in_dim3A_173 = arith.constant 0.000000e+00 : f32
    %broadcast_in_dim3A_174 = vector.broadcast %broadcast_in_dim3A_173 : f32 to vector<16xf32>
    %swap3A_175 = arith.constant 464 : index
    %swap3A_176 = tpu.vector_load %arg8[%swap3A_175] {strides = array<i32>} : memref<640xf32, #tpu.memory_space<vmem>>, vector<16xf32>,
    %swap3A_177 = vector.shape_cast %swap3A_176 : vector<16xf32> to vector<16xf32>
    %swap3A_178 = vector.shape_cast %broadcast_in_dim3A_174 : vector<16xf32> to vector<16xf32>
    tpu.vector_store %arg8[%swap3A_175], %swap3A_178 {strides = array<i32>} : memref<640xf32, #tpu.memory_space<vmem>>, vector<16xf32>,
    %broadcast_in_dim3A_179 = arith.constant 0.000000e+00 : f32
    %broadcast_in_dim3A_180 = vector.broadcast %broadcast_in_dim3A_179 : f32 to vector<16xf32>
    %swap3A_181 = arith.constant 480 : index
    %swap3A_182 = tpu.vector_load %arg8[%swap3A_181] {strides = array<i32>} : memref<640xf32, #tpu.memory_space<vmem>>, vector<16xf32>,
    %swap3A_183 = vector.shape_cast %swap3A_182 : vector<16xf32> to vector<16xf32>
    %swap3A_184 = vector.shape_cast %broadcast_in_dim3A_180 : vector<16xf32> to vector<16xf32>
    tpu.vector_store %arg8[%swap3A_181], %swap3A_184 {strides = array<i32>} : memref<640xf32, #tpu.memory_space<vmem>>, vector<16xf32>,
    %broadcast_in_dim3A_185 = arith.constant 0.000000e+00 : f32
    %broadcast_in_dim3A_186 = vector.broadcast %broadcast_in_dim3A_185 : f32 to vector<16xf32>
    %swap3A_187 = arith.constant 496 : index
    %swap3A_188 = tpu.vector_load %arg8[%swap3A_187] {strides = array<i32>} : memref<640xf32, #tpu.memory_space<vmem>>, vector<16xf32>,
    %swap3A_189 = vector.shape_cast %swap3A_188 : vector<16xf32> to vector<16xf32>
    %swap3A_190 = vector.shape_cast %broadcast_in_dim3A_186 : vector<16xf32> to vector<16xf32>
    tpu.vector_store %arg8[%swap3A_187], %swap3A_190 {strides = array<i32>} : memref<640xf32, #tpu.memory_space<vmem>>, vector<16xf32>,
    %broadcast_in_dim3A_191 = arith.constant 0.000000e+00 : f32
    %broadcast_in_dim3A_192 = vector.broadcast %broadcast_in_dim3A_191 : f32 to vector<16xf32>
    %swap3A_193 = arith.constant 512 : index
    %swap3A_194 = tpu.vector_load %arg8[%swap3A_193] {strides = array<i32>} : memref<640xf32, #tpu.memory_space<vmem>>, vector<16xf32>,
    %swap3A_195 = vector.shape_cast %swap3A_194 : vector<16xf32> to vector<16xf32>
    %swap3A_196 = vector.shape_cast %broadcast_in_dim3A_192 : vector<16xf32> to vector<16xf32>
    tpu.vector_store %arg8[%swap3A_193], %swap3A_196 {strides = array<i32>} : memref<640xf32, #tpu.memory_space<vmem>>, vector<16xf32>,
    %broadcast_in_dim3A_197 = arith.constant 0.000000e+00 : f32
    %broadcast_in_dim3A_198 = vector.broadcast %broadcast_in_dim3A_197 : f32 to vector<16xf32>
    %swap3A_199 = arith.constant 528 : index
    %swap3A_200 = tpu.vector_load %arg8[%swap3A_199] {strides = array<i32>} : memref<640xf32, #tpu.memory_space<vmem>>, vector<16xf32>,
    %swap3A_201 = vector.shape_cast %swap3A_200 : vector<16xf32> to vector<16xf32>
    %swap3A_202 = vector.shape_cast %broadcast_in_dim3A_198 : vector<16xf32> to vector<16xf32>
    tpu.vector_store %arg8[%swap3A_199], %swap3A_202 {strides = array<i32>} : memref<640xf32, #tpu.memory_space<vmem>>, vector<16xf32>,
    %broadcast_in_dim3A_203 = arith.constant 0.000000e+00 : f32
    %broadcast_in_dim3A_204 = vector.broadcast %broadcast_in_dim3A_203 : f32 to vector<16xf32>
    %swap3A_205 = arith.constant 544 : index
    %swap3A_206 = tpu.vector_load %arg8[%swap3A_205] {strides = array<i32>} : memref<640xf32, #tpu.memory_space<vmem>>, vector<16xf32>,
    %swap3A_207 = vector.shape_cast %swap3A_206 : vector<16xf32> to vector<16xf32>
    %swap3A_208 = vector.shape_cast %broadcast_in_dim3A_204 : vector<16xf32> to vector<16xf32>
    tpu.vector_store %arg8[%swap3A_205], %swap3A_208 {strides = array<i32>} : memref<640xf32, #tpu.memory_space<vmem>>, vector<16xf32>,
    %broadcast_in_dim3A_209 = arith.constant 0.000000e+00 : f32
    %broadcast_in_dim3A_210 = vector.broadcast %broadcast_in_dim3A_209 : f32 to vector<16xf32>
    %swap3A_211 = arith.constant 560 : index
    %swap3A_212 = tpu.vector_load %arg8[%swap3A_211] {strides = array<i32>} : memref<640xf32, #tpu.memory_space<vmem>>, vector<16xf32>,
    %swap3A_213 = vector.shape_cast %swap3A_212 : vector<16xf32> to vector<16xf32>
    %swap3A_214 = vector.shape_cast %broadcast_in_dim3A_210 : vector<16xf32> to vector<16xf32>
    tpu.vector_store %arg8[%swap3A_211], %swap3A_214 {strides = array<i32>} : memref<640xf32, #tpu.memory_space<vmem>>, vector<16xf32>,
    %broadcast_in_dim3A_215 = arith.constant 0.000000e+00 : f32
    %broadcast_in_dim3A_216 = vector.broadcast %broadcast_in_dim3A_215 : f32 to vector<16xf32>
    %swap3A_217 = arith.constant 576 : index
    %swap3A_218 = tpu.vector_load %arg8[%swap3A_217] {strides = array<i32>} : memref<640xf32, #tpu.memory_space<vmem>>, vector<16xf32>,
    %swap3A_219 = vector.shape_cast %swap3A_218 : vector<16xf32> to vector<16xf32>
    %swap3A_220 = vector.shape_cast %broadcast_in_dim3A_216 : vector<16xf32> to vector<16xf32>
    tpu.vector_store %arg8[%swap3A_217], %swap3A_220 {strides = array<i32>} : memref<640xf32, #tpu.memory_space<vmem>>, vector<16xf32>,
    %broadcast_in_dim3A_221 = arith.constant 0.000000e+00 : f32
    %broadcast_in_dim3A_222 = vector.broadcast %broadcast_in_dim3A_221 : f32 to vector<16xf32>
    %swap3A_223 = arith.constant 592 : index
    %swap3A_224 = tpu.vector_load %arg8[%swap3A_223] {strides = array<i32>} : memref<640xf32, #tpu.memory_space<vmem>>, vector<16xf32>,
    %swap3A_225 = vector.shape_cast %swap3A_224 : vector<16xf32> to vector<16xf32>
    %swap3A_226 = vector.shape_cast %broadcast_in_dim3A_222 : vector<16xf32> to vector<16xf32>
    tpu.vector_store %arg8[%swap3A_223], %swap3A_226 {strides = array<i32>} : memref<640xf32, #tpu.memory_space<vmem>>, vector<16xf32>,
    %broadcast_in_dim3A_227 = arith.constant 0.000000e+00 : f32
    %broadcast_in_dim3A_228 = vector.broadcast %broadcast_in_dim3A_227 : f32 to vector<16xf32>
    %swap3A_229 = arith.constant 608 : index
    %swap3A_230 = tpu.vector_load %arg8[%swap3A_229] {strides = array<i32>} : memref<640xf32, #tpu.memory_space<vmem>>, vector<16xf32>,
    %swap3A_231 = vector.shape_cast %swap3A_230 : vector<16xf32> to vector<16xf32>
    %swap3A_232 = vector.shape_cast %broadcast_in_dim3A_228 : vector<16xf32> to vector<16xf32>
    tpu.vector_store %arg8[%swap3A_229], %swap3A_232 {strides = array<i32>} : memref<640xf32, #tpu.memory_space<vmem>>, vector<16xf32>,
    %broadcast_in_dim3A_233 = arith.constant 0.000000e+00 : f32
    %broadcast_in_dim3A_234 = vector.broadcast %broadcast_in_dim3A_233 : f32 to vector<16xf32>
    %swap3A_235 = arith.constant 624 : index
    %swap3A_236 = tpu.vector_load %arg8[%swap3A_235] {strides = array<i32>} : memref<640xf32, #tpu.memory_space<vmem>>, vector<16xf32>,
    %swap3A_237 = vector.shape_cast %swap3A_236 : vector<16xf32> to vector<16xf32>
    %swap3A_238 = vector.shape_cast %broadcast_in_dim3A_234 : vector<16xf32> to vector<16xf32>
    tpu.vector_store %arg8[%swap3A_235], %swap3A_238 {strides = array<i32>} : memref<640xf32, #tpu.memory_space<vmem>>, vector<16xf32>,
    %broadcast_in_dim3A_239 = arith.constant 1.000000e+00 : f32
    %broadcast_in_dim3A_240 = vector.broadcast %broadcast_in_dim3A_239 : f32 to vector<16xf32>
    %swap3A_241 = arith.constant 0 : index
    %swap3A_242 = tpu.vector_load %arg6[%swap3A_241] {strides = array<i32>} : memref<128xf32, #tpu.memory_space<vmem>>, vector<16xf32>,
    %swap3A_243 = vector.shape_cast %swap3A_242 : vector<16xf32> to vector<16xf32>
    %swap3A_244 = vector.shape_cast %broadcast_in_dim3A_240 : vector<16xf32> to vector<16xf32>
    tpu.vector_store %arg6[%swap3A_241], %swap3A_244 {strides = array<i32>} : memref<128xf32, #tpu.memory_space<vmem>>, vector<16xf32>,
    %broadcast_in_dim3A_245 = arith.constant 1.000000e+00 : f32
    %broadcast_in_dim3A_246 = vector.broadcast %broadcast_in_dim3A_245 : f32 to vector<16xf32>
    %swap3A_247 = arith.constant 16 : index
    %swap3A_248 = tpu.vector_load %arg6[%swap3A_247] {strides = array<i32>} : memref<128xf32, #tpu.memory_space<vmem>>, vector<16xf32>,
    %swap3A_249 = vector.shape_cast %swap3A_248 : vector<16xf32> to vector<16xf32>
    %swap3A_250 = vector.shape_cast %broadcast_in_dim3A_246 : vector<16xf32> to vector<16xf32>
    tpu.vector_store %arg6[%swap3A_247], %swap3A_250 {strides = array<i32>} : memref<128xf32, #tpu.memory_space<vmem>>, vector<16xf32>,
    %broadcast_in_dim3A_251 = arith.constant 1.000000e+00 : f32
    %broadcast_in_dim3A_252 = vector.broadcast %broadcast_in_dim3A_251 : f32 to vector<16xf32>
    %swap3A_253 = arith.constant 32 : index
    %swap3A_254 = tpu.vector_load %arg6[%swap3A_253] {strides = array<i32>} : memref<128xf32, #tpu.memory_space<vmem>>, vector<16xf32>,
    %swap3A_255 = vector.shape_cast %swap3A_254 : vector<16xf32> to vector<16xf32>
    %swap3A_256 = vector.shape_cast %broadcast_in_dim3A_252 : vector<16xf32> to vector<16xf32>
    tpu.vector_store %arg6[%swap3A_253], %swap3A_256 {strides = array<i32>} : memref<128xf32, #tpu.memory_space<vmem>>, vector<16xf32>,
    %broadcast_in_dim3A_257 = arith.constant 1.000000e+00 : f32
    %broadcast_in_dim3A_258 = vector.broadcast %broadcast_in_dim3A_257 : f32 to vector<16xf32>
    %swap3A_259 = arith.constant 48 : index
    %swap3A_260 = tpu.vector_load %arg6[%swap3A_259] {strides = array<i32>} : memref<128xf32, #tpu.memory_space<vmem>>, vector<16xf32>,
    %swap3A_261 = vector.shape_cast %swap3A_260 : vector<16xf32> to vector<16xf32>
    %swap3A_262 = vector.shape_cast %broadcast_in_dim3A_258 : vector<16xf32> to vector<16xf32>
    tpu.vector_store %arg6[%swap3A_259], %swap3A_262 {strides = array<i32>} : memref<128xf32, #tpu.memory_space<vmem>>, vector<16xf32>,
    %broadcast_in_dim3A_263 = arith.constant 1.000000e+00 : f32
    %broadcast_in_dim3A_264 = vector.broadcast %broadcast_in_dim3A_263 : f32 to vector<16xf32>
    %swap3A_265 = arith.constant 64 : index
    %swap3A_266 = tpu.vector_load %arg6[%swap3A_265] {strides = array<i32>} : memref<128xf32, #tpu.memory_space<vmem>>, vector<16xf32>,
    %swap3A_267 = vector.shape_cast %swap3A_266 : vector<16xf32> to vector<16xf32>
    %swap3A_268 = vector.shape_cast %broadcast_in_dim3A_264 : vector<16xf32> to vector<16xf32>
    tpu.vector_store %arg6[%swap3A_265], %swap3A_268 {strides = array<i32>} : memref<128xf32, #tpu.memory_space<vmem>>, vector<16xf32>,
    %broadcast_in_dim3A_269 = arith.constant 1.000000e+00 : f32
    %broadcast_in_dim3A_270 = vector.broadcast %broadcast_in_dim3A_269 : f32 to vector<16xf32>
    %swap3A_271 = arith.constant 80 : index
    %swap3A_272 = tpu.vector_load %arg6[%swap3A_271] {strides = array<i32>} : memref<128xf32, #tpu.memory_space<vmem>>, vector<16xf32>,
    %swap3A_273 = vector.shape_cast %swap3A_272 : vector<16xf32> to vector<16xf32>
    %swap3A_274 = vector.shape_cast %broadcast_in_dim3A_270 : vector<16xf32> to vector<16xf32>
    tpu.vector_store %arg6[%swap3A_271], %swap3A_274 {strides = array<i32>} : memref<128xf32, #tpu.memory_space<vmem>>, vector<16xf32>,
    %broadcast_in_dim3A_275 = arith.constant 1.000000e+00 : f32
    %broadcast_in_dim3A_276 = vector.broadcast %broadcast_in_dim3A_275 : f32 to vector<16xf32>
    %swap3A_277 = arith.constant 96 : index
    %swap3A_278 = tpu.vector_load %arg6[%swap3A_277] {strides = array<i32>} : memref<128xf32, #tpu.memory_space<vmem>>, vector<16xf32>,
    %swap3A_279 = vector.shape_cast %swap3A_278 : vector<16xf32> to vector<16xf32>
    %swap3A_280 = vector.shape_cast %broadcast_in_dim3A_276 : vector<16xf32> to vector<16xf32>
    tpu.vector_store %arg6[%swap3A_277], %swap3A_280 {strides = array<i32>} : memref<128xf32, #tpu.memory_space<vmem>>, vector<16xf32>,
    %broadcast_in_dim3A_281 = arith.constant 1.000000e+00 : f32
    %broadcast_in_dim3A_282 = vector.broadcast %broadcast_in_dim3A_281 : f32 to vector<16xf32>
    %swap3A_283 = arith.constant 112 : index
    %swap3A_284 = tpu.vector_load %arg6[%swap3A_283] {strides = array<i32>} : memref<128xf32, #tpu.memory_space<vmem>>, vector<16xf32>,
    %swap3A_285 = vector.shape_cast %swap3A_284 : vector<16xf32> to vector<16xf32>
    %swap3A_286 = vector.shape_cast %broadcast_in_dim3A_282 : vector<16xf32> to vector<16xf32>
    tpu.vector_store %arg6[%swap3A_283], %swap3A_286 {strides = array<i32>} : memref<128xf32, #tpu.memory_space<vmem>>, vector<16xf32>,
    %broadcast_in_dim3A_287 = arith.constant 1.000000e+00 : f32
    %broadcast_in_dim3A_288 = vector.broadcast %broadcast_in_dim3A_287 : f32 to vector<16xf32>
    %swap3A_289 = arith.constant 0 : index
    %swap3A_290 = tpu.vector_load %arg7[%swap3A_289] {strides = array<i32>} : memref<16xf32, #tpu.memory_space<vmem>>, vector<16xf32>,
    %swap3A_291 = vector.shape_cast %swap3A_290 : vector<16xf32> to vector<16xf32>
    %swap3A_292 = vector.shape_cast %broadcast_in_dim3A_288 : vector<16xf32> to vector<16xf32>
    tpu.vector_store %arg7[%swap3A_289], %swap3A_292 {strides = array<i32>} : memref<16xf32, #tpu.memory_space<vmem>>, vector<16xf32>,
    %mul3A_293 = arith.constant 640 : i32
    %mul3A_294 = arith.muli %arg1, %mul3A_293 : i32
    "tpu.region"() ({
      %run_scoped3A_305 = tpu.sem_alloc : memref<!tpu.dma_semaphore, #tpu.memory_space<semaphore_mem>>
      %dma_start3A = tpu.memref_slice %arg4[%mul3A_294] : memref<10240xf32, #tpu.memory_space<vmem_shared>> -> memref<640xf32, #tpu.memory_space<vmem_shared>>
      %dma_start3A_306 = tpu.memref_slice %arg4[%mul3A_294] : memref<10240xf32, #tpu.memory_space<vmem_shared>> -> memref<640xf32, #tpu.memory_space<vmem_shared>>
      tpu.enqueue_dma source(%arg8 : memref<640xf32, #tpu.memory_space<vmem>>) target(%dma_start3A_306 : memref<640xf32, #tpu.memory_space<vmem_shared>>) target_semaphore(%run_scoped3A_305 : memref<!tpu.dma_semaphore, #tpu.memory_space<semaphore_mem>>)
      %dma_wait3A = tpu.memref_slice %arg4[%mul3A_294] : memref<10240xf32, #tpu.memory_space<vmem_shared>> -> memref<640xf32, #tpu.memory_space<vmem_shared>>
      %dma_wait3A_307 = tpu.memref_slice %arg4[%mul3A_294] : memref<10240xf32, #tpu.memory_space<vmem_shared>> -> memref<640xf32, #tpu.memory_space<vmem_shared>>
      tpu.wait_dma2 semaphore(%run_scoped3A_305 : memref<!tpu.dma_semaphore, #tpu.memory_space<semaphore_mem>>) src(%arg8 : memref<640xf32, #tpu.memory_space<vmem>>) dst(%dma_wait3A_307 : memref<640xf32, #tpu.memory_space<vmem_shared>>)
      tpu.yield
    }) : () -> ()
    %barrier3A = arith.constant 0 : index
    tpu.barrier barrier_id(%barrier3A)
    %run_scoped3A = arith.constant 1 : i32
    "tpu.region"() ({
      %run_scoped3A_305 = tpu.sem_alloc : memref<!tpu.dma_semaphore, #tpu.memory_space<semaphore_mem>>
      %dma_start3A = arith.constant 0 : i32
      %dma_start3A_306 = tpu.memref_slice %arg2[%run_scoped3A, %add3A, %dma_start3A] : memref<2x32x10000xi32, #tpu.memory_space<hbm>> -> memref<1x1x10000xi32, #tpu.memory_space<hbm>>
      %dma_start3A_307 = tpu.memref_squeeze %dma_start3A_306 : memref<1x1x10000xi32, #tpu.memory_space<hbm>> -> memref<10000xi32, #tpu.memory_space<hbm>>
      %dma_start3A_308 = arith.constant 0 : i32
      %dma_start3A_309 = tpu.memref_slice %arg2[%run_scoped3A, %add3A, %dma_start3A_308] : memref<2x32x10000xi32, #tpu.memory_space<hbm>> -> memref<1x1x10000xi32, #tpu.memory_space<hbm>>
      %dma_start3A_310 = tpu.memref_squeeze %dma_start3A_309 : memref<1x1x10000xi32, #tpu.memory_space<hbm>> -> memref<10000xi32, #tpu.memory_space<hbm>>
      tpu.enqueue_dma source(%dma_start3A_310 : memref<10000xi32, #tpu.memory_space<hbm>>) target(%arg5 : memref<10000xi32, #tpu.memory_space<vmem>>) target_semaphore(%run_scoped3A_305 : memref<!tpu.dma_semaphore, #tpu.memory_space<semaphore_mem>>)
      %dma_wait3A = arith.constant 0 : i32
      %dma_wait3A_311 = tpu.memref_slice %arg2[%run_scoped3A, %add3A, %dma_wait3A] : memref<2x32x10000xi32, #tpu.memory_space<hbm>> -> memref<1x1x10000xi32, #tpu.memory_space<hbm>>
      %dma_wait3A_312 = tpu.memref_squeeze %dma_wait3A_311 : memref<1x1x10000xi32, #tpu.memory_space<hbm>> -> memref<10000xi32, #tpu.memory_space<hbm>>
      %dma_wait3A_313 = arith.constant 0 : i32
      %dma_wait3A_314 = tpu.memref_slice %arg2[%run_scoped3A, %add3A, %dma_wait3A_313] : memref<2x32x10000xi32, #tpu.memory_space<hbm>> -> memref<1x1x10000xi32, #tpu.memory_space<hbm>>
      %dma_wait3A_315 = tpu.memref_squeeze %dma_wait3A_314 : memref<1x1x10000xi32, #tpu.memory_space<hbm>> -> memref<10000xi32, #tpu.memory_space<hbm>>
      tpu.wait_dma2 semaphore(%run_scoped3A_305 : memref<!tpu.dma_semaphore, #tpu.memory_space<semaphore_mem>>) src(%dma_wait3A_315 : memref<10000xi32, #tpu.memory_space<hbm>>) dst(%arg5 : memref<10000xi32, #tpu.memory_space<vmem>>)
      tpu.yield
    }) : () -> ()
    %scan3A = arith.constant 0 : i32
    %scan3A_295 = arith.constant 0 : i32
    %scan3A_296 = arith.constant 78 : i32
    %scan3A_297 = arith.addi %scan3A_295, %scan3A_296 : i32
    %scan3A_298 = arith.constant 1 : i32
    scf.for %scan3A_305 = %scan3A_295 to %scan3A_297 step %scan3A_298  : i32 {
      %mul3A_306 = arith.constant 128 : i32
      %mul3A_307 = arith.muli %scan3A_305, %mul3A_306 : i32
      "tpu.region"() ({
        %run_scoped3A_308 = tpu.sem_alloc : memref<!tpu.dma_semaphore, #tpu.memory_space<semaphore_mem>>
        %dma_start3A = tpu.memref_slice %arg5[%mul3A_307] : memref<10000xi32, #tpu.memory_space<vmem>> -> memref<128xi32, #tpu.memory_space<vmem>>
        %dma_start3A_309 = arith.constant 0 : i32
        %dma_start3A_310 = tpu.memref_slice %arg4[%dma_start3A_309] : memref<10240xf32, #tpu.memory_space<vmem_shared>> -> memref<10240xf32, #tpu.memory_space<vmem_shared>>
        tpu.enqueue_indirect_dma source(%arg6 : memref<128xf32, #tpu.memory_space<vmem>>) target(%dma_start3A_310 : memref<10240xf32, #tpu.memory_space<vmem_shared>>) offsets(%dma_start3A : memref<128xi32, #tpu.memory_space<vmem>>) semaphore(%run_scoped3A_308 : memref<!tpu.dma_semaphore, #tpu.memory_space<semaphore_mem>>) {add = true}
        %dma_wait3A = tpu.memref_slice %arg5[%mul3A_307] : memref<10000xi32, #tpu.memory_space<vmem>> -> memref<128xi32, #tpu.memory_space<vmem>>
        %dma_wait3A_311 = arith.constant 0 : i32
        %dma_wait3A_312 = tpu.memref_slice %arg4[%dma_wait3A_311] : memref<10240xf32, #tpu.memory_space<vmem_shared>> -> memref<10240xf32, #tpu.memory_space<vmem_shared>>
        tpu.wait_indirect_dma semaphore(%run_scoped3A_308 : memref<!tpu.dma_semaphore, #tpu.memory_space<semaphore_mem>>) src(%arg6 : memref<128xf32, #tpu.memory_space<vmem>>) dst(%dma_wait3A_312 : memref<10240xf32, #tpu.memory_space<vmem_shared>>)
        tpu.yield
      }) : () -> ()
    }
    %scan3A_299 = arith.constant 78 : i32
    "tpu.region"() ({
      %run_scoped3A_305 = tpu.sem_alloc : memref<!tpu.dma_semaphore, #tpu.memory_space<semaphore_mem>>
      %dma_start3A = arith.constant 9984 : i32
      %dma_start3A_306 = tpu.memref_slice %arg5[%dma_start3A] : memref<10000xi32, #tpu.memory_space<vmem>> -> memref<16xi32, #tpu.memory_space<vmem>>
      %dma_start3A_307 = arith.constant 0 : i32
      %dma_start3A_308 = tpu.memref_slice %arg4[%dma_start3A_307] : memref<10240xf32, #tpu.memory_space<vmem_shared>> -> memref<10240xf32, #tpu.memory_space<vmem_shared>>
      tpu.enqueue_indirect_dma source(%arg7 : memref<16xf32, #tpu.memory_space<vmem>>) target(%dma_start3A_308 : memref<10240xf32, #tpu.memory_space<vmem_shared>>) offsets(%dma_start3A_306 : memref<16xi32, #tpu.memory_space<vmem>>) semaphore(%run_scoped3A_305 : memref<!tpu.dma_semaphore, #tpu.memory_space<semaphore_mem>>) {add = true}
      %dma_wait3A = arith.constant 9984 : i32
      %dma_wait3A_309 = tpu.memref_slice %arg5[%dma_wait3A] : memref<10000xi32, #tpu.memory_space<vmem>> -> memref<16xi32, #tpu.memory_space<vmem>>
      %dma_wait3A_310 = arith.constant 0 : i32
      %dma_wait3A_311 = tpu.memref_slice %arg4[%dma_wait3A_310] : memref<10240xf32, #tpu.memory_space<vmem_shared>> -> memref<10240xf32, #tpu.memory_space<vmem_shared>>
      tpu.wait_indirect_dma semaphore(%run_scoped3A_305 : memref<!tpu.dma_semaphore, #tpu.memory_space<semaphore_mem>>) src(%arg7 : memref<16xf32, #tpu.memory_space<vmem>>) dst(%dma_wait3A_311 : memref<10240xf32, #tpu.memory_space<vmem_shared>>)
      tpu.yield
    }) : () -> ()
    %barrier3A_300 = arith.constant 0 : index
    tpu.barrier barrier_id(%barrier3A_300)
    %mul3A_301 = arith.constant 640 : i32
    %mul3A_302 = arith.muli %arg1, %mul3A_301 : i32
    %mul3A_303 = arith.constant 640 : i32
    %mul3A_304 = arith.muli %arg1, %mul3A_303 : i32
    "tpu.region"() ({
      %run_scoped3A_305 = tpu.sem_alloc : memref<!tpu.dma_semaphore, #tpu.memory_space<semaphore_mem>>
      %dma_start3A = tpu.memref_slice %arg3[%arg0, %mul3A_304] : memref<2x10240xf32, #tpu.memory_space<hbm>> -> memref<1x640xf32, #tpu.memory_space<hbm>>
      %dma_start3A_306 = tpu.memref_squeeze %dma_start3A : memref<1x640xf32, #tpu.memory_space<hbm>> -> memref<640xf32, #tpu.memory_space<hbm>>
      %dma_start3A_307 = tpu.memref_slice %arg4[%mul3A_302] : memref<10240xf32, #tpu.memory_space<vmem_shared>> -> memref<640xf32, #tpu.memory_space<vmem_shared>>
      tpu.enqueue_dma source(%dma_start3A_307 : memref<640xf32, #tpu.memory_space<vmem_shared>>) target(%dma_start3A_306 : memref<640xf32, #tpu.memory_space<hbm>>) target_semaphore(%run_scoped3A_305 : memref<!tpu.dma_semaphore, #tpu.memory_space<semaphore_mem>>)
      %dma_wait3A = tpu.memref_slice %arg3[%arg0, %mul3A_304] : memref<2x10240xf32, #tpu.memory_space<hbm>> -> memref<1x640xf32, #tpu.memory_space<hbm>>
      %dma_wait3A_308 = tpu.memref_squeeze %dma_wait3A : memref<1x640xf32, #tpu.memory_space<hbm>> -> memref<640xf32, #tpu.memory_space<hbm>>
      %dma_wait3A_309 = tpu.memref_slice %arg4[%mul3A_302] : memref<10240xf32, #tpu.memory_space<vmem_shared>> -> memref<640xf32, #tpu.memory_space<vmem_shared>>
      tpu.wait_dma2 semaphore(%run_scoped3A_305 : memref<!tpu.dma_semaphore, #tpu.memory_space<semaphore_mem>>) src(%dma_wait3A_309 : memref<640xf32, #tpu.memory_space<vmem_shared>>) dst(%dma_wait3A_308 : memref<640xf32, #tpu.memory_space<hbm>>)
      tpu.yield
    }) : () -> ()
    return
  }
}

#map = affine_map<(d0, d1) -> (0, 0)>
#map1 = affine_map<(d0, d1) -> (0, 0, 0)>
module attributes {stable_mosaic.version = 14 : i64} {
  func.func @sc_propagate_128(%arg0: i32, %arg1: i32, %arg2: memref<10000x128xf32, #tpu.memory_space<hbm>>, %arg3: memref<2x32x10000xi32, #tpu.memory_space<hbm>>, %arg4: memref<2x10240x128xf32, #tpu.memory_space<hbm>>, %arg5: memref<10240x128xf32, #tpu.memory_space<vmem_shared>>, %arg6: memref<10000xi32, #tpu.memory_space<vmem>>, %arg7: memref<10000xi32, #tpu.memory_space<vmem>>, %arg8: memref<64x128xf32, #tpu.memory_space<vmem>>, %arg9: memref<64x128xf32, #tpu.memory_space<vmem>>, %arg10: memref<64x128xf32, #tpu.memory_space<vmem>>, %arg11: memref<16x128xf32, #tpu.memory_space<vmem>>, %arg12: memref<!tpu.dma_semaphore, #tpu.memory_space<semaphore_mem>>, %arg13: memref<!tpu.dma_semaphore, #tpu.memory_space<semaphore_mem>>, %arg14: memref<!tpu.dma_semaphore, #tpu.memory_space<semaphore_mem>>) attributes {dimension_semantics = [#tpu.dimension_semantics<core_parallel>, #tpu.dimension_semantics<subcore_parallel>], iteration_bounds = array<i64: 2, 16>, scalar_prefetch = 0 : i64, scratch_operands = 10 : i64, tpu.core_type = #tpu.core_type<sc_vector_subcore>, window_params = [{transform_indices = #map}, {transform_indices = #map1}, {transform_indices = #map1}]} {
    %mul3A = arith.constant 16 : i32
    %mul3A_0 = arith.muli %arg0, %mul3A : i32
    %add3A = arith.addi %mul3A_0, %arg1 : i32
    %scan3A = arith.constant 0 : i32
    %scan3A_1 = arith.constant 0 : i32
    %scan3A_2 = arith.constant 512 : i32
    %scan3A_3 = arith.addi %scan3A_1, %scan3A_2 : i32
    %scan3A_4 = arith.constant 1 : i32
    scf.for %scan3A_96 = %scan3A_1 to %scan3A_3 step %scan3A_4  : i32 {
      %jit3A = arith.constant 8 : i32
      %div3A = arith.divsi %scan3A_96, %jit3A : i32
      %sign3A = arith.constant 0 : i32
      %sign3A_97 = arith.cmpi sgt, %scan3A_96, %sign3A : i32
      %sign3A_98 = arith.extui %sign3A_97 : i1 to i32
      %sign3A_99 = arith.constant 0 : i32
      %sign3A_100 = arith.cmpi slt, %scan3A_96, %sign3A_99 : i32
      %sign3A_101 = arith.extui %sign3A_100 : i1 to i32
      %sign3A_102 = arith.subi %sign3A_98, %sign3A_101 : i32
      %sign3A_103 = arith.constant 0 : i32
      %sign3A_104 = arith.cmpi sgt, %jit3A, %sign3A_103 : i32
      %sign3A_105 = arith.extui %sign3A_104 : i1 to i32
      %sign3A_106 = arith.constant 0 : i32
      %sign3A_107 = arith.cmpi slt, %jit3A, %sign3A_106 : i32
      %sign3A_108 = arith.extui %sign3A_107 : i1 to i32
      %sign3A_109 = arith.subi %sign3A_105, %sign3A_108 : i32
      %ne3A = arith.cmpi ne, %sign3A_102, %sign3A_109 : i32
      %rem3A = arith.remsi %scan3A_96, %jit3A : i32
      %ne3A_110 = arith.constant 0 : i32
      %ne3A_111 = arith.cmpi ne, %rem3A, %ne3A_110 : i32
      %and3A = arith.andi %ne3A, %ne3A_111 : i1
      %sub3A = arith.constant 1 : i32
      %sub3A_112 = arith.subi %div3A, %sub3A : i32
      %select_n3A = arith.select %and3A, %sub3A_112, %div3A : i32
      %jit3A_113 = arith.constant 8 : i32
      %eq3A = arith.constant 0 : i32
      %eq3A_114 = arith.cmpi eq, %jit3A_113, %eq3A : i32
      %jit3A_115 = arith.constant 1 : i32
      %select_n3A_116 = arith.select %eq3A_114, %jit3A_115, %jit3A_113 : i32
      %rem3A_117 = arith.remsi %scan3A_96, %select_n3A_116 : i32
      %ne3A_118 = arith.constant 0 : i32
      %ne3A_119 = arith.cmpi ne, %rem3A_117, %ne3A_118 : i32
      %lt3A = arith.constant 0 : i32
      %lt3A_120 = arith.cmpi slt, %rem3A_117, %lt3A : i32
      %lt3A_121 = arith.constant 0 : i32
      %lt3A_122 = arith.cmpi slt, %select_n3A_116, %lt3A_121 : i32
      %ne3A_123 = arith.xori %lt3A_120, %lt3A_122 : i1
      %and3A_124 = arith.andi %ne3A_123, %ne3A_119 : i1
      %add3A_125 = arith.addi %rem3A_117, %select_n3A_116 : i32
      %select_n3A_126 = arith.select %and3A_124, %add3A_125, %rem3A_117 : i32
      %mul3A_127 = arith.constant 16 : i32
      %mul3A_128 = arith.muli %select_n3A_126, %mul3A_127 : i32
      %broadcast_in_dim3A = arith.constant 0.000000e+00 : f32
      %broadcast_in_dim3A_129 = vector.broadcast %broadcast_in_dim3A : f32 to vector<16xf32>
      %swap3A = arith.index_cast %select_n3A : i32 to index
      %swap3A_130 = arith.index_cast %mul3A_128 : i32 to index
      %swap3A_131 = tpu.vector_load %arg8[%swap3A, %swap3A_130] {strides = array<i32>} : memref<64x128xf32, #tpu.memory_space<vmem>>, vector<1x16xf32>,
      %swap3A_132 = vector.shape_cast %swap3A_131 : vector<1x16xf32> to vector<16xf32>
      %swap3A_133 = vector.shape_cast %broadcast_in_dim3A_129 : vector<16xf32> to vector<1x16xf32>
      tpu.vector_store %arg8[%swap3A, %swap3A_130], %swap3A_133 {strides = array<i32>} : memref<64x128xf32, #tpu.memory_space<vmem>>, vector<1x16xf32>,
    }
    %scan3A_5 = arith.constant 512 : i32
    %mul3A_6 = arith.constant 640 : i32
    %mul3A_7 = arith.muli %arg1, %mul3A_6 : i32
    %add3A_8 = arith.constant 0 : i32
    %add3A_9 = arith.addi %mul3A_7, %add3A_8 : i32
    "tpu.region"() ({
      %run_scoped3A_96 = tpu.sem_alloc : memref<!tpu.dma_semaphore, #tpu.memory_space<semaphore_mem>>
      %dma_start3A_97 = arith.constant 0 : i32
      %dma_start3A_98 = tpu.memref_slice %arg5[%add3A_9, %dma_start3A_97] : memref<10240x128xf32, #tpu.memory_space<vmem_shared>> -> memref<64x128xf32, #tpu.memory_space<vmem_shared>>
      %dma_start3A_99 = arith.constant 0 : i32
      %dma_start3A_100 = tpu.memref_slice %arg5[%add3A_9, %dma_start3A_99] : memref<10240x128xf32, #tpu.memory_space<vmem_shared>> -> memref<64x128xf32, #tpu.memory_space<vmem_shared>>
      tpu.enqueue_dma source(%arg8 : memref<64x128xf32, #tpu.memory_space<vmem>>) target(%dma_start3A_100 : memref<64x128xf32, #tpu.memory_space<vmem_shared>>) target_semaphore(%run_scoped3A_96 : memref<!tpu.dma_semaphore, #tpu.memory_space<semaphore_mem>>)
      %dma_wait3A_101 = arith.constant 0 : i32
      %dma_wait3A_102 = tpu.memref_slice %arg5[%add3A_9, %dma_wait3A_101] : memref<10240x128xf32, #tpu.memory_space<vmem_shared>> -> memref<64x128xf32, #tpu.memory_space<vmem_shared>>
      %dma_wait3A_103 = arith.constant 0 : i32
      %dma_wait3A_104 = tpu.memref_slice %arg5[%add3A_9, %dma_wait3A_103] : memref<10240x128xf32, #tpu.memory_space<vmem_shared>> -> memref<64x128xf32, #tpu.memory_space<vmem_shared>>
      tpu.wait_dma2 semaphore(%run_scoped3A_96 : memref<!tpu.dma_semaphore, #tpu.memory_space<semaphore_mem>>) src(%arg8 : memref<64x128xf32, #tpu.memory_space<vmem>>) dst(%dma_wait3A_104 : memref<64x128xf32, #tpu.memory_space<vmem_shared>>)
      tpu.yield
    }) : () -> ()
    %mul3A_10 = arith.constant 640 : i32
    %mul3A_11 = arith.muli %arg1, %mul3A_10 : i32
    %add3A_12 = arith.constant 64 : i32
    %add3A_13 = arith.addi %mul3A_11, %add3A_12 : i32
    "tpu.region"() ({
      %run_scoped3A_96 = tpu.sem_alloc : memref<!tpu.dma_semaphore, #tpu.memory_space<semaphore_mem>>
      %dma_start3A_97 = arith.constant 0 : i32
      %dma_start3A_98 = tpu.memref_slice %arg5[%add3A_13, %dma_start3A_97] : memref<10240x128xf32, #tpu.memory_space<vmem_shared>> -> memref<64x128xf32, #tpu.memory_space<vmem_shared>>
      %dma_start3A_99 = arith.constant 0 : i32
      %dma_start3A_100 = tpu.memref_slice %arg5[%add3A_13, %dma_start3A_99] : memref<10240x128xf32, #tpu.memory_space<vmem_shared>> -> memref<64x128xf32, #tpu.memory_space<vmem_shared>>
      tpu.enqueue_dma source(%arg8 : memref<64x128xf32, #tpu.memory_space<vmem>>) target(%dma_start3A_100 : memref<64x128xf32, #tpu.memory_space<vmem_shared>>) target_semaphore(%run_scoped3A_96 : memref<!tpu.dma_semaphore, #tpu.memory_space<semaphore_mem>>)
      %dma_wait3A_101 = arith.constant 0 : i32
      %dma_wait3A_102 = tpu.memref_slice %arg5[%add3A_13, %dma_wait3A_101] : memref<10240x128xf32, #tpu.memory_space<vmem_shared>> -> memref<64x128xf32, #tpu.memory_space<vmem_shared>>
      %dma_wait3A_103 = arith.constant 0 : i32
      %dma_wait3A_104 = tpu.memref_slice %arg5[%add3A_13, %dma_wait3A_103] : memref<10240x128xf32, #tpu.memory_space<vmem_shared>> -> memref<64x128xf32, #tpu.memory_space<vmem_shared>>
      tpu.wait_dma2 semaphore(%run_scoped3A_96 : memref<!tpu.dma_semaphore, #tpu.memory_space<semaphore_mem>>) src(%arg8 : memref<64x128xf32, #tpu.memory_space<vmem>>) dst(%dma_wait3A_104 : memref<64x128xf32, #tpu.memory_space<vmem_shared>>)
      tpu.yield
    }) : () -> ()
    %mul3A_14 = arith.constant 640 : i32
    %mul3A_15 = arith.muli %arg1, %mul3A_14 : i32
    %add3A_16 = arith.constant 128 : i32
    %add3A_17 = arith.addi %mul3A_15, %add3A_16 : i32
    "tpu.region"() ({
      %run_scoped3A_96 = tpu.sem_alloc : memref<!tpu.dma_semaphore, #tpu.memory_space<semaphore_mem>>
      %dma_start3A_97 = arith.constant 0 : i32
      %dma_start3A_98 = tpu.memref_slice %arg5[%add3A_17, %dma_start3A_97] : memref<10240x128xf32, #tpu.memory_space<vmem_shared>> -> memref<64x128xf32, #tpu.memory_space<vmem_shared>>
      %dma_start3A_99 = arith.constant 0 : i32
      %dma_start3A_100 = tpu.memref_slice %arg5[%add3A_17, %dma_start3A_99] : memref<10240x128xf32, #tpu.memory_space<vmem_shared>> -> memref<64x128xf32, #tpu.memory_space<vmem_shared>>
      tpu.enqueue_dma source(%arg8 : memref<64x128xf32, #tpu.memory_space<vmem>>) target(%dma_start3A_100 : memref<64x128xf32, #tpu.memory_space<vmem_shared>>) target_semaphore(%run_scoped3A_96 : memref<!tpu.dma_semaphore, #tpu.memory_space<semaphore_mem>>)
      %dma_wait3A_101 = arith.constant 0 : i32
      %dma_wait3A_102 = tpu.memref_slice %arg5[%add3A_17, %dma_wait3A_101] : memref<10240x128xf32, #tpu.memory_space<vmem_shared>> -> memref<64x128xf32, #tpu.memory_space<vmem_shared>>
      %dma_wait3A_103 = arith.constant 0 : i32
      %dma_wait3A_104 = tpu.memref_slice %arg5[%add3A_17, %dma_wait3A_103] : memref<10240x128xf32, #tpu.memory_space<vmem_shared>> -> memref<64x128xf32, #tpu.memory_space<vmem_shared>>
      tpu.wait_dma2 semaphore(%run_scoped3A_96 : memref<!tpu.dma_semaphore, #tpu.memory_space<semaphore_mem>>) src(%arg8 : memref<64x128xf32, #tpu.memory_space<vmem>>) dst(%dma_wait3A_104 : memref<64x128xf32, #tpu.memory_space<vmem_shared>>)
      tpu.yield
    }) : () -> ()
    %mul3A_18 = arith.constant 640 : i32
    %mul3A_19 = arith.muli %arg1, %mul3A_18 : i32
    %add3A_20 = arith.constant 192 : i32
    %add3A_21 = arith.addi %mul3A_19, %add3A_20 : i32
    "tpu.region"() ({
      %run_scoped3A_96 = tpu.sem_alloc : memref<!tpu.dma_semaphore, #tpu.memory_space<semaphore_mem>>
      %dma_start3A_97 = arith.constant 0 : i32
      %dma_start3A_98 = tpu.memref_slice %arg5[%add3A_21, %dma_start3A_97] : memref<10240x128xf32, #tpu.memory_space<vmem_shared>> -> memref<64x128xf32, #tpu.memory_space<vmem_shared>>
      %dma_start3A_99 = arith.constant 0 : i32
      %dma_start3A_100 = tpu.memref_slice %arg5[%add3A_21, %dma_start3A_99] : memref<10240x128xf32, #tpu.memory_space<vmem_shared>> -> memref<64x128xf32, #tpu.memory_space<vmem_shared>>
      tpu.enqueue_dma source(%arg8 : memref<64x128xf32, #tpu.memory_space<vmem>>) target(%dma_start3A_100 : memref<64x128xf32, #tpu.memory_space<vmem_shared>>) target_semaphore(%run_scoped3A_96 : memref<!tpu.dma_semaphore, #tpu.memory_space<semaphore_mem>>)
      %dma_wait3A_101 = arith.constant 0 : i32
      %dma_wait3A_102 = tpu.memref_slice %arg5[%add3A_21, %dma_wait3A_101] : memref<10240x128xf32, #tpu.memory_space<vmem_shared>> -> memref<64x128xf32, #tpu.memory_space<vmem_shared>>
      %dma_wait3A_103 = arith.constant 0 : i32
      %dma_wait3A_104 = tpu.memref_slice %arg5[%add3A_21, %dma_wait3A_103] : memref<10240x128xf32, #tpu.memory_space<vmem_shared>> -> memref<64x128xf32, #tpu.memory_space<vmem_shared>>
      tpu.wait_dma2 semaphore(%run_scoped3A_96 : memref<!tpu.dma_semaphore, #tpu.memory_space<semaphore_mem>>) src(%arg8 : memref<64x128xf32, #tpu.memory_space<vmem>>) dst(%dma_wait3A_104 : memref<64x128xf32, #tpu.memory_space<vmem_shared>>)
      tpu.yield
    }) : () -> ()
    %mul3A_22 = arith.constant 640 : i32
    %mul3A_23 = arith.muli %arg1, %mul3A_22 : i32
    %add3A_24 = arith.constant 256 : i32
    %add3A_25 = arith.addi %mul3A_23, %add3A_24 : i32
    "tpu.region"() ({
      %run_scoped3A_96 = tpu.sem_alloc : memref<!tpu.dma_semaphore, #tpu.memory_space<semaphore_mem>>
      %dma_start3A_97 = arith.constant 0 : i32
      %dma_start3A_98 = tpu.memref_slice %arg5[%add3A_25, %dma_start3A_97] : memref<10240x128xf32, #tpu.memory_space<vmem_shared>> -> memref<64x128xf32, #tpu.memory_space<vmem_shared>>
      %dma_start3A_99 = arith.constant 0 : i32
      %dma_start3A_100 = tpu.memref_slice %arg5[%add3A_25, %dma_start3A_99] : memref<10240x128xf32, #tpu.memory_space<vmem_shared>> -> memref<64x128xf32, #tpu.memory_space<vmem_shared>>
      tpu.enqueue_dma source(%arg8 : memref<64x128xf32, #tpu.memory_space<vmem>>) target(%dma_start3A_100 : memref<64x128xf32, #tpu.memory_space<vmem_shared>>) target_semaphore(%run_scoped3A_96 : memref<!tpu.dma_semaphore, #tpu.memory_space<semaphore_mem>>)
      %dma_wait3A_101 = arith.constant 0 : i32
      %dma_wait3A_102 = tpu.memref_slice %arg5[%add3A_25, %dma_wait3A_101] : memref<10240x128xf32, #tpu.memory_space<vmem_shared>> -> memref<64x128xf32, #tpu.memory_space<vmem_shared>>
      %dma_wait3A_103 = arith.constant 0 : i32
      %dma_wait3A_104 = tpu.memref_slice %arg5[%add3A_25, %dma_wait3A_103] : memref<10240x128xf32, #tpu.memory_space<vmem_shared>> -> memref<64x128xf32, #tpu.memory_space<vmem_shared>>
      tpu.wait_dma2 semaphore(%run_scoped3A_96 : memref<!tpu.dma_semaphore, #tpu.memory_space<semaphore_mem>>) src(%arg8 : memref<64x128xf32, #tpu.memory_space<vmem>>) dst(%dma_wait3A_104 : memref<64x128xf32, #tpu.memory_space<vmem_shared>>)
      tpu.yield
    }) : () -> ()
    %mul3A_26 = arith.constant 640 : i32
    %mul3A_27 = arith.muli %arg1, %mul3A_26 : i32
    %add3A_28 = arith.constant 320 : i32
    %add3A_29 = arith.addi %mul3A_27, %add3A_28 : i32
    "tpu.region"() ({
      %run_scoped3A_96 = tpu.sem_alloc : memref<!tpu.dma_semaphore, #tpu.memory_space<semaphore_mem>>
      %dma_start3A_97 = arith.constant 0 : i32
      %dma_start3A_98 = tpu.memref_slice %arg5[%add3A_29, %dma_start3A_97] : memref<10240x128xf32, #tpu.memory_space<vmem_shared>> -> memref<64x128xf32, #tpu.memory_space<vmem_shared>>
      %dma_start3A_99 = arith.constant 0 : i32
      %dma_start3A_100 = tpu.memref_slice %arg5[%add3A_29, %dma_start3A_99] : memref<10240x128xf32, #tpu.memory_space<vmem_shared>> -> memref<64x128xf32, #tpu.memory_space<vmem_shared>>
      tpu.enqueue_dma source(%arg8 : memref<64x128xf32, #tpu.memory_space<vmem>>) target(%dma_start3A_100 : memref<64x128xf32, #tpu.memory_space<vmem_shared>>) target_semaphore(%run_scoped3A_96 : memref<!tpu.dma_semaphore, #tpu.memory_space<semaphore_mem>>)
      %dma_wait3A_101 = arith.constant 0 : i32
      %dma_wait3A_102 = tpu.memref_slice %arg5[%add3A_29, %dma_wait3A_101] : memref<10240x128xf32, #tpu.memory_space<vmem_shared>> -> memref<64x128xf32, #tpu.memory_space<vmem_shared>>
      %dma_wait3A_103 = arith.constant 0 : i32
      %dma_wait3A_104 = tpu.memref_slice %arg5[%add3A_29, %dma_wait3A_103] : memref<10240x128xf32, #tpu.memory_space<vmem_shared>> -> memref<64x128xf32, #tpu.memory_space<vmem_shared>>
      tpu.wait_dma2 semaphore(%run_scoped3A_96 : memref<!tpu.dma_semaphore, #tpu.memory_space<semaphore_mem>>) src(%arg8 : memref<64x128xf32, #tpu.memory_space<vmem>>) dst(%dma_wait3A_104 : memref<64x128xf32, #tpu.memory_space<vmem_shared>>)
      tpu.yield
    }) : () -> ()
    %mul3A_30 = arith.constant 640 : i32
    %mul3A_31 = arith.muli %arg1, %mul3A_30 : i32
    %add3A_32 = arith.constant 384 : i32
    %add3A_33 = arith.addi %mul3A_31, %add3A_32 : i32
    "tpu.region"() ({
      %run_scoped3A_96 = tpu.sem_alloc : memref<!tpu.dma_semaphore, #tpu.memory_space<semaphore_mem>>
      %dma_start3A_97 = arith.constant 0 : i32
      %dma_start3A_98 = tpu.memref_slice %arg5[%add3A_33, %dma_start3A_97] : memref<10240x128xf32, #tpu.memory_space<vmem_shared>> -> memref<64x128xf32, #tpu.memory_space<vmem_shared>>
      %dma_start3A_99 = arith.constant 0 : i32
      %dma_start3A_100 = tpu.memref_slice %arg5[%add3A_33, %dma_start3A_99] : memref<10240x128xf32, #tpu.memory_space<vmem_shared>> -> memref<64x128xf32, #tpu.memory_space<vmem_shared>>
      tpu.enqueue_dma source(%arg8 : memref<64x128xf32, #tpu.memory_space<vmem>>) target(%dma_start3A_100 : memref<64x128xf32, #tpu.memory_space<vmem_shared>>) target_semaphore(%run_scoped3A_96 : memref<!tpu.dma_semaphore, #tpu.memory_space<semaphore_mem>>)
      %dma_wait3A_101 = arith.constant 0 : i32
      %dma_wait3A_102 = tpu.memref_slice %arg5[%add3A_33, %dma_wait3A_101] : memref<10240x128xf32, #tpu.memory_space<vmem_shared>> -> memref<64x128xf32, #tpu.memory_space<vmem_shared>>
      %dma_wait3A_103 = arith.constant 0 : i32
      %dma_wait3A_104 = tpu.memref_slice %arg5[%add3A_33, %dma_wait3A_103] : memref<10240x128xf32, #tpu.memory_space<vmem_shared>> -> memref<64x128xf32, #tpu.memory_space<vmem_shared>>
      tpu.wait_dma2 semaphore(%run_scoped3A_96 : memref<!tpu.dma_semaphore, #tpu.memory_space<semaphore_mem>>) src(%arg8 : memref<64x128xf32, #tpu.memory_space<vmem>>) dst(%dma_wait3A_104 : memref<64x128xf32, #tpu.memory_space<vmem_shared>>)
      tpu.yield
    }) : () -> ()
    %mul3A_34 = arith.constant 640 : i32
    %mul3A_35 = arith.muli %arg1, %mul3A_34 : i32
    %add3A_36 = arith.constant 448 : i32
    %add3A_37 = arith.addi %mul3A_35, %add3A_36 : i32
    "tpu.region"() ({
      %run_scoped3A_96 = tpu.sem_alloc : memref<!tpu.dma_semaphore, #tpu.memory_space<semaphore_mem>>
      %dma_start3A_97 = arith.constant 0 : i32
      %dma_start3A_98 = tpu.memref_slice %arg5[%add3A_37, %dma_start3A_97] : memref<10240x128xf32, #tpu.memory_space<vmem_shared>> -> memref<64x128xf32, #tpu.memory_space<vmem_shared>>
      %dma_start3A_99 = arith.constant 0 : i32
      %dma_start3A_100 = tpu.memref_slice %arg5[%add3A_37, %dma_start3A_99] : memref<10240x128xf32, #tpu.memory_space<vmem_shared>> -> memref<64x128xf32, #tpu.memory_space<vmem_shared>>
      tpu.enqueue_dma source(%arg8 : memref<64x128xf32, #tpu.memory_space<vmem>>) target(%dma_start3A_100 : memref<64x128xf32, #tpu.memory_space<vmem_shared>>) target_semaphore(%run_scoped3A_96 : memref<!tpu.dma_semaphore, #tpu.memory_space<semaphore_mem>>)
      %dma_wait3A_101 = arith.constant 0 : i32
      %dma_wait3A_102 = tpu.memref_slice %arg5[%add3A_37, %dma_wait3A_101] : memref<10240x128xf32, #tpu.memory_space<vmem_shared>> -> memref<64x128xf32, #tpu.memory_space<vmem_shared>>
      %dma_wait3A_103 = arith.constant 0 : i32
      %dma_wait3A_104 = tpu.memref_slice %arg5[%add3A_37, %dma_wait3A_103] : memref<10240x128xf32, #tpu.memory_space<vmem_shared>> -> memref<64x128xf32, #tpu.memory_space<vmem_shared>>
      tpu.wait_dma2 semaphore(%run_scoped3A_96 : memref<!tpu.dma_semaphore, #tpu.memory_space<semaphore_mem>>) src(%arg8 : memref<64x128xf32, #tpu.memory_space<vmem>>) dst(%dma_wait3A_104 : memref<64x128xf32, #tpu.memory_space<vmem_shared>>)
      tpu.yield
    }) : () -> ()
    %mul3A_38 = arith.constant 640 : i32
    %mul3A_39 = arith.muli %arg1, %mul3A_38 : i32
    %add3A_40 = arith.constant 512 : i32
    %add3A_41 = arith.addi %mul3A_39, %add3A_40 : i32
    "tpu.region"() ({
      %run_scoped3A_96 = tpu.sem_alloc : memref<!tpu.dma_semaphore, #tpu.memory_space<semaphore_mem>>
      %dma_start3A_97 = arith.constant 0 : i32
      %dma_start3A_98 = tpu.memref_slice %arg5[%add3A_41, %dma_start3A_97] : memref<10240x128xf32, #tpu.memory_space<vmem_shared>> -> memref<64x128xf32, #tpu.memory_space<vmem_shared>>
      %dma_start3A_99 = arith.constant 0 : i32
      %dma_start3A_100 = tpu.memref_slice %arg5[%add3A_41, %dma_start3A_99] : memref<10240x128xf32, #tpu.memory_space<vmem_shared>> -> memref<64x128xf32, #tpu.memory_space<vmem_shared>>
      tpu.enqueue_dma source(%arg8 : memref<64x128xf32, #tpu.memory_space<vmem>>) target(%dma_start3A_100 : memref<64x128xf32, #tpu.memory_space<vmem_shared>>) target_semaphore(%run_scoped3A_96 : memref<!tpu.dma_semaphore, #tpu.memory_space<semaphore_mem>>)
      %dma_wait3A_101 = arith.constant 0 : i32
      %dma_wait3A_102 = tpu.memref_slice %arg5[%add3A_41, %dma_wait3A_101] : memref<10240x128xf32, #tpu.memory_space<vmem_shared>> -> memref<64x128xf32, #tpu.memory_space<vmem_shared>>
      %dma_wait3A_103 = arith.constant 0 : i32
      %dma_wait3A_104 = tpu.memref_slice %arg5[%add3A_41, %dma_wait3A_103] : memref<10240x128xf32, #tpu.memory_space<vmem_shared>> -> memref<64x128xf32, #tpu.memory_space<vmem_shared>>
      tpu.wait_dma2 semaphore(%run_scoped3A_96 : memref<!tpu.dma_semaphore, #tpu.memory_space<semaphore_mem>>) src(%arg8 : memref<64x128xf32, #tpu.memory_space<vmem>>) dst(%dma_wait3A_104 : memref<64x128xf32, #tpu.memory_space<vmem_shared>>)
      tpu.yield
    }) : () -> ()
    %mul3A_42 = arith.constant 640 : i32
    %mul3A_43 = arith.muli %arg1, %mul3A_42 : i32
    %add3A_44 = arith.constant 576 : i32
    %add3A_45 = arith.addi %mul3A_43, %add3A_44 : i32
    "tpu.region"() ({
      %run_scoped3A_96 = tpu.sem_alloc : memref<!tpu.dma_semaphore, #tpu.memory_space<semaphore_mem>>
      %dma_start3A_97 = arith.constant 0 : i32
      %dma_start3A_98 = tpu.memref_slice %arg5[%add3A_45, %dma_start3A_97] : memref<10240x128xf32, #tpu.memory_space<vmem_shared>> -> memref<64x128xf32, #tpu.memory_space<vmem_shared>>
      %dma_start3A_99 = arith.constant 0 : i32
      %dma_start3A_100 = tpu.memref_slice %arg5[%add3A_45, %dma_start3A_99] : memref<10240x128xf32, #tpu.memory_space<vmem_shared>> -> memref<64x128xf32, #tpu.memory_space<vmem_shared>>
      tpu.enqueue_dma source(%arg8 : memref<64x128xf32, #tpu.memory_space<vmem>>) target(%dma_start3A_100 : memref<64x128xf32, #tpu.memory_space<vmem_shared>>) target_semaphore(%run_scoped3A_96 : memref<!tpu.dma_semaphore, #tpu.memory_space<semaphore_mem>>)
      %dma_wait3A_101 = arith.constant 0 : i32
      %dma_wait3A_102 = tpu.memref_slice %arg5[%add3A_45, %dma_wait3A_101] : memref<10240x128xf32, #tpu.memory_space<vmem_shared>> -> memref<64x128xf32, #tpu.memory_space<vmem_shared>>
      %dma_wait3A_103 = arith.constant 0 : i32
      %dma_wait3A_104 = tpu.memref_slice %arg5[%add3A_45, %dma_wait3A_103] : memref<10240x128xf32, #tpu.memory_space<vmem_shared>> -> memref<64x128xf32, #tpu.memory_space<vmem_shared>>
      tpu.wait_dma2 semaphore(%run_scoped3A_96 : memref<!tpu.dma_semaphore, #tpu.memory_space<semaphore_mem>>) src(%arg8 : memref<64x128xf32, #tpu.memory_space<vmem>>) dst(%dma_wait3A_104 : memref<64x128xf32, #tpu.memory_space<vmem_shared>>)
      tpu.yield
    }) : () -> ()
    %barrier3A = arith.constant 0 : index
    tpu.barrier barrier_id(%barrier3A)
    %run_scoped3A = arith.constant 0 : i32
    "tpu.region"() ({
      %run_scoped3A_96 = tpu.sem_alloc : memref<!tpu.dma_semaphore, #tpu.memory_space<semaphore_mem>>
      %dma_start3A_97 = arith.constant 0 : i32
      %dma_start3A_98 = tpu.memref_slice %arg3[%run_scoped3A, %add3A, %dma_start3A_97] : memref<2x32x10000xi32, #tpu.memory_space<hbm>> -> memref<1x1x10000xi32, #tpu.memory_space<hbm>>
      %dma_start3A_99 = tpu.memref_squeeze %dma_start3A_98 : memref<1x1x10000xi32, #tpu.memory_space<hbm>> -> memref<10000xi32, #tpu.memory_space<hbm>>
      %dma_start3A_100 = arith.constant 0 : i32
      %dma_start3A_101 = tpu.memref_slice %arg3[%run_scoped3A, %add3A, %dma_start3A_100] : memref<2x32x10000xi32, #tpu.memory_space<hbm>> -> memref<1x1x10000xi32, #tpu.memory_space<hbm>>
      %dma_start3A_102 = tpu.memref_squeeze %dma_start3A_101 : memref<1x1x10000xi32, #tpu.memory_space<hbm>> -> memref<10000xi32, #tpu.memory_space<hbm>>
      tpu.enqueue_dma source(%dma_start3A_102 : memref<10000xi32, #tpu.memory_space<hbm>>) target(%arg6 : memref<10000xi32, #tpu.memory_space<vmem>>) target_semaphore(%run_scoped3A_96 : memref<!tpu.dma_semaphore, #tpu.memory_space<semaphore_mem>>)
      %dma_wait3A_103 = arith.constant 0 : i32
      %dma_wait3A_104 = tpu.memref_slice %arg3[%run_scoped3A, %add3A, %dma_wait3A_103] : memref<2x32x10000xi32, #tpu.memory_space<hbm>> -> memref<1x1x10000xi32, #tpu.memory_space<hbm>>
      %dma_wait3A_105 = tpu.memref_squeeze %dma_wait3A_104 : memref<1x1x10000xi32, #tpu.memory_space<hbm>> -> memref<10000xi32, #tpu.memory_space<hbm>>
      %dma_wait3A_106 = arith.constant 0 : i32
      %dma_wait3A_107 = tpu.memref_slice %arg3[%run_scoped3A, %add3A, %dma_wait3A_106] : memref<2x32x10000xi32, #tpu.memory_space<hbm>> -> memref<1x1x10000xi32, #tpu.memory_space<hbm>>
      %dma_wait3A_108 = tpu.memref_squeeze %dma_wait3A_107 : memref<1x1x10000xi32, #tpu.memory_space<hbm>> -> memref<10000xi32, #tpu.memory_space<hbm>>
      tpu.wait_dma2 semaphore(%run_scoped3A_96 : memref<!tpu.dma_semaphore, #tpu.memory_space<semaphore_mem>>) src(%dma_wait3A_108 : memref<10000xi32, #tpu.memory_space<hbm>>) dst(%arg6 : memref<10000xi32, #tpu.memory_space<vmem>>)
      tpu.yield
    }) : () -> ()
    %run_scoped3A_46 = arith.constant 1 : i32
    "tpu.region"() ({
      %run_scoped3A_96 = tpu.sem_alloc : memref<!tpu.dma_semaphore, #tpu.memory_space<semaphore_mem>>
      %dma_start3A_97 = arith.constant 0 : i32
      %dma_start3A_98 = tpu.memref_slice %arg3[%run_scoped3A_46, %add3A, %dma_start3A_97] : memref<2x32x10000xi32, #tpu.memory_space<hbm>> -> memref<1x1x10000xi32, #tpu.memory_space<hbm>>
      %dma_start3A_99 = tpu.memref_squeeze %dma_start3A_98 : memref<1x1x10000xi32, #tpu.memory_space<hbm>> -> memref<10000xi32, #tpu.memory_space<hbm>>
      %dma_start3A_100 = arith.constant 0 : i32
      %dma_start3A_101 = tpu.memref_slice %arg3[%run_scoped3A_46, %add3A, %dma_start3A_100] : memref<2x32x10000xi32, #tpu.memory_space<hbm>> -> memref<1x1x10000xi32, #tpu.memory_space<hbm>>
      %dma_start3A_102 = tpu.memref_squeeze %dma_start3A_101 : memref<1x1x10000xi32, #tpu.memory_space<hbm>> -> memref<10000xi32, #tpu.memory_space<hbm>>
      tpu.enqueue_dma source(%dma_start3A_102 : memref<10000xi32, #tpu.memory_space<hbm>>) target(%arg7 : memref<10000xi32, #tpu.memory_space<vmem>>) target_semaphore(%run_scoped3A_96 : memref<!tpu.dma_semaphore, #tpu.memory_space<semaphore_mem>>)
      %dma_wait3A_103 = arith.constant 0 : i32
      %dma_wait3A_104 = tpu.memref_slice %arg3[%run_scoped3A_46, %add3A, %dma_wait3A_103] : memref<2x32x10000xi32, #tpu.memory_space<hbm>> -> memref<1x1x10000xi32, #tpu.memory_space<hbm>>
      %dma_wait3A_105 = tpu.memref_squeeze %dma_wait3A_104 : memref<1x1x10000xi32, #tpu.memory_space<hbm>> -> memref<10000xi32, #tpu.memory_space<hbm>>
      %dma_wait3A_106 = arith.constant 0 : i32
      %dma_wait3A_107 = tpu.memref_slice %arg3[%run_scoped3A_46, %add3A, %dma_wait3A_106] : memref<2x32x10000xi32, #tpu.memory_space<hbm>> -> memref<1x1x10000xi32, #tpu.memory_space<hbm>>
      %dma_wait3A_108 = tpu.memref_squeeze %dma_wait3A_107 : memref<1x1x10000xi32, #tpu.memory_space<hbm>> -> memref<10000xi32, #tpu.memory_space<hbm>>
      tpu.wait_dma2 semaphore(%run_scoped3A_96 : memref<!tpu.dma_semaphore, #tpu.memory_space<semaphore_mem>>) src(%dma_wait3A_108 : memref<10000xi32, #tpu.memory_space<hbm>>) dst(%arg7 : memref<10000xi32, #tpu.memory_space<vmem>>)
      tpu.yield
    }) : () -> ()
    %dma_start3A = arith.constant 0 : i32
    %dma_start3A_47 = tpu.memref_slice %arg6[%dma_start3A] : memref<10000xi32, #tpu.memory_space<vmem>> -> memref<64xi32, #tpu.memory_space<vmem>>
    %dma_start3A_48 = arith.constant 0 : i32
    %dma_start3A_49 = arith.constant 0 : i32
    %dma_start3A_50 = tpu.memref_slice %arg2[%dma_start3A_48, %dma_start3A_49] : memref<10000x128xf32, #tpu.memory_space<hbm>> -> memref<10000x128xf32, #tpu.memory_space<hbm>>
    tpu.enqueue_indirect_dma source(%dma_start3A_50 : memref<10000x128xf32, #tpu.memory_space<hbm>>) target(%arg8 : memref<64x128xf32, #tpu.memory_space<vmem>>) offsets(%dma_start3A_47 : memref<64xi32, #tpu.memory_space<vmem>>) semaphore(%arg12 : memref<!tpu.dma_semaphore, #tpu.memory_space<semaphore_mem>>)
    %dma_start3A_51 = arith.constant 64 : i32
    %dma_start3A_52 = tpu.memref_slice %arg6[%dma_start3A_51] : memref<10000xi32, #tpu.memory_space<vmem>> -> memref<64xi32, #tpu.memory_space<vmem>>
    %dma_start3A_53 = arith.constant 0 : i32
    %dma_start3A_54 = arith.constant 0 : i32
    %dma_start3A_55 = tpu.memref_slice %arg2[%dma_start3A_53, %dma_start3A_54] : memref<10000x128xf32, #tpu.memory_space<hbm>> -> memref<10000x128xf32, #tpu.memory_space<hbm>>
    tpu.enqueue_indirect_dma source(%dma_start3A_55 : memref<10000x128xf32, #tpu.memory_space<hbm>>) target(%arg9 : memref<64x128xf32, #tpu.memory_space<vmem>>) offsets(%dma_start3A_52 : memref<64xi32, #tpu.memory_space<vmem>>) semaphore(%arg13 : memref<!tpu.dma_semaphore, #tpu.memory_space<semaphore_mem>>)
    %dma_start3A_56 = arith.constant 128 : i32
    %dma_start3A_57 = tpu.memref_slice %arg6[%dma_start3A_56] : memref<10000xi32, #tpu.memory_space<vmem>> -> memref<64xi32, #tpu.memory_space<vmem>>
    %dma_start3A_58 = arith.constant 0 : i32
    %dma_start3A_59 = arith.constant 0 : i32
    %dma_start3A_60 = tpu.memref_slice %arg2[%dma_start3A_58, %dma_start3A_59] : memref<10000x128xf32, #tpu.memory_space<hbm>> -> memref<10000x128xf32, #tpu.memory_space<hbm>>
    tpu.enqueue_indirect_dma source(%dma_start3A_60 : memref<10000x128xf32, #tpu.memory_space<hbm>>) target(%arg10 : memref<64x128xf32, #tpu.memory_space<vmem>>) offsets(%dma_start3A_57 : memref<64xi32, #tpu.memory_space<vmem>>) semaphore(%arg14 : memref<!tpu.dma_semaphore, #tpu.memory_space<semaphore_mem>>)
    %scan3A_61 = arith.constant 0 : i32
    %scan3A_62 = arith.constant 0 : i32
    %scan3A_63 = arith.constant 51 : i32
    %scan3A_64 = arith.addi %scan3A_62, %scan3A_63 : i32
    %scan3A_65 = arith.constant 1 : i32
    scf.for %scan3A_96 = %scan3A_62 to %scan3A_64 step %scan3A_65  : i32 {
      %mul3A_97 = arith.constant 3 : i32
      %mul3A_98 = arith.muli %scan3A_96, %mul3A_97 : i32
      %add3A_99 = arith.constant 0 : i32
      %add3A_100 = arith.addi %mul3A_98, %add3A_99 : i32
      %mul3A_101 = arith.constant 64 : i32
      %mul3A_102 = arith.muli %add3A_100, %mul3A_101 : i32
      %dma_wait3A_103 = tpu.memref_slice %arg6[%mul3A_102] : memref<10000xi32, #tpu.memory_space<vmem>> -> memref<64xi32, #tpu.memory_space<vmem>>
      %dma_wait3A_104 = arith.constant 0 : i32
      %dma_wait3A_105 = arith.constant 0 : i32
      %dma_wait3A_106 = tpu.memref_slice %arg2[%dma_wait3A_104, %dma_wait3A_105] : memref<10000x128xf32, #tpu.memory_space<hbm>> -> memref<10000x128xf32, #tpu.memory_space<hbm>>
      tpu.wait_indirect_dma semaphore(%arg12 : memref<!tpu.dma_semaphore, #tpu.memory_space<semaphore_mem>>) src(%dma_wait3A_106 : memref<10000x128xf32, #tpu.memory_space<hbm>>) dst(%arg8 : memref<64x128xf32, #tpu.memory_space<vmem>>)
      %add3A_107 = arith.constant 0 : i32
      %add3A_108 = arith.addi %mul3A_98, %add3A_107 : i32
      %mul3A_109 = arith.constant 64 : i32
      %mul3A_110 = arith.muli %add3A_108, %mul3A_109 : i32
      "tpu.region"() ({
        %run_scoped3A_165 = tpu.sem_alloc : memref<!tpu.dma_semaphore, #tpu.memory_space<semaphore_mem>>
        %dma_start3A_166 = tpu.memref_slice %arg7[%mul3A_110] : memref<10000xi32, #tpu.memory_space<vmem>> -> memref<64xi32, #tpu.memory_space<vmem>>
        %dma_start3A_167 = arith.constant 0 : i32
        %dma_start3A_168 = arith.constant 0 : i32
        %dma_start3A_169 = tpu.memref_slice %arg5[%dma_start3A_167, %dma_start3A_168] : memref<10240x128xf32, #tpu.memory_space<vmem_shared>> -> memref<10240x128xf32, #tpu.memory_space<vmem_shared>>
        tpu.enqueue_indirect_dma source(%arg8 : memref<64x128xf32, #tpu.memory_space<vmem>>) target(%dma_start3A_169 : memref<10240x128xf32, #tpu.memory_space<vmem_shared>>) offsets(%dma_start3A_166 : memref<64xi32, #tpu.memory_space<vmem>>) semaphore(%run_scoped3A_165 : memref<!tpu.dma_semaphore, #tpu.memory_space<semaphore_mem>>) {add = true}
        %dma_wait3A_170 = tpu.memref_slice %arg7[%mul3A_110] : memref<10000xi32, #tpu.memory_space<vmem>> -> memref<64xi32, #tpu.memory_space<vmem>>
        %dma_wait3A_171 = arith.constant 0 : i32
        %dma_wait3A_172 = arith.constant 0 : i32
        %dma_wait3A_173 = tpu.memref_slice %arg5[%dma_wait3A_171, %dma_wait3A_172] : memref<10240x128xf32, #tpu.memory_space<vmem_shared>> -> memref<10240x128xf32, #tpu.memory_space<vmem_shared>>
        tpu.wait_indirect_dma semaphore(%run_scoped3A_165 : memref<!tpu.dma_semaphore, #tpu.memory_space<semaphore_mem>>) src(%arg8 : memref<64x128xf32, #tpu.memory_space<vmem>>) dst(%dma_wait3A_173 : memref<10240x128xf32, #tpu.memory_space<vmem_shared>>)
        tpu.yield
      }) : () -> ()
      %add3A_111 = arith.constant 0 : i32
      %add3A_112 = arith.addi %mul3A_98, %add3A_111 : i32
      %add3A_113 = arith.constant 3 : i32
      %add3A_114 = arith.addi %add3A_112, %add3A_113 : i32
      %mul3A_115 = arith.constant 64 : i32
      %mul3A_116 = arith.muli %add3A_114, %mul3A_115 : i32
      %dma_start3A_117 = tpu.memref_slice %arg6[%mul3A_116] : memref<10000xi32, #tpu.memory_space<vmem>> -> memref<64xi32, #tpu.memory_space<vmem>>
      %dma_start3A_118 = arith.constant 0 : i32
      %dma_start3A_119 = arith.constant 0 : i32
      %dma_start3A_120 = tpu.memref_slice %arg2[%dma_start3A_118, %dma_start3A_119] : memref<10000x128xf32, #tpu.memory_space<hbm>> -> memref<10000x128xf32, #tpu.memory_space<hbm>>
      tpu.enqueue_indirect_dma source(%dma_start3A_120 : memref<10000x128xf32, #tpu.memory_space<hbm>>) target(%arg8 : memref<64x128xf32, #tpu.memory_space<vmem>>) offsets(%dma_start3A_117 : memref<64xi32, #tpu.memory_space<vmem>>) semaphore(%arg12 : memref<!tpu.dma_semaphore, #tpu.memory_space<semaphore_mem>>)
      %add3A_121 = arith.constant 1 : i32
      %add3A_122 = arith.addi %mul3A_98, %add3A_121 : i32
      %mul3A_123 = arith.constant 64 : i32
      %mul3A_124 = arith.muli %add3A_122, %mul3A_123 : i32
      %dma_wait3A_125 = tpu.memref_slice %arg6[%mul3A_124] : memref<10000xi32, #tpu.memory_space<vmem>> -> memref<64xi32, #tpu.memory_space<vmem>>
      %dma_wait3A_126 = arith.constant 0 : i32
      %dma_wait3A_127 = arith.constant 0 : i32
      %dma_wait3A_128 = tpu.memref_slice %arg2[%dma_wait3A_126, %dma_wait3A_127] : memref<10000x128xf32, #tpu.memory_space<hbm>> -> memref<10000x128xf32, #tpu.memory_space<hbm>>
      tpu.wait_indirect_dma semaphore(%arg13 : memref<!tpu.dma_semaphore, #tpu.memory_space<semaphore_mem>>) src(%dma_wait3A_128 : memref<10000x128xf32, #tpu.memory_space<hbm>>) dst(%arg9 : memref<64x128xf32, #tpu.memory_space<vmem>>)
      %add3A_129 = arith.constant 1 : i32
      %add3A_130 = arith.addi %mul3A_98, %add3A_129 : i32
      %mul3A_131 = arith.constant 64 : i32
      %mul3A_132 = arith.muli %add3A_130, %mul3A_131 : i32
      "tpu.region"() ({
        %run_scoped3A_165 = tpu.sem_alloc : memref<!tpu.dma_semaphore, #tpu.memory_space<semaphore_mem>>
        %dma_start3A_166 = tpu.memref_slice %arg7[%mul3A_132] : memref<10000xi32, #tpu.memory_space<vmem>> -> memref<64xi32, #tpu.memory_space<vmem>>
        %dma_start3A_167 = arith.constant 0 : i32
        %dma_start3A_168 = arith.constant 0 : i32
        %dma_start3A_169 = tpu.memref_slice %arg5[%dma_start3A_167, %dma_start3A_168] : memref<10240x128xf32, #tpu.memory_space<vmem_shared>> -> memref<10240x128xf32, #tpu.memory_space<vmem_shared>>
        tpu.enqueue_indirect_dma source(%arg9 : memref<64x128xf32, #tpu.memory_space<vmem>>) target(%dma_start3A_169 : memref<10240x128xf32, #tpu.memory_space<vmem_shared>>) offsets(%dma_start3A_166 : memref<64xi32, #tpu.memory_space<vmem>>) semaphore(%run_scoped3A_165 : memref<!tpu.dma_semaphore, #tpu.memory_space<semaphore_mem>>) {add = true}
        %dma_wait3A_170 = tpu.memref_slice %arg7[%mul3A_132] : memref<10000xi32, #tpu.memory_space<vmem>> -> memref<64xi32, #tpu.memory_space<vmem>>
        %dma_wait3A_171 = arith.constant 0 : i32
        %dma_wait3A_172 = arith.constant 0 : i32
        %dma_wait3A_173 = tpu.memref_slice %arg5[%dma_wait3A_171, %dma_wait3A_172] : memref<10240x128xf32, #tpu.memory_space<vmem_shared>> -> memref<10240x128xf32, #tpu.memory_space<vmem_shared>>
        tpu.wait_indirect_dma semaphore(%run_scoped3A_165 : memref<!tpu.dma_semaphore, #tpu.memory_space<semaphore_mem>>) src(%arg9 : memref<64x128xf32, #tpu.memory_space<vmem>>) dst(%dma_wait3A_173 : memref<10240x128xf32, #tpu.memory_space<vmem_shared>>)
        tpu.yield
      }) : () -> ()
      %add3A_133 = arith.constant 1 : i32
      %add3A_134 = arith.addi %mul3A_98, %add3A_133 : i32
      %add3A_135 = arith.constant 3 : i32
      %add3A_136 = arith.addi %add3A_134, %add3A_135 : i32
      %mul3A_137 = arith.constant 64 : i32
      %mul3A_138 = arith.muli %add3A_136, %mul3A_137 : i32
      %dma_start3A_139 = tpu.memref_slice %arg6[%mul3A_138] : memref<10000xi32, #tpu.memory_space<vmem>> -> memref<64xi32, #tpu.memory_space<vmem>>
      %dma_start3A_140 = arith.constant 0 : i32
      %dma_start3A_141 = arith.constant 0 : i32
      %dma_start3A_142 = tpu.memref_slice %arg2[%dma_start3A_140, %dma_start3A_141] : memref<10000x128xf32, #tpu.memory_space<hbm>> -> memref<10000x128xf32, #tpu.memory_space<hbm>>
      tpu.enqueue_indirect_dma source(%dma_start3A_142 : memref<10000x128xf32, #tpu.memory_space<hbm>>) target(%arg9 : memref<64x128xf32, #tpu.memory_space<vmem>>) offsets(%dma_start3A_139 : memref<64xi32, #tpu.memory_space<vmem>>) semaphore(%arg13 : memref<!tpu.dma_semaphore, #tpu.memory_space<semaphore_mem>>)
      %add3A_143 = arith.constant 2 : i32
      %add3A_144 = arith.addi %mul3A_98, %add3A_143 : i32
      %mul3A_145 = arith.constant 64 : i32
      %mul3A_146 = arith.muli %add3A_144, %mul3A_145 : i32
      %dma_wait3A_147 = tpu.memref_slice %arg6[%mul3A_146] : memref<10000xi32, #tpu.memory_space<vmem>> -> memref<64xi32, #tpu.memory_space<vmem>>
      %dma_wait3A_148 = arith.constant 0 : i32
      %dma_wait3A_149 = arith.constant 0 : i32
      %dma_wait3A_150 = tpu.memref_slice %arg2[%dma_wait3A_148, %dma_wait3A_149] : memref<10000x128xf32, #tpu.memory_space<hbm>> -> memref<10000x128xf32, #tpu.memory_space<hbm>>
      tpu.wait_indirect_dma semaphore(%arg14 : memref<!tpu.dma_semaphore, #tpu.memory_space<semaphore_mem>>) src(%dma_wait3A_150 : memref<10000x128xf32, #tpu.memory_space<hbm>>) dst(%arg10 : memref<64x128xf32, #tpu.memory_space<vmem>>)
      %add3A_151 = arith.constant 2 : i32
      %add3A_152 = arith.addi %mul3A_98, %add3A_151 : i32
      %mul3A_153 = arith.constant 64 : i32
      %mul3A_154 = arith.muli %add3A_152, %mul3A_153 : i32
      "tpu.region"() ({
        %run_scoped3A_165 = tpu.sem_alloc : memref<!tpu.dma_semaphore, #tpu.memory_space<semaphore_mem>>
        %dma_start3A_166 = tpu.memref_slice %arg7[%mul3A_154] : memref<10000xi32, #tpu.memory_space<vmem>> -> memref<64xi32, #tpu.memory_space<vmem>>
        %dma_start3A_167 = arith.constant 0 : i32
        %dma_start3A_168 = arith.constant 0 : i32
        %dma_start3A_169 = tpu.memref_slice %arg5[%dma_start3A_167, %dma_start3A_168] : memref<10240x128xf32, #tpu.memory_space<vmem_shared>> -> memref<10240x128xf32, #tpu.memory_space<vmem_shared>>
        tpu.enqueue_indirect_dma source(%arg10 : memref<64x128xf32, #tpu.memory_space<vmem>>) target(%dma_start3A_169 : memref<10240x128xf32, #tpu.memory_space<vmem_shared>>) offsets(%dma_start3A_166 : memref<64xi32, #tpu.memory_space<vmem>>) semaphore(%run_scoped3A_165 : memref<!tpu.dma_semaphore, #tpu.memory_space<semaphore_mem>>) {add = true}
        %dma_wait3A_170 = tpu.memref_slice %arg7[%mul3A_154] : memref<10000xi32, #tpu.memory_space<vmem>> -> memref<64xi32, #tpu.memory_space<vmem>>
        %dma_wait3A_171 = arith.constant 0 : i32
        %dma_wait3A_172 = arith.constant 0 : i32
        %dma_wait3A_173 = tpu.memref_slice %arg5[%dma_wait3A_171, %dma_wait3A_172] : memref<10240x128xf32, #tpu.memory_space<vmem_shared>> -> memref<10240x128xf32, #tpu.memory_space<vmem_shared>>
        tpu.wait_indirect_dma semaphore(%run_scoped3A_165 : memref<!tpu.dma_semaphore, #tpu.memory_space<semaphore_mem>>) src(%arg10 : memref<64x128xf32, #tpu.memory_space<vmem>>) dst(%dma_wait3A_173 : memref<10240x128xf32, #tpu.memory_space<vmem_shared>>)
        tpu.yield
      }) : () -> ()
      %add3A_155 = arith.constant 2 : i32
      %add3A_156 = arith.addi %mul3A_98, %add3A_155 : i32
      %add3A_157 = arith.constant 3 : i32
      %add3A_158 = arith.addi %add3A_156, %add3A_157 : i32
      %mul3A_159 = arith.constant 64 : i32
      %mul3A_160 = arith.muli %add3A_158, %mul3A_159 : i32
      %dma_start3A_161 = tpu.memref_slice %arg6[%mul3A_160] : memref<10000xi32, #tpu.memory_space<vmem>> -> memref<64xi32, #tpu.memory_space<vmem>>
      %dma_start3A_162 = arith.constant 0 : i32
      %dma_start3A_163 = arith.constant 0 : i32
      %dma_start3A_164 = tpu.memref_slice %arg2[%dma_start3A_162, %dma_start3A_163] : memref<10000x128xf32, #tpu.memory_space<hbm>> -> memref<10000x128xf32, #tpu.memory_space<hbm>>
      tpu.enqueue_indirect_dma source(%dma_start3A_164 : memref<10000x128xf32, #tpu.memory_space<hbm>>) target(%arg10 : memref<64x128xf32, #tpu.memory_space<vmem>>) offsets(%dma_start3A_161 : memref<64xi32, #tpu.memory_space<vmem>>) semaphore(%arg14 : memref<!tpu.dma_semaphore, #tpu.memory_space<semaphore_mem>>)
    }
    %scan3A_66 = arith.constant 51 : i32
    %dma_wait3A = arith.constant 9792 : i32
    %dma_wait3A_67 = tpu.memref_slice %arg6[%dma_wait3A] : memref<10000xi32, #tpu.memory_space<vmem>> -> memref<64xi32, #tpu.memory_space<vmem>>
    %dma_wait3A_68 = arith.constant 0 : i32
    %dma_wait3A_69 = arith.constant 0 : i32
    %dma_wait3A_70 = tpu.memref_slice %arg2[%dma_wait3A_68, %dma_wait3A_69] : memref<10000x128xf32, #tpu.memory_space<hbm>> -> memref<10000x128xf32, #tpu.memory_space<hbm>>
    tpu.wait_indirect_dma semaphore(%arg12 : memref<!tpu.dma_semaphore, #tpu.memory_space<semaphore_mem>>) src(%dma_wait3A_70 : memref<10000x128xf32, #tpu.memory_space<hbm>>) dst(%arg8 : memref<64x128xf32, #tpu.memory_space<vmem>>)
    "tpu.region"() ({
      %run_scoped3A_96 = tpu.sem_alloc : memref<!tpu.dma_semaphore, #tpu.memory_space<semaphore_mem>>
      %dma_start3A_97 = arith.constant 9792 : i32
      %dma_start3A_98 = tpu.memref_slice %arg7[%dma_start3A_97] : memref<10000xi32, #tpu.memory_space<vmem>> -> memref<64xi32, #tpu.memory_space<vmem>>
      %dma_start3A_99 = arith.constant 0 : i32
      %dma_start3A_100 = arith.constant 0 : i32
      %dma_start3A_101 = tpu.memref_slice %arg5[%dma_start3A_99, %dma_start3A_100] : memref<10240x128xf32, #tpu.memory_space<vmem_shared>> -> memref<10240x128xf32, #tpu.memory_space<vmem_shared>>
      tpu.enqueue_indirect_dma source(%arg8 : memref<64x128xf32, #tpu.memory_space<vmem>>) target(%dma_start3A_101 : memref<10240x128xf32, #tpu.memory_space<vmem_shared>>) offsets(%dma_start3A_98 : memref<64xi32, #tpu.memory_space<vmem>>) semaphore(%run_scoped3A_96 : memref<!tpu.dma_semaphore, #tpu.memory_space<semaphore_mem>>) {add = true}
      %dma_wait3A_102 = arith.constant 9792 : i32
      %dma_wait3A_103 = tpu.memref_slice %arg7[%dma_wait3A_102] : memref<10000xi32, #tpu.memory_space<vmem>> -> memref<64xi32, #tpu.memory_space<vmem>>
      %dma_wait3A_104 = arith.constant 0 : i32
      %dma_wait3A_105 = arith.constant 0 : i32
      %dma_wait3A_106 = tpu.memref_slice %arg5[%dma_wait3A_104, %dma_wait3A_105] : memref<10240x128xf32, #tpu.memory_space<vmem_shared>> -> memref<10240x128xf32, #tpu.memory_space<vmem_shared>>
      tpu.wait_indirect_dma semaphore(%run_scoped3A_96 : memref<!tpu.dma_semaphore, #tpu.memory_space<semaphore_mem>>) src(%arg8 : memref<64x128xf32, #tpu.memory_space<vmem>>) dst(%dma_wait3A_106 : memref<10240x128xf32, #tpu.memory_space<vmem_shared>>)
      tpu.yield
    }) : () -> ()
    %dma_wait3A_71 = arith.constant 9856 : i32
    %dma_wait3A_72 = tpu.memref_slice %arg6[%dma_wait3A_71] : memref<10000xi32, #tpu.memory_space<vmem>> -> memref<64xi32, #tpu.memory_space<vmem>>
    %dma_wait3A_73 = arith.constant 0 : i32
    %dma_wait3A_74 = arith.constant 0 : i32
    %dma_wait3A_75 = tpu.memref_slice %arg2[%dma_wait3A_73, %dma_wait3A_74] : memref<10000x128xf32, #tpu.memory_space<hbm>> -> memref<10000x128xf32, #tpu.memory_space<hbm>>
    tpu.wait_indirect_dma semaphore(%arg13 : memref<!tpu.dma_semaphore, #tpu.memory_space<semaphore_mem>>) src(%dma_wait3A_75 : memref<10000x128xf32, #tpu.memory_space<hbm>>) dst(%arg9 : memref<64x128xf32, #tpu.memory_space<vmem>>)
    "tpu.region"() ({
      %run_scoped3A_96 = tpu.sem_alloc : memref<!tpu.dma_semaphore, #tpu.memory_space<semaphore_mem>>
      %dma_start3A_97 = arith.constant 9856 : i32
      %dma_start3A_98 = tpu.memref_slice %arg7[%dma_start3A_97] : memref<10000xi32, #tpu.memory_space<vmem>> -> memref<64xi32, #tpu.memory_space<vmem>>
      %dma_start3A_99 = arith.constant 0 : i32
      %dma_start3A_100 = arith.constant 0 : i32
      %dma_start3A_101 = tpu.memref_slice %arg5[%dma_start3A_99, %dma_start3A_100] : memref<10240x128xf32, #tpu.memory_space<vmem_shared>> -> memref<10240x128xf32, #tpu.memory_space<vmem_shared>>
      tpu.enqueue_indirect_dma source(%arg9 : memref<64x128xf32, #tpu.memory_space<vmem>>) target(%dma_start3A_101 : memref<10240x128xf32, #tpu.memory_space<vmem_shared>>) offsets(%dma_start3A_98 : memref<64xi32, #tpu.memory_space<vmem>>) semaphore(%run_scoped3A_96 : memref<!tpu.dma_semaphore, #tpu.memory_space<semaphore_mem>>) {add = true}
      %dma_wait3A_102 = arith.constant 9856 : i32
      %dma_wait3A_103 = tpu.memref_slice %arg7[%dma_wait3A_102] : memref<10000xi32, #tpu.memory_space<vmem>> -> memref<64xi32, #tpu.memory_space<vmem>>
      %dma_wait3A_104 = arith.constant 0 : i32
      %dma_wait3A_105 = arith.constant 0 : i32
      %dma_wait3A_106 = tpu.memref_slice %arg5[%dma_wait3A_104, %dma_wait3A_105] : memref<10240x128xf32, #tpu.memory_space<vmem_shared>> -> memref<10240x128xf32, #tpu.memory_space<vmem_shared>>
      tpu.wait_indirect_dma semaphore(%run_scoped3A_96 : memref<!tpu.dma_semaphore, #tpu.memory_space<semaphore_mem>>) src(%arg9 : memref<64x128xf32, #tpu.memory_space<vmem>>) dst(%dma_wait3A_106 : memref<10240x128xf32, #tpu.memory_space<vmem_shared>>)
      tpu.yield
    }) : () -> ()
    %dma_wait3A_76 = arith.constant 9920 : i32
    %dma_wait3A_77 = tpu.memref_slice %arg6[%dma_wait3A_76] : memref<10000xi32, #tpu.memory_space<vmem>> -> memref<64xi32, #tpu.memory_space<vmem>>
    %dma_wait3A_78 = arith.constant 0 : i32
    %dma_wait3A_79 = arith.constant 0 : i32
    %dma_wait3A_80 = tpu.memref_slice %arg2[%dma_wait3A_78, %dma_wait3A_79] : memref<10000x128xf32, #tpu.memory_space<hbm>> -> memref<10000x128xf32, #tpu.memory_space<hbm>>
    tpu.wait_indirect_dma semaphore(%arg14 : memref<!tpu.dma_semaphore, #tpu.memory_space<semaphore_mem>>) src(%dma_wait3A_80 : memref<10000x128xf32, #tpu.memory_space<hbm>>) dst(%arg10 : memref<64x128xf32, #tpu.memory_space<vmem>>)
    "tpu.region"() ({
      %run_scoped3A_96 = tpu.sem_alloc : memref<!tpu.dma_semaphore, #tpu.memory_space<semaphore_mem>>
      %dma_start3A_97 = arith.constant 9920 : i32
      %dma_start3A_98 = tpu.memref_slice %arg7[%dma_start3A_97] : memref<10000xi32, #tpu.memory_space<vmem>> -> memref<64xi32, #tpu.memory_space<vmem>>
      %dma_start3A_99 = arith.constant 0 : i32
      %dma_start3A_100 = arith.constant 0 : i32
      %dma_start3A_101 = tpu.memref_slice %arg5[%dma_start3A_99, %dma_start3A_100] : memref<10240x128xf32, #tpu.memory_space<vmem_shared>> -> memref<10240x128xf32, #tpu.memory_space<vmem_shared>>
      tpu.enqueue_indirect_dma source(%arg10 : memref<64x128xf32, #tpu.memory_space<vmem>>) target(%dma_start3A_101 : memref<10240x128xf32, #tpu.memory_space<vmem_shared>>) offsets(%dma_start3A_98 : memref<64xi32, #tpu.memory_space<vmem>>) semaphore(%run_scoped3A_96 : memref<!tpu.dma_semaphore, #tpu.memory_space<semaphore_mem>>) {add = true}
      %dma_wait3A_102 = arith.constant 9920 : i32
      %dma_wait3A_103 = tpu.memref_slice %arg7[%dma_wait3A_102] : memref<10000xi32, #tpu.memory_space<vmem>> -> memref<64xi32, #tpu.memory_space<vmem>>
      %dma_wait3A_104 = arith.constant 0 : i32
      %dma_wait3A_105 = arith.constant 0 : i32
      %dma_wait3A_106 = tpu.memref_slice %arg5[%dma_wait3A_104, %dma_wait3A_105] : memref<10240x128xf32, #tpu.memory_space<vmem_shared>> -> memref<10240x128xf32, #tpu.memory_space<vmem_shared>>
      tpu.wait_indirect_dma semaphore(%run_scoped3A_96 : memref<!tpu.dma_semaphore, #tpu.memory_space<semaphore_mem>>) src(%arg10 : memref<64x128xf32, #tpu.memory_space<vmem>>) dst(%dma_wait3A_106 : memref<10240x128xf32, #tpu.memory_space<vmem_shared>>)
      tpu.yield
    }) : () -> ()
    %dma_start3A_81 = arith.constant 9984 : i32
    %dma_start3A_82 = tpu.memref_slice %arg6[%dma_start3A_81] : memref<10000xi32, #tpu.memory_space<vmem>> -> memref<16xi32, #tpu.memory_space<vmem>>
    %dma_start3A_83 = arith.constant 0 : i32
    %dma_start3A_84 = arith.constant 0 : i32
    %dma_start3A_85 = tpu.memref_slice %arg2[%dma_start3A_83, %dma_start3A_84] : memref<10000x128xf32, #tpu.memory_space<hbm>> -> memref<10000x128xf32, #tpu.memory_space<hbm>>
    tpu.enqueue_indirect_dma source(%dma_start3A_85 : memref<10000x128xf32, #tpu.memory_space<hbm>>) target(%arg11 : memref<16x128xf32, #tpu.memory_space<vmem>>) offsets(%dma_start3A_82 : memref<16xi32, #tpu.memory_space<vmem>>) semaphore(%arg12 : memref<!tpu.dma_semaphore, #tpu.memory_space<semaphore_mem>>)
    %dma_wait3A_86 = arith.constant 9984 : i32
    %dma_wait3A_87 = tpu.memref_slice %arg6[%dma_wait3A_86] : memref<10000xi32, #tpu.memory_space<vmem>> -> memref<16xi32, #tpu.memory_space<vmem>>
    %dma_wait3A_88 = arith.constant 0 : i32
    %dma_wait3A_89 = arith.constant 0 : i32
    %dma_wait3A_90 = tpu.memref_slice %arg2[%dma_wait3A_88, %dma_wait3A_89] : memref<10000x128xf32, #tpu.memory_space<hbm>> -> memref<10000x128xf32, #tpu.memory_space<hbm>>
    tpu.wait_indirect_dma semaphore(%arg12 : memref<!tpu.dma_semaphore, #tpu.memory_space<semaphore_mem>>) src(%dma_wait3A_90 : memref<10000x128xf32, #tpu.memory_space<hbm>>) dst(%arg11 : memref<16x128xf32, #tpu.memory_space<vmem>>)
    "tpu.region"() ({
      %run_scoped3A_96 = tpu.sem_alloc : memref<!tpu.dma_semaphore, #tpu.memory_space<semaphore_mem>>
      %dma_start3A_97 = arith.constant 9984 : i32
      %dma_start3A_98 = tpu.memref_slice %arg7[%dma_start3A_97] : memref<10000xi32, #tpu.memory_space<vmem>> -> memref<16xi32, #tpu.memory_space<vmem>>
      %dma_start3A_99 = arith.constant 0 : i32
      %dma_start3A_100 = arith.constant 0 : i32
      %dma_start3A_101 = tpu.memref_slice %arg5[%dma_start3A_99, %dma_start3A_100] : memref<10240x128xf32, #tpu.memory_space<vmem_shared>> -> memref<10240x128xf32, #tpu.memory_space<vmem_shared>>
      tpu.enqueue_indirect_dma source(%arg11 : memref<16x128xf32, #tpu.memory_space<vmem>>) target(%dma_start3A_101 : memref<10240x128xf32, #tpu.memory_space<vmem_shared>>) offsets(%dma_start3A_98 : memref<16xi32, #tpu.memory_space<vmem>>) semaphore(%run_scoped3A_96 : memref<!tpu.dma_semaphore, #tpu.memory_space<semaphore_mem>>) {add = true}
      %dma_wait3A_102 = arith.constant 9984 : i32
      %dma_wait3A_103 = tpu.memref_slice %arg7[%dma_wait3A_102] : memref<10000xi32, #tpu.memory_space<vmem>> -> memref<16xi32, #tpu.memory_space<vmem>>
      %dma_wait3A_104 = arith.constant 0 : i32
      %dma_wait3A_105 = arith.constant 0 : i32
      %dma_wait3A_106 = tpu.memref_slice %arg5[%dma_wait3A_104, %dma_wait3A_105] : memref<10240x128xf32, #tpu.memory_space<vmem_shared>> -> memref<10240x128xf32, #tpu.memory_space<vmem_shared>>
      tpu.wait_indirect_dma semaphore(%run_scoped3A_96 : memref<!tpu.dma_semaphore, #tpu.memory_space<semaphore_mem>>) src(%arg11 : memref<16x128xf32, #tpu.memory_space<vmem>>) dst(%dma_wait3A_106 : memref<10240x128xf32, #tpu.memory_space<vmem_shared>>)
      tpu.yield
    }) : () -> ()
    %barrier3A_91 = arith.constant 0 : index
    tpu.barrier barrier_id(%barrier3A_91)
    %mul3A_92 = arith.constant 640 : i32
    %mul3A_93 = arith.muli %arg1, %mul3A_92 : i32
    %mul3A_94 = arith.constant 640 : i32
    %mul3A_95 = arith.muli %arg1, %mul3A_94 : i32
    "tpu.region"() ({
      %run_scoped3A_96 = tpu.sem_alloc : memref<!tpu.dma_semaphore, #tpu.memory_space<semaphore_mem>>
      %dma_start3A_97 = arith.constant 0 : i32
      %dma_start3A_98 = tpu.memref_slice %arg4[%arg0, %mul3A_95, %dma_start3A_97] : memref<2x10240x128xf32, #tpu.memory_space<hbm>> -> memref<1x640x128xf32, #tpu.memory_space<hbm>>
      %dma_start3A_99 = tpu.memref_squeeze %dma_start3A_98 : memref<1x640x128xf32, #tpu.memory_space<hbm>> -> memref<640x128xf32, #tpu.memory_space<hbm>>
      %dma_start3A_100 = arith.constant 0 : i32
      %dma_start3A_101 = tpu.memref_slice %arg5[%mul3A_93, %dma_start3A_100] : memref<10240x128xf32, #tpu.memory_space<vmem_shared>> -> memref<640x128xf32, #tpu.memory_space<vmem_shared>>
      tpu.enqueue_dma source(%dma_start3A_101 : memref<640x128xf32, #tpu.memory_space<vmem_shared>>) target(%dma_start3A_99 : memref<640x128xf32, #tpu.memory_space<hbm>>) target_semaphore(%run_scoped3A_96 : memref<!tpu.dma_semaphore, #tpu.memory_space<semaphore_mem>>)
      %dma_wait3A_102 = arith.constant 0 : i32
      %dma_wait3A_103 = tpu.memref_slice %arg4[%arg0, %mul3A_95, %dma_wait3A_102] : memref<2x10240x128xf32, #tpu.memory_space<hbm>> -> memref<1x640x128xf32, #tpu.memory_space<hbm>>
      %dma_wait3A_104 = tpu.memref_squeeze %dma_wait3A_103 : memref<1x640x128xf32, #tpu.memory_space<hbm>> -> memref<640x128xf32, #tpu.memory_space<hbm>>
      %dma_wait3A_105 = arith.constant 0 : i32
      %dma_wait3A_106 = tpu.memref_slice %arg5[%mul3A_93, %dma_wait3A_105] : memref<10240x128xf32, #tpu.memory_space<vmem_shared>> -> memref<640x128xf32, #tpu.memory_space<vmem_shared>>
      tpu.wait_dma2 semaphore(%run_scoped3A_96 : memref<!tpu.dma_semaphore, #tpu.memory_space<semaphore_mem>>) src(%dma_wait3A_106 : memref<640x128xf32, #tpu.memory_space<vmem_shared>>) dst(%dma_wait3A_104 : memref<640x128xf32, #tpu.memory_space<hbm>>)
      tpu.yield
    }) : () -> ()
    return
  }
}

module attributes {stable_mosaic.version = 14 : i64} {
  func.func @tc_layer0(%arg0: i32, %arg1: memref<1000x128xf32, #tpu.memory_space<vmem>>, %arg2: memref<128x128xf32, #tpu.memory_space<vmem>>, %arg3: memref<1x128xf32, #tpu.memory_space<vmem>>, %arg4: memref<2x1000x1xf32, #tpu.memory_space<vmem>>, %arg5: memref<1000x128xf32, #tpu.memory_space<vmem>>) attributes {dimension_semantics = [#tpu.dimension_semantics<arbitrary>], iteration_bounds = array<i64: 10>, scalar_prefetch = 0 : i64, scratch_operands = 0 : i64, tpu.core_type = #tpu.core_type<tc>, window_params = [{transform_indices = @transform_0, window_bounds = array<i64: 1000, 128>}, {pipeline_mode = #tpu.pipeline_mode<synchronous>, transform_indices = @transform_1, window_bounds = array<i64: 128, 128>}, {pipeline_mode = #tpu.pipeline_mode<synchronous>, transform_indices = @transform_2, window_bounds = array<i64: 1, 128>}, {transform_indices = @transform_3, window_bounds = array<i64: 2, 1000, 1>}, {transform_indices = @transform_4, window_bounds = array<i64: 1000, 128>}]} {
    %get3A = arith.constant 0 : index
    %get3A_0 = arith.constant 0 : index
    %get3A_1 = arith.constant 0 : index
    %get3A_2 = vector.load %arg4[%get3A, %get3A_0, %get3A_1] : memref<2x1000x1xf32, #tpu.memory_space<vmem>>, vector<1x1000x1xf32>
    %get3A_3 = vector.shape_cast %get3A_2 : vector<1x1000x1xf32> to vector<1000x1xf32>
    %get3A_4 = arith.constant 1 : index
    %get3A_5 = arith.constant 0 : index
    %get3A_6 = arith.constant 0 : index
    %get3A_7 = vector.load %arg4[%get3A_4, %get3A_5, %get3A_6] : memref<2x1000x1xf32, #tpu.memory_space<vmem>>, vector<1x1000x1xf32>
    %get3A_8 = vector.shape_cast %get3A_7 : vector<1x1000x1xf32> to vector<1000x1xf32>
    %add3A = arith.addf %get3A_3, %get3A_8 : vector<1000x1xf32>
    %add3A_9 = arith.constant 1.000000e+00 : f32
    %add3A_10 = vector.broadcast %add3A_9 : f32 to vector<1000x1xf32>
    %add3A_11 = arith.addf %add3A, %add3A_10 : vector<1000x1xf32>
    %rsqrt3A = math.rsqrt %add3A_11 : vector<1000x1xf32>
    %get3A_12 = arith.constant 0 : index
    %get3A_13 = arith.constant 0 : index
    %get3A_14 = vector.load %arg1[%get3A_12, %get3A_13] : memref<1000x128xf32, #tpu.memory_space<vmem>>, vector<1000x128xf32>
    %get3A_15 = arith.constant 0 : index
    %get3A_16 = arith.constant 0 : index
    %get3A_17 = vector.load %arg2[%get3A_15, %get3A_16] : memref<128x128xf32, #tpu.memory_space<vmem>>, vector<128x128xf32>
    %dot_general3A = arith.constant dense<0.000000e+00> : vector<1000x128xf32>
    %dot_general3A_18 = tpu.matmul %get3A_14, %get3A_17, %dot_general3A {dimension_numbers = #tpu.dot_dimension_numbers<[1], [1], [0], [0], [0, 0, 1, 0], [], []>, transpose_lhs_hint = false} : vector<1000x128xf32>, vector<128x128xf32>, vector<1000x128xf32> -> vector<1000x128xf32>
    %get3A_19 = arith.constant 0 : index
    %get3A_20 = arith.constant 0 : index
    %get3A_21 = vector.load %arg3[%get3A_19, %get3A_20] : memref<1x128xf32, #tpu.memory_space<vmem>>, vector<1x128xf32>
    %add3A_22 = vector.broadcast %get3A_21 : vector<1x128xf32> to vector<1000x128xf32>
    %add3A_23 = arith.addf %dot_general3A_18, %add3A_22 : vector<1000x128xf32>
    %mul3A = vector.broadcast %rsqrt3A : vector<1000x1xf32> to vector<1000x128xf32>
    %mul3A_24 = arith.mulf %mul3A, %add3A_23 : vector<1000x128xf32>
    %swap3A = arith.constant 0 : index
    %swap3A_25 = arith.constant 0 : index
    %swap3A_26 = vector.load %arg5[%swap3A, %swap3A_25] : memref<1000x128xf32, #tpu.memory_space<vmem>>, vector<1000x128xf32>
    tpu.vector_store %arg5[%swap3A, %swap3A_25], %mul3A_24 {strides = array<i32>} : memref<1000x128xf32, #tpu.memory_space<vmem>>, vector<1000x128xf32>,
    return
  }
  func.func @transform_0(%arg0: i32) -> (i32, i32) {
    %c0_i32 = arith.constant 0 : i32
    %c0_i32_0 = arith.constant 0 : i32
    return %arg0, %c0_i32 : i32, i32
  }
  func.func @transform_1(%arg0: i32) -> (i32, i32) {
    %c0_i32 = arith.constant 0 : i32
    %c0_i32_0 = arith.constant 0 : i32
    %c0_i32_1 = arith.constant 0 : i32
    return %c0_i32, %c0_i32_0 : i32, i32
  }
  func.func @transform_2(%arg0: i32) -> (i32, i32) {
    %c0_i32 = arith.constant 0 : i32
    %c0_i32_0 = arith.constant 0 : i32
    %c0_i32_1 = arith.constant 0 : i32
    return %c0_i32, %c0_i32_0 : i32, i32
  }
  func.func @transform_3(%arg0: i32) -> (i32, i32, i32) {
    %c0_i32 = arith.constant 0 : i32
    %c0_i32_0 = arith.constant 0 : i32
    %c0_i32_1 = arith.constant 0 : i32
    return %c0_i32, %arg0, %c0_i32_0 : i32, i32, i32
  }
  func.func @transform_4(%arg0: i32) -> (i32, i32) {
    %c0_i32 = arith.constant 0 : i32
    %c0_i32_0 = arith.constant 0 : i32
    return %arg0, %c0_i32 : i32, i32
  }
}

module attributes {stable_mosaic.version = 14 : i64} {
  func.func @tc_mid_128(%arg0: i32, %arg1: memref<2x1000x128xf32, #tpu.memory_space<vmem>>, %arg2: memref<1000x128xf32, #tpu.memory_space<vmem>>, %arg3: memref<2x1000x1xf32, #tpu.memory_space<vmem>>, %arg4: memref<1x128xf32, #tpu.memory_space<vmem>>, %arg5: memref<1x128xf32, #tpu.memory_space<vmem>>, %arg6: memref<128x128xf32, #tpu.memory_space<vmem>>, %arg7: memref<1x128xf32, #tpu.memory_space<vmem>>, %arg8: memref<1000x128xf32, #tpu.memory_space<vmem>>) attributes {dimension_semantics = [#tpu.dimension_semantics<arbitrary>], iteration_bounds = array<i64: 10>, scalar_prefetch = 0 : i64, scratch_operands = 0 : i64, tpu.core_type = #tpu.core_type<tc>, window_params = [{transform_indices = @transform_0, window_bounds = array<i64: 2, 1000, 128>}, {transform_indices = @transform_1, window_bounds = array<i64: 1000, 128>}, {transform_indices = @transform_2, window_bounds = array<i64: 2, 1000, 1>}, {pipeline_mode = #tpu.pipeline_mode<synchronous>, transform_indices = @transform_3, window_bounds = array<i64: 1, 128>}, {pipeline_mode = #tpu.pipeline_mode<synchronous>, transform_indices = @transform_4, window_bounds = array<i64: 1, 128>}, {pipeline_mode = #tpu.pipeline_mode<synchronous>, transform_indices = @transform_5, window_bounds = array<i64: 128, 128>}, {pipeline_mode = #tpu.pipeline_mode<synchronous>, transform_indices = @transform_6, window_bounds = array<i64: 1, 128>}, {transform_indices = @transform_7, window_bounds = array<i64: 1000, 128>}]} {
    %get3A = arith.constant 0 : index
    %get3A_0 = arith.constant 0 : index
    %get3A_1 = arith.constant 0 : index
    %get3A_2 = vector.load %arg3[%get3A, %get3A_0, %get3A_1] : memref<2x1000x1xf32, #tpu.memory_space<vmem>>, vector<1x1000x1xf32>
    %get3A_3 = vector.shape_cast %get3A_2 : vector<1x1000x1xf32> to vector<1000x1xf32>
    %get3A_4 = arith.constant 1 : index
    %get3A_5 = arith.constant 0 : index
    %get3A_6 = arith.constant 0 : index
    %get3A_7 = vector.load %arg3[%get3A_4, %get3A_5, %get3A_6] : memref<2x1000x1xf32, #tpu.memory_space<vmem>>, vector<1x1000x1xf32>
    %get3A_8 = vector.shape_cast %get3A_7 : vector<1x1000x1xf32> to vector<1000x1xf32>
    %add3A = arith.addf %get3A_3, %get3A_8 : vector<1000x1xf32>
    %add3A_9 = arith.constant 1.000000e+00 : f32
    %add3A_10 = vector.broadcast %add3A_9 : f32 to vector<1000x1xf32>
    %add3A_11 = arith.addf %add3A, %add3A_10 : vector<1000x1xf32>
    %rsqrt3A = math.rsqrt %add3A_11 : vector<1000x1xf32>
    %get3A_12 = arith.constant 0 : index
    %get3A_13 = arith.constant 0 : index
    %get3A_14 = arith.constant 0 : index
    %get3A_15 = vector.load %arg1[%get3A_12, %get3A_13, %get3A_14] : memref<2x1000x128xf32, #tpu.memory_space<vmem>>, vector<1x1000x128xf32>
    %get3A_16 = vector.shape_cast %get3A_15 : vector<1x1000x128xf32> to vector<1000x128xf32>
    %get3A_17 = arith.constant 1 : index
    %get3A_18 = arith.constant 0 : index
    %get3A_19 = arith.constant 0 : index
    %get3A_20 = vector.load %arg1[%get3A_17, %get3A_18, %get3A_19] : memref<2x1000x128xf32, #tpu.memory_space<vmem>>, vector<1x1000x128xf32>
    %get3A_21 = vector.shape_cast %get3A_20 : vector<1x1000x128xf32> to vector<1000x128xf32>
    %add3A_22 = arith.addf %get3A_16, %get3A_21 : vector<1000x128xf32>
    %get3A_23 = arith.constant 0 : index
    %get3A_24 = arith.constant 0 : index
    %get3A_25 = vector.load %arg2[%get3A_23, %get3A_24] : memref<1000x128xf32, #tpu.memory_space<vmem>>, vector<1000x128xf32>
    %add3A_26 = arith.addf %add3A_22, %get3A_25 : vector<1000x128xf32>
    %mul3A = vector.broadcast %rsqrt3A : vector<1000x1xf32> to vector<1000x128xf32>
    %mul3A_27 = arith.mulf %mul3A, %add3A_26 : vector<1000x128xf32>
    %get3A_28 = arith.constant 0 : index
    %get3A_29 = arith.constant 0 : index
    %get3A_30 = vector.load %arg4[%get3A_28, %get3A_29] : memref<1x128xf32, #tpu.memory_space<vmem>>, vector<1x128xf32>
    %mul3A_31 = arith.constant 0.999994993 : f32
    %mul3A_32 = vector.broadcast %mul3A_31 : f32 to vector<1x128xf32>
    %mul3A_33 = arith.mulf %get3A_30, %mul3A_32 : vector<1x128xf32>
    %mul3A_34 = vector.broadcast %mul3A_33 : vector<1x128xf32> to vector<1000x128xf32>
    %mul3A_35 = arith.mulf %mul3A_27, %mul3A_34 : vector<1000x128xf32>
    %get3A_36 = arith.constant 0 : index
    %get3A_37 = arith.constant 0 : index
    %get3A_38 = vector.load %arg5[%get3A_36, %get3A_37] : memref<1x128xf32, #tpu.memory_space<vmem>>, vector<1x128xf32>
    %add3A_39 = vector.broadcast %get3A_38 : vector<1x128xf32> to vector<1000x128xf32>
    %add3A_40 = arith.addf %mul3A_35, %add3A_39 : vector<1000x128xf32>
    %max3A = arith.constant 0.000000e+00 : f32
    %max3A_41 = vector.broadcast %max3A : f32 to vector<1000x128xf32>
    %max3A_42 = arith.maximumf %add3A_40, %max3A_41 : vector<1000x128xf32>
    %get3A_43 = arith.constant 0 : index
    %get3A_44 = arith.constant 0 : index
    %get3A_45 = vector.load %arg6[%get3A_43, %get3A_44] : memref<128x128xf32, #tpu.memory_space<vmem>>, vector<128x128xf32>
    %dot_general3A = arith.constant dense<0.000000e+00> : vector<1000x128xf32>
    %dot_general3A_46 = tpu.matmul %max3A_42, %get3A_45, %dot_general3A {dimension_numbers = #tpu.dot_dimension_numbers<[1], [1], [0], [0], [0, 0, 1, 0], [], []>, transpose_lhs_hint = false} : vector<1000x128xf32>, vector<128x128xf32>, vector<1000x128xf32> -> vector<1000x128xf32>
    %get3A_47 = arith.constant 0 : index
    %get3A_48 = arith.constant 0 : index
    %get3A_49 = vector.load %arg7[%get3A_47, %get3A_48] : memref<1x128xf32, #tpu.memory_space<vmem>>, vector<1x128xf32>
    %add3A_50 = vector.broadcast %get3A_49 : vector<1x128xf32> to vector<1000x128xf32>
    %add3A_51 = arith.addf %dot_general3A_46, %add3A_50 : vector<1000x128xf32>
    %mul3A_52 = vector.broadcast %rsqrt3A : vector<1000x1xf32> to vector<1000x128xf32>
    %mul3A_53 = arith.mulf %mul3A_52, %add3A_51 : vector<1000x128xf32>
    %swap3A = arith.constant 0 : index
    %swap3A_54 = arith.constant 0 : index
    %swap3A_55 = vector.load %arg8[%swap3A, %swap3A_54] : memref<1000x128xf32, #tpu.memory_space<vmem>>, vector<1000x128xf32>
    tpu.vector_store %arg8[%swap3A, %swap3A_54], %mul3A_53 {strides = array<i32>} : memref<1000x128xf32, #tpu.memory_space<vmem>>, vector<1000x128xf32>,
    return
  }
  func.func @transform_0(%arg0: i32) -> (i32, i32, i32) {
    %c0_i32 = arith.constant 0 : i32
    %c0_i32_0 = arith.constant 0 : i32
    %c0_i32_1 = arith.constant 0 : i32
    return %c0_i32, %arg0, %c0_i32_0 : i32, i32, i32
  }
  func.func @transform_1(%arg0: i32) -> (i32, i32) {
    %c0_i32 = arith.constant 0 : i32
    %c0_i32_0 = arith.constant 0 : i32
    return %arg0, %c0_i32 : i32, i32
  }
  func.func @transform_2(%arg0: i32) -> (i32, i32, i32) {
    %c0_i32 = arith.constant 0 : i32
    %c0_i32_0 = arith.constant 0 : i32
    %c0_i32_1 = arith.constant 0 : i32
    return %c0_i32, %arg0, %c0_i32_0 : i32, i32, i32
  }
  func.func @transform_3(%arg0: i32) -> (i32, i32) {
    %c0_i32 = arith.constant 0 : i32
    %c0_i32_0 = arith.constant 0 : i32
    %c0_i32_1 = arith.constant 0 : i32
    return %c0_i32, %c0_i32_0 : i32, i32
  }
  func.func @transform_4(%arg0: i32) -> (i32, i32) {
    %c0_i32 = arith.constant 0 : i32
    %c0_i32_0 = arith.constant 0 : i32
    %c0_i32_1 = arith.constant 0 : i32
    return %c0_i32, %c0_i32_0 : i32, i32
  }
  func.func @transform_5(%arg0: i32) -> (i32, i32) {
    %c0_i32 = arith.constant 0 : i32
    %c0_i32_0 = arith.constant 0 : i32
    %c0_i32_1 = arith.constant 0 : i32
    return %c0_i32, %c0_i32_0 : i32, i32
  }
  func.func @transform_6(%arg0: i32) -> (i32, i32) {
    %c0_i32 = arith.constant 0 : i32
    %c0_i32_0 = arith.constant 0 : i32
    %c0_i32_1 = arith.constant 0 : i32
    return %c0_i32, %c0_i32_0 : i32, i32
  }
  func.func @transform_7(%arg0: i32) -> (i32, i32) {
    %c0_i32 = arith.constant 0 : i32
    %c0_i32_0 = arith.constant 0 : i32
    return %arg0, %c0_i32 : i32, i32
  }
}

module attributes {stable_mosaic.version = 14 : i64} {
  func.func @tc_final(%arg0: i32, %arg1: memref<2x1000x128xf32, #tpu.memory_space<vmem>>, %arg2: memref<1000x128xf32, #tpu.memory_space<vmem>>, %arg3: memref<2x1000x1xf32, #tpu.memory_space<vmem>>, %arg4: memref<1000x40xf32, #tpu.memory_space<vmem>>) attributes {dimension_semantics = [#tpu.dimension_semantics<arbitrary>], iteration_bounds = array<i64: 10>, scalar_prefetch = 0 : i64, scratch_operands = 0 : i64, tpu.core_type = #tpu.core_type<tc>, window_params = [{transform_indices = @transform_0, window_bounds = array<i64: 2, 1000, 128>}, {transform_indices = @transform_1, window_bounds = array<i64: 1000, 128>}, {transform_indices = @transform_2, window_bounds = array<i64: 2, 1000, 1>}, {transform_indices = @transform_3, window_bounds = array<i64: 1000, 40>}]} {
    %get3A = arith.constant 0 : index
    %get3A_0 = arith.constant 0 : index
    %get3A_1 = arith.constant 0 : index
    %get3A_2 = vector.load %arg3[%get3A, %get3A_0, %get3A_1] : memref<2x1000x1xf32, #tpu.memory_space<vmem>>, vector<1x1000x1xf32>
    %get3A_3 = vector.shape_cast %get3A_2 : vector<1x1000x1xf32> to vector<1000x1xf32>
    %get3A_4 = arith.constant 1 : index
    %get3A_5 = arith.constant 0 : index
    %get3A_6 = arith.constant 0 : index
    %get3A_7 = vector.load %arg3[%get3A_4, %get3A_5, %get3A_6] : memref<2x1000x1xf32, #tpu.memory_space<vmem>>, vector<1x1000x1xf32>
    %get3A_8 = vector.shape_cast %get3A_7 : vector<1x1000x1xf32> to vector<1000x1xf32>
    %add3A = arith.addf %get3A_3, %get3A_8 : vector<1000x1xf32>
    %add3A_9 = arith.constant 1.000000e+00 : f32
    %add3A_10 = vector.broadcast %add3A_9 : f32 to vector<1000x1xf32>
    %add3A_11 = arith.addf %add3A, %add3A_10 : vector<1000x1xf32>
    %rsqrt3A = math.rsqrt %add3A_11 : vector<1000x1xf32>
    %get3A_12 = arith.constant 0 : index
    %get3A_13 = arith.constant 0 : index
    %get3A_14 = arith.constant 0 : index
    %get3A_15 = vector.load %arg1[%get3A_12, %get3A_13, %get3A_14] : memref<2x1000x128xf32, #tpu.memory_space<vmem>>, vector<1x1000x128xf32>
    %get3A_16 = vector.shape_cast %get3A_15 : vector<1x1000x128xf32> to vector<1000x128xf32>
    %get3A_17 = arith.constant 1 : index
    %get3A_18 = arith.constant 0 : index
    %get3A_19 = arith.constant 0 : index
    %get3A_20 = vector.load %arg1[%get3A_17, %get3A_18, %get3A_19] : memref<2x1000x128xf32, #tpu.memory_space<vmem>>, vector<1x1000x128xf32>
    %get3A_21 = vector.shape_cast %get3A_20 : vector<1x1000x128xf32> to vector<1000x128xf32>
    %add3A_22 = arith.addf %get3A_16, %get3A_21 : vector<1000x128xf32>
    %get3A_23 = arith.constant 0 : index
    %get3A_24 = arith.constant 0 : index
    %get3A_25 = vector.load %arg2[%get3A_23, %get3A_24] : memref<1000x128xf32, #tpu.memory_space<vmem>>, vector<1000x128xf32>
    %add3A_26 = arith.addf %add3A_22, %get3A_25 : vector<1000x128xf32>
    %mul3A = vector.broadcast %rsqrt3A : vector<1000x1xf32> to vector<1000x128xf32>
    %mul3A_27 = arith.mulf %mul3A, %add3A_26 : vector<1000x128xf32>
    %iota3A = tpu.iota {dimensions = array<i32: 1>} : vector<1000x128xi32>
    %lt3A = arith.constant 40 : i32
    %lt3A_28 = vector.broadcast %lt3A : i32 to vector<1000x128xi32>
    %lt3A_29 = arith.cmpi slt, %iota3A, %lt3A_28 : vector<1000x128xi32>
    %jit3A = arith.constant 0xFF800000 : f32
    %broadcast_in_dim3A = vector.broadcast %jit3A : f32 to vector<1000x128xf32>
    %select_n3A = arith.select %lt3A_29, %mul3A_27, %broadcast_in_dim3A : vector<1000x128xi1>, vector<1000x128xf32>
    %reduce_max3A = arith.constant dense<0xFF800000> : vector<1000xf32>
    %reduce_max3A_30 = vector.multi_reduction <maximumf>, %select_n3A, %reduce_max3A [1] : vector<1000x128xf32> to vector<1000xf32>
    %broadcast_in_dim3A_31 = vector.shape_cast %reduce_max3A_30 : vector<1000xf32> to vector<1000x1xf32>
    %sub3A = vector.broadcast %broadcast_in_dim3A_31 : vector<1000x1xf32> to vector<1000x128xf32>
    %sub3A_32 = arith.subf %select_n3A, %sub3A : vector<1000x128xf32>
    %exp3A = math.exp %sub3A_32 : vector<1000x128xf32>
    %reduce_sum3A = arith.constant dense<0.000000e+00> : vector<1000xf32>
    %reduce_sum3A_33 = vector.multi_reduction <add>, %exp3A, %reduce_sum3A [1] : vector<1000x128xf32> to vector<1000xf32>
    %broadcast_in_dim3A_34 = vector.shape_cast %reduce_sum3A_33 : vector<1000xf32> to vector<1000x1xf32>
    %log3A = math.log %broadcast_in_dim3A_34 : vector<1000x1xf32>
    %add3A_35 = arith.addf %log3A, %broadcast_in_dim3A_31 : vector<1000x1xf32>
    %sub3A_36 = vector.broadcast %add3A_35 : vector<1000x1xf32> to vector<1000x128xf32>
    %sub3A_37 = arith.subf %select_n3A, %sub3A_36 : vector<1000x128xf32>
    %slice3A = vector.extract_strided_slice %sub3A_37 {offsets = [0, 0], sizes = [1000, 40], strides = [1, 1]} : vector<1000x128xf32> to vector<1000x40xf32>
    %swap3A = arith.constant 0 : index
    %swap3A_38 = arith.constant 0 : index
    %swap3A_39 = vector.load %arg4[%swap3A, %swap3A_38] : memref<1000x40xf32, #tpu.memory_space<vmem>>, vector<1000x40xf32>
    tpu.vector_store %arg4[%swap3A, %swap3A_38], %slice3A {strides = array<i32>} : memref<1000x40xf32, #tpu.memory_space<vmem>>, vector<1000x40xf32>,
    return
  }
  func.func @transform_0(%arg0: i32) -> (i32, i32, i32) {
    %c0_i32 = arith.constant 0 : i32
    %c0_i32_0 = arith.constant 0 : i32
    %c0_i32_1 = arith.constant 0 : i32
    return %c0_i32, %arg0, %c0_i32_0 : i32, i32, i32
  }
  func.func @transform_1(%arg0: i32) -> (i32, i32) {
    %c0_i32 = arith.constant 0 : i32
    %c0_i32_0 = arith.constant 0 : i32
    return %arg0, %c0_i32 : i32, i32
  }
  func.func @transform_2(%arg0: i32) -> (i32, i32, i32) {
    %c0_i32 = arith.constant 0 : i32
    %c0_i32_0 = arith.constant 0 : i32
    %c0_i32_1 = arith.constant 0 : i32
    return %c0_i32, %arg0, %c0_i32_0 : i32, i32, i32
  }
  func.func @transform_3(%arg0: i32) -> (i32, i32) {
    %c0_i32 = arith.constant 0 : i32
    %c0_i32_0 = arith.constant 0 : i32
    return %arg0, %c0_i32 : i32, i32
  }
}

</mosaic_0001>

<sc_bundles>
// kernel: sc_degree.3.cloned.1.call-start
scs
__scs_entry_jumppad:
0x0: {  	(pc) =	sbr.rel $0x88, $3  }
0x1: {  	(tag) =	ssettag $0x0;
	lr =	simm.s32 $0x1  }
0x2: {  	[smem:$0x3F95] =	sst lr;
	_ =	strace $0xD0000000  }
0x3: {  	_ = 	snop  }
0x4: {  	_ = 	snop  }
0x5: {  	_ = 	snop  }
0x6: {  	_ = 	snop  }
0x7: {  	_ = 	snop  }
__scs_overlays_trampoline_lowered:
0x8: {  	[smem:$0x3FA4] =	sst s0  }
0x9: {  	[smem:$0x3FA5] =	sst s1  }
0xa: {  	[smem:$0x3FA6] =	sst s2  }
0xb: {  	[smem:$0x3FA7] =	sst s3  }
0xc: {  	[smem:$0x3FA8] =	sst s4  }
0xd: {  	[smem:$0x3FA9] =	sst s5  }
0xe: {  	[smem:$0x3FAA] =	sst s6  }
0xf: {  	[smem:$0x3FAB] =	sst s7  }
0x10: {  	[smem:$0x3FAC] =	sst s8  }
0x11: {  	[smem:$0x3FAD] =	sst s9;
	s0 =	simm.s32 @!p0 $0x0  }
0x12: {  	s1 =	sld [smem:$0x3F93];
	s0 =	simm.s32 @p0 $0x1  }
0x13: {  	[smem:$0x3FAE] =	sst s0;
	s0 =	simm.s32 @!p1 $0x0  }
0x14: {  	s2 =	sld [smem:$0x3F92];
	s0 =	simm.s32 @p1 $0x1  }
0x15: {  	[smem:$0x3FAF] =	sst s0;
	s0 =	simm.s32 @!p2 $0x0  }
0x16: {  	s3 =	sld [smem:$0x3FDB];
	s0 =	simm.s32 @p2 $0x1  }
0x17: {  	s4 =	simm.s32 $0x1BF5;
	[smem:$0x3FB1] =	sst s0  }
0x18: {  	s0 =	sld [smem:$0x3F94];
	_ =	swait.ge [sflag:s4], $0x0  }
0x19: {  	s7 =	sld [smem:$0x3F95]  }
0x1a: {  	s8 =	sadd.s32 $0xFFFFE003, lr  }
0x1b: {  	s9 =	sadd.s32 $0xFFFFFEF7, lr;
	s5 =	simm.s32 $0xFFFFFFFF;
	p2 =	slt.u32 s8, $0xFFFFF086  }
0x1c: {  	p1 =	slt.u32 s9, $0xF7A;
	s5 =	simm.s32 @!p2 $0x0  }
0x1d: {  	s5 =	simm.s32 @p1 $0x1;
	p0 =	seq.s32 s7, s2  }
0x1e: {  	s7 =	smul.u32 @!p0 $0xF7A, s2;
	p2 =	seq.s32 @!p0 s5, $0x0  }
0x1f: {  	s9 =	smul.u32 $0xF7A, s1;
	s8 =	simm.s32 @!p0 $0x1BF5;
	p2 =	por !p2, p0  }
0x20: {  	[sflag:s8] =	ssyncset.s32 @!p0 $0xFFFFF086;
	s6 =	sadd.s32 @!p0 s3, s7;
	s7 =	simm.s32 @!p0 $0x108  }
0x21: {  	s3 =	sadd.s32 s3, s9;
	s6 =	sadd.s32 @!p0 $0x88, s6;
	s7 =	simm.s32 @p2 $0x1082  }
0x22: {  	[simem:s7], [sflag:s8] =	dma.local @!p0 [hbm:s6], $0xF7A  }
0x23: {  	s9 =	sor.u32 $0xD0000000, s2;
	s6 =	simm.s32 $0x108;
	_ =	swait.ge @!p0 [sflag:s8], $0x0  }
0x24: {  	s3 =	sadd.s32 $0x88, s3;
	s6 =	simm.s32 @!p1 $0x1082;
	[sflag:s4] =	ssyncset.s32 $0xFFFFF086  }
0x25: {  	[simem:s6], [sflag:s4] =	dma.local [hbm:s3], $0xF7A  }
0x26: {  	[smem:$0x3F95] =	sst s1;
	(tag) =	ssettag s2;
	_ =	strace s9  }
0x27: {  	s1 =	sld [smem:$0x3FA5]  }
0x28: {  	s2 =	sld [smem:$0x3FA6]  }
0x29: {  	s4 =	sld [smem:$0x3FA8]  }
0x2a: {  	p0 =	seq.s32 s5, $0x0;
	s5 =	sld [smem:$0x3FA9]  }
0x2b: {  	s6 =	sld [smem:$0x3FAA]  }
0x2c: {  	s7 =	sld [smem:$0x3FAB]  }
0x2d: {  	s3 =	simm.s32 $0x108;
	s8 =	sld [smem:$0x3FAC]  }
0x2e: {  	s3 =	simm.s32 @!p0 $0x1082;
	s9 =	sld [smem:$0x3FAD]  }
0x2f: {  	lr =	sadd.s32 s0, s3;
	s0 =	sld [smem:$0x3FA4]  }
0x30: {  	s3 =	sld [smem:$0x3FA7]  }
0x31: {  	[smem:$0x3FB0] =	sst s10  }
0x32: {  	s10 =	sld [smem:$0x3FAE];
	_ =	sdelay $0x3  }
0x33: {  	p0 =	seq.s32 s10, $0x1;
	s10 =	sld [smem:$0x3FB0];
	_ =	sdelay $0x3  }
0x34: {  	[smem:$0x3FB0] =	sst s10  }
0x35: {  	s10 =	sld [smem:$0x3FAF];
	_ =	sdelay $0x3  }
0x36: {  	p1 =	seq.s32 s10, $0x1;
	s10 =	sld [smem:$0x3FB0];
	_ =	sdelay $0x3  }
0x37: {  	[smem:$0x3FB0] =	sst s10  }
0x38: {  	s10 =	sld [smem:$0x3FB1]  }
0x39: {  	_ = 	snop;
	(pc) =	sbr.ind lr, $3  }
0x3a: {  	_ = 	snop  }
0x3b: {  	_ = 	snop  }
0x3c: {  	p2 =	seq.s32 s10, $0x1;
	s10 =	sld [smem:$0x3FB0]  }
0x3d: {  	_ =	shalt  }
0x3e: {  	_ =	shalt  }
0x3f: {  	_ =	shalt  }
0x40: {  	_ =	shalt  }
0x41: {  	_ =	shalt  }
0x42: {  	_ =	shalt  }
0x43: {  	_ =	shalt  }
0x44: {  	_ =	shalt  }
0x45: {  	_ =	shalt  }
0x46: {  	_ =	shalt  }
0x47: {  	_ =	shalt  }
0x48: {  	_ =	shalt  }
0x49: {  	_ =	shalt  }
0x4a: {  	_ =	shalt  }
0x4b: {  	_ =	shalt  }
0x4c: {  	_ =	shalt  }
0x4d: {  	_ =	shalt  }
0x4e: {  	_ =	shalt  }
0x4f: {  	_ =	shalt  }
0x50: {  	_ =	shalt  }
0x51: {  	_ =	shalt  }
0x52: {  	_ =	shalt  }
0x53: {  	_ =	shalt  }
0x54: {  	_ =	shalt  }
0x55: {  	_ =	shalt  }
0x56: {  	_ =	shalt  }
0x57: {  	_ =	shalt  }
0x58: {  	_ =	shalt  }
0x59: {  	_ =	shalt  }
0x5a: {  	_ =	shalt  }
0x5b: {  	_ =	shalt  }
0x5c: {  	_ =	shalt  }
0x5d: {  	_ =	shalt  }
0x5e: {  	_ =	shalt  }
0x5f: {  	_ =	shalt  }
0x60: {  	_ =	shalt  }
0x61: {  	_ =	shalt  }
0x62: {  	_ =	shalt  }
0x63: {  	_ =	shalt  }
0x64: {  	_ =	shalt  }
0x65: {  	_ =	shalt  }
0x66: {  	_ =	shalt  }
0x67: {  	_ =	shalt  }
0x68: {  	_ =	shalt  }
0x69: {  	_ =	shalt  }
0x6a: {  	_ =	shalt  }
0x6b: {  	_ =	shalt  }
0x6c: {  	_ =	shalt  }
0x6d: {  	_ =	shalt  }
0x6e: {  	_ =	shalt  }
0x6f: {  	_ =	shalt  }
0x70: {  	_ =	shalt  }
0x71: {  	_ =	shalt  }
0x72: {  	_ =	shalt  }
0x73: {  	_ =	shalt  }
0x74: {  	_ =	shalt  }
0x75: {  	_ =	shalt  }
0x76: {  	_ =	shalt  }
0x77: {  	_ =	shalt  }
0x78: {  	_ =	shalt  }
0x79: {  	_ =	shalt  }
0x7a: {  	_ =	shalt  }
0x7b: {  	_ =	shalt  }
0x7c: {  	_ =	shalt  }
0x7d: {  	_ =	shalt  }
0x7e: {  	_ =	shalt  }
0x7f: {  	_ =	shalt  }
0x80: {  	_ =	shalt  }
0x81: {  	_ =	shalt  }
0x82: {  	_ =	shalt  }
0x83: {  	_ =	shalt  }
0x84: {  	_ =	shalt  }
0x85: {  	_ =	shalt  }
0x86: {  	_ =	shalt  }
0x87: {  	_ =	shalt  }
.Lfunc_end0:
.L_simem_size_0:
called_computation_lowered:
.L_overlay_start_0:
0x88: {  	s2 =	sld [smem:$0x3FD9]  }
0x89: {  	s3 =	sld [smem:$0x3FFE];
	_ =	sdelay $0x1  }
0x8a: {  	s1 =	srdreg.scid  }
0x8b: {  	s0 =	sand.u32 $0x1, s1  }
0x8c: {  	s17 =	sshll.u32 s0, $0xA;
	s2 =	sadd.s32 s3, s2  }
0x8d: {  	s2 =	sadd.s32 s2, s17  }
0x8e: {  	[smem:$0x3FBC] =	sst s2  }
0x8f: {  	_ = 	snop  }
0x90: {  	s2 =	sld [smem:$0x3FD0];
	(tm) =	ssettm $0x1  }
0x91: {  	s18 =	sld [smem:$0x3FFB];
	_ =	sdelay $0x3  }
0x92: {  	_ =	strace s18  }
0x93: {  	s3 =	sld [smem:$0x3FFC];
	_ =	sdelay $0x3  }
0x94: {  	_ =	strace s3  }
0x95: {  	s3 =	sld [smem:$0x3FFD];
	_ =	sdelay $0x3  }
0x96: {  	_ =	strace s3  }
0x97: {  	_ =	strace $0x8FFFFFFF  }
0x98: {  	s19 =	sld [smem:$0x3FDB];
	_ =	sdelay $0x1  }
0x99: {  	s4 =	simm.s32 $_scs_section_size  }
0x9a: {  	s5 =	simm.s32 $_size__tile_overlayer_lowered;
	s6 =	simm.s32 $_tile_overlayer_lowered  }
0x9b: {  	s22 =	simm.s32 $0x1BFF;
	s21 =	sshll.u32 s6, $0x1;
	s3 =	sadd.s32 s4, s19  }
0x9c: {  	s7 =	simm.s32 $0x0;
	s20 =	sshll.u32 s5, $0x1;
	s5 =	sadd.s32 s21, s3  }
0x9d: {  	[timem:s7], [sflag:s22] =	dma.local [hbm:s5], s20  }
0x9e: {  	_ =	swait.ge [sflag:s22], s20  }
0x9f: {  	s4 =	ssub.s32 $0x0, s20;
	[sflag:s22] =	ssyncset.done $0x0  }
0xa0: {  	[sflag:s22] =	ssyncadd.s32 s4;
	_ =	sdelay $0x1  }
0xa1: {  	s23 =	simm.s32 $0x1B8B  }
0xa2: {  	_ =	swait.ge [sflag:s23], $0x1  }
0xa3: {  	[sflag:s23] =	ssyncset.done $0x0  }
0xa4: {  	s25 =	simm.s32 $0x1B8E;
	s24 =	sld [smem:$0x3FFE];
	[sflag:s23] =	ssyncadd.s32 $0xFFFFFFFF  }
0xa5: {  	s26 =	simm.s32 $execute0_lowered;
	[smem:$0x3FD2] =	sst s25  }
0xa6: {  	s5 =	sshll.u32 s26, $0x1;
	_ =	strace $0x80000046;
	[dreg:$0x1] =	wrdreg $0xFFFFFFFF  }
0xa7: {  	s28 =	simm.s32 $_size_execute0_lowered;
	s3 =	sadd.s32 s3, s5;
	[dreg:$0x0] =	wrdreg $0x0  }
0xa8: {  	s5 =	sshll.u32 s28, $0x1;
	[dreg:$0x2] =	wrdreg s3  }
0xa9: {  	[dreg:$0x3] =	wrdreg s5  }
0xaa: {  	[dreg:$0x4] =	wrdreg $0xC0  }
0xab: {  	_ =	task [dreg:s7], $0x5FFFF  }
0xac: {  	[dreg:$0x1] =	wrdreg $0xFFFFFFFF  }
0xad: {  	[dreg:$0x0] =	wrdreg $0x60  }
0xae: {  	[dreg:$0x2] =	wrdreg s24  }
0xaf: {  	[dreg:$0x3] =	wrdreg s2  }
0xb0: {  	[dreg:$0x4] =	wrdreg $0x0  }
0xb1: {  	[dreg:$0x5] =	wrdreg $0x9  }
0xb2: {  	_ =	task.clear_ibuf [dreg:s7], $0x6FFFF;
	_ =	strace $0x90000046  }
0xb3: {  	s29 =	simm.s32 $0x9;
	_ =	strace $0x80000048  }
0xb4: {  	_ =	swait.ge [sflag:s29], $0x1  }
0xb5: {  	[sflag:s29] =	ssyncadd.s32 $0xFFFFFFFF  }
0xb6: {  	_ =	strace $0x90000048  }
0xb7: {  	_ =	sfence  }
0xb8: {  	s30 =	sld [smem:$0x0];
	_ =	sdelay $0x2  }
0xb9: {  	s31 =	sshll.u32 s1, $0xD;
	s1 =	sshrl.u32 s1, $0x2  }
0xba: {  	s3 =	sand.u32 $0x4000, s31;
	s1 =	sadd.s32 s1, s30  }
0xbb: {  	s0 =	sor.u32 s3, s0;
	s1 =	sshll.u32 s1, $0x11  }
0xbc: {  	s0 =	sor.u32 s1, s0  }
0xbd: {  	s0 =	sadd.s32 $0x8F2B, s0  }
0xbe: {  	[sflag:s0] =	ssyncadd.remote.s32 $0x1  }
0xbf: {  	_ =	sfence.sel $0xFFFF  }
0xc0: {  	[dreg:$0x0] =	wrdreg $0xFFFFFFFF;
	(pc) =	sbr.abs _section_cstart, $3  }
0xc1: {  	[dreg:$0x1] =	wrdreg $0xFFFFFFFF  }
0xc2: {  	_ =	task.clear_ibuf [dreg:s7], $0x2FFFF;
	_ =	strace $0x9FFFFFFF  }
0xc3: {  	(tm) =	ssettm $0x7FFFFFFF  }
tec
execute0_lowered:
.L_overlay_start_1:
0x0: {  	(tag) =	ssettag $0x1  }
0x1: {  	s5 =	rddreg [dreg:$0x0]  }
0x2: {  	s6 =	rddreg [dreg:$0x1]  }
0x3: {  	s0 =	srdreg.scid;
	s2 =	rddreg [dreg:$0x2]  }
0x4: {  	s3 =	simm.s32 $0x0;
	s11 =	simm.s32 $0x400;
	s12 =	simm.s32 $0x280  }
0x5: {  	s13 =	simm.s32 $0x2A00;
	s14 =	simm.s32 $0x10;
	s15 =	simm.s32 $0x2980  }
0x6: {  	s16 =	simm.s32 $0x2A80;
	s19 =	simm.s32 $0x20;
	s4 =	sand.u32 $0x1, s0  }
0x7: {  	s0 =	stileid.u32;
	[smem:$0x7FF] =	sst s3;
	s1 =	sshll.u32 s4, $0x4  }
0x8: {  	s8 =	sshll.u32 s0, $0x7;
	s28 =	smul.u32 $0xA00, s0;
	s9 =	ssub.s32 $0x2, s4  }
0x9: {  	s10 =	smul.u32 $0x500, s0;
	s4 =	sshll.u32 s4, $0x7;
	s1 =	sor.u32 s0, s1  }
0xa: {  	s17 =	sshll.u32 s0, $0x6;
	s8 =	sand.u32 $0x380, s8;
	s1 =	sshrl.u32 s1, $0x3  }
0xb: {  	s29 =	sshrl.u32 s9, $0x1;
	s17 =	sor.u32 $0x1C01, s17;
	s7 =	smul.u32 $0x13C00, s1  }
0xc: {  	s30 =	sor.u32 s4, s10;
	s10 =	simm.s32 $0x80;
	s1 =	rddreg [dreg:$0x3]  }
0xd: {  	_ =	strace $0x80000047;
	s31 =	sshrl.u32 s30, $0x3;
	s7 =	sor.u32 s8, s7  }
0xe: {  	s6 =	sadd.s32 s6, s31;
	s8 =	sshrl.u32 s28, $0x2;
	s7 =	sadd.s32 $0x4F000, s7  }
0xf: {  	s4 =	sadd.s32 s8, s2;
	s8 =	simm.s32 $0x2B00;
	s7 =	sshrl.u32 s7, $0x3  }
0x10: {  	s18 =	sshrl.u32 s4, $0x3;
	s5 =	sadd.s32 s7, s5;
	s7 =	ssub.s32 s9, s29  }
0x11: {  	v0 =	vimm.f32 $0.0e+00;
	v1 =	vimm.f32 $1.000000000e+00;
	s9 =	simm.s32 $0x1;
	s5 =	sadd.s32 $0x4000, s5;
	s7 =	smax.u32 s7, $0x1  }
.LBB2_1:
0x12: {  	[tilespmem:$0x2B00] =	vst v0  }
0x13: {  	[tilespmem:$0x2B10] =	vst v0  }
0x14: {  	[tilespmem:$0x2B20] =	vst v0  }
0x15: {  	[tilespmem:$0x2B30] =	vst v0  }
0x16: {  	[tilespmem:$0x2B40] =	vst v0  }
0x17: {  	[tilespmem:$0x2B50] =	vst v0  }
0x18: {  	[tilespmem:$0x2B60] =	vst v0  }
0x19: {  	[tilespmem:$0x2B70] =	vst v0  }
0x1a: {  	[tilespmem:$0x2B80] =	vst v0  }
0x1b: {  	[tilespmem:$0x2B90] =	vst v0  }
0x1c: {  	[tilespmem:$0x2BA0] =	vst v0  }
0x1d: {  	[tilespmem:$0x2BB0] =	vst v0  }
0x1e: {  	[tilespmem:$0x2BC0] =	vst v0  }
0x1f: {  	[tilespmem:$0x2BD0] =	vst v0  }
0x20: {  	[tilespmem:$0x2BE0] =	vst v0  }
0x21: {  	[tilespmem:$0x2BF0] =	vst v0  }
0x22: {  	[tilespmem:$0x2C00] =	vst v0  }
0x23: {  	[tilespmem:$0x2C10] =	vst v0  }
0x24: {  	[tilespmem:$0x2C20] =	vst v0  }
0x25: {  	[tilespmem:$0x2C30] =	vst v0  }
0x26: {  	[tilespmem:$0x2C40] =	vst v0  }
0x27: {  	[tilespmem:$0x2C50] =	vst v0  }
0x28: {  	[tilespmem:$0x2C60] =	vst v0  }
0x29: {  	[tilespmem:$0x2C70] =	vst v0  }
0x2a: {  	[tilespmem:$0x2C80] =	vst v0  }
0x2b: {  	[tilespmem:$0x2C90] =	vst v0  }
0x2c: {  	[tilespmem:$0x2CA0] =	vst v0  }
0x2d: {  	[tilespmem:$0x2CB0] =	vst v0  }
0x2e: {  	[tilespmem:$0x2CC0] =	vst v0  }
0x2f: {  	[tilespmem:$0x2CD0] =	vst v0  }
0x30: {  	[tilespmem:$0x2CE0] =	vst v0  }
0x31: {  	[tilespmem:$0x2CF0] =	vst v0  }
0x32: {  	[tilespmem:$0x2D00] =	vst v0  }
0x33: {  	[tilespmem:$0x2D10] =	vst v0  }
0x34: {  	[tilespmem:$0x2D20] =	vst v0  }
0x35: {  	[tilespmem:$0x2D30] =	vst v0  }
0x36: {  	[tilespmem:$0x2D40] =	vst v0  }
0x37: {  	[tilespmem:$0x2D50] =	vst v0  }
0x38: {  	[tilespmem:$0x2D60] =	vst v0  }
0x39: {  	[tilespmem:$0x2D70] =	vst v0  }
0x3a: {  	[tilespmem:$0x2A00] =	vst v1  }
0x3b: {  	[tilespmem:$0x2A10] =	vst v1  }
0x3c: {  	[tilespmem:$0x2A20] =	vst v1  }
0x3d: {  	[tilespmem:$0x2A30] =	vst v1  }
0x3e: {  	[tilespmem:$0x2A40] =	vst v1  }
0x3f: {  	[tilespmem:$0x2A50] =	vst v1  }
0x40: {  	[tilespmem:$0x2A60] =	vst v1  }
0x41: {  	[tilespmem:$0x2A70] =	vst v1  }
0x42: {  	[tilespmem:$0x2A80] =	vst v1  }
0x43: {  	[spmem:s4] =	stream.linear.scatter [tilespmem:s8], [sflag:$0x1], $0x280, $0x38;
	[tilespmem:$0x2D80] =	vst v63  }
0x44: {  	_ =	swait.ge [sflag:s9], $0x280  }
0x45: {  	[sflag:s9] =	ssyncset.done $0x0  }
0x46: {  	[sflag:s9] =	ssyncadd.s32 $0xFFFFFD80  }
0x47: {  	[bflag:$0x0] =	sbarrier.arrive $0xFFFF  }
0x48: {  	[tilespmem:s12], [sflag:$0x1] =	stream.strided.gather [hbm4b:s5+s10], $0x2780, s11, s10, $0x38;
	[tilespmem:$0x2D80] =	vst v63  }
0x49: {  	_ =	swait.ge [sflag:s9], $0x2780  }
0x4a: {  	[sflag:s9] =	ssyncset.done $0x0  }
0x4b: {  	s20 =	simm.s32 $0x280;
	[sflag:s9] =	ssyncadd.s32 $0xFFFFD880  }
0x4c: {  	[spmem:s2] =	stream.indirect.scatter.add.f32 [tilespmem:s13], [sflag:$0x1], $0x1, s20, s10, $0xb8;
	[tilespmem:$0x2D80] =	vst v63  }
0x4d: {  	s20 =	simm.s32 $0x200;
	_ =	swait.ge [sflag:s9], $0x80  }
.LBB2_2:
0x4e: {  	s21 =	sshra.s32 s20, $0x2;
	[sflag:s9] =	ssyncset.done $0x0;
	p0 =	sne.s32 s20, $0x9A00  }
.Ltmp0:
0x4f: {  	s21 =	sadd.s32 $0x280, s21;
	[sflag:s9] =	ssyncadd.s32 $0xFFFFFF80;
	(pc) =	sbr.rel @p0 .LBB2_2-.Ltmp0, $3  }
0x50: {  	[spmem:s2] =	stream.indirect.scatter.add.f32 [tilespmem:s13], [sflag:$0x1], $0x1, s21, s10, $0xb8;
	[tilespmem:$0x2D80] =	vst v63  }
0x51: {  	s20 =	sadd.s32 $0x200, s20;
	_ =	sdelay $0x1  }
0x52: {  	_ =	swait.ge [sflag:s9], $0x80  }
0x53: {  	[sflag:s9] =	ssyncset.done $0x0  }
0x54: {  	[sflag:s9] =	ssyncadd.s32 $0xFFFFFF80  }
0x55: {  	[spmem:s2] =	stream.indirect.scatter.add.f32 [tilespmem:s16], [sflag:$0x1], $0x1, s15, s14, $0xb8;
	[tilespmem:$0x2D80] =	vst v63  }
0x56: {  	_ =	swait.ge [sflag:s9], $0x10  }
0x57: {  	s3 =	sadd.s32 $0x1, s3;
	[sflag:s9] =	ssyncset.done $0x0  }
0x58: {  	p0 =	sne.s32 s3, s7;
	[sflag:s9] =	ssyncadd.s32 $0xFFFFFFF0  }
.Ltmp1:
0x59: {  	[bflag:$0x0] =	sbarrier.arrive $0xFFFF;
	(pc) =	sbr.rel @p0 .LBB2_1-.Ltmp1, $4  }
0x5a: {  	[hbm:s6@s19], [sflag:s17] =	dma.strided [spmem:s18@s14], $0x50, s9, $0x10   }
0x5b: {  	_ =	swait.ge [sflag:s9], $0x50  }
0x5c: {  	[sflag:s9] =	ssyncset.done $0x0  }
0x5d: {  	[sflag:s9] =	ssyncadd.s32 $0xFFFFFFB0  }
0x5e: {  	_ =	sfence.sel $0x180000  }
0x5f: {  	[bflag:$0x0] =	sbarrier.arrive $0xFFFF  }
0x60: {  	p0 =	sne.s32 s0, $0x0;
	_ =	strace $0x90000047  }
0x61: {  	s0 =	sadd.s32 @!p0 $0x100000, s1;
	[bflag:$0x2] =	sbarrier.arrive $0xFFFF  }
0x62: {  	[sflag:s0] =	ssyncadd.tile.s32 @!p0 $0x1;
	_ =	shalt  }
.Lfunc_end2:
_tile_overlayer_lowered:
.L_overlay_start_2:
0x63: {  	(tag) =	ssettag $0x2  }
0x64: {  	s0 =	rddreg [dreg:$0x0];
	s2 =	stileid.u32  }
0x65: {  	s1 =	rddreg [dreg:$0x1];
	p0 =	sne.s32 s2, $0x0  }
0x66: {  	s3 =	rddreg [dreg:$0x2];
	[bflag:$0x3] =	sbarrier.arrive $0xFFFF;
	s2 =	simm.s32 @!p0 $0x1C01  }
0x67: {  	[timem:s3], [sflag:s2] =	dma.local @!p0 [hbm:s0], s1  }
0x68: {  	s0 =	simm.s32 @!p0 $0x1  }
0x69: {  	_ =	swait.ge @!p0 [sflag:s0], s1  }
0x6a: {  	s1 =	ssub.s32 @!p0 $0x0, s1;
	[sflag:s0] =	ssyncset.done @!p0 $0x0  }
0x6b: {  	[sflag:s0] =	ssyncadd.s32 @!p0 s1  }
0x6c: {  	[bflag:$0x3] =	sbarrier.arrive $0xFFFF  }
0x6d: {  	_ =	shalt  }

// kernel: sc_propagate_128.11.cloned.1.call-start
scs
__scs_entry_jumppad:
0x0: {  	(pc) =	sbr.rel $0x88, $3  }
0x1: {  	(tag) =	ssettag $0x0;
	lr =	simm.s32 $0x1  }
0x2: {  	[smem:$0x3F95] =	sst lr;
	_ =	strace $0xD0000000  }
0x3: {  	_ = 	snop  }
0x4: {  	_ = 	snop  }
0x5: {  	_ = 	snop  }
0x6: {  	_ = 	snop  }
0x7: {  	_ = 	snop  }
__scs_overlays_trampoline_lowered:
0x8: {  	[smem:$0x3FA4] =	sst s0  }
0x9: {  	[smem:$0x3FA5] =	sst s1  }
0xa: {  	[smem:$0x3FA6] =	sst s2  }
0xb: {  	[smem:$0x3FA7] =	sst s3  }
0xc: {  	[smem:$0x3FA8] =	sst s4  }
0xd: {  	[smem:$0x3FA9] =	sst s5  }
0xe: {  	[smem:$0x3FAA] =	sst s6  }
0xf: {  	[smem:$0x3FAB] =	sst s7  }
0x10: {  	[smem:$0x3FAC] =	sst s8  }
0x11: {  	[smem:$0x3FAD] =	sst s9;
	s0 =	simm.s32 @!p0 $0x0  }
0x12: {  	s1 =	sld [smem:$0x3F93];
	s0 =	simm.s32 @p0 $0x1  }
0x13: {  	[smem:$0x3FAE] =	sst s0;
	s0 =	simm.s32 @!p1 $0x0  }
0x14: {  	s2 =	sld [smem:$0x3F92];
	s0 =	simm.s32 @p1 $0x1  }
0x15: {  	[smem:$0x3FAF] =	sst s0;
	s0 =	simm.s32 @!p2 $0x0  }
0x16: {  	s3 =	sld [smem:$0x3FDB];
	s0 =	simm.s32 @p2 $0x1  }
0x17: {  	s4 =	simm.s32 $0x1BF5;
	[smem:$0x3FB1] =	sst s0  }
0x18: {  	s0 =	sld [smem:$0x3F94];
	_ =	swait.ge [sflag:s4], $0x0  }
0x19: {  	s7 =	sld [smem:$0x3F95]  }
0x1a: {  	s8 =	sadd.s32 $0xFFFFE003, lr  }
0x1b: {  	s9 =	sadd.s32 $0xFFFFFEF7, lr;
	s5 =	simm.s32 $0xFFFFFFFF;
	p2 =	slt.u32 s8, $0xFFFFF086  }
0x1c: {  	p1 =	slt.u32 s9, $0xF7A;
	s5 =	simm.s32 @!p2 $0x0  }
0x1d: {  	s5 =	simm.s32 @p1 $0x1;
	p0 =	seq.s32 s7, s2  }
0x1e: {  	s7 =	smul.u32 @!p0 $0xF7A, s2;
	p2 =	seq.s32 @!p0 s5, $0x0  }
0x1f: {  	s9 =	smul.u32 $0xF7A, s1;
	s8 =	simm.s32 @!p0 $0x1BF5;
	p2 =	por !p2, p0  }
0x20: {  	[sflag:s8] =	ssyncset.s32 @!p0 $0xFFFFF086;
	s6 =	sadd.s32 @!p0 s3, s7;
	s7 =	simm.s32 @!p0 $0x108  }
0x21: {  	s3 =	sadd.s32 s3, s9;
	s6 =	sadd.s32 @!p0 $0x88, s6;
	s7 =	simm.s32 @p2 $0x1082  }
0x22: {  	[simem:s7], [sflag:s8] =	dma.local @!p0 [hbm:s6], $0xF7A  }
0x23: {  	s9 =	sor.u32 $0xD0000000, s2;
	s6 =	simm.s32 $0x108;
	_ =	swait.ge @!p0 [sflag:s8], $0x0  }
0x24: {  	s3 =	sadd.s32 $0x88, s3;
	s6 =	simm.s32 @!p1 $0x1082;
	[sflag:s4] =	ssyncset.s32 $0xFFFFF086  }
0x25: {  	[simem:s6], [sflag:s4] =	dma.local [hbm:s3], $0xF7A  }
0x26: {  	[smem:$0x3F95] =	sst s1;
	(tag) =	ssettag s2;
	_ =	strace s9  }
0x27: {  	s1 =	sld [smem:$0x3FA5]  }
0x28: {  	s2 =	sld [smem:$0x3FA6]  }
0x29: {  	s4 =	sld [smem:$0x3FA8]  }
0x2a: {  	p0 =	seq.s32 s5, $0x0;
	s5 =	sld [smem:$0x3FA9]  }
0x2b: {  	s6 =	sld [smem:$0x3FAA]  }
0x2c: {  	s7 =	sld [smem:$0x3FAB]  }
0x2d: {  	s3 =	simm.s32 $0x108;
	s8 =	sld [smem:$0x3FAC]  }
0x2e: {  	s3 =	simm.s32 @!p0 $0x1082;
	s9 =	sld [smem:$0x3FAD]  }
0x2f: {  	lr =	sadd.s32 s0, s3;
	s0 =	sld [smem:$0x3FA4]  }
0x30: {  	s3 =	sld [smem:$0x3FA7]  }
0x31: {  	[smem:$0x3FB0] =	sst s10  }
0x32: {  	s10 =	sld [smem:$0x3FAE];
	_ =	sdelay $0x3  }
0x33: {  	p0 =	seq.s32 s10, $0x1;
	s10 =	sld [smem:$0x3FB0];
	_ =	sdelay $0x3  }
0x34: {  	[smem:$0x3FB0] =	sst s10  }
0x35: {  	s10 =	sld [smem:$0x3FAF];
	_ =	sdelay $0x3  }
0x36: {  	p1 =	seq.s32 s10, $0x1;
	s10 =	sld [smem:$0x3FB0];
	_ =	sdelay $0x3  }
0x37: {  	[smem:$0x3FB0] =	sst s10  }
0x38: {  	s10 =	sld [smem:$0x3FB1]  }
0x39: {  	_ = 	snop;
	(pc) =	sbr.ind lr, $3  }
0x3a: {  	_ = 	snop  }
0x3b: {  	_ = 	snop  }
0x3c: {  	p2 =	seq.s32 s10, $0x1;
	s10 =	sld [smem:$0x3FB0]  }
0x3d: {  	_ =	shalt  }
0x3e: {  	_ =	shalt  }
0x3f: {  	_ =	shalt  }
0x40: {  	_ =	shalt  }
0x41: {  	_ =	shalt  }
0x42: {  	_ =	shalt  }
0x43: {  	_ =	shalt  }
0x44: {  	_ =	shalt  }
0x45: {  	_ =	shalt  }
0x46: {  	_ =	shalt  }
0x47: {  	_ =	shalt  }
0x48: {  	_ =	shalt  }
0x49: {  	_ =	shalt  }
0x4a: {  	_ =	shalt  }
0x4b: {  	_ =	shalt  }
0x4c: {  	_ =	shalt  }
0x4d: {  	_ =	shalt  }
0x4e: {  	_ =	shalt  }
0x4f: {  	_ =	shalt  }
0x50: {  	_ =	shalt  }
0x51: {  	_ =	shalt  }
0x52: {  	_ =	shalt  }
0x53: {  	_ =	shalt  }
0x54: {  	_ =	shalt  }
0x55: {  	_ =	shalt  }
0x56: {  	_ =	shalt  }
0x57: {  	_ =	shalt  }
0x58: {  	_ =	shalt  }
0x59: {  	_ =	shalt  }
0x5a: {  	_ =	shalt  }
0x5b: {  	_ =	shalt  }
0x5c: {  	_ =	shalt  }
0x5d: {  	_ =	shalt  }
0x5e: {  	_ =	shalt  }
0x5f: {  	_ =	shalt  }
0x60: {  	_ =	shalt  }
0x61: {  	_ =	shalt  }
0x62: {  	_ =	shalt  }
0x63: {  	_ =	shalt  }
0x64: {  	_ =	shalt  }
0x65: {  	_ =	shalt  }
0x66: {  	_ =	shalt  }
0x67: {  	_ =	shalt  }
0x68: {  	_ =	shalt  }
0x69: {  	_ =	shalt  }
0x6a: {  	_ =	shalt  }
0x6b: {  	_ =	shalt  }
0x6c: {  	_ =	shalt  }
0x6d: {  	_ =	shalt  }
0x6e: {  	_ =	shalt  }
0x6f: {  	_ =	shalt  }
0x70: {  	_ =	shalt  }
0x71: {  	_ =	shalt  }
0x72: {  	_ =	shalt  }
0x73: {  	_ =	shalt  }
0x74: {  	_ =	shalt  }
0x75: {  	_ =	shalt  }
0x76: {  	_ =	shalt  }
0x77: {  	_ =	shalt  }
0x78: {  	_ =	shalt  }
0x79: {  	_ =	shalt  }
0x7a: {  	_ =	shalt  }
0x7b: {  	_ =	shalt  }
0x7c: {  	_ =	shalt  }
0x7d: {  	_ =	shalt  }
0x7e: {  	_ =	shalt  }
0x7f: {  	_ =	shalt  }
0x80: {  	_ =	shalt  }
0x81: {  	_ =	shalt  }
0x82: {  	_ =	shalt  }
0x83: {  	_ =	shalt  }
0x84: {  	_ =	shalt  }
0x85: {  	_ =	shalt  }
0x86: {  	_ =	shalt  }
0x87: {  	_ =	shalt  }
.Lfunc_end0:
.L_simem_size_0:
called_computation.3_lowered:
.L_overlay_start_0:
0x88: {  	s2 =	sld [smem:$0x3FD9]  }
0x89: {  	s3 =	sld [smem:$0x3FFE];
	_ =	sdelay $0x1  }
0x8a: {  	s1 =	srdreg.scid  }
0x8b: {  	s0 =	sand.u32 $0x1, s1  }
0x8c: {  	s16 =	sshll.u32 s0, $0xA;
	s2 =	sadd.s32 s3, s2  }
0x8d: {  	s2 =	sadd.s32 s2, s16  }
0x8e: {  	[smem:$0x3FBC] =	sst s2  }
0x8f: {  	_ = 	snop  }
0x90: {  	(tm) =	ssettm $0x1  }
0x91: {  	s17 =	sld [smem:$0x3FFB];
	_ =	sdelay $0x3  }
0x92: {  	_ =	strace s17  }
0x93: {  	s2 =	sld [smem:$0x3FFC];
	_ =	sdelay $0x3  }
0x94: {  	_ =	strace s2  }
0x95: {  	s2 =	sld [smem:$0x3FFD];
	_ =	sdelay $0x3  }
0x96: {  	_ =	strace s2  }
0x97: {  	_ =	strace $0x8FFFFFFF  }
0x98: {  	s18 =	sld [smem:$0x3FDB];
	_ =	sdelay $0x1  }
0x99: {  	s19 =	simm.s32 $_scs_section_size  }
0x9a: {  	s4 =	simm.s32 $_size__tile_overlayer_lowered;
	s5 =	simm.s32 $_tile_overlayer_lowered  }
0x9b: {  	s22 =	simm.s32 $0x1BFF;
	s21 =	sshll.u32 s5, $0x1;
	s2 =	sadd.s32 s19, s18  }
0x9c: {  	s6 =	simm.s32 $0x0;
	s20 =	sshll.u32 s4, $0x1;
	s4 =	sadd.s32 s21, s2  }
0x9d: {  	[timem:s6], [sflag:s22] =	dma.local [hbm:s4], s20  }
0x9e: {  	_ =	swait.ge [sflag:s22], s20  }
0x9f: {  	s3 =	ssub.s32 $0x0, s20;
	[sflag:s22] =	ssyncset.done $0x0  }
0xa0: {  	[sflag:s22] =	ssyncadd.s32 s3;
	_ =	sdelay $0x1  }
0xa1: {  	s23 =	simm.s32 $0x1B8B  }
0xa2: {  	_ =	swait.ge [sflag:s23], $0x1  }
0xa3: {  	[sflag:s23] =	ssyncset.done $0x0  }
0xa4: {  	s25 =	simm.s32 $0x1B8E;
	s24 =	sld [smem:$0x3FFE];
	[sflag:s23] =	ssyncadd.s32 $0xFFFFFFFF  }
0xa5: {  	s26 =	simm.s32 $execute0_lowered;
	[smem:$0x3FD2] =	sst s25  }
0xa6: {  	s4 =	sshll.u32 s26, $0x1;
	_ =	strace $0x8000004F;
	[dreg:$0x1] =	wrdreg $0xFFFFFFFF  }
0xa7: {  	s28 =	simm.s32 $_size_execute0_lowered;
	s2 =	sadd.s32 s2, s4;
	[dreg:$0x0] =	wrdreg $0x0  }
0xa8: {  	s4 =	sshll.u32 s28, $0x1;
	[dreg:$0x2] =	wrdreg s2  }
0xa9: {  	[dreg:$0x3] =	wrdreg s4  }
0xaa: {  	[dreg:$0x4] =	wrdreg $0xC0  }
0xab: {  	_ =	task [dreg:s6], $0x5FFFF  }
0xac: {  	[dreg:$0x1] =	wrdreg $0xFFFFFFFF  }
0xad: {  	[dreg:$0x0] =	wrdreg $0x60  }
0xae: {  	[dreg:$0x2] =	wrdreg s24  }
0xaf: {  	[dreg:$0x3] =	wrdreg $0x0  }
0xb0: {  	[dreg:$0x4] =	wrdreg $0x9  }
0xb1: {  	_ =	task.clear_ibuf [dreg:s6], $0x5FFFF;
	_ =	strace $0x9000004F  }
0xb2: {  	s29 =	simm.s32 $0x9;
	_ =	strace $0x80000051  }
0xb3: {  	_ =	swait.ge [sflag:s29], $0x1  }
0xb4: {  	[sflag:s29] =	ssyncadd.s32 $0xFFFFFFFF  }
0xb5: {  	_ =	strace $0x90000051  }
0xb6: {  	_ =	sfence  }
0xb7: {  	s30 =	sld [smem:$0x0];
	_ =	sdelay $0x2  }
0xb8: {  	s31 =	sshll.u32 s1, $0xD;
	s1 =	sshrl.u32 s1, $0x2  }
0xb9: {  	s3 =	sand.u32 $0x4000, s31;
	s1 =	sadd.s32 s1, s30  }
0xba: {  	s0 =	sor.u32 s3, s0;
	s1 =	sshll.u32 s1, $0x11  }
0xbb: {  	s0 =	sor.u32 s1, s0  }
0xbc: {  	s0 =	sadd.s32 $0x8F2B, s0  }
0xbd: {  	[sflag:s0] =	ssyncadd.remote.s32 $0x1  }
0xbe: {  	_ =	sfence.sel $0xFFFF  }
0xbf: {  	[dreg:$0x0] =	wrdreg $0xFFFFFFFF;
	(pc) =	sbr.abs _section_cstart, $3  }
0xc0: {  	[dreg:$0x1] =	wrdreg $0xFFFFFFFF  }
0xc1: {  	_ =	task.clear_ibuf [dreg:s6], $0x2FFFF;
	_ =	strace $0x9FFFFFFF  }
0xc2: {  	(tm) =	ssettm $0x7FFFFFFF  }
0xc3: {  	_ =	shalt  }
tec
execute0_lowered:
.L_overlay_start_1:
0x0: {  	(tag) =	ssettag $0x1  }
0x1: {  	s0 =	rddreg [dreg:$0x0];
	s1 =	srdreg.scid  }
0x2: {  	s2 =	rddreg [dreg:$0x1];
	s8 =	stileid.u32  }
0x3: {  	s4 =	simm.s32 $0x0;
	s19 =	simm.s32 $0x18F00;
	s20 =	simm.s32 $0x4  }
0x4: {  	s28 =	simm.s32 $0x1AF00;
	s30 =	simm.s32 $0x1CF00;
	s31 =	simm.s32 $0x1  }
0x5: {  	s29 =	simm.s32 $0x1EF00;
	s1 =	sand.u32 $0x1, s1;
	s5 =	smul.u32 $0x14000, s8  }
0x6: {  	[smem:$0x7FF] =	sst s4;
	s4 =	sadd.s32 $0x67C00, s0;
	s21 =	smul.u32 $0x50000, s8  }
0x7: {  	s6 =	sadd.s32 $0x4000, s0;
	s24 =	sshll.u32 s8, $0x7;
	s3 =	smul.u32 $0x140000, s1  }
0x8: {  	_ =	strace $0x80000050;
	s22 =	ssub.s32 $0x2, s1;
	s1 =	sshll.u32 s1, $0x4  }
0x9: {  	s7 =	sshrl.u32 s22, $0x1;
	s1 =	sor.u32 s8, s1;
	s3 =	sadd.s32 s5, s3  }
0xa: {  	s5 =	sshrl.u32 s21, $0x2;
	s1 =	sshrl.u32 s1, $0x3;
	s21 =	simm.s32 $0x80  }
0xb: {  	s3 =	sshrl.u32 s3, $0x3;
	s5 =	sadd.s32 s5, s2;
	s1 =	smul.u32 $0x13C00, s1  }
0xc: {  	s0 =	sadd.s32 s3, s0;
	s3 =	ssub.s32 s22, s7;
	s23 =	sadd.s32 $0x2000, s5  }
0xd: {  	s25 =	sadd.s32 $0x4000, s5;
	s26 =	sadd.s32 $0x6000, s5;
	s7 =	sand.u32 $0x380, s24  }
0xe: {  	s9 =	sadd.s32 $0x8000, s5;
	s10 =	sadd.s32 $0xA000, s5;
	s11 =	sadd.s32 $0xC000, s5  }
0xf: {  	s12 =	sadd.s32 $0xE000, s5;
	s13 =	sadd.s32 $0x10000, s5;
	[dreg:$0x3] =	wrdreg s23  }
0x10: {  	s14 =	sadd.s32 $0x12000, s5;
	s22 =	simm.s32 $0x400;
	[dreg:$0x4] =	wrdreg s25  }
0x11: {  	s24 =	simm.s32 $0x10;
	[dreg:$0x5] =	wrdreg s26;
	s1 =	sor.u32 s7, s1  }
0x12: {  	s17 =	sadd.s32 $0x8EE00, s0;
	s18 =	smax.u32 s3, $0x1;
	s23 =	simm.s32 $0x14000  }
0x13: {  	s25 =	simm.s32 $0x40;
	s0 =	simm.s32 $0x2;
	s7 =	sadd.s32 $0x4F000, s1  }
0x14: {  	s26 =	simm.s32 $0x0;
	s1 =	sshrl.u32 s1, $0x3;
	s7 =	sshrl.u32 s7, $0x3  }
0x15: {  	v0 =	vimm.f32 $0.0e+00;
	s15 =	sadd.s32 s6, s1;
	s1 =	simm.s32 $0x3;
	s16 =	sadd.s32 s6, s7  }
.LBB2_1:
0x16: {  	s6 =	simm.s32 $0x0  }
0x17: {  	s3 =	sand.u32 $0x7E00, s6  }
0x18: {  	s6 =	sand.u32 $0x70, s6;
	s7 =	sshrl.u32 s3, $0x2  }
0x19: {  	s3 =	simm.s32 $0x40;
	s7 =	sor.u32 s6, s7;
	s6 =	simm.s32 $0x0  }
.LBB2_2:
0x1a: {  	p0 =	sne.s32 s3, $0x7FC0  }
0x1b: {  	[tilespmem:s7+$0x18F00] =	vst v0;
	s6 =	sadd.s32 $0x10, s6;
	s7 =	smov.u32 s3;
	s3 =	sadd.s32 $0x40, s3  }
.Ltmp0:
0x1c: {  	(pc) =	sbr.rel @p0 .LBB2_2-.Ltmp0, $4  }
0x1d: {  	_ = 	snop  }
0x1e: {  	s7 =	sand.u32 $0x7E00, s7  }
0x1f: {  	s8 =	sand.u32 $0x70, s6;
	s7 =	sshrl.u32 s7, $0x2  }
0x20: {  	s7 =	sor.u32 s8, s7  }
0x21: {  	[tilespmem:s7+$0x18F00] =	vst v0  }
0x22: {  	[spmem:s5] =	stream.linear.scatter [tilespmem:s19], [sflag:$0x4], $0x2000, $0x38;
	[tilespmem:$0x1F700] =	vst v63  }
0x23: {  	_ =	swait.ge [sflag:s20], $0x2000  }
0x24: {  	[sflag:s20] =	ssyncset.done $0x0  }
0x25: {  	s3 =	rddreg [dreg:$0x3];
	[sflag:s20] =	ssyncadd.s32 $0xFFFFE000  }
0x26: {  	[spmem:s3] =	stream.linear.scatter [tilespmem:s19], [sflag:$0x4], $0x2000, $0x38;
	[tilespmem:$0x1F700] =	vst v63  }
0x27: {  	_ =	swait.ge [sflag:s20], $0x2000  }
0x28: {  	[sflag:s20] =	ssyncset.done $0x0  }
0x29: {  	s8 =	rddreg [dreg:$0x4];
	[sflag:s20] =	ssyncadd.s32 $0xFFFFE000  }
0x2a: {  	[spmem:s8] =	stream.linear.scatter [tilespmem:s19], [sflag:$0x4], $0x2000, $0x38;
	[tilespmem:$0x1F700] =	vst v63  }
0x2b: {  	_ =	swait.ge [sflag:s20], $0x2000  }
0x2c: {  	[sflag:s20] =	ssyncset.done $0x0  }
0x2d: {  	s6 =	rddreg [dreg:$0x5];
	[sflag:s20] =	ssyncadd.s32 $0xFFFFE000  }
0x2e: {  	[spmem:s6] =	stream.linear.scatter [tilespmem:s19], [sflag:$0x4], $0x2000, $0x38;
	[tilespmem:$0x1F700] =	vst v63  }
0x2f: {  	_ =	swait.ge [sflag:s20], $0x2000  }
0x30: {  	[sflag:s20] =	ssyncset.done $0x0  }
0x31: {  	[sflag:s20] =	ssyncadd.s32 $0xFFFFE000  }
0x32: {  	[spmem:s9] =	stream.linear.scatter [tilespmem:s19], [sflag:$0x4], $0x2000, $0x38;
	[tilespmem:$0x1F700] =	vst v63  }
0x33: {  	_ =	swait.ge [sflag:s20], $0x2000  }
0x34: {  	[sflag:s20] =	ssyncset.done $0x0  }
0x35: {  	[sflag:s20] =	ssyncadd.s32 $0xFFFFE000  }
0x36: {  	[spmem:s10] =	stream.linear.scatter [tilespmem:s19], [sflag:$0x4], $0x2000, $0x38;
	[tilespmem:$0x1F700] =	vst v63  }
0x37: {  	_ =	swait.ge [sflag:s20], $0x2000  }
0x38: {  	[sflag:s20] =	ssyncset.done $0x0  }
0x39: {  	[sflag:s20] =	ssyncadd.s32 $0xFFFFE000  }
0x3a: {  	[spmem:s11] =	stream.linear.scatter [tilespmem:s19], [sflag:$0x4], $0x2000, $0x38;
	[tilespmem:$0x1F700] =	vst v63  }
0x3b: {  	_ =	swait.ge [sflag:s20], $0x2000  }
0x3c: {  	[sflag:s20] =	ssyncset.done $0x0  }
0x3d: {  	[sflag:s20] =	ssyncadd.s32 $0xFFFFE000  }
0x3e: {  	[spmem:s12] =	stream.linear.scatter [tilespmem:s19], [sflag:$0x4], $0x2000, $0x38;
	[tilespmem:$0x1F700] =	vst v63  }
0x3f: {  	_ =	swait.ge [sflag:s20], $0x2000  }
0x40: {  	[sflag:s20] =	ssyncset.done $0x0  }
0x41: {  	[sflag:s20] =	ssyncadd.s32 $0xFFFFE000  }
0x42: {  	[spmem:s13] =	stream.linear.scatter [tilespmem:s19], [sflag:$0x4], $0x2000, $0x38;
	[tilespmem:$0x1F700] =	vst v63  }
0x43: {  	_ =	swait.ge [sflag:s20], $0x2000  }
0x44: {  	[sflag:s20] =	ssyncset.done $0x0  }
0x45: {  	[sflag:s20] =	ssyncadd.s32 $0xFFFFE000  }
0x46: {  	[spmem:s14] =	stream.linear.scatter [tilespmem:s19], [sflag:$0x4], $0x2000, $0x38;
	[tilespmem:$0x1F700] =	vst v63  }
0x47: {  	_ =	swait.ge [sflag:s20], $0x2000  }
0x48: {  	[sflag:s20] =	ssyncset.done $0x0  }
0x49: {  	[sflag:s20] =	ssyncadd.s32 $0xFFFFE000  }
0x4a: {  	[bflag:$0x0] =	sbarrier.arrive $0xFFFF  }
0x4b: {  	[tilespmem:s23], [sflag:$0x4] =	stream.strided.gather [hbm4b:s15+s21], $0x2780, s22, s21, $0x38;
	[tilespmem:$0x1F700] =	vst v63  }
0x4c: {  	_ =	swait.ge [sflag:s20], $0x2780  }
0x4d: {  	[sflag:s20] =	ssyncset.done $0x0  }
0x4e: {  	s7 =	simm.s32 $0x16780;
	[sflag:s20] =	ssyncadd.s32 $0xFFFFD880  }
0x4f: {  	[tilespmem:s7], [sflag:$0x4] =	stream.strided.gather [hbm4b:s16+s21], $0x2780, s22, s21, $0x38;
	[tilespmem:$0x1F700] =	vst v63  }
0x50: {  	_ =	swait.ge [sflag:s20], $0x2780  }
0x51: {  	[sflag:s20] =	ssyncset.done $0x0  }
0x52: {  	[sflag:s20] =	ssyncadd.s32 $0xFFFFD880  }
0x53: {  	[tilespmem:s19], [sflag:$0x1] =	stream.indirect.gather [hbm4b:s4+s25], $0x80, s23, s25, $0xb8;
	[tilespmem:$0x1F700] =	vst v63  }
0x54: {  	s8 =	simm.s32 $0x14040  }
0x55: {  	[tilespmem:s28], [sflag:$0x2] =	stream.indirect.gather [hbm4b:s4+s25], $0x80, s8, s25, $0xb8;
	[tilespmem:$0x1F700] =	vst v63  }
0x56: {  	s6 =	simm.s32 $0x14080  }
0x57: {  	[tilespmem:s30], [sflag:$0x3] =	stream.indirect.gather [hbm4b:s4+s25], $0x80, s6, s25, $0xb8;
	[tilespmem:$0x1F700] =	vst v63  }
0x58: {  	_ =	swait.ge [sflag:s31], $0x2000  }
0x59: {  	[sflag:s31] =	ssyncset.done $0x0  }
0x5a: {  	s7 =	simm.s32 $0x16780;
	[sflag:s31] =	ssyncadd.s32 $0xFFFFE000  }
0x5b: {  	[spmem:s2] =	stream.indirect.scatter.add.f32 [tilespmem:s19], [sflag:$0x4], $0x80, s7, s25, $0xb8;
	[tilespmem:$0x1F700] =	vst v63  }
0x5c: {  	_ =	swait.ge [sflag:s20], $0x2000  }
0x5d: {  	[sflag:s20] =	ssyncset.done $0x0  }
0x5e: {  	s8 =	simm.s32 $0x140C0;
	[sflag:s20] =	ssyncadd.s32 $0xFFFFE000  }
0x5f: {  	[tilespmem:s19], [sflag:$0x1] =	stream.indirect.gather [hbm4b:s4+s25], $0x80, s8, s25, $0xb8;
	[tilespmem:$0x1F700] =	vst v63  }
0x60: {  	_ =	swait.ge [sflag:s0], $0x2000  }
0x61: {  	[sflag:s0] =	ssyncset.done $0x0  }
0x62: {  	s6 =	simm.s32 $0x167C0;
	[sflag:s0] =	ssyncadd.s32 $0xFFFFE000  }
0x63: {  	[spmem:s2] =	stream.indirect.scatter.add.f32 [tilespmem:s28], [sflag:$0x4], $0x80, s6, s25, $0xb8;
	[tilespmem:$0x1F700] =	vst v63  }
0x64: {  	_ =	swait.ge [sflag:s20], $0x2000  }
0x65: {  	[sflag:s20] =	ssyncset.done $0x0  }
0x66: {  	s7 =	simm.s32 $0x14100;
	[sflag:s20] =	ssyncadd.s32 $0xFFFFE000  }
0x67: {  	[tilespmem:s28], [sflag:$0x2] =	stream.indirect.gather [hbm4b:s4+s25], $0x80, s7, s25, $0xb8;
	[tilespmem:$0x1F700] =	vst v63  }
0x68: {  	_ =	swait.ge [sflag:s1], $0x2000  }
0x69: {  	[sflag:s1] =	ssyncset.done $0x0  }
0x6a: {  	s8 =	simm.s32 $0x16800;
	[sflag:s1] =	ssyncadd.s32 $0xFFFFE000  }
0x6b: {  	[spmem:s2] =	stream.indirect.scatter.add.f32 [tilespmem:s30], [sflag:$0x4], $0x80, s8, s25, $0xb8;
	[tilespmem:$0x1F700] =	vst v63  }
0x6c: {  	_ =	swait.ge [sflag:s20], $0x2000  }
0x6d: {  	[sflag:s20] =	ssyncset.done $0x0  }
0x6e: {  	s3 =	simm.s32 $0x300;
	s6 =	simm.s32 $0x14140;
	[sflag:s20] =	ssyncadd.s32 $0xFFFFE000  }
.LBB2_4:
0x6f: {  	[tilespmem:s30], [sflag:$0x3] =	stream.indirect.gather [hbm4b:s4+s25], $0x80, s6, s25, $0xb8;
	[tilespmem:$0x1F700] =	vst v63  }
0x70: {  	s6 =	smov.u32 s3  }
0x71: {  	p0 =	sne.s32 s3, $0x9600;
	s3 =	sadd.s32 $0x300, s3;
	_ =	swait.ge [sflag:s31], $0x2000  }
0x72: {  	s6 =	sshra.s32 s6, $0x2;
	[sflag:s31] =	ssyncset.done $0x0  }
0x73: {  	s7 =	sadd.s32 $0x16780, s6;
	[sflag:s31] =	ssyncadd.s32 $0xFFFFE000  }
0x74: {  	[spmem:s2] =	stream.indirect.scatter.add.f32 [tilespmem:s19], [sflag:$0x4], $0x80, s7, s25, $0xb8;
	[tilespmem:$0x1F700] =	vst v63  }
0x75: {  	_ =	swait.ge [sflag:s20], $0x2000  }
0x76: {  	[sflag:s20] =	ssyncset.done $0x0  }
0x77: {  	s7 =	sadd.s32 $0x140C0, s6;
	[sflag:s20] =	ssyncadd.s32 $0xFFFFE000  }
0x78: {  	[tilespmem:s19], [sflag:$0x1] =	stream.indirect.gather [hbm4b:s4+s25], $0x80, s7, s25, $0xb8;
	[tilespmem:$0x1F700] =	vst v63  }
0x79: {  	_ =	swait.ge [sflag:s0], $0x2000  }
0x7a: {  	[sflag:s0] =	ssyncset.done $0x0  }
0x7b: {  	s7 =	sadd.s32 $0x167C0, s6;
	[sflag:s0] =	ssyncadd.s32 $0xFFFFE000  }
0x7c: {  	[spmem:s2] =	stream.indirect.scatter.add.f32 [tilespmem:s28], [sflag:$0x4], $0x80, s7, s25, $0xb8;
	[tilespmem:$0x1F700] =	vst v63  }
0x7d: {  	_ =	swait.ge [sflag:s20], $0x2000  }
0x7e: {  	[sflag:s20] =	ssyncset.done $0x0  }
0x7f: {  	s7 =	sadd.s32 $0x14100, s6;
	[sflag:s20] =	ssyncadd.s32 $0xFFFFE000  }
0x80: {  	[tilespmem:s28], [sflag:$0x2] =	stream.indirect.gather [hbm4b:s4+s25], $0x80, s7, s25, $0xb8;
	[tilespmem:$0x1F700] =	vst v63  }
0x81: {  	_ =	swait.ge [sflag:s1], $0x2000  }
0x82: {  	[sflag:s1] =	ssyncset.done $0x0  }
.Ltmp1:
0x83: {  	s7 =	sadd.s32 $0x16800, s6;
	[sflag:s1] =	ssyncadd.s32 $0xFFFFE000;
	(pc) =	sbr.rel @p0 .LBB2_4-.Ltmp1, $4  }
0x84: {  	[spmem:s2] =	stream.indirect.scatter.add.f32 [tilespmem:s30], [sflag:$0x4], $0x80, s7, s25, $0xb8;
	[tilespmem:$0x1F700] =	vst v63  }
0x85: {  	_ =	swait.ge [sflag:s20], $0x2000  }
0x86: {  	[sflag:s20] =	ssyncset.done $0x0  }
0x87: {  	s6 =	sadd.s32 $0x14140, s6;
	[sflag:s20] =	ssyncadd.s32 $0xFFFFE000  }
0x88: {  	[tilespmem:s30], [sflag:$0x3] =	stream.indirect.gather [hbm4b:s4+s25], $0x80, s6, s25, $0xb8;
	[tilespmem:$0x1F700] =	vst v63  }
0x89: {  	_ =	swait.ge [sflag:s31], $0x2000  }
0x8a: {  	[sflag:s31] =	ssyncset.done $0x0  }
0x8b: {  	s3 =	simm.s32 $0x18DC0;
	[sflag:s31] =	ssyncadd.s32 $0xFFFFE000  }
0x8c: {  	[spmem:s2] =	stream.indirect.scatter.add.f32 [tilespmem:s19], [sflag:$0x4], $0x80, s3, s25, $0xb8;
	[tilespmem:$0x1F700] =	vst v63  }
0x8d: {  	_ =	swait.ge [sflag:s20], $0x2000  }
0x8e: {  	[sflag:s20] =	ssyncset.done $0x0  }
0x8f: {  	[sflag:s20] =	ssyncadd.s32 $0xFFFFE000  }
0x90: {  	_ =	swait.ge [sflag:s0], $0x2000  }
0x91: {  	[sflag:s0] =	ssyncset.done $0x0  }
0x92: {  	s6 =	simm.s32 $0x18E00;
	[sflag:s0] =	ssyncadd.s32 $0xFFFFE000  }
0x93: {  	[spmem:s2] =	stream.indirect.scatter.add.f32 [tilespmem:s28], [sflag:$0x4], $0x80, s6, s25, $0xb8;
	[tilespmem:$0x1F700] =	vst v63  }
0x94: {  	_ =	swait.ge [sflag:s20], $0x2000  }
0x95: {  	[sflag:s20] =	ssyncset.done $0x0  }
0x96: {  	[sflag:s20] =	ssyncadd.s32 $0xFFFFE000  }
0x97: {  	_ =	swait.ge [sflag:s1], $0x2000  }
0x98: {  	[sflag:s1] =	ssyncset.done $0x0  }
0x99: {  	s7 =	simm.s32 $0x18E40;
	[sflag:s1] =	ssyncadd.s32 $0xFFFFE000  }
0x9a: {  	[spmem:s2] =	stream.indirect.scatter.add.f32 [tilespmem:s30], [sflag:$0x4], $0x80, s7, s25, $0xb8;
	[tilespmem:$0x1F700] =	vst v63  }
0x9b: {  	_ =	swait.ge [sflag:s20], $0x2000  }
0x9c: {  	[sflag:s20] =	ssyncset.done $0x0  }
0x9d: {  	s8 =	simm.s32 $0x16700;
	[sflag:s20] =	ssyncadd.s32 $0xFFFFE000  }
0x9e: {  	[tilespmem:s29], [sflag:$0x1] =	stream.indirect.gather [hbm4b:s4+s24], $0x80, s8, s24, $0xb8;
	[tilespmem:$0x1F700] =	vst v63  }
0x9f: {  	_ =	swait.ge [sflag:s31], $0x800  }
0xa0: {  	[sflag:s31] =	ssyncset.done $0x0  }
0xa1: {  	s6 =	simm.s32 $0x18E80;
	[sflag:s31] =	ssyncadd.s32 $0xFFFFF800  }
0xa2: {  	[spmem:s2] =	stream.indirect.scatter.add.f32 [tilespmem:s29], [sflag:$0x4], $0x80, s6, s24, $0xb8;
	[tilespmem:$0x1F700] =	vst v63  }
0xa3: {  	s7 =	stileid.u32;
	_ =	swait.ge [sflag:s20], $0x800  }
0xa4: {  	s26 =	sadd.s32 $0x1, s26;
	s3 =	sshll.u32 s7, $0x6;
	[sflag:s20] =	ssyncset.done $0x0  }
0xa5: {  	p0 =	sne.s32 s26, s18;
	s3 =	sor.u32 $0x1C04, s3;
	[sflag:s20] =	ssyncadd.s32 $0xFFFFF800  }
.Ltmp2:
0xa6: {  	s8 =	sshrl.u32 s5, $0x3;
	[bflag:$0x0] =	sbarrier.arrive $0xFFFF;
	(pc) =	sbr.rel @p0 .LBB2_1-.Ltmp2, $4  }
0xa7: {  	[hbm:s17], [sflag:s3] =	dma.local [spmem:s8], $0x2800  }
0xa8: {  	_ =	swait.ge [sflag:s20], $0x2800  }
0xa9: {  	[sflag:s20] =	ssyncset.done $0x0  }
0xaa: {  	[sflag:s20] =	ssyncadd.s32 $0xFFFFD800  }
0xab: {  	_ =	sfence.sel $0x180000  }
0xac: {  	[bflag:$0x0] =	sbarrier.arrive $0xFFFF  }
0xad: {  	_ =	strace $0x90000050  }
0xae: {  	s0 =	stileid.u32;
	[bflag:$0x2] =	sbarrier.arrive $0xFFFF  }
0xaf: {  	p0 =	sne.s32 s0, $0x0;
	s0 =	rddreg [dreg:$0x2]  }
0xb0: {  	s0 =	sadd.s32 @!p0 $0x100000, s0  }
0xb1: {  	[sflag:s0] =	ssyncadd.tile.s32 @!p0 $0x1;
	_ =	shalt  }
.Lfunc_end2:
_tile_overlayer_lowered:
.L_overlay_start_2:
0xb2: {  	(tag) =	ssettag $0x2  }
0xb3: {  	s0 =	rddreg [dreg:$0x0];
	s2 =	stileid.u32  }
0xb4: {  	s1 =	rddreg [dreg:$0x1];
	p0 =	sne.s32 s2, $0x0  }
0xb5: {  	s3 =	rddreg [dreg:$0x2];
	[bflag:$0x3] =	sbarrier.arrive $0xFFFF;
	s2 =	simm.s32 @!p0 $0x1C04  }
0xb6: {  	[timem:s3], [sflag:s2] =	dma.local @!p0 [hbm:s0], s1  }
0xb7: {  	s0 =	simm.s32 @!p0 $0x4  }
0xb8: {  	_ =	swait.ge @!p0 [sflag:s0], s1  }
0xb9: {  	s1 =	ssub.s32 @!p0 $0x0, s1;
	[sflag:s0] =	ssyncset.done @!p0 $0x0  }
0xba: {  	[sflag:s0] =	ssyncadd.s32 @!p0 s1  }
0xbb: {  	[bflag:$0x3] =	sbarrier.arrive $0xFFFF  }
0xbc: {  	_ =	shalt  }

// kernel: sc_propagate_128.5.cloned.1.call-start
scs
__scs_entry_jumppad:
0x0: {  	(pc) =	sbr.rel $0x88, $3  }
0x1: {  	(tag) =	ssettag $0x0;
	lr =	simm.s32 $0x1  }
0x2: {  	[smem:$0x3F95] =	sst lr;
	_ =	strace $0xD0000000  }
0x3: {  	_ = 	snop  }
0x4: {  	_ = 	snop  }
0x5: {  	_ = 	snop  }
0x6: {  	_ = 	snop  }
0x7: {  	_ = 	snop  }
__scs_overlays_trampoline_lowered:
0x8: {  	[smem:$0x3FA4] =	sst s0  }
0x9: {  	[smem:$0x3FA5] =	sst s1  }
0xa: {  	[smem:$0x3FA6] =	sst s2  }
0xb: {  	[smem:$0x3FA7] =	sst s3  }
0xc: {  	[smem:$0x3FA8] =	sst s4  }
0xd: {  	[smem:$0x3FA9] =	sst s5  }
0xe: {  	[smem:$0x3FAA] =	sst s6  }
0xf: {  	[smem:$0x3FAB] =	sst s7  }
0x10: {  	[smem:$0x3FAC] =	sst s8  }
0x11: {  	[smem:$0x3FAD] =	sst s9;
	s0 =	simm.s32 @!p0 $0x0  }
0x12: {  	s1 =	sld [smem:$0x3F93];
	s0 =	simm.s32 @p0 $0x1  }
0x13: {  	[smem:$0x3FAE] =	sst s0;
	s0 =	simm.s32 @!p1 $0x0  }
0x14: {  	s2 =	sld [smem:$0x3F92];
	s0 =	simm.s32 @p1 $0x1  }
0x15: {  	[smem:$0x3FAF] =	sst s0;
	s0 =	simm.s32 @!p2 $0x0  }
0x16: {  	s3 =	sld [smem:$0x3FDB];
	s0 =	simm.s32 @p2 $0x1  }
0x17: {  	s4 =	simm.s32 $0x1BF5;
	[smem:$0x3FB1] =	sst s0  }
0x18: {  	s0 =	sld [smem:$0x3F94];
	_ =	swait.ge [sflag:s4], $0x0  }
0x19: {  	s7 =	sld [smem:$0x3F95]  }
0x1a: {  	s8 =	sadd.s32 $0xFFFFE003, lr  }
0x1b: {  	s9 =	sadd.s32 $0xFFFFFEF7, lr;
	s5 =	simm.s32 $0xFFFFFFFF;
	p2 =	slt.u32 s8, $0xFFFFF086  }
0x1c: {  	p1 =	slt.u32 s9, $0xF7A;
	s5 =	simm.s32 @!p2 $0x0  }
0x1d: {  	s5 =	simm.s32 @p1 $0x1;
	p0 =	seq.s32 s7, s2  }
0x1e: {  	s7 =	smul.u32 @!p0 $0xF7A, s2;
	p2 =	seq.s32 @!p0 s5, $0x0  }
0x1f: {  	s9 =	smul.u32 $0xF7A, s1;
	s8 =	simm.s32 @!p0 $0x1BF5;
	p2 =	por !p2, p0  }
0x20: {  	[sflag:s8] =	ssyncset.s32 @!p0 $0xFFFFF086;
	s6 =	sadd.s32 @!p0 s3, s7;
	s7 =	simm.s32 @!p0 $0x108  }
0x21: {  	s3 =	sadd.s32 s3, s9;
	s6 =	sadd.s32 @!p0 $0x88, s6;
	s7 =	simm.s32 @p2 $0x1082  }
0x22: {  	[simem:s7], [sflag:s8] =	dma.local @!p0 [hbm:s6], $0xF7A  }
0x23: {  	s9 =	sor.u32 $0xD0000000, s2;
	s6 =	simm.s32 $0x108;
	_ =	swait.ge @!p0 [sflag:s8], $0x0  }
0x24: {  	s3 =	sadd.s32 $0x88, s3;
	s6 =	simm.s32 @!p1 $0x1082;
	[sflag:s4] =	ssyncset.s32 $0xFFFFF086  }
0x25: {  	[simem:s6], [sflag:s4] =	dma.local [hbm:s3], $0xF7A  }
0x26: {  	[smem:$0x3F95] =	sst s1;
	(tag) =	ssettag s2;
	_ =	strace s9  }
0x27: {  	s1 =	sld [smem:$0x3FA5]  }
0x28: {  	s2 =	sld [smem:$0x3FA6]  }
0x29: {  	s4 =	sld [smem:$0x3FA8]  }
0x2a: {  	p0 =	seq.s32 s5, $0x0;
	s5 =	sld [smem:$0x3FA9]  }
0x2b: {  	s6 =	sld [smem:$0x3FAA]  }
0x2c: {  	s7 =	sld [smem:$0x3FAB]  }
0x2d: {  	s3 =	simm.s32 $0x108;
	s8 =	sld [smem:$0x3FAC]  }
0x2e: {  	s3 =	simm.s32 @!p0 $0x1082;
	s9 =	sld [smem:$0x3FAD]  }
0x2f: {  	lr =	sadd.s32 s0, s3;
	s0 =	sld [smem:$0x3FA4]  }
0x30: {  	s3 =	sld [smem:$0x3FA7]  }
0x31: {  	[smem:$0x3FB0] =	sst s10  }
0x32: {  	s10 =	sld [smem:$0x3FAE];
	_ =	sdelay $0x3  }
0x33: {  	p0 =	seq.s32 s10, $0x1;
	s10 =	sld [smem:$0x3FB0];
	_ =	sdelay $0x3  }
0x34: {  	[smem:$0x3FB0] =	sst s10  }
0x35: {  	s10 =	sld [smem:$0x3FAF];
	_ =	sdelay $0x3  }
0x36: {  	p1 =	seq.s32 s10, $0x1;
	s10 =	sld [smem:$0x3FB0];
	_ =	sdelay $0x3  }
0x37: {  	[smem:$0x3FB0] =	sst s10  }
0x38: {  	s10 =	sld [smem:$0x3FB1]  }
0x39: {  	_ = 	snop;
	(pc) =	sbr.ind lr, $3  }
0x3a: {  	_ = 	snop  }
0x3b: {  	_ = 	snop  }
0x3c: {  	p2 =	seq.s32 s10, $0x1;
	s10 =	sld [smem:$0x3FB0]  }
0x3d: {  	_ =	shalt  }
0x3e: {  	_ =	shalt  }
0x3f: {  	_ =	shalt  }
0x40: {  	_ =	shalt  }
0x41: {  	_ =	shalt  }
0x42: {  	_ =	shalt  }
0x43: {  	_ =	shalt  }
0x44: {  	_ =	shalt  }
0x45: {  	_ =	shalt  }
0x46: {  	_ =	shalt  }
0x47: {  	_ =	shalt  }
0x48: {  	_ =	shalt  }
0x49: {  	_ =	shalt  }
0x4a: {  	_ =	shalt  }
0x4b: {  	_ =	shalt  }
0x4c: {  	_ =	shalt  }
0x4d: {  	_ =	shalt  }
0x4e: {  	_ =	shalt  }
0x4f: {  	_ =	shalt  }
0x50: {  	_ =	shalt  }
0x51: {  	_ =	shalt  }
0x52: {  	_ =	shalt  }
0x53: {  	_ =	shalt  }
0x54: {  	_ =	shalt  }
0x55: {  	_ =	shalt  }
0x56: {  	_ =	shalt  }
0x57: {  	_ =	shalt  }
0x58: {  	_ =	shalt  }
0x59: {  	_ =	shalt  }
0x5a: {  	_ =	shalt  }
0x5b: {  	_ =	shalt  }
0x5c: {  	_ =	shalt  }
0x5d: {  	_ =	shalt  }
0x5e: {  	_ =	shalt  }
0x5f: {  	_ =	shalt  }
0x60: {  	_ =	shalt  }
0x61: {  	_ =	shalt  }
0x62: {  	_ =	shalt  }
0x63: {  	_ =	shalt  }
0x64: {  	_ =	shalt  }
0x65: {  	_ =	shalt  }
0x66: {  	_ =	shalt  }
0x67: {  	_ =	shalt  }
0x68: {  	_ =	shalt  }
0x69: {  	_ =	shalt  }
0x6a: {  	_ =	shalt  }
0x6b: {  	_ =	shalt  }
0x6c: {  	_ =	shalt  }
0x6d: {  	_ =	shalt  }
0x6e: {  	_ =	shalt  }
0x6f: {  	_ =	shalt  }
0x70: {  	_ =	shalt  }
0x71: {  	_ =	shalt  }
0x72: {  	_ =	shalt  }
0x73: {  	_ =	shalt  }
0x74: {  	_ =	shalt  }
0x75: {  	_ =	shalt  }
0x76: {  	_ =	shalt  }
0x77: {  	_ =	shalt  }
0x78: {  	_ =	shalt  }
0x79: {  	_ =	shalt  }
0x7a: {  	_ =	shalt  }
0x7b: {  	_ =	shalt  }
0x7c: {  	_ =	shalt  }
0x7d: {  	_ =	shalt  }
0x7e: {  	_ =	shalt  }
0x7f: {  	_ =	shalt  }
0x80: {  	_ =	shalt  }
0x81: {  	_ =	shalt  }
0x82: {  	_ =	shalt  }
0x83: {  	_ =	shalt  }
0x84: {  	_ =	shalt  }
0x85: {  	_ =	shalt  }
0x86: {  	_ =	shalt  }
0x87: {  	_ =	shalt  }
.Lfunc_end0:
.L_simem_size_0:
called_computation.1_lowered:
.L_overlay_start_0:
0x88: {  	s2 =	sld [smem:$0x3FD9]  }
0x89: {  	s3 =	sld [smem:$0x3FFE];
	_ =	sdelay $0x1  }
0x8a: {  	s1 =	srdreg.scid  }
0x8b: {  	s0 =	sand.u32 $0x1, s1  }
0x8c: {  	s16 =	sshll.u32 s0, $0xA;
	s2 =	sadd.s32 s3, s2  }
0x8d: {  	s2 =	sadd.s32 s2, s16  }
0x8e: {  	[smem:$0x3FBC] =	sst s2  }
0x8f: {  	_ = 	snop  }
0x90: {  	(tm) =	ssettm $0x1  }
0x91: {  	s17 =	sld [smem:$0x3FFB];
	_ =	sdelay $0x3  }
0x92: {  	_ =	strace s17  }
0x93: {  	s2 =	sld [smem:$0x3FFC];
	_ =	sdelay $0x3  }
0x94: {  	_ =	strace s2  }
0x95: {  	s2 =	sld [smem:$0x3FFD];
	_ =	sdelay $0x3  }
0x96: {  	_ =	strace s2  }
0x97: {  	_ =	strace $0x8FFFFFFF  }
0x98: {  	s18 =	sld [smem:$0x3FDB];
	_ =	sdelay $0x1  }
0x99: {  	s19 =	simm.s32 $_scs_section_size  }
0x9a: {  	s4 =	simm.s32 $_size__tile_overlayer_lowered;
	s5 =	simm.s32 $_tile_overlayer_lowered  }
0x9b: {  	s22 =	simm.s32 $0x1BFF;
	s21 =	sshll.u32 s5, $0x1;
	s2 =	sadd.s32 s19, s18  }
0x9c: {  	s6 =	simm.s32 $0x0;
	s20 =	sshll.u32 s4, $0x1;
	s4 =	sadd.s32 s21, s2  }
0x9d: {  	[timem:s6], [sflag:s22] =	dma.local [hbm:s4], s20  }
0x9e: {  	_ =	swait.ge [sflag:s22], s20  }
0x9f: {  	s3 =	ssub.s32 $0x0, s20;
	[sflag:s22] =	ssyncset.done $0x0  }
0xa0: {  	[sflag:s22] =	ssyncadd.s32 s3;
	_ =	sdelay $0x1  }
0xa1: {  	s23 =	simm.s32 $0x1B8B  }
0xa2: {  	_ =	swait.ge [sflag:s23], $0x1  }
0xa3: {  	[sflag:s23] =	ssyncset.done $0x0  }
0xa4: {  	s25 =	simm.s32 $0x1B8E;
	s24 =	sld [smem:$0x3FFE];
	[sflag:s23] =	ssyncadd.s32 $0xFFFFFFFF  }
0xa5: {  	s26 =	simm.s32 $execute0_lowered;
	[smem:$0x3FD2] =	sst s25  }
0xa6: {  	s4 =	sshll.u32 s26, $0x1;
	_ =	strace $0x80000049;
	[dreg:$0x1] =	wrdreg $0xFFFFFFFF  }
0xa7: {  	s28 =	simm.s32 $_size_execute0_lowered;
	s2 =	sadd.s32 s2, s4;
	[dreg:$0x0] =	wrdreg $0x0  }
0xa8: {  	s4 =	sshll.u32 s28, $0x1;
	[dreg:$0x2] =	wrdreg s2  }
0xa9: {  	[dreg:$0x3] =	wrdreg s4  }
0xaa: {  	[dreg:$0x4] =	wrdreg $0xC0  }
0xab: {  	_ =	task [dreg:s6], $0x5FFFF  }
0xac: {  	[dreg:$0x1] =	wrdreg $0xFFFFFFFF  }
0xad: {  	[dreg:$0x0] =	wrdreg $0x60  }
0xae: {  	[dreg:$0x2] =	wrdreg s24  }
0xaf: {  	[dreg:$0x3] =	wrdreg $0x0  }
0xb0: {  	[dreg:$0x4] =	wrdreg $0x9  }
0xb1: {  	_ =	task.clear_ibuf [dreg:s6], $0x5FFFF;
	_ =	strace $0x90000049  }
0xb2: {  	s29 =	simm.s32 $0x9;
	_ =	strace $0x8000004B  }
0xb3: {  	_ =	swait.ge [sflag:s29], $0x1  }
0xb4: {  	[sflag:s29] =	ssyncadd.s32 $0xFFFFFFFF  }
0xb5: {  	_ =	strace $0x9000004B  }
0xb6: {  	_ =	sfence  }
0xb7: {  	s30 =	sld [smem:$0x0];
	_ =	sdelay $0x2  }
0xb8: {  	s31 =	sshll.u32 s1, $0xD;
	s1 =	sshrl.u32 s1, $0x2  }
0xb9: {  	s3 =	sand.u32 $0x4000, s31;
	s1 =	sadd.s32 s1, s30  }
0xba: {  	s0 =	sor.u32 s3, s0;
	s1 =	sshll.u32 s1, $0x11  }
0xbb: {  	s0 =	sor.u32 s1, s0  }
0xbc: {  	s0 =	sadd.s32 $0x8F2B, s0  }
0xbd: {  	[sflag:s0] =	ssyncadd.remote.s32 $0x1  }
0xbe: {  	_ =	sfence.sel $0xFFFF  }
0xbf: {  	[dreg:$0x0] =	wrdreg $0xFFFFFFFF;
	(pc) =	sbr.abs _section_cstart, $3  }
0xc0: {  	[dreg:$0x1] =	wrdreg $0xFFFFFFFF  }
0xc1: {  	_ =	task.clear_ibuf [dreg:s6], $0x2FFFF;
	_ =	strace $0x9FFFFFFF  }
0xc2: {  	(tm) =	ssettm $0x7FFFFFFF  }
0xc3: {  	_ =	shalt  }
tec
execute0_lowered:
.L_overlay_start_1:
0x0: {  	(tag) =	ssettag $0x1  }
0x1: {  	s0 =	rddreg [dreg:$0x0];
	s1 =	srdreg.scid  }
0x2: {  	s2 =	rddreg [dreg:$0x1];
	s8 =	stileid.u32  }
0x3: {  	s4 =	simm.s32 $0x0;
	s19 =	simm.s32 $0x18F00;
	s20 =	simm.s32 $0x4  }
0x4: {  	s28 =	simm.s32 $0x1AF00;
	s30 =	simm.s32 $0x1CF00;
	s31 =	simm.s32 $0x1  }
0x5: {  	s29 =	simm.s32 $0x1EF00;
	s1 =	sand.u32 $0x1, s1;
	s5 =	smul.u32 $0x14000, s8  }
0x6: {  	[smem:$0x7FF] =	sst s4;
	s4 =	sadd.s32 $0x67C00, s0;
	s21 =	smul.u32 $0x50000, s8  }
0x7: {  	s6 =	sadd.s32 $0x4000, s0;
	s24 =	sshll.u32 s8, $0x7;
	s3 =	smul.u32 $0x140000, s1  }
0x8: {  	_ =	strace $0x8000004A;
	s22 =	ssub.s32 $0x2, s1;
	s1 =	sshll.u32 s1, $0x4  }
0x9: {  	s7 =	sshrl.u32 s22, $0x1;
	s1 =	sor.u32 s8, s1;
	s3 =	sadd.s32 s5, s3  }
0xa: {  	s5 =	sshrl.u32 s21, $0x2;
	s1 =	sshrl.u32 s1, $0x3;
	s21 =	simm.s32 $0x80  }
0xb: {  	s3 =	sshrl.u32 s3, $0x3;
	s5 =	sadd.s32 s5, s2;
	s1 =	smul.u32 $0x13C00, s1  }
0xc: {  	s0 =	sadd.s32 s3, s0;
	s3 =	ssub.s32 s22, s7;
	s23 =	sadd.s32 $0x2000, s5  }
0xd: {  	s25 =	sadd.s32 $0x4000, s5;
	s26 =	sadd.s32 $0x6000, s5;
	s7 =	sand.u32 $0x380, s24  }
0xe: {  	s9 =	sadd.s32 $0x8000, s5;
	s10 =	sadd.s32 $0xA000, s5;
	s11 =	sadd.s32 $0xC000, s5  }
0xf: {  	s12 =	sadd.s32 $0xE000, s5;
	s13 =	sadd.s32 $0x10000, s5;
	[dreg:$0x3] =	wrdreg s23  }
0x10: {  	s14 =	sadd.s32 $0x12000, s5;
	s22 =	simm.s32 $0x400;
	[dreg:$0x4] =	wrdreg s25  }
0x11: {  	s24 =	simm.s32 $0x10;
	[dreg:$0x5] =	wrdreg s26;
	s1 =	sor.u32 s7, s1  }
0x12: {  	s17 =	sadd.s32 $0x8EE00, s0;
	s18 =	smax.u32 s3, $0x1;
	s23 =	simm.s32 $0x14000  }
0x13: {  	s25 =	simm.s32 $0x40;
	s0 =	simm.s32 $0x2;
	s7 =	sadd.s32 $0x4F000, s1  }
0x14: {  	s26 =	simm.s32 $0x0;
	s1 =	sshrl.u32 s1, $0x3;
	s7 =	sshrl.u32 s7, $0x3  }
0x15: {  	v0 =	vimm.f32 $0.0e+00;
	s15 =	sadd.s32 s6, s1;
	s1 =	simm.s32 $0x3;
	s16 =	sadd.s32 s6, s7  }
.LBB2_1:
0x16: {  	s6 =	simm.s32 $0x0  }
0x17: {  	s3 =	sand.u32 $0x7E00, s6  }
0x18: {  	s6 =	sand.u32 $0x70, s6;
	s7 =	sshrl.u32 s3, $0x2  }
0x19: {  	s3 =	simm.s32 $0x40;
	s7 =	sor.u32 s6, s7;
	s6 =	simm.s32 $0x0  }
.LBB2_2:
0x1a: {  	p0 =	sne.s32 s3, $0x7FC0  }
0x1b: {  	[tilespmem:s7+$0x18F00] =	vst v0;
	s6 =	sadd.s32 $0x10, s6;
	s7 =	smov.u32 s3;
	s3 =	sadd.s32 $0x40, s3  }
.Ltmp0:
0x1c: {  	(pc) =	sbr.rel @p0 .LBB2_2-.Ltmp0, $4  }
0x1d: {  	_ = 	snop  }
0x1e: {  	s7 =	sand.u32 $0x7E00, s7  }
0x1f: {  	s8 =	sand.u32 $0x70, s6;
	s7 =	sshrl.u32 s7, $0x2  }
0x20: {  	s7 =	sor.u32 s8, s7  }
0x21: {  	[tilespmem:s7+$0x18F00] =	vst v0  }
0x22: {  	[spmem:s5] =	stream.linear.scatter [tilespmem:s19], [sflag:$0x4], $0x2000, $0x38;
	[tilespmem:$0x1F700] =	vst v63  }
0x23: {  	_ =	swait.ge [sflag:s20], $0x2000  }
0x24: {  	[sflag:s20] =	ssyncset.done $0x0  }
0x25: {  	s3 =	rddreg [dreg:$0x3];
	[sflag:s20] =	ssyncadd.s32 $0xFFFFE000  }
0x26: {  	[spmem:s3] =	stream.linear.scatter [tilespmem:s19], [sflag:$0x4], $0x2000, $0x38;
	[tilespmem:$0x1F700] =	vst v63  }
0x27: {  	_ =	swait.ge [sflag:s20], $0x2000  }
0x28: {  	[sflag:s20] =	ssyncset.done $0x0  }
0x29: {  	s8 =	rddreg [dreg:$0x4];
	[sflag:s20] =	ssyncadd.s32 $0xFFFFE000  }
0x2a: {  	[spmem:s8] =	stream.linear.scatter [tilespmem:s19], [sflag:$0x4], $0x2000, $0x38;
	[tilespmem:$0x1F700] =	vst v63  }
0x2b: {  	_ =	swait.ge [sflag:s20], $0x2000  }
0x2c: {  	[sflag:s20] =	ssyncset.done $0x0  }
0x2d: {  	s6 =	rddreg [dreg:$0x5];
	[sflag:s20] =	ssyncadd.s32 $0xFFFFE000  }
0x2e: {  	[spmem:s6] =	stream.linear.scatter [tilespmem:s19], [sflag:$0x4], $0x2000, $0x38;
	[tilespmem:$0x1F700] =	vst v63  }
0x2f: {  	_ =	swait.ge [sflag:s20], $0x2000  }
0x30: {  	[sflag:s20] =	ssyncset.done $0x0  }
0x31: {  	[sflag:s20] =	ssyncadd.s32 $0xFFFFE000  }
0x32: {  	[spmem:s9] =	stream.linear.scatter [tilespmem:s19], [sflag:$0x4], $0x2000, $0x38;
	[tilespmem:$0x1F700] =	vst v63  }
0x33: {  	_ =	swait.ge [sflag:s20], $0x2000  }
0x34: {  	[sflag:s20] =	ssyncset.done $0x0  }
0x35: {  	[sflag:s20] =	ssyncadd.s32 $0xFFFFE000  }
0x36: {  	[spmem:s10] =	stream.linear.scatter [tilespmem:s19], [sflag:$0x4], $0x2000, $0x38;
	[tilespmem:$0x1F700] =	vst v63  }
0x37: {  	_ =	swait.ge [sflag:s20], $0x2000  }
0x38: {  	[sflag:s20] =	ssyncset.done $0x0  }
0x39: {  	[sflag:s20] =	ssyncadd.s32 $0xFFFFE000  }
0x3a: {  	[spmem:s11] =	stream.linear.scatter [tilespmem:s19], [sflag:$0x4], $0x2000, $0x38;
	[tilespmem:$0x1F700] =	vst v63  }
0x3b: {  	_ =	swait.ge [sflag:s20], $0x2000  }
0x3c: {  	[sflag:s20] =	ssyncset.done $0x0  }
0x3d: {  	[sflag:s20] =	ssyncadd.s32 $0xFFFFE000  }
0x3e: {  	[spmem:s12] =	stream.linear.scatter [tilespmem:s19], [sflag:$0x4], $0x2000, $0x38;
	[tilespmem:$0x1F700] =	vst v63  }
0x3f: {  	_ =	swait.ge [sflag:s20], $0x2000  }
0x40: {  	[sflag:s20] =	ssyncset.done $0x0  }
0x41: {  	[sflag:s20] =	ssyncadd.s32 $0xFFFFE000  }
0x42: {  	[spmem:s13] =	stream.linear.scatter [tilespmem:s19], [sflag:$0x4], $0x2000, $0x38;
	[tilespmem:$0x1F700] =	vst v63  }
0x43: {  	_ =	swait.ge [sflag:s20], $0x2000  }
0x44: {  	[sflag:s20] =	ssyncset.done $0x0  }
0x45: {  	[sflag:s20] =	ssyncadd.s32 $0xFFFFE000  }
0x46: {  	[spmem:s14] =	stream.linear.scatter [tilespmem:s19], [sflag:$0x4], $0x2000, $0x38;
	[tilespmem:$0x1F700] =	vst v63  }
0x47: {  	_ =	swait.ge [sflag:s20], $0x2000  }
0x48: {  	[sflag:s20] =	ssyncset.done $0x0  }
0x49: {  	[sflag:s20] =	ssyncadd.s32 $0xFFFFE000  }
0x4a: {  	[bflag:$0x0] =	sbarrier.arrive $0xFFFF  }
0x4b: {  	[tilespmem:s23], [sflag:$0x4] =	stream.strided.gather [hbm4b:s15+s21], $0x2780, s22, s21, $0x38;
	[tilespmem:$0x1F700] =	vst v63  }
0x4c: {  	_ =	swait.ge [sflag:s20], $0x2780  }
0x4d: {  	[sflag:s20] =	ssyncset.done $0x0  }
0x4e: {  	s7 =	simm.s32 $0x16780;
	[sflag:s20] =	ssyncadd.s32 $0xFFFFD880  }
0x4f: {  	[tilespmem:s7], [sflag:$0x4] =	stream.strided.gather [hbm4b:s16+s21], $0x2780, s22, s21, $0x38;
	[tilespmem:$0x1F700] =	vst v63  }
0x50: {  	_ =	swait.ge [sflag:s20], $0x2780  }
0x51: {  	[sflag:s20] =	ssyncset.done $0x0  }
0x52: {  	[sflag:s20] =	ssyncadd.s32 $0xFFFFD880  }
0x53: {  	[tilespmem:s19], [sflag:$0x1] =	stream.indirect.gather [hbm4b:s4+s25], $0x80, s23, s25, $0xb8;
	[tilespmem:$0x1F700] =	vst v63  }
0x54: {  	s8 =	simm.s32 $0x14040  }
0x55: {  	[tilespmem:s28], [sflag:$0x2] =	stream.indirect.gather [hbm4b:s4+s25], $0x80, s8, s25, $0xb8;
	[tilespmem:$0x1F700] =	vst v63  }
0x56: {  	s6 =	simm.s32 $0x14080  }
0x57: {  	[tilespmem:s30], [sflag:$0x3] =	stream.indirect.gather [hbm4b:s4+s25], $0x80, s6, s25, $0xb8;
	[tilespmem:$0x1F700] =	vst v63  }
0x58: {  	_ =	swait.ge [sflag:s31], $0x2000  }
0x59: {  	[sflag:s31] =	ssyncset.done $0x0  }
0x5a: {  	s7 =	simm.s32 $0x16780;
	[sflag:s31] =	ssyncadd.s32 $0xFFFFE000  }
0x5b: {  	[spmem:s2] =	stream.indirect.scatter.add.f32 [tilespmem:s19], [sflag:$0x4], $0x80, s7, s25, $0xb8;
	[tilespmem:$0x1F700] =	vst v63  }
0x5c: {  	_ =	swait.ge [sflag:s20], $0x2000  }
0x5d: {  	[sflag:s20] =	ssyncset.done $0x0  }
0x5e: {  	s8 =	simm.s32 $0x140C0;
	[sflag:s20] =	ssyncadd.s32 $0xFFFFE000  }
0x5f: {  	[tilespmem:s19], [sflag:$0x1] =	stream.indirect.gather [hbm4b:s4+s25], $0x80, s8, s25, $0xb8;
	[tilespmem:$0x1F700] =	vst v63  }
0x60: {  	_ =	swait.ge [sflag:s0], $0x2000  }
0x61: {  	[sflag:s0] =	ssyncset.done $0x0  }
0x62: {  	s6 =	simm.s32 $0x167C0;
	[sflag:s0] =	ssyncadd.s32 $0xFFFFE000  }
0x63: {  	[spmem:s2] =	stream.indirect.scatter.add.f32 [tilespmem:s28], [sflag:$0x4], $0x80, s6, s25, $0xb8;
	[tilespmem:$0x1F700] =	vst v63  }
0x64: {  	_ =	swait.ge [sflag:s20], $0x2000  }
0x65: {  	[sflag:s20] =	ssyncset.done $0x0  }
0x66: {  	s7 =	simm.s32 $0x14100;
	[sflag:s20] =	ssyncadd.s32 $0xFFFFE000  }
0x67: {  	[tilespmem:s28], [sflag:$0x2] =	stream.indirect.gather [hbm4b:s4+s25], $0x80, s7, s25, $0xb8;
	[tilespmem:$0x1F700] =	vst v63  }
0x68: {  	_ =	swait.ge [sflag:s1], $0x2000  }
0x69: {  	[sflag:s1] =	ssyncset.done $0x0  }
0x6a: {  	s8 =	simm.s32 $0x16800;
	[sflag:s1] =	ssyncadd.s32 $0xFFFFE000  }
0x6b: {  	[spmem:s2] =	stream.indirect.scatter.add.f32 [tilespmem:s30], [sflag:$0x4], $0x80, s8, s25, $0xb8;
	[tilespmem:$0x1F700] =	vst v63  }
0x6c: {  	_ =	swait.ge [sflag:s20], $0x2000  }
0x6d: {  	[sflag:s20] =	ssyncset.done $0x0  }
0x6e: {  	s3 =	simm.s32 $0x300;
	s6 =	simm.s32 $0x14140;
	[sflag:s20] =	ssyncadd.s32 $0xFFFFE000  }
.LBB2_4:
0x6f: {  	[tilespmem:s30], [sflag:$0x3] =	stream.indirect.gather [hbm4b:s4+s25], $0x80, s6, s25, $0xb8;
	[tilespmem:$0x1F700] =	vst v63  }
0x70: {  	s6 =	smov.u32 s3  }
0x71: {  	p0 =	sne.s32 s3, $0x9600;
	s3 =	sadd.s32 $0x300, s3;
	_ =	swait.ge [sflag:s31], $0x2000  }
0x72: {  	s6 =	sshra.s32 s6, $0x2;
	[sflag:s31] =	ssyncset.done $0x0  }
0x73: {  	s7 =	sadd.s32 $0x16780, s6;
	[sflag:s31] =	ssyncadd.s32 $0xFFFFE000  }
0x74: {  	[spmem:s2] =	stream.indirect.scatter.add.f32 [tilespmem:s19], [sflag:$0x4], $0x80, s7, s25, $0xb8;
	[tilespmem:$0x1F700] =	vst v63  }
0x75: {  	_ =	swait.ge [sflag:s20], $0x2000  }
0x76: {  	[sflag:s20] =	ssyncset.done $0x0  }
0x77: {  	s7 =	sadd.s32 $0x140C0, s6;
	[sflag:s20] =	ssyncadd.s32 $0xFFFFE000  }
0x78: {  	[tilespmem:s19], [sflag:$0x1] =	stream.indirect.gather [hbm4b:s4+s25], $0x80, s7, s25, $0xb8;
	[tilespmem:$0x1F700] =	vst v63  }
0x79: {  	_ =	swait.ge [sflag:s0], $0x2000  }
0x7a: {  	[sflag:s0] =	ssyncset.done $0x0  }
0x7b: {  	s7 =	sadd.s32 $0x167C0, s6;
	[sflag:s0] =	ssyncadd.s32 $0xFFFFE000  }
0x7c: {  	[spmem:s2] =	stream.indirect.scatter.add.f32 [tilespmem:s28], [sflag:$0x4], $0x80, s7, s25, $0xb8;
	[tilespmem:$0x1F700] =	vst v63  }
0x7d: {  	_ =	swait.ge [sflag:s20], $0x2000  }
0x7e: {  	[sflag:s20] =	ssyncset.done $0x0  }
0x7f: {  	s7 =	sadd.s32 $0x14100, s6;
	[sflag:s20] =	ssyncadd.s32 $0xFFFFE000  }
0x80: {  	[tilespmem:s28], [sflag:$0x2] =	stream.indirect.gather [hbm4b:s4+s25], $0x80, s7, s25, $0xb8;
	[tilespmem:$0x1F700] =	vst v63  }
0x81: {  	_ =	swait.ge [sflag:s1], $0x2000  }
0x82: {  	[sflag:s1] =	ssyncset.done $0x0  }
.Ltmp1:
0x83: {  	s7 =	sadd.s32 $0x16800, s6;
	[sflag:s1] =	ssyncadd.s32 $0xFFFFE000;
	(pc) =	sbr.rel @p0 .LBB2_4-.Ltmp1, $4  }
0x84: {  	[spmem:s2] =	stream.indirect.scatter.add.f32 [tilespmem:s30], [sflag:$0x4], $0x80, s7, s25, $0xb8;
	[tilespmem:$0x1F700] =	vst v63  }
0x85: {  	_ =	swait.ge [sflag:s20], $0x2000  }
0x86: {  	[sflag:s20] =	ssyncset.done $0x0  }
0x87: {  	s6 =	sadd.s32 $0x14140, s6;
	[sflag:s20] =	ssyncadd.s32 $0xFFFFE000  }
0x88: {  	[tilespmem:s30], [sflag:$0x3] =	stream.indirect.gather [hbm4b:s4+s25], $0x80, s6, s25, $0xb8;
	[tilespmem:$0x1F700] =	vst v63  }
0x89: {  	_ =	swait.ge [sflag:s31], $0x2000  }
0x8a: {  	[sflag:s31] =	ssyncset.done $0x0  }
0x8b: {  	s3 =	simm.s32 $0x18DC0;
	[sflag:s31] =	ssyncadd.s32 $0xFFFFE000  }
0x8c: {  	[spmem:s2] =	stream.indirect.scatter.add.f32 [tilespmem:s19], [sflag:$0x4], $0x80, s3, s25, $0xb8;
	[tilespmem:$0x1F700] =	vst v63  }
0x8d: {  	_ =	swait.ge [sflag:s20], $0x2000  }
0x8e: {  	[sflag:s20] =	ssyncset.done $0x0  }
0x8f: {  	[sflag:s20] =	ssyncadd.s32 $0xFFFFE000  }
0x90: {  	_ =	swait.ge [sflag:s0], $0x2000  }
0x91: {  	[sflag:s0] =	ssyncset.done $0x0  }
0x92: {  	s6 =	simm.s32 $0x18E00;
	[sflag:s0] =	ssyncadd.s32 $0xFFFFE000  }
0x93: {  	[spmem:s2] =	stream.indirect.scatter.add.f32 [tilespmem:s28], [sflag:$0x4], $0x80, s6, s25, $0xb8;
	[tilespmem:$0x1F700] =	vst v63  }
0x94: {  	_ =	swait.ge [sflag:s20], $0x2000  }
0x95: {  	[sflag:s20] =	ssyncset.done $0x0  }
0x96: {  	[sflag:s20] =	ssyncadd.s32 $0xFFFFE000  }
0x97: {  	_ =	swait.ge [sflag:s1], $0x2000  }
0x98: {  	[sflag:s1] =	ssyncset.done $0x0  }
0x99: {  	s7 =	simm.s32 $0x18E40;
	[sflag:s1] =	ssyncadd.s32 $0xFFFFE000  }
0x9a: {  	[spmem:s2] =	stream.indirect.scatter.add.f32 [tilespmem:s30], [sflag:$0x4], $0x80, s7, s25, $0xb8;
	[tilespmem:$0x1F700] =	vst v63  }
0x9b: {  	_ =	swait.ge [sflag:s20], $0x2000  }
0x9c: {  	[sflag:s20] =	ssyncset.done $0x0  }
0x9d: {  	s8 =	simm.s32 $0x16700;
	[sflag:s20] =	ssyncadd.s32 $0xFFFFE000  }
0x9e: {  	[tilespmem:s29], [sflag:$0x1] =	stream.indirect.gather [hbm4b:s4+s24], $0x80, s8, s24, $0xb8;
	[tilespmem:$0x1F700] =	vst v63  }
0x9f: {  	_ =	swait.ge [sflag:s31], $0x800  }
0xa0: {  	[sflag:s31] =	ssyncset.done $0x0  }
0xa1: {  	s6 =	simm.s32 $0x18E80;
	[sflag:s31] =	ssyncadd.s32 $0xFFFFF800  }
0xa2: {  	[spmem:s2] =	stream.indirect.scatter.add.f32 [tilespmem:s29], [sflag:$0x4], $0x80, s6, s24, $0xb8;
	[tilespmem:$0x1F700] =	vst v63  }
0xa3: {  	s7 =	stileid.u32;
	_ =	swait.ge [sflag:s20], $0x800  }
0xa4: {  	s26 =	sadd.s32 $0x1, s26;
	s3 =	sshll.u32 s7, $0x6;
	[sflag:s20] =	ssyncset.done $0x0  }
0xa5: {  	p0 =	sne.s32 s26, s18;
	s3 =	sor.u32 $0x1C04, s3;
	[sflag:s20] =	ssyncadd.s32 $0xFFFFF800  }
.Ltmp2:
0xa6: {  	s8 =	sshrl.u32 s5, $0x3;
	[bflag:$0x0] =	sbarrier.arrive $0xFFFF;
	(pc) =	sbr.rel @p0 .LBB2_1-.Ltmp2, $4  }
0xa7: {  	[hbm:s17], [sflag:s3] =	dma.local [spmem:s8], $0x2800  }
0xa8: {  	_ =	swait.ge [sflag:s20], $0x2800  }
0xa9: {  	[sflag:s20] =	ssyncset.done $0x0  }
0xaa: {  	[sflag:s20] =	ssyncadd.s32 $0xFFFFD800  }
0xab: {  	_ =	sfence.sel $0x180000  }
0xac: {  	[bflag:$0x0] =	sbarrier.arrive $0xFFFF  }
0xad: {  	_ =	strace $0x9000004A  }
0xae: {  	s0 =	stileid.u32;
	[bflag:$0x2] =	sbarrier.arrive $0xFFFF  }
0xaf: {  	p0 =	sne.s32 s0, $0x0;
	s0 =	rddreg [dreg:$0x2]  }
0xb0: {  	s0 =	sadd.s32 @!p0 $0x100000, s0  }
0xb1: {  	[sflag:s0] =	ssyncadd.tile.s32 @!p0 $0x1;
	_ =	shalt  }
.Lfunc_end2:
_tile_overlayer_lowered:
.L_overlay_start_2:
0xb2: {  	(tag) =	ssettag $0x2  }
0xb3: {  	s0 =	rddreg [dreg:$0x0];
	s2 =	stileid.u32  }
0xb4: {  	s1 =	rddreg [dreg:$0x1];
	p0 =	sne.s32 s2, $0x0  }
0xb5: {  	s3 =	rddreg [dreg:$0x2];
	[bflag:$0x3] =	sbarrier.arrive $0xFFFF;
	s2 =	simm.s32 @!p0 $0x1C04  }
0xb6: {  	[timem:s3], [sflag:s2] =	dma.local @!p0 [hbm:s0], s1  }
0xb7: {  	s0 =	simm.s32 @!p0 $0x4  }
0xb8: {  	_ =	swait.ge @!p0 [sflag:s0], s1  }
0xb9: {  	s1 =	ssub.s32 @!p0 $0x0, s1;
	[sflag:s0] =	ssyncset.done @!p0 $0x0  }
0xba: {  	[sflag:s0] =	ssyncadd.s32 @!p0 s1  }
0xbb: {  	[bflag:$0x3] =	sbarrier.arrive $0xFFFF  }
0xbc: {  	_ =	shalt  }

// kernel: sc_propagate_128.8.cloned.1.call-start
scs
__scs_entry_jumppad:
0x0: {  	(pc) =	sbr.rel $0x88, $3  }
0x1: {  	(tag) =	ssettag $0x0;
	lr =	simm.s32 $0x1  }
0x2: {  	[smem:$0x3F95] =	sst lr;
	_ =	strace $0xD0000000  }
0x3: {  	_ = 	snop  }
0x4: {  	_ = 	snop  }
0x5: {  	_ = 	snop  }
0x6: {  	_ = 	snop  }
0x7: {  	_ = 	snop  }
__scs_overlays_trampoline_lowered:
0x8: {  	[smem:$0x3FA4] =	sst s0  }
0x9: {  	[smem:$0x3FA5] =	sst s1  }
0xa: {  	[smem:$0x3FA6] =	sst s2  }
0xb: {  	[smem:$0x3FA7] =	sst s3  }
0xc: {  	[smem:$0x3FA8] =	sst s4  }
0xd: {  	[smem:$0x3FA9] =	sst s5  }
0xe: {  	[smem:$0x3FAA] =	sst s6  }
0xf: {  	[smem:$0x3FAB] =	sst s7  }
0x10: {  	[smem:$0x3FAC] =	sst s8  }
0x11: {  	[smem:$0x3FAD] =	sst s9;
	s0 =	simm.s32 @!p0 $0x0  }
0x12: {  	s1 =	sld [smem:$0x3F93];
	s0 =	simm.s32 @p0 $0x1  }
0x13: {  	[smem:$0x3FAE] =	sst s0;
	s0 =	simm.s32 @!p1 $0x0  }
0x14: {  	s2 =	sld [smem:$0x3F92];
	s0 =	simm.s32 @p1 $0x1  }
0x15: {  	[smem:$0x3FAF] =	sst s0;
	s0 =	simm.s32 @!p2 $0x0  }
0x16: {  	s3 =	sld [smem:$0x3FDB];
	s0 =	simm.s32 @p2 $0x1  }
0x17: {  	s4 =	simm.s32 $0x1BF5;
	[smem:$0x3FB1] =	sst s0  }
0x18: {  	s0 =	sld [smem:$0x3F94];
	_ =	swait.ge [sflag:s4], $0x0  }
0x19: {  	s7 =	sld [smem:$0x3F95]  }
0x1a: {  	s8 =	sadd.s32 $0xFFFFE003, lr  }
0x1b: {  	s9 =	sadd.s32 $0xFFFFFEF7, lr;
	s5 =	simm.s32 $0xFFFFFFFF;
	p2 =	slt.u32 s8, $0xFFFFF086  }
0x1c: {  	p1 =	slt.u32 s9, $0xF7A;
	s5 =	simm.s32 @!p2 $0x0  }
0x1d: {  	s5 =	simm.s32 @p1 $0x1;
	p0 =	seq.s32 s7, s2  }
0x1e: {  	s7 =	smul.u32 @!p0 $0xF7A, s2;
	p2 =	seq.s32 @!p0 s5, $0x0  }
0x1f: {  	s9 =	smul.u32 $0xF7A, s1;
	s8 =	simm.s32 @!p0 $0x1BF5;
	p2 =	por !p2, p0  }
0x20: {  	[sflag:s8] =	ssyncset.s32 @!p0 $0xFFFFF086;
	s6 =	sadd.s32 @!p0 s3, s7;
	s7 =	simm.s32 @!p0 $0x108  }
0x21: {  	s3 =	sadd.s32 s3, s9;
	s6 =	sadd.s32 @!p0 $0x88, s6;
	s7 =	simm.s32 @p2 $0x1082  }
0x22: {  	[simem:s7], [sflag:s8] =	dma.local @!p0 [hbm:s6], $0xF7A  }
0x23: {  	s9 =	sor.u32 $0xD0000000, s2;
	s6 =	simm.s32 $0x108;
	_ =	swait.ge @!p0 [sflag:s8], $0x0  }
0x24: {  	s3 =	sadd.s32 $0x88, s3;
	s6 =	simm.s32 @!p1 $0x1082;
	[sflag:s4] =	ssyncset.s32 $0xFFFFF086  }
0x25: {  	[simem:s6], [sflag:s4] =	dma.local [hbm:s3], $0xF7A  }
0x26: {  	[smem:$0x3F95] =	sst s1;
	(tag) =	ssettag s2;
	_ =	strace s9  }
0x27: {  	s1 =	sld [smem:$0x3FA5]  }
0x28: {  	s2 =	sld [smem:$0x3FA6]  }
0x29: {  	s4 =	sld [smem:$0x3FA8]  }
0x2a: {  	p0 =	seq.s32 s5, $0x0;
	s5 =	sld [smem:$0x3FA9]  }
0x2b: {  	s6 =	sld [smem:$0x3FAA]  }
0x2c: {  	s7 =	sld [smem:$0x3FAB]  }
0x2d: {  	s3 =	simm.s32 $0x108;
	s8 =	sld [smem:$0x3FAC]  }
0x2e: {  	s3 =	simm.s32 @!p0 $0x1082;
	s9 =	sld [smem:$0x3FAD]  }
0x2f: {  	lr =	sadd.s32 s0, s3;
	s0 =	sld [smem:$0x3FA4]  }
0x30: {  	s3 =	sld [smem:$0x3FA7]  }
0x31: {  	[smem:$0x3FB0] =	sst s10  }
0x32: {  	s10 =	sld [smem:$0x3FAE];
	_ =	sdelay $0x3  }
0x33: {  	p0 =	seq.s32 s10, $0x1;
	s10 =	sld [smem:$0x3FB0];
	_ =	sdelay $0x3  }
0x34: {  	[smem:$0x3FB0] =	sst s10  }
0x35: {  	s10 =	sld [smem:$0x3FAF];
	_ =	sdelay $0x3  }
0x36: {  	p1 =	seq.s32 s10, $0x1;
	s10 =	sld [smem:$0x3FB0];
	_ =	sdelay $0x3  }
0x37: {  	[smem:$0x3FB0] =	sst s10  }
0x38: {  	s10 =	sld [smem:$0x3FB1]  }
0x39: {  	_ = 	snop;
	(pc) =	sbr.ind lr, $3  }
0x3a: {  	_ = 	snop  }
0x3b: {  	_ = 	snop  }
0x3c: {  	p2 =	seq.s32 s10, $0x1;
	s10 =	sld [smem:$0x3FB0]  }
0x3d: {  	_ =	shalt  }
0x3e: {  	_ =	shalt  }
0x3f: {  	_ =	shalt  }
0x40: {  	_ =	shalt  }
0x41: {  	_ =	shalt  }
0x42: {  	_ =	shalt  }
0x43: {  	_ =	shalt  }
0x44: {  	_ =	shalt  }
0x45: {  	_ =	shalt  }
0x46: {  	_ =	shalt  }
0x47: {  	_ =	shalt  }
0x48: {  	_ =	shalt  }
0x49: {  	_ =	shalt  }
0x4a: {  	_ =	shalt  }
0x4b: {  	_ =	shalt  }
0x4c: {  	_ =	shalt  }
0x4d: {  	_ =	shalt  }
0x4e: {  	_ =	shalt  }
0x4f: {  	_ =	shalt  }
0x50: {  	_ =	shalt  }
0x51: {  	_ =	shalt  }
0x52: {  	_ =	shalt  }
0x53: {  	_ =	shalt  }
0x54: {  	_ =	shalt  }
0x55: {  	_ =	shalt  }
0x56: {  	_ =	shalt  }
0x57: {  	_ =	shalt  }
0x58: {  	_ =	shalt  }
0x59: {  	_ =	shalt  }
0x5a: {  	_ =	shalt  }
0x5b: {  	_ =	shalt  }
0x5c: {  	_ =	shalt  }
0x5d: {  	_ =	shalt  }
0x5e: {  	_ =	shalt  }
0x5f: {  	_ =	shalt  }
0x60: {  	_ =	shalt  }
0x61: {  	_ =	shalt  }
0x62: {  	_ =	shalt  }
0x63: {  	_ =	shalt  }
0x64: {  	_ =	shalt  }
0x65: {  	_ =	shalt  }
0x66: {  	_ =	shalt  }
0x67: {  	_ =	shalt  }
0x68: {  	_ =	shalt  }
0x69: {  	_ =	shalt  }
0x6a: {  	_ =	shalt  }
0x6b: {  	_ =	shalt  }
0x6c: {  	_ =	shalt  }
0x6d: {  	_ =	shalt  }
0x6e: {  	_ =	shalt  }
0x6f: {  	_ =	shalt  }
0x70: {  	_ =	shalt  }
0x71: {  	_ =	shalt  }
0x72: {  	_ =	shalt  }
0x73: {  	_ =	shalt  }
0x74: {  	_ =	shalt  }
0x75: {  	_ =	shalt  }
0x76: {  	_ =	shalt  }
0x77: {  	_ =	shalt  }
0x78: {  	_ =	shalt  }
0x79: {  	_ =	shalt  }
0x7a: {  	_ =	shalt  }
0x7b: {  	_ =	shalt  }
0x7c: {  	_ =	shalt  }
0x7d: {  	_ =	shalt  }
0x7e: {  	_ =	shalt  }
0x7f: {  	_ =	shalt  }
0x80: {  	_ =	shalt  }
0x81: {  	_ =	shalt  }
0x82: {  	_ =	shalt  }
0x83: {  	_ =	shalt  }
0x84: {  	_ =	shalt  }
0x85: {  	_ =	shalt  }
0x86: {  	_ =	shalt  }
0x87: {  	_ =	shalt  }
.Lfunc_end0:
.L_simem_size_0:
called_computation.2_lowered:
.L_overlay_start_0:
0x88: {  	s2 =	sld [smem:$0x3FD9]  }
0x89: {  	s3 =	sld [smem:$0x3FFE];
	_ =	sdelay $0x1  }
0x8a: {  	s1 =	srdreg.scid  }
0x8b: {  	s0 =	sand.u32 $0x1, s1  }
0x8c: {  	s16 =	sshll.u32 s0, $0xA;
	s2 =	sadd.s32 s3, s2  }
0x8d: {  	s2 =	sadd.s32 s2, s16  }
0x8e: {  	[smem:$0x3FBC] =	sst s2  }
0x8f: {  	_ = 	snop  }
0x90: {  	(tm) =	ssettm $0x1  }
0x91: {  	s17 =	sld [smem:$0x3FFB];
	_ =	sdelay $0x3  }
0x92: {  	_ =	strace s17  }
0x93: {  	s2 =	sld [smem:$0x3FFC];
	_ =	sdelay $0x3  }
0x94: {  	_ =	strace s2  }
0x95: {  	s2 =	sld [smem:$0x3FFD];
	_ =	sdelay $0x3  }
0x96: {  	_ =	strace s2  }
0x97: {  	_ =	strace $0x8FFFFFFF  }
0x98: {  	s18 =	sld [smem:$0x3FDB];
	_ =	sdelay $0x1  }
0x99: {  	s19 =	simm.s32 $_scs_section_size  }
0x9a: {  	s4 =	simm.s32 $_size__tile_overlayer_lowered;
	s5 =	simm.s32 $_tile_overlayer_lowered  }
0x9b: {  	s22 =	simm.s32 $0x1BFF;
	s21 =	sshll.u32 s5, $0x1;
	s2 =	sadd.s32 s19, s18  }
0x9c: {  	s6 =	simm.s32 $0x0;
	s20 =	sshll.u32 s4, $0x1;
	s4 =	sadd.s32 s21, s2  }
0x9d: {  	[timem:s6], [sflag:s22] =	dma.local [hbm:s4], s20  }
0x9e: {  	_ =	swait.ge [sflag:s22], s20  }
0x9f: {  	s3 =	ssub.s32 $0x0, s20;
	[sflag:s22] =	ssyncset.done $0x0  }
0xa0: {  	[sflag:s22] =	ssyncadd.s32 s3;
	_ =	sdelay $0x1  }
0xa1: {  	s23 =	simm.s32 $0x1B8B  }
0xa2: {  	_ =	swait.ge [sflag:s23], $0x1  }
0xa3: {  	[sflag:s23] =	ssyncset.done $0x0  }
0xa4: {  	s25 =	simm.s32 $0x1B8E;
	s24 =	sld [smem:$0x3FFE];
	[sflag:s23] =	ssyncadd.s32 $0xFFFFFFFF  }
0xa5: {  	s26 =	simm.s32 $execute0_lowered;
	[smem:$0x3FD2] =	sst s25  }
0xa6: {  	s4 =	sshll.u32 s26, $0x1;
	_ =	strace $0x8000004C;
	[dreg:$0x1] =	wrdreg $0xFFFFFFFF  }
0xa7: {  	s28 =	simm.s32 $_size_execute0_lowered;
	s2 =	sadd.s32 s2, s4;
	[dreg:$0x0] =	wrdreg $0x0  }
0xa8: {  	s4 =	sshll.u32 s28, $0x1;
	[dreg:$0x2] =	wrdreg s2  }
0xa9: {  	[dreg:$0x3] =	wrdreg s4  }
0xaa: {  	[dreg:$0x4] =	wrdreg $0xC0  }
0xab: {  	_ =	task [dreg:s6], $0x5FFFF  }
0xac: {  	[dreg:$0x1] =	wrdreg $0xFFFFFFFF  }
0xad: {  	[dreg:$0x0] =	wrdreg $0x60  }
0xae: {  	[dreg:$0x2] =	wrdreg s24  }
0xaf: {  	[dreg:$0x3] =	wrdreg $0x0  }
0xb0: {  	[dreg:$0x4] =	wrdreg $0x9  }
0xb1: {  	_ =	task.clear_ibuf [dreg:s6], $0x5FFFF;
	_ =	strace $0x9000004C  }
0xb2: {  	s29 =	simm.s32 $0x9;
	_ =	strace $0x8000004E  }
0xb3: {  	_ =	swait.ge [sflag:s29], $0x1  }
0xb4: {  	[sflag:s29] =	ssyncadd.s32 $0xFFFFFFFF  }
0xb5: {  	_ =	strace $0x9000004E  }
0xb6: {  	_ =	sfence  }
0xb7: {  	s30 =	sld [smem:$0x0];
	_ =	sdelay $0x2  }
0xb8: {  	s31 =	sshll.u32 s1, $0xD;
	s1 =	sshrl.u32 s1, $0x2  }
0xb9: {  	s3 =	sand.u32 $0x4000, s31;
	s1 =	sadd.s32 s1, s30  }
0xba: {  	s0 =	sor.u32 s3, s0;
	s1 =	sshll.u32 s1, $0x11  }
0xbb: {  	s0 =	sor.u32 s1, s0  }
0xbc: {  	s0 =	sadd.s32 $0x8F2B, s0  }
0xbd: {  	[sflag:s0] =	ssyncadd.remote.s32 $0x1  }
0xbe: {  	_ =	sfence.sel $0xFFFF  }
0xbf: {  	[dreg:$0x0] =	wrdreg $0xFFFFFFFF;
	(pc) =	sbr.abs _section_cstart, $3  }
0xc0: {  	[dreg:$0x1] =	wrdreg $0xFFFFFFFF  }
0xc1: {  	_ =	task.clear_ibuf [dreg:s6], $0x2FFFF;
	_ =	strace $0x9FFFFFFF  }
0xc2: {  	(tm) =	ssettm $0x7FFFFFFF  }
0xc3: {  	_ =	shalt  }
tec
execute0_lowered:
.L_overlay_start_1:
0x0: {  	(tag) =	ssettag $0x1  }
0x1: {  	s0 =	rddreg [dreg:$0x0];
	s1 =	srdreg.scid  }
0x2: {  	s2 =	rddreg [dreg:$0x1];
	s8 =	stileid.u32  }
0x3: {  	s4 =	simm.s32 $0x0;
	s19 =	simm.s32 $0x18F00;
	s20 =	simm.s32 $0x4  }
0x4: {  	s28 =	simm.s32 $0x1AF00;
	s30 =	simm.s32 $0x1CF00;
	s31 =	simm.s32 $0x1  }
0x5: {  	s29 =	simm.s32 $0x1EF00;
	s1 =	sand.u32 $0x1, s1;
	s5 =	smul.u32 $0x14000, s8  }
0x6: {  	[smem:$0x7FF] =	sst s4;
	s4 =	sadd.s32 $0x67C00, s0;
	s21 =	smul.u32 $0x50000, s8  }
0x7: {  	s6 =	sadd.s32 $0x4000, s0;
	s24 =	sshll.u32 s8, $0x7;
	s3 =	smul.u32 $0x140000, s1  }
0x8: {  	_ =	strace $0x8000004D;
	s22 =	ssub.s32 $0x2, s1;
	s1 =	sshll.u32 s1, $0x4  }
0x9: {  	s7 =	sshrl.u32 s22, $0x1;
	s1 =	sor.u32 s8, s1;
	s3 =	sadd.s32 s5, s3  }
0xa: {  	s5 =	sshrl.u32 s21, $0x2;
	s1 =	sshrl.u32 s1, $0x3;
	s21 =	simm.s32 $0x80  }
0xb: {  	s3 =	sshrl.u32 s3, $0x3;
	s5 =	sadd.s32 s5, s2;
	s1 =	smul.u32 $0x13C00, s1  }
0xc: {  	s0 =	sadd.s32 s3, s0;
	s3 =	ssub.s32 s22, s7;
	s23 =	sadd.s32 $0x2000, s5  }
0xd: {  	s25 =	sadd.s32 $0x4000, s5;
	s26 =	sadd.s32 $0x6000, s5;
	s7 =	sand.u32 $0x380, s24  }
0xe: {  	s9 =	sadd.s32 $0x8000, s5;
	s10 =	sadd.s32 $0xA000, s5;
	s11 =	sadd.s32 $0xC000, s5  }
0xf: {  	s12 =	sadd.s32 $0xE000, s5;
	s13 =	sadd.s32 $0x10000, s5;
	[dreg:$0x3] =	wrdreg s23  }
0x10: {  	s14 =	sadd.s32 $0x12000, s5;
	s22 =	simm.s32 $0x400;
	[dreg:$0x4] =	wrdreg s25  }
0x11: {  	s24 =	simm.s32 $0x10;
	[dreg:$0x5] =	wrdreg s26;
	s1 =	sor.u32 s7, s1  }
0x12: {  	s17 =	sadd.s32 $0x8EE00, s0;
	s18 =	smax.u32 s3, $0x1;
	s23 =	simm.s32 $0x14000  }
0x13: {  	s25 =	simm.s32 $0x40;
	s0 =	simm.s32 $0x2;
	s7 =	sadd.s32 $0x4F000, s1  }
0x14: {  	s26 =	simm.s32 $0x0;
	s1 =	sshrl.u32 s1, $0x3;
	s7 =	sshrl.u32 s7, $0x3  }
0x15: {  	v0 =	vimm.f32 $0.0e+00;
	s15 =	sadd.s32 s6, s1;
	s1 =	simm.s32 $0x3;
	s16 =	sadd.s32 s6, s7  }
.LBB2_1:
0x16: {  	s6 =	simm.s32 $0x0  }
0x17: {  	s3 =	sand.u32 $0x7E00, s6  }
0x18: {  	s6 =	sand.u32 $0x70, s6;
	s7 =	sshrl.u32 s3, $0x2  }
0x19: {  	s3 =	simm.s32 $0x40;
	s7 =	sor.u32 s6, s7;
	s6 =	simm.s32 $0x0  }
.LBB2_2:
0x1a: {  	p0 =	sne.s32 s3, $0x7FC0  }
0x1b: {  	[tilespmem:s7+$0x18F00] =	vst v0;
	s6 =	sadd.s32 $0x10, s6;
	s7 =	smov.u32 s3;
	s3 =	sadd.s32 $0x40, s3  }
.Ltmp0:
0x1c: {  	(pc) =	sbr.rel @p0 .LBB2_2-.Ltmp0, $4  }
0x1d: {  	_ = 	snop  }
0x1e: {  	s7 =	sand.u32 $0x7E00, s7  }
0x1f: {  	s8 =	sand.u32 $0x70, s6;
	s7 =	sshrl.u32 s7, $0x2  }
0x20: {  	s7 =	sor.u32 s8, s7  }
0x21: {  	[tilespmem:s7+$0x18F00] =	vst v0  }
0x22: {  	[spmem:s5] =	stream.linear.scatter [tilespmem:s19], [sflag:$0x4], $0x2000, $0x38;
	[tilespmem:$0x1F700] =	vst v63  }
0x23: {  	_ =	swait.ge [sflag:s20], $0x2000  }
0x24: {  	[sflag:s20] =	ssyncset.done $0x0  }
0x25: {  	s3 =	rddreg [dreg:$0x3];
	[sflag:s20] =	ssyncadd.s32 $0xFFFFE000  }
0x26: {  	[spmem:s3] =	stream.linear.scatter [tilespmem:s19], [sflag:$0x4], $0x2000, $0x38;
	[tilespmem:$0x1F700] =	vst v63  }
0x27: {  	_ =	swait.ge [sflag:s20], $0x2000  }
0x28: {  	[sflag:s20] =	ssyncset.done $0x0  }
0x29: {  	s8 =	rddreg [dreg:$0x4];
	[sflag:s20] =	ssyncadd.s32 $0xFFFFE000  }
0x2a: {  	[spmem:s8] =	stream.linear.scatter [tilespmem:s19], [sflag:$0x4], $0x2000, $0x38;
	[tilespmem:$0x1F700] =	vst v63  }
0x2b: {  	_ =	swait.ge [sflag:s20], $0x2000  }
0x2c: {  	[sflag:s20] =	ssyncset.done $0x0  }
0x2d: {  	s6 =	rddreg [dreg:$0x5];
	[sflag:s20] =	ssyncadd.s32 $0xFFFFE000  }
0x2e: {  	[spmem:s6] =	stream.linear.scatter [tilespmem:s19], [sflag:$0x4], $0x2000, $0x38;
	[tilespmem:$0x1F700] =	vst v63  }
0x2f: {  	_ =	swait.ge [sflag:s20], $0x2000  }
0x30: {  	[sflag:s20] =	ssyncset.done $0x0  }
0x31: {  	[sflag:s20] =	ssyncadd.s32 $0xFFFFE000  }
0x32: {  	[spmem:s9] =	stream.linear.scatter [tilespmem:s19], [sflag:$0x4], $0x2000, $0x38;
	[tilespmem:$0x1F700] =	vst v63  }
0x33: {  	_ =	swait.ge [sflag:s20], $0x2000  }
0x34: {  	[sflag:s20] =	ssyncset.done $0x0  }
0x35: {  	[sflag:s20] =	ssyncadd.s32 $0xFFFFE000  }
0x36: {  	[spmem:s10] =	stream.linear.scatter [tilespmem:s19], [sflag:$0x4], $0x2000, $0x38;
	[tilespmem:$0x1F700] =	vst v63  }
0x37: {  	_ =	swait.ge [sflag:s20], $0x2000  }
0x38: {  	[sflag:s20] =	ssyncset.done $0x0  }
0x39: {  	[sflag:s20] =	ssyncadd.s32 $0xFFFFE000  }
0x3a: {  	[spmem:s11] =	stream.linear.scatter [tilespmem:s19], [sflag:$0x4], $0x2000, $0x38;
	[tilespmem:$0x1F700] =	vst v63  }
0x3b: {  	_ =	swait.ge [sflag:s20], $0x2000  }
0x3c: {  	[sflag:s20] =	ssyncset.done $0x0  }
0x3d: {  	[sflag:s20] =	ssyncadd.s32 $0xFFFFE000  }
0x3e: {  	[spmem:s12] =	stream.linear.scatter [tilespmem:s19], [sflag:$0x4], $0x2000, $0x38;
	[tilespmem:$0x1F700] =	vst v63  }
0x3f: {  	_ =	swait.ge [sflag:s20], $0x2000  }
0x40: {  	[sflag:s20] =	ssyncset.done $0x0  }
0x41: {  	[sflag:s20] =	ssyncadd.s32 $0xFFFFE000  }
0x42: {  	[spmem:s13] =	stream.linear.scatter [tilespmem:s19], [sflag:$0x4], $0x2000, $0x38;
	[tilespmem:$0x1F700] =	vst v63  }
0x43: {  	_ =	swait.ge [sflag:s20], $0x2000  }
0x44: {  	[sflag:s20] =	ssyncset.done $0x0  }
0x45: {  	[sflag:s20] =	ssyncadd.s32 $0xFFFFE000  }
0x46: {  	[spmem:s14] =	stream.linear.scatter [tilespmem:s19], [sflag:$0x4], $0x2000, $0x38;
	[tilespmem:$0x1F700] =	vst v63  }
0x47: {  	_ =	swait.ge [sflag:s20], $0x2000  }
0x48: {  	[sflag:s20] =	ssyncset.done $0x0  }
0x49: {  	[sflag:s20] =	ssyncadd.s32 $0xFFFFE000  }
0x4a: {  	[bflag:$0x0] =	sbarrier.arrive $0xFFFF  }
0x4b: {  	[tilespmem:s23], [sflag:$0x4] =	stream.strided.gather [hbm4b:s15+s21], $0x2780, s22, s21, $0x38;
	[tilespmem:$0x1F700] =	vst v63  }
0x4c: {  	_ =	swait.ge [sflag:s20], $0x2780  }
0x4d: {  	[sflag:s20] =	ssyncset.done $0x0  }
0x4e: {  	s7 =	simm.s32 $0x16780;
	[sflag:s20] =	ssyncadd.s32 $0xFFFFD880  }
0x4f: {  	[tilespmem:s7], [sflag:$0x4] =	stream.strided.gather [hbm4b:s16+s21], $0x2780, s22, s21, $0x38;
	[tilespmem:$0x1F700] =	vst v63  }
0x50: {  	_ =	swait.ge [sflag:s20], $0x2780  }
0x51: {  	[sflag:s20] =	ssyncset.done $0x0  }
0x52: {  	[sflag:s20] =	ssyncadd.s32 $0xFFFFD880  }
0x53: {  	[tilespmem:s19], [sflag:$0x1] =	stream.indirect.gather [hbm4b:s4+s25], $0x80, s23, s25, $0xb8;
	[tilespmem:$0x1F700] =	vst v63  }
0x54: {  	s8 =	simm.s32 $0x14040  }
0x55: {  	[tilespmem:s28], [sflag:$0x2] =	stream.indirect.gather [hbm4b:s4+s25], $0x80, s8, s25, $0xb8;
	[tilespmem:$0x1F700] =	vst v63  }
0x56: {  	s6 =	simm.s32 $0x14080  }
0x57: {  	[tilespmem:s30], [sflag:$0x3] =	stream.indirect.gather [hbm4b:s4+s25], $0x80, s6, s25, $0xb8;
	[tilespmem:$0x1F700] =	vst v63  }
0x58: {  	_ =	swait.ge [sflag:s31], $0x2000  }
0x59: {  	[sflag:s31] =	ssyncset.done $0x0  }
0x5a: {  	s7 =	simm.s32 $0x16780;
	[sflag:s31] =	ssyncadd.s32 $0xFFFFE000  }
0x5b: {  	[spmem:s2] =	stream.indirect.scatter.add.f32 [tilespmem:s19], [sflag:$0x4], $0x80, s7, s25, $0xb8;
	[tilespmem:$0x1F700] =	vst v63  }
0x5c: {  	_ =	swait.ge [sflag:s20], $0x2000  }
0x5d: {  	[sflag:s20] =	ssyncset.done $0x0  }
0x5e: {  	s8 =	simm.s32 $0x140C0;
	[sflag:s20] =	ssyncadd.s32 $0xFFFFE000  }
0x5f: {  	[tilespmem:s19], [sflag:$0x1] =	stream.indirect.gather [hbm4b:s4+s25], $0x80, s8, s25, $0xb8;
	[tilespmem:$0x1F700] =	vst v63  }
0x60: {  	_ =	swait.ge [sflag:s0], $0x2000  }
0x61: {  	[sflag:s0] =	ssyncset.done $0x0  }
0x62: {  	s6 =	simm.s32 $0x167C0;
	[sflag:s0] =	ssyncadd.s32 $0xFFFFE000  }
0x63: {  	[spmem:s2] =	stream.indirect.scatter.add.f32 [tilespmem:s28], [sflag:$0x4], $0x80, s6, s25, $0xb8;
	[tilespmem:$0x1F700] =	vst v63  }
0x64: {  	_ =	swait.ge [sflag:s20], $0x2000  }
0x65: {  	[sflag:s20] =	ssyncset.done $0x0  }
0x66: {  	s7 =	simm.s32 $0x14100;
	[sflag:s20] =	ssyncadd.s32 $0xFFFFE000  }
0x67: {  	[tilespmem:s28], [sflag:$0x2] =	stream.indirect.gather [hbm4b:s4+s25], $0x80, s7, s25, $0xb8;
	[tilespmem:$0x1F700] =	vst v63  }
0x68: {  	_ =	swait.ge [sflag:s1], $0x2000  }
0x69: {  	[sflag:s1] =	ssyncset.done $0x0  }
0x6a: {  	s8 =	simm.s32 $0x16800;
	[sflag:s1] =	ssyncadd.s32 $0xFFFFE000  }
0x6b: {  	[spmem:s2] =	stream.indirect.scatter.add.f32 [tilespmem:s30], [sflag:$0x4], $0x80, s8, s25, $0xb8;
	[tilespmem:$0x1F700] =	vst v63  }
0x6c: {  	_ =	swait.ge [sflag:s20], $0x2000  }
0x6d: {  	[sflag:s20] =	ssyncset.done $0x0  }
0x6e: {  	s3 =	simm.s32 $0x300;
	s6 =	simm.s32 $0x14140;
	[sflag:s20] =	ssyncadd.s32 $0xFFFFE000  }
.LBB2_4:
0x6f: {  	[tilespmem:s30], [sflag:$0x3] =	stream.indirect.gather [hbm4b:s4+s25], $0x80, s6, s25, $0xb8;
	[tilespmem:$0x1F700] =	vst v63  }
0x70: {  	s6 =	smov.u32 s3  }
0x71: {  	p0 =	sne.s32 s3, $0x9600;
	s3 =	sadd.s32 $0x300, s3;
	_ =	swait.ge [sflag:s31], $0x2000  }
0x72: {  	s6 =	sshra.s32 s6, $0x2;
	[sflag:s31] =	ssyncset.done $0x0  }
0x73: {  	s7 =	sadd.s32 $0x16780, s6;
	[sflag:s31] =	ssyncadd.s32 $0xFFFFE000  }
0x74: {  	[spmem:s2] =	stream.indirect.scatter.add.f32 [tilespmem:s19], [sflag:$0x4], $0x80, s7, s25, $0xb8;
	[tilespmem:$0x1F700] =	vst v63  }
0x75: {  	_ =	swait.ge [sflag:s20], $0x2000  }
0x76: {  	[sflag:s20] =	ssyncset.done $0x0  }
0x77: {  	s7 =	sadd.s32 $0x140C0, s6;
	[sflag:s20] =	ssyncadd.s32 $0xFFFFE000  }
0x78: {  	[tilespmem:s19], [sflag:$0x1] =	stream.indirect.gather [hbm4b:s4+s25], $0x80, s7, s25, $0xb8;
	[tilespmem:$0x1F700] =	vst v63  }
0x79: {  	_ =	swait.ge [sflag:s0], $0x2000  }
0x7a: {  	[sflag:s0] =	ssyncset.done $0x0  }
0x7b: {  	s7 =	sadd.s32 $0x167C0, s6;
	[sflag:s0] =	ssyncadd.s32 $0xFFFFE000  }
0x7c: {  	[spmem:s2] =	stream.indirect.scatter.add.f32 [tilespmem:s28], [sflag:$0x4], $0x80, s7, s25, $0xb8;
	[tilespmem:$0x1F700] =	vst v63  }
0x7d: {  	_ =	swait.ge [sflag:s20], $0x2000  }
0x7e: {  	[sflag:s20] =	ssyncset.done $0x0  }
0x7f: {  	s7 =	sadd.s32 $0x14100, s6;
	[sflag:s20] =	ssyncadd.s32 $0xFFFFE000  }
0x80: {  	[tilespmem:s28], [sflag:$0x2] =	stream.indirect.gather [hbm4b:s4+s25], $0x80, s7, s25, $0xb8;
	[tilespmem:$0x1F700] =	vst v63  }
0x81: {  	_ =	swait.ge [sflag:s1], $0x2000  }
0x82: {  	[sflag:s1] =	ssyncset.done $0x0  }
.Ltmp1:
0x83: {  	s7 =	sadd.s32 $0x16800, s6;
	[sflag:s1] =	ssyncadd.s32 $0xFFFFE000;
	(pc) =	sbr.rel @p0 .LBB2_4-.Ltmp1, $4  }
0x84: {  	[spmem:s2] =	stream.indirect.scatter.add.f32 [tilespmem:s30], [sflag:$0x4], $0x80, s7, s25, $0xb8;
	[tilespmem:$0x1F700] =	vst v63  }
0x85: {  	_ =	swait.ge [sflag:s20], $0x2000  }
0x86: {  	[sflag:s20] =	ssyncset.done $0x0  }
0x87: {  	s6 =	sadd.s32 $0x14140, s6;
	[sflag:s20] =	ssyncadd.s32 $0xFFFFE000  }
0x88: {  	[tilespmem:s30], [sflag:$0x3] =	stream.indirect.gather [hbm4b:s4+s25], $0x80, s6, s25, $0xb8;
	[tilespmem:$0x1F700] =	vst v63  }
0x89: {  	_ =	swait.ge [sflag:s31], $0x2000  }
0x8a: {  	[sflag:s31] =	ssyncset.done $0x0  }
0x8b: {  	s3 =	simm.s32 $0x18DC0;
	[sflag:s31] =	ssyncadd.s32 $0xFFFFE000  }
0x8c: {  	[spmem:s2] =	stream.indirect.scatter.add.f32 [tilespmem:s19], [sflag:$0x4], $0x80, s3, s25, $0xb8;
	[tilespmem:$0x1F700] =	vst v63  }
0x8d: {  	_ =	swait.ge [sflag:s20], $0x2000  }
0x8e: {  	[sflag:s20] =	ssyncset.done $0x0  }
0x8f: {  	[sflag:s20] =	ssyncadd.s32 $0xFFFFE000  }
0x90: {  	_ =	swait.ge [sflag:s0], $0x2000  }
0x91: {  	[sflag:s0] =	ssyncset.done $0x0  }
0x92: {  	s6 =	simm.s32 $0x18E00;
	[sflag:s0] =	ssyncadd.s32 $0xFFFFE000  }
0x93: {  	[spmem:s2] =	stream.indirect.scatter.add.f32 [tilespmem:s28], [sflag:$0x4], $0x80, s6, s25, $0xb8;
	[tilespmem:$0x1F700] =	vst v63  }
0x94: {  	_ =	swait.ge [sflag:s20], $0x2000  }
0x95: {  	[sflag:s20] =	ssyncset.done $0x0  }
0x96: {  	[sflag:s20] =	ssyncadd.s32 $0xFFFFE000  }
0x97: {  	_ =	swait.ge [sflag:s1], $0x2000  }
0x98: {  	[sflag:s1] =	ssyncset.done $0x0  }
0x99: {  	s7 =	simm.s32 $0x18E40;
	[sflag:s1] =	ssyncadd.s32 $0xFFFFE000  }
0x9a: {  	[spmem:s2] =	stream.indirect.scatter.add.f32 [tilespmem:s30], [sflag:$0x4], $0x80, s7, s25, $0xb8;
	[tilespmem:$0x1F700] =	vst v63  }
0x9b: {  	_ =	swait.ge [sflag:s20], $0x2000  }
0x9c: {  	[sflag:s20] =	ssyncset.done $0x0  }
0x9d: {  	s8 =	simm.s32 $0x16700;
	[sflag:s20] =	ssyncadd.s32 $0xFFFFE000  }
0x9e: {  	[tilespmem:s29], [sflag:$0x1] =	stream.indirect.gather [hbm4b:s4+s24], $0x80, s8, s24, $0xb8;
	[tilespmem:$0x1F700] =	vst v63  }
0x9f: {  	_ =	swait.ge [sflag:s31], $0x800  }
0xa0: {  	[sflag:s31] =	ssyncset.done $0x0  }
0xa1: {  	s6 =	simm.s32 $0x18E80;
	[sflag:s31] =	ssyncadd.s32 $0xFFFFF800  }
0xa2: {  	[spmem:s2] =	stream.indirect.scatter.add.f32 [tilespmem:s29], [sflag:$0x4], $0x80, s6, s24, $0xb8;
	[tilespmem:$0x1F700] =	vst v63  }
0xa3: {  	s7 =	stileid.u32;
	_ =	swait.ge [sflag:s20], $0x800  }
0xa4: {  	s26 =	sadd.s32 $0x1, s26;
	s3 =	sshll.u32 s7, $0x6;
	[sflag:s20] =	ssyncset.done $0x0  }
0xa5: {  	p0 =	sne.s32 s26, s18;
	s3 =	sor.u32 $0x1C04, s3;
	[sflag:s20] =	ssyncadd.s32 $0xFFFFF800  }
.Ltmp2:
0xa6: {  	s8 =	sshrl.u32 s5, $0x3;
	[bflag:$0x0] =	sbarrier.arrive $0xFFFF;
	(pc) =	sbr.rel @p0 .LBB2_1-.Ltmp2, $4  }
0xa7: {  	[hbm:s17], [sflag:s3] =	dma.local [spmem:s8], $0x2800  }
0xa8: {  	_ =	swait.ge [sflag:s20], $0x2800  }
0xa9: {  	[sflag:s20] =	ssyncset.done $0x0  }
0xaa: {  	[sflag:s20] =	ssyncadd.s32 $0xFFFFD800  }
0xab: {  	_ =	sfence.sel $0x180000  }
0xac: {  	[bflag:$0x0] =	sbarrier.arrive $0xFFFF  }
0xad: {  	_ =	strace $0x9000004D  }
0xae: {  	s0 =	stileid.u32;
	[bflag:$0x2] =	sbarrier.arrive $0xFFFF  }
0xaf: {  	p0 =	sne.s32 s0, $0x0;
	s0 =	rddreg [dreg:$0x2]  }
0xb0: {  	s0 =	sadd.s32 @!p0 $0x100000, s0  }
0xb1: {  	[sflag:s0] =	ssyncadd.tile.s32 @!p0 $0x1;
	_ =	shalt  }
.Lfunc_end2:
_tile_overlayer_lowered:
.L_overlay_start_2:
0xb2: {  	(tag) =	ssettag $0x2  }
0xb3: {  	s0 =	rddreg [dreg:$0x0];
	s2 =	stileid.u32  }
0xb4: {  	s1 =	rddreg [dreg:$0x1];
	p0 =	sne.s32 s2, $0x0  }
0xb5: {  	s3 =	rddreg [dreg:$0x2];
	[bflag:$0x3] =	sbarrier.arrive $0xFFFF;
	s2 =	simm.s32 @!p0 $0x1C04  }
0xb6: {  	[timem:s3], [sflag:s2] =	dma.local @!p0 [hbm:s0], s1  }
0xb7: {  	s0 =	simm.s32 @!p0 $0x4  }
0xb8: {  	_ =	swait.ge @!p0 [sflag:s0], s1  }
0xb9: {  	s1 =	ssub.s32 @!p0 $0x0, s1;
	[sflag:s0] =	ssyncset.done @!p0 $0x0  }
0xba: {  	[sflag:s0] =	ssyncadd.s32 @!p0 s1  }
0xbb: {  	[bflag:$0x3] =	sbarrier.arrive $0xFFFF  }
0xbc: {  	_ =	shalt  }

</sc_bundles>
